<compile_context>
chip_gen: v7x
topology: tpu7x:2x2x1
jax: 0.10.2.dev20260603
libtpu: 0.0.44.dev20260713+nightly
codegen_flags: <defaults>
</compile_context>

<pallas_src>
import functools

import jax
import jax.numpy as jnp
from jax import lax
from jax.experimental import pallas as pl
from jax.experimental.pallas import tpu as pltpu
from jax.experimental.pallas import tpu_sc as plsc

H = 128
L = 128
B = 4096
V0 = 500
V1 = 2000
N_TOPO = 400000
N_CLS = 10000
N_ASSM = 400000

NC, NS = 2, 16
NW = NC * NS
CH = 128
G_CH = 3
ROWS_G = CH * G_CH
N_CHUNKS = N_TOPO // CH
N_FULL_GROUPS = N_CHUNKS // G_CH
TAIL_CHUNKS = N_CHUNKS - N_FULL_GROUPS * G_CH
CLS_W = 80
N_CLS_GROUPS = N_CLS // CLS_W

_MESH = dict(core_axis_name="c", subcore_axis_name="s",
             num_cores=NC, num_subcores=NS)

_NT = (((1,), (1,)), ((), ()))


def _pipe(idx_h, table_h, out_h, bufs, wid, n_groups, chunks):
  rows_g = sum(chunks)
  offs = [sum(chunks[:j]) for j in range(len(chunks))]
  iters = -(-n_groups // NW)

  def fire(t, slot):
    idx_v, rows_v, sem = bufs[slot]
    g = wid + t * NW

    @pl.when(g < n_groups)
    def _():
      pltpu.sync_copy(idx_h.at[pl.ds(g * rows_g, rows_g)], idx_v)
      for o, c in zip(offs, chunks):
        pltpu.async_copy(table_h.at[idx_v.at[pl.ds(o, c)]],
                         rows_v.at[pl.ds(o, c)], sem)

  def complete(t, slot):
    idx_v, rows_v, sem = bufs[slot]
    g = wid + t * NW

    @pl.when(g < n_groups)
    def _():
      for o, c in zip(offs, chunks):
        pltpu.make_async_copy(table_h.at[idx_v.at[pl.ds(o, c)]],
                              rows_v.at[pl.ds(o, c)], sem).wait()
      pltpu.sync_copy(rows_v, out_h.at[pl.ds(g * rows_g, rows_g)])

  fire(0, 0)

  def body(t2, carry):
    fire(2 * t2 + 1, 1)
    complete(2 * t2, 0)
    fire(2 * t2 + 2, 0)
    complete(2 * t2 + 1, 1)
    return carry

  lax.fori_loop(0, (iters - 1) // 2, body, 0)
  if iters % 2 == 1:
    complete(iters - 1, (iters - 1) % 2)
  else:
    fire(iters - 1, (iters - 1) % 2)
    complete(iters - 2, (iters - 2) % 2)
    complete(iters - 1, (iters - 1) % 2)


def _sc_gather_big(table, idx, name):
  n = idx.shape[0]
  n_groups = n // ROWS_G
  tail_chunks = (n - n_groups * ROWS_G) // CH
  assert n_groups * ROWS_G + tail_chunks * CH == n

  @functools.partial(
      pl.kernel,
      out_type=jax.ShapeDtypeStruct((n, H), jnp.float32),
      mesh=plsc.VectorSubcoreMesh(**_MESH),
      scratch_types=[
          pltpu.VMEM((ROWS_G,), jnp.int32),
          pltpu.VMEM((ROWS_G, H), jnp.float32),
          pltpu.SemaphoreType.DMA,
          pltpu.VMEM((ROWS_G,), jnp.int32),
          pltpu.VMEM((ROWS_G, H), jnp.float32),
          pltpu.SemaphoreType.DMA,
      ],
      name=name,
  )
  def k(table_h, idx_h, out_h, idx_v0, rows_v0, sem0, idx_v1, rows_v1, sem1):
    wid = lax.axis_index("s") * NC + lax.axis_index("c")
    bufs = ((idx_v0, rows_v0, sem0), (idx_v1, rows_v1, sem1))
    _pipe(idx_h, table_h, out_h, bufs, wid, n_groups, [CH] * G_CH)

    if tail_chunks:
      @pl.when(wid < tail_chunks)
      def _():
        idx_v, rows_v, sem = bufs[0]
        c = n_groups * G_CH + wid
        pltpu.sync_copy(idx_h.at[pl.ds(c * CH, CH)], idx_v.at[pl.ds(0, CH)])
        pltpu.async_copy(table_h.at[idx_v.at[pl.ds(0, CH)]],
                         rows_v.at[pl.ds(0, CH)], sem).wait()
        pltpu.sync_copy(rows_v.at[pl.ds(0, CH)], out_h.at[pl.ds(c * CH, CH)])

  return k(table, idx)


def _sc_gather_cls(table, cls_idx):

  @functools.partial(
      pl.kernel,
      out_type=jax.ShapeDtypeStruct((N_CLS, H), jnp.float32),
      mesh=plsc.VectorSubcoreMesh(**_MESH),
      scratch_types=[
          pltpu.VMEM((CLS_W,), jnp.int32),
          pltpu.VMEM((CLS_W, H), jnp.float32),
          pltpu.SemaphoreType.DMA,
          pltpu.VMEM((CLS_W,), jnp.int32),
          pltpu.VMEM((CLS_W, H), jnp.float32),
          pltpu.SemaphoreType.DMA,
      ],
      name="sc_gather_cls",
  )
  def k(tab_h, idx_h, out_h, idx_v0, rows_v0, sem0, idx_v1, rows_v1, sem1):
    wid = lax.axis_index("s") * NC + lax.axis_index("c")
    bufs = ((idx_v0, rows_v0, sem0), (idx_v1, rows_v1, sem1))
    _pipe(idx_h, tab_h, out_h, bufs, wid, N_CLS_GROUPS, [CLS_W])

  return k(table, cls_idx)


def _topo_body(tv_ref, g_ref, w1a_ref, w1b_ref, b1_ref, w2t_ref, b2_ref,
               o_ref):
  h = jnp.dot(tv_ref[...].astype(jnp.bfloat16), w1a_ref[...],
              preferred_element_type=jnp.float32)
  h += jnp.dot(g_ref[...].astype(jnp.bfloat16), w1b_ref[...],
               preferred_element_type=jnp.float32)
  h = jnp.maximum(h + b1_ref[...], 0.0)
  s = lax.dot_general(w2t_ref[...].astype(jnp.bfloat16),
                      h.astype(jnp.bfloat16), _NT,
                      preferred_element_type=jnp.float32) + b2_ref[...]
  o_ref[...] = s.reshape(o_ref.shape)


def _assm_body(av_ref, g_ref, w1_ref, b1_ref, ones_ref, b2_ref, o_ref):
  del b2_ref
  p = jnp.dot(av_ref[...].astype(jnp.bfloat16), w1_ref[...],
              preferred_element_type=jnp.float32)
  p = (p + b1_ref[...]) * g_ref[...]
  s = lax.dot_general(ones_ref[...], p.astype(jnp.bfloat16), _NT,
                      preferred_element_type=jnp.float32)
  o_ref[...] = s.reshape(o_ref.shape)


def _cls_body(cv_ref, g_ref, wc1a_ref, wc1b_ref, bc1_ref, wc2t_ref, bc2t_ref,
              wi1a_ref, wi1b_ref, bi1_ref, wi2t_ref, bi2t_ref,
              oct_ref, oit_ref):
  cv = cv_ref[...].astype(jnp.bfloat16)
  g = g_ref[...].astype(jnp.bfloat16)
  hc = jnp.dot(cv, wc1a_ref[...], preferred_element_type=jnp.float32)
  hc += jnp.dot(g, wc1b_ref[...], preferred_element_type=jnp.float32)
  hc = jnp.maximum(hc + bc1_ref[...], 0.0)
  oct_ref[...] = lax.dot_general(
      wc2t_ref[...], hc.astype(jnp.bfloat16), _NT,
      preferred_element_type=jnp.float32) + bc2t_ref[...]
  hi = jnp.dot(cv, wi1a_ref[...], preferred_element_type=jnp.float32)
  hi += jnp.dot(g, wi1b_ref[...], preferred_element_type=jnp.float32)
  hi = jnp.maximum(hi + bi1_ref[...], 0.0)
  oit_ref[...] = lax.dot_general(
      wi2t_ref[...], hi.astype(jnp.bfloat16), _NT,
      preferred_element_type=jnp.float32) + bi2t_ref[...]


BLK_BIG = 10240
BLK_CLS = 1024


def _score_big(vecs, gathered, weights, body, blk_off=0):
  n = gathered.shape[0]
  return pl.pallas_call(
      body,
      grid=(-(-n // BLK_BIG),),
      in_specs=[pl.BlockSpec((BLK_BIG, H), lambda i: (i + blk_off, 0)),
                pl.BlockSpec((BLK_BIG, H), lambda i: (i, 0))] +
               [pl.BlockSpec(w.shape, lambda i: (0,) * w.ndim)
                for w in weights],
      out_specs=pl.BlockSpec((BLK_BIG,), lambda i: (i,)),
      out_shape=jax.ShapeDtypeStruct((n,), jnp.float32),
  )(vecs, gathered, *weights)


def kernel(src_tree_vecs, src_graph_vecs, topo_vecs, cls_vecs, assm_vecs,
           topo_idx, cls_idx, assm_idx,
           W_topo1, b_topo1, W_topo2, b_topo2,
           W_cls1, b_cls1, W_cls2, b_cls2,
           W_icls1, b_icls1, W_icls2, b_icls2,
           W_assm, b_assm):
  g_cls = _sc_gather_cls(src_tree_vecs, cls_idx)
  dep = (g_cls[0, 0] * 0.0).astype(jnp.int32)
  tidx = topo_idx + dep
  aidx = assm_idx + dep
  HALF = 204800
  g_topo1 = _sc_gather_big(src_tree_vecs, tidx[:HALF], "sc_gather_topo1")
  g_assm1 = _sc_gather_big(src_graph_vecs, aidx[:HALF], "sc_gather_assm1")
  g_topo2 = _sc_gather_big(src_tree_vecs, tidx[HALF:], "sc_gather_topo2")
  g_assm2 = _sc_gather_big(src_graph_vecs, aidx[HALF:], "sc_gather_assm2")

  bf = jnp.bfloat16
  nblk_cls = -(-N_CLS // BLK_CLS)
  cls_t, icls_t = pl.pallas_call(
      _cls_body,
      grid=(nblk_cls,),
      in_specs=[
          pl.BlockSpec((BLK_CLS, H), lambda i: (i, 0)),
          pl.BlockSpec((BLK_CLS, H), lambda i: (i, 0)),
          pl.BlockSpec((H, H), lambda i: (0, 0)),
          pl.BlockSpec((H, H), lambda i: (0, 0)),
          pl.BlockSpec((1, H), lambda i: (0, 0)),
          pl.BlockSpec((V0, H), lambda i: (0, 0)),
          pl.BlockSpec((V0, 1), lambda i: (0, 0)),
          pl.BlockSpec((H, H), lambda i: (0, 0)),
          pl.BlockSpec((H, H), lambda i: (0, 0)),
          pl.BlockSpec((1, H), lambda i: (0, 0)),
          pl.BlockSpec((V1, H), lambda i: (0, 0)),
          pl.BlockSpec((V1, 1), lambda i: (0, 0)),
      ],
      out_specs=[
          pl.BlockSpec((V0, BLK_CLS), lambda i: (0, i)),
          pl.BlockSpec((V1, BLK_CLS), lambda i: (0, i)),
      ],
      out_shape=[
          jax.ShapeDtypeStruct((V0, N_CLS), jnp.float32),
          jax.ShapeDtypeStruct((V1, N_CLS), jnp.float32),
      ],
  )(cls_vecs, g_cls, W_cls1[:H].astype(bf), W_cls1[H:].astype(bf),
    b_cls1.reshape(1, H), W_cls2.T.astype(bf), b_cls2.reshape(V0, 1),
    W_icls1[:H].astype(bf), W_icls1[H:].astype(bf), b_icls1.reshape(1, H),
    W_icls2.T.astype(bf), b_icls2.reshape(V1, 1))

  topo_w = (W_topo1[:H].astype(bf), W_topo1[H:].astype(bf),
            b_topo1.reshape(1, H), W_topo2.reshape(1, H),
            b_topo2.reshape(1, 1))
  assm_w = (W_assm.astype(bf), b_assm.reshape(1, L), jnp.ones((1, L), bf),
            jnp.zeros((1, 1), jnp.float32))

  topo1 = _score_big(topo_vecs, g_topo1, topo_w, _topo_body)
  assm1 = _score_big(assm_vecs, g_assm1, assm_w, _assm_body)
  topo2 = _score_big(topo_vecs, g_topo2, topo_w, _topo_body, blk_off=204800 // BLK_BIG)
  assm2 = _score_big(assm_vecs, g_assm2, assm_w, _assm_body, blk_off=204800 // BLK_BIG)
  topo_scores = jnp.concatenate([topo1, topo2])
  assm_scores = jnp.concatenate([assm1, assm2])

  return (topo_scores, cls_t.T, icls_t.T, assm_scores)

# --- scband reference (transcript-rebuilt; emitter-appended) ---
"""Pipeline reference for scband-hier-mpndecoder-28948079575685 (READ-ONLY COPY).

The authoritative reference and input builder live on the scoring server;
editing this copy changes nothing except your own understanding.
"""

import jax, jax.numpy as jnp
import numpy as np

H = 128
L = 128
V0 = 500
V1 = 2000
B = 4096
N_TOPO = 400000
N_CLS = 10000
N_ASSM = 400000


def setup_inputs(seed: int = 0) -> dict:
    key = jax.random.key(seed)
    ks = jax.random.split(key, 24)
    s1 = 1.0 / np.sqrt(H + L)
    s2 = 1.0 / np.sqrt(H)
    inp = {}
    inp["src_tree_vecs"] = jax.random.normal(ks[0], (B, L), dtype=jnp.float32)
    inp["src_graph_vecs"] = jax.random.normal(ks[1], (B, L), dtype=jnp.float32)
    inp["topo_vecs"] = jax.random.normal(ks[2], (N_TOPO, H), dtype=jnp.float32)
    inp["cls_vecs"] = jax.random.normal(ks[3], (N_CLS, H), dtype=jnp.float32)
    inp["assm_vecs"] = jax.random.normal(ks[4], (N_ASSM, H), dtype=jnp.float32)
    inp["topo_idx"] = jax.random.randint(ks[5], (N_TOPO,), 0, B, dtype=jnp.int32)
    inp["cls_idx"] = jax.random.randint(ks[6], (N_CLS,), 0, B, dtype=jnp.int32)
    inp["assm_idx"] = jax.random.randint(ks[7], (N_ASSM,), 0, B, dtype=jnp.int32)
    inp["W_topo1"] = jax.random.normal(ks[8], (H + L, H), dtype=jnp.float32) * s1
    inp["b_topo1"] = jnp.zeros((H,), dtype=jnp.float32)
    inp["W_topo2"] = jax.random.normal(ks[9], (H, 1), dtype=jnp.float32) * s2
    inp["b_topo2"] = jnp.zeros((1,), dtype=jnp.float32)
    inp["W_cls1"] = jax.random.normal(ks[10], (H + L, H), dtype=jnp.float32) * s1
    inp["b_cls1"] = jnp.zeros((H,), dtype=jnp.float32)
    inp["W_cls2"] = jax.random.normal(ks[11], (H, V0), dtype=jnp.float32) * s2
    inp["b_cls2"] = jnp.zeros((V0,), dtype=jnp.float32)
    inp["W_icls1"] = jax.random.normal(ks[12], (H + L, H), dtype=jnp.float32) * s1
    inp["b_icls1"] = jnp.zeros((H,), dtype=jnp.float32)
    inp["W_icls2"] = jax.random.normal(ks[13], (H, V1), dtype=jnp.float32) * s2
    inp["b_icls2"] = jnp.zeros((V1,), dtype=jnp.float32)
    inp["W_assm"] = jax.random.normal(ks[14], (H, L), dtype=jnp.float32) * s2
    inp["b_assm"] = jnp.zeros((L,), dtype=jnp.float32)
    return inp


def reference(src_tree_vecs, src_graph_vecs, topo_vecs, cls_vecs, assm_vecs,
              topo_idx, cls_idx, assm_idx,
              W_topo1, b_topo1, W_topo2, b_topo2,
              W_cls1, b_cls1, W_cls2, b_cls2,
              W_icls1, b_icls1, W_icls2, b_icls2,
              W_assm, b_assm):
    # get_topo_score (non-attention path): gather src context + topoNN MLP
    topo_cxt = jnp.take(src_tree_vecs, topo_idx, axis=0)
    th = jax.nn.relu(jnp.concatenate([topo_vecs, topo_cxt], axis=-1) @ W_topo1 + b_topo1)
    topo_scores = (th @ W_topo2 + b_topo2)[:, 0]
    # get_cls_score (non-attention path): gather src context + clsNN / iclsNN MLPs
    cls_cxt = jnp.take(src_tree_vecs, cls_idx, axis=0)
    cv = jnp.concatenate([cls_vecs, cls_cxt], axis=-1)
    cls_scores = jax.nn.relu(cv @ W_cls1 + b_cls1) @ W_cls2 + b_cls2
    icls_scores = jax.nn.relu(cv @ W_icls1 + b_icls1) @ W_icls2 + b_icls2
    # get_assm_score (non-attention path): gather graph context + bilinear dot
    assm_cxt = jnp.take(src_graph_vecs, assm_idx, axis=0)
    assm_scores = jnp.sum((assm_vecs @ W_assm + b_assm) * assm_cxt, axis=-1)
    return (topo_scores, cls_scores, icls_scores, assm_scores)

if __name__ == "__main__":
    import jax
    _d = setup_inputs()
    print(jax.jit(kernel)(*tuple(_d.values())))

</pallas_src>

<mosaic_0001>
#map = affine_map<(d0, d1) -> (0, 0)>
#map1 = affine_map<(d0, d1) -> (0)>
module attributes {stable_mosaic.version = 14 : i64} {
  func.func @sc_gather_topo1(%arg0: i32, %arg1: i32, %arg2: memref<4096x128xf32, #tpu.memory_space<hbm>>, %arg3: memref<204800xi32, #tpu.memory_space<hbm>>, %arg4: memref<204800x128xf32, #tpu.memory_space<hbm>>, %arg5: memref<384xi32, #tpu.memory_space<vmem>>, %arg6: memref<384x128xf32, #tpu.memory_space<vmem>>, %arg7: memref<!tpu.dma_semaphore, #tpu.memory_space<semaphore_mem>>, %arg8: memref<384xi32, #tpu.memory_space<vmem>>, %arg9: memref<384x128xf32, #tpu.memory_space<vmem>>, %arg10: memref<!tpu.dma_semaphore, #tpu.memory_space<semaphore_mem>>) attributes {dimension_semantics = [#tpu.dimension_semantics<core_parallel>, #tpu.dimension_semantics<subcore_parallel>], iteration_bounds = array<i64: 2, 16>, scalar_prefetch = 0 : i64, scratch_operands = 6 : i64, tpu.core_type = #tpu.core_type<sc_vector_subcore>, window_params = [{transform_indices = #map}, {transform_indices = #map1}, {transform_indices = #map}]} {
    %mul3A = arith.constant 2 : i32
    %mul3A_0 = arith.muli %arg1, %mul3A : i32
    %add3A = arith.addi %mul3A_0, %arg0 : i32
    %add3A_1 = arith.constant 0 : i32
    %add3A_2 = arith.addi %add3A, %add3A_1 : i32
    %lt3A = arith.constant 533 : i32
    %lt3A_3 = arith.cmpi slt, %add3A_2, %lt3A : i32
    %convert_element_type3A = arith.extui %lt3A_3 : i1 to i32
    %cond3A = arith.constant 0 : i32
    %cond3A_4 = arith.cmpi ne, %convert_element_type3A, %cond3A : i32
    scf.if %cond3A_4 {
      %mul3A_22 = arith.constant 384 : i32
      %mul3A_23 = arith.muli %add3A_2, %mul3A_22 : i32
      "tpu.region"() ({
        %run_scoped3A = tpu.sem_alloc : memref<!tpu.dma_semaphore, #tpu.memory_space<semaphore_mem>>
        %dma_start3A_47 = tpu.memref_slice %arg3[%mul3A_23] : memref<204800xi32, #tpu.memory_space<hbm>> -> memref<384xi32, #tpu.memory_space<hbm>>
        %dma_start3A_48 = tpu.memref_slice %arg3[%mul3A_23] : memref<204800xi32, #tpu.memory_space<hbm>> -> memref<384xi32, #tpu.memory_space<hbm>>
        tpu.enqueue_dma source(%dma_start3A_48 : memref<384xi32, #tpu.memory_space<hbm>>) target(%arg5 : memref<384xi32, #tpu.memory_space<vmem>>) target_semaphore(%run_scoped3A : memref<!tpu.dma_semaphore, #tpu.memory_space<semaphore_mem>>)
        %dma_wait3A = tpu.memref_slice %arg3[%mul3A_23] : memref<204800xi32, #tpu.memory_space<hbm>> -> memref<384xi32, #tpu.memory_space<hbm>>
        %dma_wait3A_49 = tpu.memref_slice %arg3[%mul3A_23] : memref<204800xi32, #tpu.memory_space<hbm>> -> memref<384xi32, #tpu.memory_space<hbm>>
        tpu.wait_dma2 semaphore(%run_scoped3A : memref<!tpu.dma_semaphore, #tpu.memory_space<semaphore_mem>>) src(%dma_wait3A_49 : memref<384xi32, #tpu.memory_space<hbm>>) dst(%arg5 : memref<384xi32, #tpu.memory_space<vmem>>)
        tpu.yield
      }) : () -> ()
      %dma_start3A = arith.constant 0 : i32
      %dma_start3A_24 = arith.constant 0 : i32
      %dma_start3A_25 = tpu.memref_slice %arg6[%dma_start3A, %dma_start3A_24] : memref<384x128xf32, #tpu.memory_space<vmem>> -> memref<128x128xf32, #tpu.memory_space<vmem>>
      %dma_start3A_26 = arith.constant 0 : i32
      %dma_start3A_27 = tpu.memref_slice %arg5[%dma_start3A_26] : memref<384xi32, #tpu.memory_space<vmem>> -> memref<128xi32, #tpu.memory_space<vmem>>
      %dma_start3A_28 = arith.constant 0 : i32
      %dma_start3A_29 = arith.constant 0 : i32
      %dma_start3A_30 = tpu.memref_slice %arg2[%dma_start3A_28, %dma_start3A_29] : memref<4096x128xf32, #tpu.memory_space<hbm>> -> memref<4096x128xf32, #tpu.memory_space<hbm>>
      tpu.enqueue_indirect_dma source(%dma_start3A_30 : memref<4096x128xf32, #tpu.memory_space<hbm>>) target(%dma_start3A_25 : memref<128x128xf32, #tpu.memory_space<vmem>>) offsets(%dma_start3A_27 : memref<128xi32, #tpu.memory_space<vmem>>) semaphore(%arg7 : memref<!tpu.dma_semaphore, #tpu.memory_space<semaphore_mem>>)
      %dma_start3A_31 = arith.constant 128 : i32
      %dma_start3A_32 = arith.constant 0 : i32
      %dma_start3A_33 = tpu.memref_slice %arg6[%dma_start3A_31, %dma_start3A_32] : memref<384x128xf32, #tpu.memory_space<vmem>> -> memref<128x128xf32, #tpu.memory_space<vmem>>
      %dma_start3A_34 = arith.constant 128 : i32
      %dma_start3A_35 = tpu.memref_slice %arg5[%dma_start3A_34] : memref<384xi32, #tpu.memory_space<vmem>> -> memref<128xi32, #tpu.memory_space<vmem>>
      %dma_start3A_36 = arith.constant 0 : i32
      %dma_start3A_37 = arith.constant 0 : i32
      %dma_start3A_38 = tpu.memref_slice %arg2[%dma_start3A_36, %dma_start3A_37] : memref<4096x128xf32, #tpu.memory_space<hbm>> -> memref<4096x128xf32, #tpu.memory_space<hbm>>
      tpu.enqueue_indirect_dma source(%dma_start3A_38 : memref<4096x128xf32, #tpu.memory_space<hbm>>) target(%dma_start3A_33 : memref<128x128xf32, #tpu.memory_space<vmem>>) offsets(%dma_start3A_35 : memref<128xi32, #tpu.memory_space<vmem>>) semaphore(%arg7 : memref<!tpu.dma_semaphore, #tpu.memory_space<semaphore_mem>>)
      %dma_start3A_39 = arith.constant 256 : i32
      %dma_start3A_40 = arith.constant 0 : i32
      %dma_start3A_41 = tpu.memref_slice %arg6[%dma_start3A_39, %dma_start3A_40] : memref<384x128xf32, #tpu.memory_space<vmem>> -> memref<128x128xf32, #tpu.memory_space<vmem>>
      %dma_start3A_42 = arith.constant 256 : i32
      %dma_start3A_43 = tpu.memref_slice %arg5[%dma_start3A_42] : memref<384xi32, #tpu.memory_space<vmem>> -> memref<128xi32, #tpu.memory_space<vmem>>
      %dma_start3A_44 = arith.constant 0 : i32
      %dma_start3A_45 = arith.constant 0 : i32
      %dma_start3A_46 = tpu.memref_slice %arg2[%dma_start3A_44, %dma_start3A_45] : memref<4096x128xf32, #tpu.memory_space<hbm>> -> memref<4096x128xf32, #tpu.memory_space<hbm>>
      tpu.enqueue_indirect_dma source(%dma_start3A_46 : memref<4096x128xf32, #tpu.memory_space<hbm>>) target(%dma_start3A_41 : memref<128x128xf32, #tpu.memory_space<vmem>>) offsets(%dma_start3A_43 : memref<128xi32, #tpu.memory_space<vmem>>) semaphore(%arg7 : memref<!tpu.dma_semaphore, #tpu.memory_space<semaphore_mem>>)
    } else {
    }
    %scan3A = arith.constant 0 : i32
    %scan3A_5 = arith.constant 0 : i32
    %scan3A_6 = arith.constant 8 : i32
    %scan3A_7 = arith.addi %scan3A_5, %scan3A_6 : i32
    %scan3A_8 = arith.constant 1 : i32
    scf.for %scan3A_22 = %scan3A_5 to %scan3A_7 step %scan3A_8  : i32 {
      %mul3A_23 = arith.constant 2 : i32
      %mul3A_24 = arith.muli %mul3A_23, %scan3A_22 : i32
      %add3A_25 = arith.constant 1 : i32
      %add3A_26 = arith.addi %mul3A_24, %add3A_25 : i32
      %mul3A_27 = arith.constant 32 : i32
      %mul3A_28 = arith.muli %add3A_26, %mul3A_27 : i32
      %add3A_29 = arith.addi %add3A, %mul3A_28 : i32
      %lt3A_30 = arith.constant 533 : i32
      %lt3A_31 = arith.cmpi slt, %add3A_29, %lt3A_30 : i32
      %convert_element_type3A_32 = arith.extui %lt3A_31 : i1 to i32
      %cond3A_33 = arith.constant 0 : i32
      %cond3A_34 = arith.cmpi ne, %convert_element_type3A_32, %cond3A_33 : i32
      scf.if %cond3A_34 {
        %mul3A_69 = arith.constant 384 : i32
        %mul3A_70 = arith.muli %add3A_29, %mul3A_69 : i32
        "tpu.region"() ({
          %run_scoped3A = tpu.sem_alloc : memref<!tpu.dma_semaphore, #tpu.memory_space<semaphore_mem>>
          %dma_start3A_94 = tpu.memref_slice %arg3[%mul3A_70] : memref<204800xi32, #tpu.memory_space<hbm>> -> memref<384xi32, #tpu.memory_space<hbm>>
          %dma_start3A_95 = tpu.memref_slice %arg3[%mul3A_70] : memref<204800xi32, #tpu.memory_space<hbm>> -> memref<384xi32, #tpu.memory_space<hbm>>
          tpu.enqueue_dma source(%dma_start3A_95 : memref<384xi32, #tpu.memory_space<hbm>>) target(%arg8 : memref<384xi32, #tpu.memory_space<vmem>>) target_semaphore(%run_scoped3A : memref<!tpu.dma_semaphore, #tpu.memory_space<semaphore_mem>>)
          %dma_wait3A = tpu.memref_slice %arg3[%mul3A_70] : memref<204800xi32, #tpu.memory_space<hbm>> -> memref<384xi32, #tpu.memory_space<hbm>>
          %dma_wait3A_96 = tpu.memref_slice %arg3[%mul3A_70] : memref<204800xi32, #tpu.memory_space<hbm>> -> memref<384xi32, #tpu.memory_space<hbm>>
          tpu.wait_dma2 semaphore(%run_scoped3A : memref<!tpu.dma_semaphore, #tpu.memory_space<semaphore_mem>>) src(%dma_wait3A_96 : memref<384xi32, #tpu.memory_space<hbm>>) dst(%arg8 : memref<384xi32, #tpu.memory_space<vmem>>)
          tpu.yield
        }) : () -> ()
        %dma_start3A = arith.constant 0 : i32
        %dma_start3A_71 = arith.constant 0 : i32
        %dma_start3A_72 = tpu.memref_slice %arg9[%dma_start3A, %dma_start3A_71] : memref<384x128xf32, #tpu.memory_space<vmem>> -> memref<128x128xf32, #tpu.memory_space<vmem>>
        %dma_start3A_73 = arith.constant 0 : i32
        %dma_start3A_74 = tpu.memref_slice %arg8[%dma_start3A_73] : memref<384xi32, #tpu.memory_space<vmem>> -> memref<128xi32, #tpu.memory_space<vmem>>
        %dma_start3A_75 = arith.constant 0 : i32
        %dma_start3A_76 = arith.constant 0 : i32
        %dma_start3A_77 = tpu.memref_slice %arg2[%dma_start3A_75, %dma_start3A_76] : memref<4096x128xf32, #tpu.memory_space<hbm>> -> memref<4096x128xf32, #tpu.memory_space<hbm>>
        tpu.enqueue_indirect_dma source(%dma_start3A_77 : memref<4096x128xf32, #tpu.memory_space<hbm>>) target(%dma_start3A_72 : memref<128x128xf32, #tpu.memory_space<vmem>>) offsets(%dma_start3A_74 : memref<128xi32, #tpu.memory_space<vmem>>) semaphore(%arg10 : memref<!tpu.dma_semaphore, #tpu.memory_space<semaphore_mem>>)
        %dma_start3A_78 = arith.constant 128 : i32
        %dma_start3A_79 = arith.constant 0 : i32
        %dma_start3A_80 = tpu.memref_slice %arg9[%dma_start3A_78, %dma_start3A_79] : memref<384x128xf32, #tpu.memory_space<vmem>> -> memref<128x128xf32, #tpu.memory_space<vmem>>
        %dma_start3A_81 = arith.constant 128 : i32
        %dma_start3A_82 = tpu.memref_slice %arg8[%dma_start3A_81] : memref<384xi32, #tpu.memory_space<vmem>> -> memref<128xi32, #tpu.memory_space<vmem>>
        %dma_start3A_83 = arith.constant 0 : i32
        %dma_start3A_84 = arith.constant 0 : i32
        %dma_start3A_85 = tpu.memref_slice %arg2[%dma_start3A_83, %dma_start3A_84] : memref<4096x128xf32, #tpu.memory_space<hbm>> -> memref<4096x128xf32, #tpu.memory_space<hbm>>
        tpu.enqueue_indirect_dma source(%dma_start3A_85 : memref<4096x128xf32, #tpu.memory_space<hbm>>) target(%dma_start3A_80 : memref<128x128xf32, #tpu.memory_space<vmem>>) offsets(%dma_start3A_82 : memref<128xi32, #tpu.memory_space<vmem>>) semaphore(%arg10 : memref<!tpu.dma_semaphore, #tpu.memory_space<semaphore_mem>>)
        %dma_start3A_86 = arith.constant 256 : i32
        %dma_start3A_87 = arith.constant 0 : i32
        %dma_start3A_88 = tpu.memref_slice %arg9[%dma_start3A_86, %dma_start3A_87] : memref<384x128xf32, #tpu.memory_space<vmem>> -> memref<128x128xf32, #tpu.memory_space<vmem>>
        %dma_start3A_89 = arith.constant 256 : i32
        %dma_start3A_90 = tpu.memref_slice %arg8[%dma_start3A_89] : memref<384xi32, #tpu.memory_space<vmem>> -> memref<128xi32, #tpu.memory_space<vmem>>
        %dma_start3A_91 = arith.constant 0 : i32
        %dma_start3A_92 = arith.constant 0 : i32
        %dma_start3A_93 = tpu.memref_slice %arg2[%dma_start3A_91, %dma_start3A_92] : memref<4096x128xf32, #tpu.memory_space<hbm>> -> memref<4096x128xf32, #tpu.memory_space<hbm>>
        tpu.enqueue_indirect_dma source(%dma_start3A_93 : memref<4096x128xf32, #tpu.memory_space<hbm>>) target(%dma_start3A_88 : memref<128x128xf32, #tpu.memory_space<vmem>>) offsets(%dma_start3A_90 : memref<128xi32, #tpu.memory_space<vmem>>) semaphore(%arg10 : memref<!tpu.dma_semaphore, #tpu.memory_space<semaphore_mem>>)
      } else {
      }
      %mul3A_35 = arith.constant 2 : i32
      %mul3A_36 = arith.muli %mul3A_35, %scan3A_22 : i32
      %mul3A_37 = arith.constant 32 : i32
      %mul3A_38 = arith.muli %mul3A_36, %mul3A_37 : i32
      %add3A_39 = arith.addi %add3A, %mul3A_38 : i32
      %lt3A_40 = arith.constant 533 : i32
      %lt3A_41 = arith.cmpi slt, %add3A_39, %lt3A_40 : i32
      %convert_element_type3A_42 = arith.extui %lt3A_41 : i1 to i32
      %cond3A_43 = arith.constant 0 : i32
      %cond3A_44 = arith.cmpi ne, %convert_element_type3A_42, %cond3A_43 : i32
      scf.if %cond3A_44 {
        %dma_wait3A = arith.constant 0 : i32
        %dma_wait3A_69 = arith.constant 0 : i32
        %dma_wait3A_70 = tpu.memref_slice %arg6[%dma_wait3A, %dma_wait3A_69] : memref<384x128xf32, #tpu.memory_space<vmem>> -> memref<128x128xf32, #tpu.memory_space<vmem>>
        %dma_wait3A_71 = arith.constant 0 : i32
        %dma_wait3A_72 = tpu.memref_slice %arg5[%dma_wait3A_71] : memref<384xi32, #tpu.memory_space<vmem>> -> memref<128xi32, #tpu.memory_space<vmem>>
        %dma_wait3A_73 = arith.constant 0 : i32
        %dma_wait3A_74 = arith.constant 0 : i32
        %dma_wait3A_75 = tpu.memref_slice %arg2[%dma_wait3A_73, %dma_wait3A_74] : memref<4096x128xf32, #tpu.memory_space<hbm>> -> memref<4096x128xf32, #tpu.memory_space<hbm>>
        tpu.wait_indirect_dma semaphore(%arg7 : memref<!tpu.dma_semaphore, #tpu.memory_space<semaphore_mem>>) src(%dma_wait3A_75 : memref<4096x128xf32, #tpu.memory_space<hbm>>) dst(%dma_wait3A_70 : memref<128x128xf32, #tpu.memory_space<vmem>>)
        %dma_wait3A_76 = arith.constant 128 : i32
        %dma_wait3A_77 = arith.constant 0 : i32
        %dma_wait3A_78 = tpu.memref_slice %arg6[%dma_wait3A_76, %dma_wait3A_77] : memref<384x128xf32, #tpu.memory_space<vmem>> -> memref<128x128xf32, #tpu.memory_space<vmem>>
        %dma_wait3A_79 = arith.constant 128 : i32
        %dma_wait3A_80 = tpu.memref_slice %arg5[%dma_wait3A_79] : memref<384xi32, #tpu.memory_space<vmem>> -> memref<128xi32, #tpu.memory_space<vmem>>
        %dma_wait3A_81 = arith.constant 0 : i32
        %dma_wait3A_82 = arith.constant 0 : i32
        %dma_wait3A_83 = tpu.memref_slice %arg2[%dma_wait3A_81, %dma_wait3A_82] : memref<4096x128xf32, #tpu.memory_space<hbm>> -> memref<4096x128xf32, #tpu.memory_space<hbm>>
        tpu.wait_indirect_dma semaphore(%arg7 : memref<!tpu.dma_semaphore, #tpu.memory_space<semaphore_mem>>) src(%dma_wait3A_83 : memref<4096x128xf32, #tpu.memory_space<hbm>>) dst(%dma_wait3A_78 : memref<128x128xf32, #tpu.memory_space<vmem>>)
        %dma_wait3A_84 = arith.constant 256 : i32
        %dma_wait3A_85 = arith.constant 0 : i32
        %dma_wait3A_86 = tpu.memref_slice %arg6[%dma_wait3A_84, %dma_wait3A_85] : memref<384x128xf32, #tpu.memory_space<vmem>> -> memref<128x128xf32, #tpu.memory_space<vmem>>
        %dma_wait3A_87 = arith.constant 256 : i32
        %dma_wait3A_88 = tpu.memref_slice %arg5[%dma_wait3A_87] : memref<384xi32, #tpu.memory_space<vmem>> -> memref<128xi32, #tpu.memory_space<vmem>>
        %dma_wait3A_89 = arith.constant 0 : i32
        %dma_wait3A_90 = arith.constant 0 : i32
        %dma_wait3A_91 = tpu.memref_slice %arg2[%dma_wait3A_89, %dma_wait3A_90] : memref<4096x128xf32, #tpu.memory_space<hbm>> -> memref<4096x128xf32, #tpu.memory_space<hbm>>
        tpu.wait_indirect_dma semaphore(%arg7 : memref<!tpu.dma_semaphore, #tpu.memory_space<semaphore_mem>>) src(%dma_wait3A_91 : memref<4096x128xf32, #tpu.memory_space<hbm>>) dst(%dma_wait3A_86 : memref<128x128xf32, #tpu.memory_space<vmem>>)
        %mul3A_92 = arith.constant 384 : i32
        %mul3A_93 = arith.muli %add3A_39, %mul3A_92 : i32
        "tpu.region"() ({
          %run_scoped3A = tpu.sem_alloc : memref<!tpu.dma_semaphore, #tpu.memory_space<semaphore_mem>>
          %dma_start3A = arith.constant 0 : i32
          %dma_start3A_94 = tpu.memref_slice %arg4[%mul3A_93, %dma_start3A] : memref<204800x128xf32, #tpu.memory_space<hbm>> -> memref<384x128xf32, #tpu.memory_space<hbm>>
          %dma_start3A_95 = arith.constant 0 : i32
          %dma_start3A_96 = tpu.memref_slice %arg4[%mul3A_93, %dma_start3A_95] : memref<204800x128xf32, #tpu.memory_space<hbm>> -> memref<384x128xf32, #tpu.memory_space<hbm>>
          tpu.enqueue_dma source(%arg6 : memref<384x128xf32, #tpu.memory_space<vmem>>) target(%dma_start3A_96 : memref<384x128xf32, #tpu.memory_space<hbm>>) target_semaphore(%run_scoped3A : memref<!tpu.dma_semaphore, #tpu.memory_space<semaphore_mem>>)
          %dma_wait3A_97 = arith.constant 0 : i32
          %dma_wait3A_98 = tpu.memref_slice %arg4[%mul3A_93, %dma_wait3A_97] : memref<204800x128xf32, #tpu.memory_space<hbm>> -> memref<384x128xf32, #tpu.memory_space<hbm>>
          %dma_wait3A_99 = arith.constant 0 : i32
          %dma_wait3A_100 = tpu.memref_slice %arg4[%mul3A_93, %dma_wait3A_99] : memref<204800x128xf32, #tpu.memory_space<hbm>> -> memref<384x128xf32, #tpu.memory_space<hbm>>
          tpu.wait_dma2 semaphore(%run_scoped3A : memref<!tpu.dma_semaphore, #tpu.memory_space<semaphore_mem>>) src(%arg6 : memref<384x128xf32, #tpu.memory_space<vmem>>) dst(%dma_wait3A_100 : memref<384x128xf32, #tpu.memory_space<hbm>>)
          tpu.yield
        }) : () -> ()
      } else {
      }
      %mul3A_45 = arith.constant 2 : i32
      %mul3A_46 = arith.muli %mul3A_45, %scan3A_22 : i32
      %add3A_47 = arith.constant 2 : i32
      %add3A_48 = arith.addi %mul3A_46, %add3A_47 : i32
      %mul3A_49 = arith.constant 32 : i32
      %mul3A_50 = arith.muli %add3A_48, %mul3A_49 : i32
      %add3A_51 = arith.addi %add3A, %mul3A_50 : i32
      %lt3A_52 = arith.constant 533 : i32
      %lt3A_53 = arith.cmpi slt, %add3A_51, %lt3A_52 : i32
      %convert_element_type3A_54 = arith.extui %lt3A_53 : i1 to i32
      %cond3A_55 = arith.constant 0 : i32
      %cond3A_56 = arith.cmpi ne, %convert_element_type3A_54, %cond3A_55 : i32
      scf.if %cond3A_56 {
        %mul3A_69 = arith.constant 384 : i32
        %mul3A_70 = arith.muli %add3A_51, %mul3A_69 : i32
        "tpu.region"() ({
          %run_scoped3A = tpu.sem_alloc : memref<!tpu.dma_semaphore, #tpu.memory_space<semaphore_mem>>
          %dma_start3A_94 = tpu.memref_slice %arg3[%mul3A_70] : memref<204800xi32, #tpu.memory_space<hbm>> -> memref<384xi32, #tpu.memory_space<hbm>>
          %dma_start3A_95 = tpu.memref_slice %arg3[%mul3A_70] : memref<204800xi32, #tpu.memory_space<hbm>> -> memref<384xi32, #tpu.memory_space<hbm>>
          tpu.enqueue_dma source(%dma_start3A_95 : memref<384xi32, #tpu.memory_space<hbm>>) target(%arg5 : memref<384xi32, #tpu.memory_space<vmem>>) target_semaphore(%run_scoped3A : memref<!tpu.dma_semaphore, #tpu.memory_space<semaphore_mem>>)
          %dma_wait3A = tpu.memref_slice %arg3[%mul3A_70] : memref<204800xi32, #tpu.memory_space<hbm>> -> memref<384xi32, #tpu.memory_space<hbm>>
          %dma_wait3A_96 = tpu.memref_slice %arg3[%mul3A_70] : memref<204800xi32, #tpu.memory_space<hbm>> -> memref<384xi32, #tpu.memory_space<hbm>>
          tpu.wait_dma2 semaphore(%run_scoped3A : memref<!tpu.dma_semaphore, #tpu.memory_space<semaphore_mem>>) src(%dma_wait3A_96 : memref<384xi32, #tpu.memory_space<hbm>>) dst(%arg5 : memref<384xi32, #tpu.memory_space<vmem>>)
          tpu.yield
        }) : () -> ()
        %dma_start3A = arith.constant 0 : i32
        %dma_start3A_71 = arith.constant 0 : i32
        %dma_start3A_72 = tpu.memref_slice %arg6[%dma_start3A, %dma_start3A_71] : memref<384x128xf32, #tpu.memory_space<vmem>> -> memref<128x128xf32, #tpu.memory_space<vmem>>
        %dma_start3A_73 = arith.constant 0 : i32
        %dma_start3A_74 = tpu.memref_slice %arg5[%dma_start3A_73] : memref<384xi32, #tpu.memory_space<vmem>> -> memref<128xi32, #tpu.memory_space<vmem>>
        %dma_start3A_75 = arith.constant 0 : i32
        %dma_start3A_76 = arith.constant 0 : i32
        %dma_start3A_77 = tpu.memref_slice %arg2[%dma_start3A_75, %dma_start3A_76] : memref<4096x128xf32, #tpu.memory_space<hbm>> -> memref<4096x128xf32, #tpu.memory_space<hbm>>
        tpu.enqueue_indirect_dma source(%dma_start3A_77 : memref<4096x128xf32, #tpu.memory_space<hbm>>) target(%dma_start3A_72 : memref<128x128xf32, #tpu.memory_space<vmem>>) offsets(%dma_start3A_74 : memref<128xi32, #tpu.memory_space<vmem>>) semaphore(%arg7 : memref<!tpu.dma_semaphore, #tpu.memory_space<semaphore_mem>>)
        %dma_start3A_78 = arith.constant 128 : i32
        %dma_start3A_79 = arith.constant 0 : i32
        %dma_start3A_80 = tpu.memref_slice %arg6[%dma_start3A_78, %dma_start3A_79] : memref<384x128xf32, #tpu.memory_space<vmem>> -> memref<128x128xf32, #tpu.memory_space<vmem>>
        %dma_start3A_81 = arith.constant 128 : i32
        %dma_start3A_82 = tpu.memref_slice %arg5[%dma_start3A_81] : memref<384xi32, #tpu.memory_space<vmem>> -> memref<128xi32, #tpu.memory_space<vmem>>
        %dma_start3A_83 = arith.constant 0 : i32
        %dma_start3A_84 = arith.constant 0 : i32
        %dma_start3A_85 = tpu.memref_slice %arg2[%dma_start3A_83, %dma_start3A_84] : memref<4096x128xf32, #tpu.memory_space<hbm>> -> memref<4096x128xf32, #tpu.memory_space<hbm>>
        tpu.enqueue_indirect_dma source(%dma_start3A_85 : memref<4096x128xf32, #tpu.memory_space<hbm>>) target(%dma_start3A_80 : memref<128x128xf32, #tpu.memory_space<vmem>>) offsets(%dma_start3A_82 : memref<128xi32, #tpu.memory_space<vmem>>) semaphore(%arg7 : memref<!tpu.dma_semaphore, #tpu.memory_space<semaphore_mem>>)
        %dma_start3A_86 = arith.constant 256 : i32
        %dma_start3A_87 = arith.constant 0 : i32
        %dma_start3A_88 = tpu.memref_slice %arg6[%dma_start3A_86, %dma_start3A_87] : memref<384x128xf32, #tpu.memory_space<vmem>> -> memref<128x128xf32, #tpu.memory_space<vmem>>
        %dma_start3A_89 = arith.constant 256 : i32
        %dma_start3A_90 = tpu.memref_slice %arg5[%dma_start3A_89] : memref<384xi32, #tpu.memory_space<vmem>> -> memref<128xi32, #tpu.memory_space<vmem>>
        %dma_start3A_91 = arith.constant 0 : i32
        %dma_start3A_92 = arith.constant 0 : i32
        %dma_start3A_93 = tpu.memref_slice %arg2[%dma_start3A_91, %dma_start3A_92] : memref<4096x128xf32, #tpu.memory_space<hbm>> -> memref<4096x128xf32, #tpu.memory_space<hbm>>
        tpu.enqueue_indirect_dma source(%dma_start3A_93 : memref<4096x128xf32, #tpu.memory_space<hbm>>) target(%dma_start3A_88 : memref<128x128xf32, #tpu.memory_space<vmem>>) offsets(%dma_start3A_90 : memref<128xi32, #tpu.memory_space<vmem>>) semaphore(%arg7 : memref<!tpu.dma_semaphore, #tpu.memory_space<semaphore_mem>>)
      } else {
      }
      %mul3A_57 = arith.constant 2 : i32
      %mul3A_58 = arith.muli %mul3A_57, %scan3A_22 : i32
      %add3A_59 = arith.constant 1 : i32
      %add3A_60 = arith.addi %mul3A_58, %add3A_59 : i32
      %mul3A_61 = arith.constant 32 : i32
      %mul3A_62 = arith.muli %add3A_60, %mul3A_61 : i32
      %add3A_63 = arith.addi %add3A, %mul3A_62 : i32
      %lt3A_64 = arith.constant 533 : i32
      %lt3A_65 = arith.cmpi slt, %add3A_63, %lt3A_64 : i32
      %convert_element_type3A_66 = arith.extui %lt3A_65 : i1 to i32
      %cond3A_67 = arith.constant 0 : i32
      %cond3A_68 = arith.cmpi ne, %convert_element_type3A_66, %cond3A_67 : i32
      scf.if %cond3A_68 {
        %dma_wait3A = arith.constant 0 : i32
        %dma_wait3A_69 = arith.constant 0 : i32
        %dma_wait3A_70 = tpu.memref_slice %arg9[%dma_wait3A, %dma_wait3A_69] : memref<384x128xf32, #tpu.memory_space<vmem>> -> memref<128x128xf32, #tpu.memory_space<vmem>>
        %dma_wait3A_71 = arith.constant 0 : i32
        %dma_wait3A_72 = tpu.memref_slice %arg8[%dma_wait3A_71] : memref<384xi32, #tpu.memory_space<vmem>> -> memref<128xi32, #tpu.memory_space<vmem>>
        %dma_wait3A_73 = arith.constant 0 : i32
        %dma_wait3A_74 = arith.constant 0 : i32
        %dma_wait3A_75 = tpu.memref_slice %arg2[%dma_wait3A_73, %dma_wait3A_74] : memref<4096x128xf32, #tpu.memory_space<hbm>> -> memref<4096x128xf32, #tpu.memory_space<hbm>>
        tpu.wait_indirect_dma semaphore(%arg10 : memref<!tpu.dma_semaphore, #tpu.memory_space<semaphore_mem>>) src(%dma_wait3A_75 : memref<4096x128xf32, #tpu.memory_space<hbm>>) dst(%dma_wait3A_70 : memref<128x128xf32, #tpu.memory_space<vmem>>)
        %dma_wait3A_76 = arith.constant 128 : i32
        %dma_wait3A_77 = arith.constant 0 : i32
        %dma_wait3A_78 = tpu.memref_slice %arg9[%dma_wait3A_76, %dma_wait3A_77] : memref<384x128xf32, #tpu.memory_space<vmem>> -> memref<128x128xf32, #tpu.memory_space<vmem>>
        %dma_wait3A_79 = arith.constant 128 : i32
        %dma_wait3A_80 = tpu.memref_slice %arg8[%dma_wait3A_79] : memref<384xi32, #tpu.memory_space<vmem>> -> memref<128xi32, #tpu.memory_space<vmem>>
        %dma_wait3A_81 = arith.constant 0 : i32
        %dma_wait3A_82 = arith.constant 0 : i32
        %dma_wait3A_83 = tpu.memref_slice %arg2[%dma_wait3A_81, %dma_wait3A_82] : memref<4096x128xf32, #tpu.memory_space<hbm>> -> memref<4096x128xf32, #tpu.memory_space<hbm>>
        tpu.wait_indirect_dma semaphore(%arg10 : memref<!tpu.dma_semaphore, #tpu.memory_space<semaphore_mem>>) src(%dma_wait3A_83 : memref<4096x128xf32, #tpu.memory_space<hbm>>) dst(%dma_wait3A_78 : memref<128x128xf32, #tpu.memory_space<vmem>>)
        %dma_wait3A_84 = arith.constant 256 : i32
        %dma_wait3A_85 = arith.constant 0 : i32
        %dma_wait3A_86 = tpu.memref_slice %arg9[%dma_wait3A_84, %dma_wait3A_85] : memref<384x128xf32, #tpu.memory_space<vmem>> -> memref<128x128xf32, #tpu.memory_space<vmem>>
        %dma_wait3A_87 = arith.constant 256 : i32
        %dma_wait3A_88 = tpu.memref_slice %arg8[%dma_wait3A_87] : memref<384xi32, #tpu.memory_space<vmem>> -> memref<128xi32, #tpu.memory_space<vmem>>
        %dma_wait3A_89 = arith.constant 0 : i32
        %dma_wait3A_90 = arith.constant 0 : i32
        %dma_wait3A_91 = tpu.memref_slice %arg2[%dma_wait3A_89, %dma_wait3A_90] : memref<4096x128xf32, #tpu.memory_space<hbm>> -> memref<4096x128xf32, #tpu.memory_space<hbm>>
        tpu.wait_indirect_dma semaphore(%arg10 : memref<!tpu.dma_semaphore, #tpu.memory_space<semaphore_mem>>) src(%dma_wait3A_91 : memref<4096x128xf32, #tpu.memory_space<hbm>>) dst(%dma_wait3A_86 : memref<128x128xf32, #tpu.memory_space<vmem>>)
        %mul3A_92 = arith.constant 384 : i32
        %mul3A_93 = arith.muli %add3A_63, %mul3A_92 : i32
        "tpu.region"() ({
          %run_scoped3A = tpu.sem_alloc : memref<!tpu.dma_semaphore, #tpu.memory_space<semaphore_mem>>
          %dma_start3A = arith.constant 0 : i32
          %dma_start3A_94 = tpu.memref_slice %arg4[%mul3A_93, %dma_start3A] : memref<204800x128xf32, #tpu.memory_space<hbm>> -> memref<384x128xf32, #tpu.memory_space<hbm>>
          %dma_start3A_95 = arith.constant 0 : i32
          %dma_start3A_96 = tpu.memref_slice %arg4[%mul3A_93, %dma_start3A_95] : memref<204800x128xf32, #tpu.memory_space<hbm>> -> memref<384x128xf32, #tpu.memory_space<hbm>>
          tpu.enqueue_dma source(%arg9 : memref<384x128xf32, #tpu.memory_space<vmem>>) target(%dma_start3A_96 : memref<384x128xf32, #tpu.memory_space<hbm>>) target_semaphore(%run_scoped3A : memref<!tpu.dma_semaphore, #tpu.memory_space<semaphore_mem>>)
          %dma_wait3A_97 = arith.constant 0 : i32
          %dma_wait3A_98 = tpu.memref_slice %arg4[%mul3A_93, %dma_wait3A_97] : memref<204800x128xf32, #tpu.memory_space<hbm>> -> memref<384x128xf32, #tpu.memory_space<hbm>>
          %dma_wait3A_99 = arith.constant 0 : i32
          %dma_wait3A_100 = tpu.memref_slice %arg4[%mul3A_93, %dma_wait3A_99] : memref<204800x128xf32, #tpu.memory_space<hbm>> -> memref<384x128xf32, #tpu.memory_space<hbm>>
          tpu.wait_dma2 semaphore(%run_scoped3A : memref<!tpu.dma_semaphore, #tpu.memory_space<semaphore_mem>>) src(%arg9 : memref<384x128xf32, #tpu.memory_space<vmem>>) dst(%dma_wait3A_100 : memref<384x128xf32, #tpu.memory_space<hbm>>)
          tpu.yield
        }) : () -> ()
      } else {
      }
    }
    %scan3A_9 = arith.constant 8 : i32
    %add3A_10 = arith.constant 512 : i32
    %add3A_11 = arith.addi %add3A, %add3A_10 : i32
    %lt3A_12 = arith.constant 533 : i32
    %lt3A_13 = arith.cmpi slt, %add3A_11, %lt3A_12 : i32
    %convert_element_type3A_14 = arith.extui %lt3A_13 : i1 to i32
    %cond3A_15 = arith.constant 0 : i32
    %cond3A_16 = arith.cmpi ne, %convert_element_type3A_14, %cond3A_15 : i32
    scf.if %cond3A_16 {
      %dma_wait3A = arith.constant 0 : i32
      %dma_wait3A_22 = arith.constant 0 : i32
      %dma_wait3A_23 = tpu.memref_slice %arg6[%dma_wait3A, %dma_wait3A_22] : memref<384x128xf32, #tpu.memory_space<vmem>> -> memref<128x128xf32, #tpu.memory_space<vmem>>
      %dma_wait3A_24 = arith.constant 0 : i32
      %dma_wait3A_25 = tpu.memref_slice %arg5[%dma_wait3A_24] : memref<384xi32, #tpu.memory_space<vmem>> -> memref<128xi32, #tpu.memory_space<vmem>>
      %dma_wait3A_26 = arith.constant 0 : i32
      %dma_wait3A_27 = arith.constant 0 : i32
      %dma_wait3A_28 = tpu.memref_slice %arg2[%dma_wait3A_26, %dma_wait3A_27] : memref<4096x128xf32, #tpu.memory_space<hbm>> -> memref<4096x128xf32, #tpu.memory_space<hbm>>
      tpu.wait_indirect_dma semaphore(%arg7 : memref<!tpu.dma_semaphore, #tpu.memory_space<semaphore_mem>>) src(%dma_wait3A_28 : memref<4096x128xf32, #tpu.memory_space<hbm>>) dst(%dma_wait3A_23 : memref<128x128xf32, #tpu.memory_space<vmem>>)
      %dma_wait3A_29 = arith.constant 128 : i32
      %dma_wait3A_30 = arith.constant 0 : i32
      %dma_wait3A_31 = tpu.memref_slice %arg6[%dma_wait3A_29, %dma_wait3A_30] : memref<384x128xf32, #tpu.memory_space<vmem>> -> memref<128x128xf32, #tpu.memory_space<vmem>>
      %dma_wait3A_32 = arith.constant 128 : i32
      %dma_wait3A_33 = tpu.memref_slice %arg5[%dma_wait3A_32] : memref<384xi32, #tpu.memory_space<vmem>> -> memref<128xi32, #tpu.memory_space<vmem>>
      %dma_wait3A_34 = arith.constant 0 : i32
      %dma_wait3A_35 = arith.constant 0 : i32
      %dma_wait3A_36 = tpu.memref_slice %arg2[%dma_wait3A_34, %dma_wait3A_35] : memref<4096x128xf32, #tpu.memory_space<hbm>> -> memref<4096x128xf32, #tpu.memory_space<hbm>>
      tpu.wait_indirect_dma semaphore(%arg7 : memref<!tpu.dma_semaphore, #tpu.memory_space<semaphore_mem>>) src(%dma_wait3A_36 : memref<4096x128xf32, #tpu.memory_space<hbm>>) dst(%dma_wait3A_31 : memref<128x128xf32, #tpu.memory_space<vmem>>)
      %dma_wait3A_37 = arith.constant 256 : i32
      %dma_wait3A_38 = arith.constant 0 : i32
      %dma_wait3A_39 = tpu.memref_slice %arg6[%dma_wait3A_37, %dma_wait3A_38] : memref<384x128xf32, #tpu.memory_space<vmem>> -> memref<128x128xf32, #tpu.memory_space<vmem>>
      %dma_wait3A_40 = arith.constant 256 : i32
      %dma_wait3A_41 = tpu.memref_slice %arg5[%dma_wait3A_40] : memref<384xi32, #tpu.memory_space<vmem>> -> memref<128xi32, #tpu.memory_space<vmem>>
      %dma_wait3A_42 = arith.constant 0 : i32
      %dma_wait3A_43 = arith.constant 0 : i32
      %dma_wait3A_44 = tpu.memref_slice %arg2[%dma_wait3A_42, %dma_wait3A_43] : memref<4096x128xf32, #tpu.memory_space<hbm>> -> memref<4096x128xf32, #tpu.memory_space<hbm>>
      tpu.wait_indirect_dma semaphore(%arg7 : memref<!tpu.dma_semaphore, #tpu.memory_space<semaphore_mem>>) src(%dma_wait3A_44 : memref<4096x128xf32, #tpu.memory_space<hbm>>) dst(%dma_wait3A_39 : memref<128x128xf32, #tpu.memory_space<vmem>>)
      %mul3A_45 = arith.constant 384 : i32
      %mul3A_46 = arith.muli %add3A_11, %mul3A_45 : i32
      "tpu.region"() ({
        %run_scoped3A = tpu.sem_alloc : memref<!tpu.dma_semaphore, #tpu.memory_space<semaphore_mem>>
        %dma_start3A = arith.constant 0 : i32
        %dma_start3A_47 = tpu.memref_slice %arg4[%mul3A_46, %dma_start3A] : memref<204800x128xf32, #tpu.memory_space<hbm>> -> memref<384x128xf32, #tpu.memory_space<hbm>>
        %dma_start3A_48 = arith.constant 0 : i32
        %dma_start3A_49 = tpu.memref_slice %arg4[%mul3A_46, %dma_start3A_48] : memref<204800x128xf32, #tpu.memory_space<hbm>> -> memref<384x128xf32, #tpu.memory_space<hbm>>
        tpu.enqueue_dma source(%arg6 : memref<384x128xf32, #tpu.memory_space<vmem>>) target(%dma_start3A_49 : memref<384x128xf32, #tpu.memory_space<hbm>>) target_semaphore(%run_scoped3A : memref<!tpu.dma_semaphore, #tpu.memory_space<semaphore_mem>>)
        %dma_wait3A_50 = arith.constant 0 : i32
        %dma_wait3A_51 = tpu.memref_slice %arg4[%mul3A_46, %dma_wait3A_50] : memref<204800x128xf32, #tpu.memory_space<hbm>> -> memref<384x128xf32, #tpu.memory_space<hbm>>
        %dma_wait3A_52 = arith.constant 0 : i32
        %dma_wait3A_53 = tpu.memref_slice %arg4[%mul3A_46, %dma_wait3A_52] : memref<204800x128xf32, #tpu.memory_space<hbm>> -> memref<384x128xf32, #tpu.memory_space<hbm>>
        tpu.wait_dma2 semaphore(%run_scoped3A : memref<!tpu.dma_semaphore, #tpu.memory_space<semaphore_mem>>) src(%arg6 : memref<384x128xf32, #tpu.memory_space<vmem>>) dst(%dma_wait3A_53 : memref<384x128xf32, #tpu.memory_space<hbm>>)
        tpu.yield
      }) : () -> ()
    } else {
    }
    %lt3A_17 = arith.constant 1 : i32
    %lt3A_18 = arith.cmpi slt, %add3A, %lt3A_17 : i32
    %convert_element_type3A_19 = arith.extui %lt3A_18 : i1 to i32
    %cond3A_20 = arith.constant 0 : i32
    %cond3A_21 = arith.cmpi ne, %convert_element_type3A_19, %cond3A_20 : i32
    scf.if %cond3A_21 {
      %add3A_22 = arith.constant 1599 : i32
      %add3A_23 = arith.addi %add3A_22, %add3A : i32
      %mul3A_24 = arith.constant 128 : i32
      %mul3A_25 = arith.muli %add3A_23, %mul3A_24 : i32
      "tpu.region"() ({
        %run_scoped3A = tpu.sem_alloc : memref<!tpu.dma_semaphore, #tpu.memory_space<semaphore_mem>>
        %dma_start3A_42 = arith.constant 0 : i32
        %dma_start3A_43 = tpu.memref_slice %arg5[%dma_start3A_42] : memref<384xi32, #tpu.memory_space<vmem>> -> memref<128xi32, #tpu.memory_space<vmem>>
        %dma_start3A_44 = tpu.memref_slice %arg3[%mul3A_25] : memref<204800xi32, #tpu.memory_space<hbm>> -> memref<128xi32, #tpu.memory_space<hbm>>
        %dma_start3A_45 = arith.constant 0 : i32
        %dma_start3A_46 = tpu.memref_slice %arg5[%dma_start3A_45] : memref<384xi32, #tpu.memory_space<vmem>> -> memref<128xi32, #tpu.memory_space<vmem>>
        %dma_start3A_47 = tpu.memref_slice %arg3[%mul3A_25] : memref<204800xi32, #tpu.memory_space<hbm>> -> memref<128xi32, #tpu.memory_space<hbm>>
        tpu.enqueue_dma source(%dma_start3A_47 : memref<128xi32, #tpu.memory_space<hbm>>) target(%dma_start3A_46 : memref<128xi32, #tpu.memory_space<vmem>>) target_semaphore(%run_scoped3A : memref<!tpu.dma_semaphore, #tpu.memory_space<semaphore_mem>>)
        %dma_wait3A_48 = arith.constant 0 : i32
        %dma_wait3A_49 = tpu.memref_slice %arg5[%dma_wait3A_48] : memref<384xi32, #tpu.memory_space<vmem>> -> memref<128xi32, #tpu.memory_space<vmem>>
        %dma_wait3A_50 = tpu.memref_slice %arg3[%mul3A_25] : memref<204800xi32, #tpu.memory_space<hbm>> -> memref<128xi32, #tpu.memory_space<hbm>>
        %dma_wait3A_51 = arith.constant 0 : i32
        %dma_wait3A_52 = tpu.memref_slice %arg5[%dma_wait3A_51] : memref<384xi32, #tpu.memory_space<vmem>> -> memref<128xi32, #tpu.memory_space<vmem>>
        %dma_wait3A_53 = tpu.memref_slice %arg3[%mul3A_25] : memref<204800xi32, #tpu.memory_space<hbm>> -> memref<128xi32, #tpu.memory_space<hbm>>
        tpu.wait_dma2 semaphore(%run_scoped3A : memref<!tpu.dma_semaphore, #tpu.memory_space<semaphore_mem>>) src(%dma_wait3A_53 : memref<128xi32, #tpu.memory_space<hbm>>) dst(%dma_wait3A_52 : memref<128xi32, #tpu.memory_space<vmem>>)
        tpu.yield
      }) : () -> ()
      %dma_start3A = arith.constant 0 : i32
      %dma_start3A_26 = arith.constant 0 : i32
      %dma_start3A_27 = tpu.memref_slice %arg6[%dma_start3A, %dma_start3A_26] : memref<384x128xf32, #tpu.memory_space<vmem>> -> memref<128x128xf32, #tpu.memory_space<vmem>>
      %dma_start3A_28 = arith.constant 0 : i32
      %dma_start3A_29 = tpu.memref_slice %arg5[%dma_start3A_28] : memref<384xi32, #tpu.memory_space<vmem>> -> memref<128xi32, #tpu.memory_space<vmem>>
      %dma_start3A_30 = arith.constant 0 : i32
      %dma_start3A_31 = arith.constant 0 : i32
      %dma_start3A_32 = tpu.memref_slice %arg2[%dma_start3A_30, %dma_start3A_31] : memref<4096x128xf32, #tpu.memory_space<hbm>> -> memref<4096x128xf32, #tpu.memory_space<hbm>>
      tpu.enqueue_indirect_dma source(%dma_start3A_32 : memref<4096x128xf32, #tpu.memory_space<hbm>>) target(%dma_start3A_27 : memref<128x128xf32, #tpu.memory_space<vmem>>) offsets(%dma_start3A_29 : memref<128xi32, #tpu.memory_space<vmem>>) semaphore(%arg7 : memref<!tpu.dma_semaphore, #tpu.memory_space<semaphore_mem>>)
      %dma_wait3A = arith.constant 0 : i32
      %dma_wait3A_33 = arith.constant 0 : i32
      %dma_wait3A_34 = tpu.memref_slice %arg6[%dma_wait3A, %dma_wait3A_33] : memref<384x128xf32, #tpu.memory_space<vmem>> -> memref<128x128xf32, #tpu.memory_space<vmem>>
      %dma_wait3A_35 = arith.constant 0 : i32
      %dma_wait3A_36 = tpu.memref_slice %arg5[%dma_wait3A_35] : memref<384xi32, #tpu.memory_space<vmem>> -> memref<128xi32, #tpu.memory_space<vmem>>
      %dma_wait3A_37 = arith.constant 0 : i32
      %dma_wait3A_38 = arith.constant 0 : i32
      %dma_wait3A_39 = tpu.memref_slice %arg2[%dma_wait3A_37, %dma_wait3A_38] : memref<4096x128xf32, #tpu.memory_space<hbm>> -> memref<4096x128xf32, #tpu.memory_space<hbm>>
      tpu.wait_indirect_dma semaphore(%arg7 : memref<!tpu.dma_semaphore, #tpu.memory_space<semaphore_mem>>) src(%dma_wait3A_39 : memref<4096x128xf32, #tpu.memory_space<hbm>>) dst(%dma_wait3A_34 : memref<128x128xf32, #tpu.memory_space<vmem>>)
      %mul3A_40 = arith.constant 128 : i32
      %mul3A_41 = arith.muli %add3A_23, %mul3A_40 : i32
      "tpu.region"() ({
        %run_scoped3A = tpu.sem_alloc : memref<!tpu.dma_semaphore, #tpu.memory_space<semaphore_mem>>
        %dma_start3A_42 = arith.constant 0 : i32
        %dma_start3A_43 = arith.constant 0 : i32
        %dma_start3A_44 = tpu.memref_slice %arg6[%dma_start3A_42, %dma_start3A_43] : memref<384x128xf32, #tpu.memory_space<vmem>> -> memref<128x128xf32, #tpu.memory_space<vmem>>
        %dma_start3A_45 = arith.constant 0 : i32
        %dma_start3A_46 = tpu.memref_slice %arg4[%mul3A_41, %dma_start3A_45] : memref<204800x128xf32, #tpu.memory_space<hbm>> -> memref<128x128xf32, #tpu.memory_space<hbm>>
        %dma_start3A_47 = arith.constant 0 : i32
        %dma_start3A_48 = tpu.memref_slice %arg4[%mul3A_41, %dma_start3A_47] : memref<204800x128xf32, #tpu.memory_space<hbm>> -> memref<128x128xf32, #tpu.memory_space<hbm>>
        %dma_start3A_49 = arith.constant 0 : i32
        %dma_start3A_50 = arith.constant 0 : i32
        %dma_start3A_51 = tpu.memref_slice %arg6[%dma_start3A_49, %dma_start3A_50] : memref<384x128xf32, #tpu.memory_space<vmem>> -> memref<128x128xf32, #tpu.memory_space<vmem>>
        tpu.enqueue_dma source(%dma_start3A_51 : memref<128x128xf32, #tpu.memory_space<vmem>>) target(%dma_start3A_48 : memref<128x128xf32, #tpu.memory_space<hbm>>) target_semaphore(%run_scoped3A : memref<!tpu.dma_semaphore, #tpu.memory_space<semaphore_mem>>)
        %dma_wait3A_52 = arith.constant 0 : i32
        %dma_wait3A_53 = arith.constant 0 : i32
        %dma_wait3A_54 = tpu.memref_slice %arg6[%dma_wait3A_52, %dma_wait3A_53] : memref<384x128xf32, #tpu.memory_space<vmem>> -> memref<128x128xf32, #tpu.memory_space<vmem>>
        %dma_wait3A_55 = arith.constant 0 : i32
        %dma_wait3A_56 = tpu.memref_slice %arg4[%mul3A_41, %dma_wait3A_55] : memref<204800x128xf32, #tpu.memory_space<hbm>> -> memref<128x128xf32, #tpu.memory_space<hbm>>
        %dma_wait3A_57 = arith.constant 0 : i32
        %dma_wait3A_58 = tpu.memref_slice %arg4[%mul3A_41, %dma_wait3A_57] : memref<204800x128xf32, #tpu.memory_space<hbm>> -> memref<128x128xf32, #tpu.memory_space<hbm>>
        %dma_wait3A_59 = arith.constant 0 : i32
        %dma_wait3A_60 = arith.constant 0 : i32
        %dma_wait3A_61 = tpu.memref_slice %arg6[%dma_wait3A_59, %dma_wait3A_60] : memref<384x128xf32, #tpu.memory_space<vmem>> -> memref<128x128xf32, #tpu.memory_space<vmem>>
        tpu.wait_dma2 semaphore(%run_scoped3A : memref<!tpu.dma_semaphore, #tpu.memory_space<semaphore_mem>>) src(%dma_wait3A_61 : memref<128x128xf32, #tpu.memory_space<vmem>>) dst(%dma_wait3A_58 : memref<128x128xf32, #tpu.memory_space<hbm>>)
        tpu.yield
      }) : () -> ()
    } else {
    }
    return
  }
}

#map = affine_map<(d0, d1) -> (0, 0)>
#map1 = affine_map<(d0, d1) -> (0)>
module attributes {stable_mosaic.version = 14 : i64} {
  func.func @sc_gather_topo2(%arg0: i32, %arg1: i32, %arg2: memref<4096x128xf32, #tpu.memory_space<hbm>>, %arg3: memref<195200xi32, #tpu.memory_space<hbm>>, %arg4: memref<195200x128xf32, #tpu.memory_space<hbm>>, %arg5: memref<384xi32, #tpu.memory_space<vmem>>, %arg6: memref<384x128xf32, #tpu.memory_space<vmem>>, %arg7: memref<!tpu.dma_semaphore, #tpu.memory_space<semaphore_mem>>, %arg8: memref<384xi32, #tpu.memory_space<vmem>>, %arg9: memref<384x128xf32, #tpu.memory_space<vmem>>, %arg10: memref<!tpu.dma_semaphore, #tpu.memory_space<semaphore_mem>>) attributes {dimension_semantics = [#tpu.dimension_semantics<core_parallel>, #tpu.dimension_semantics<subcore_parallel>], iteration_bounds = array<i64: 2, 16>, scalar_prefetch = 0 : i64, scratch_operands = 6 : i64, tpu.core_type = #tpu.core_type<sc_vector_subcore>, window_params = [{transform_indices = #map}, {transform_indices = #map1}, {transform_indices = #map}]} {
    %mul3A = arith.constant 2 : i32
    %mul3A_0 = arith.muli %arg1, %mul3A : i32
    %add3A = arith.addi %mul3A_0, %arg0 : i32
    %add3A_1 = arith.constant 0 : i32
    %add3A_2 = arith.addi %add3A, %add3A_1 : i32
    %lt3A = arith.constant 508 : i32
    %lt3A_3 = arith.cmpi slt, %add3A_2, %lt3A : i32
    %convert_element_type3A = arith.extui %lt3A_3 : i1 to i32
    %cond3A = arith.constant 0 : i32
    %cond3A_4 = arith.cmpi ne, %convert_element_type3A, %cond3A : i32
    scf.if %cond3A_4 {
      %mul3A_36 = arith.constant 384 : i32
      %mul3A_37 = arith.muli %add3A_2, %mul3A_36 : i32
      "tpu.region"() ({
        %run_scoped3A = tpu.sem_alloc : memref<!tpu.dma_semaphore, #tpu.memory_space<semaphore_mem>>
        %dma_start3A_61 = tpu.memref_slice %arg3[%mul3A_37] : memref<195200xi32, #tpu.memory_space<hbm>> -> memref<384xi32, #tpu.memory_space<hbm>>
        %dma_start3A_62 = tpu.memref_slice %arg3[%mul3A_37] : memref<195200xi32, #tpu.memory_space<hbm>> -> memref<384xi32, #tpu.memory_space<hbm>>
        tpu.enqueue_dma source(%dma_start3A_62 : memref<384xi32, #tpu.memory_space<hbm>>) target(%arg5 : memref<384xi32, #tpu.memory_space<vmem>>) target_semaphore(%run_scoped3A : memref<!tpu.dma_semaphore, #tpu.memory_space<semaphore_mem>>)
        %dma_wait3A = tpu.memref_slice %arg3[%mul3A_37] : memref<195200xi32, #tpu.memory_space<hbm>> -> memref<384xi32, #tpu.memory_space<hbm>>
        %dma_wait3A_63 = tpu.memref_slice %arg3[%mul3A_37] : memref<195200xi32, #tpu.memory_space<hbm>> -> memref<384xi32, #tpu.memory_space<hbm>>
        tpu.wait_dma2 semaphore(%run_scoped3A : memref<!tpu.dma_semaphore, #tpu.memory_space<semaphore_mem>>) src(%dma_wait3A_63 : memref<384xi32, #tpu.memory_space<hbm>>) dst(%arg5 : memref<384xi32, #tpu.memory_space<vmem>>)
        tpu.yield
      }) : () -> ()
      %dma_start3A = arith.constant 0 : i32
      %dma_start3A_38 = arith.constant 0 : i32
      %dma_start3A_39 = tpu.memref_slice %arg6[%dma_start3A, %dma_start3A_38] : memref<384x128xf32, #tpu.memory_space<vmem>> -> memref<128x128xf32, #tpu.memory_space<vmem>>
      %dma_start3A_40 = arith.constant 0 : i32
      %dma_start3A_41 = tpu.memref_slice %arg5[%dma_start3A_40] : memref<384xi32, #tpu.memory_space<vmem>> -> memref<128xi32, #tpu.memory_space<vmem>>
      %dma_start3A_42 = arith.constant 0 : i32
      %dma_start3A_43 = arith.constant 0 : i32
      %dma_start3A_44 = tpu.memref_slice %arg2[%dma_start3A_42, %dma_start3A_43] : memref<4096x128xf32, #tpu.memory_space<hbm>> -> memref<4096x128xf32, #tpu.memory_space<hbm>>
      tpu.enqueue_indirect_dma source(%dma_start3A_44 : memref<4096x128xf32, #tpu.memory_space<hbm>>) target(%dma_start3A_39 : memref<128x128xf32, #tpu.memory_space<vmem>>) offsets(%dma_start3A_41 : memref<128xi32, #tpu.memory_space<vmem>>) semaphore(%arg7 : memref<!tpu.dma_semaphore, #tpu.memory_space<semaphore_mem>>)
      %dma_start3A_45 = arith.constant 128 : i32
      %dma_start3A_46 = arith.constant 0 : i32
      %dma_start3A_47 = tpu.memref_slice %arg6[%dma_start3A_45, %dma_start3A_46] : memref<384x128xf32, #tpu.memory_space<vmem>> -> memref<128x128xf32, #tpu.memory_space<vmem>>
      %dma_start3A_48 = arith.constant 128 : i32
      %dma_start3A_49 = tpu.memref_slice %arg5[%dma_start3A_48] : memref<384xi32, #tpu.memory_space<vmem>> -> memref<128xi32, #tpu.memory_space<vmem>>
      %dma_start3A_50 = arith.constant 0 : i32
      %dma_start3A_51 = arith.constant 0 : i32
      %dma_start3A_52 = tpu.memref_slice %arg2[%dma_start3A_50, %dma_start3A_51] : memref<4096x128xf32, #tpu.memory_space<hbm>> -> memref<4096x128xf32, #tpu.memory_space<hbm>>
      tpu.enqueue_indirect_dma source(%dma_start3A_52 : memref<4096x128xf32, #tpu.memory_space<hbm>>) target(%dma_start3A_47 : memref<128x128xf32, #tpu.memory_space<vmem>>) offsets(%dma_start3A_49 : memref<128xi32, #tpu.memory_space<vmem>>) semaphore(%arg7 : memref<!tpu.dma_semaphore, #tpu.memory_space<semaphore_mem>>)
      %dma_start3A_53 = arith.constant 256 : i32
      %dma_start3A_54 = arith.constant 0 : i32
      %dma_start3A_55 = tpu.memref_slice %arg6[%dma_start3A_53, %dma_start3A_54] : memref<384x128xf32, #tpu.memory_space<vmem>> -> memref<128x128xf32, #tpu.memory_space<vmem>>
      %dma_start3A_56 = arith.constant 256 : i32
      %dma_start3A_57 = tpu.memref_slice %arg5[%dma_start3A_56] : memref<384xi32, #tpu.memory_space<vmem>> -> memref<128xi32, #tpu.memory_space<vmem>>
      %dma_start3A_58 = arith.constant 0 : i32
      %dma_start3A_59 = arith.constant 0 : i32
      %dma_start3A_60 = tpu.memref_slice %arg2[%dma_start3A_58, %dma_start3A_59] : memref<4096x128xf32, #tpu.memory_space<hbm>> -> memref<4096x128xf32, #tpu.memory_space<hbm>>
      tpu.enqueue_indirect_dma source(%dma_start3A_60 : memref<4096x128xf32, #tpu.memory_space<hbm>>) target(%dma_start3A_55 : memref<128x128xf32, #tpu.memory_space<vmem>>) offsets(%dma_start3A_57 : memref<128xi32, #tpu.memory_space<vmem>>) semaphore(%arg7 : memref<!tpu.dma_semaphore, #tpu.memory_space<semaphore_mem>>)
    } else {
    }
    %scan3A = arith.constant 0 : i32
    %scan3A_5 = arith.constant 0 : i32
    %scan3A_6 = arith.constant 7 : i32
    %scan3A_7 = arith.addi %scan3A_5, %scan3A_6 : i32
    %scan3A_8 = arith.constant 1 : i32
    scf.for %scan3A_36 = %scan3A_5 to %scan3A_7 step %scan3A_8  : i32 {
      %mul3A_37 = arith.constant 2 : i32
      %mul3A_38 = arith.muli %mul3A_37, %scan3A_36 : i32
      %add3A_39 = arith.constant 1 : i32
      %add3A_40 = arith.addi %mul3A_38, %add3A_39 : i32
      %mul3A_41 = arith.constant 32 : i32
      %mul3A_42 = arith.muli %add3A_40, %mul3A_41 : i32
      %add3A_43 = arith.addi %add3A, %mul3A_42 : i32
      %lt3A_44 = arith.constant 508 : i32
      %lt3A_45 = arith.cmpi slt, %add3A_43, %lt3A_44 : i32
      %convert_element_type3A_46 = arith.extui %lt3A_45 : i1 to i32
      %cond3A_47 = arith.constant 0 : i32
      %cond3A_48 = arith.cmpi ne, %convert_element_type3A_46, %cond3A_47 : i32
      scf.if %cond3A_48 {
        %mul3A_83 = arith.constant 384 : i32
        %mul3A_84 = arith.muli %add3A_43, %mul3A_83 : i32
        "tpu.region"() ({
          %run_scoped3A = tpu.sem_alloc : memref<!tpu.dma_semaphore, #tpu.memory_space<semaphore_mem>>
          %dma_start3A_108 = tpu.memref_slice %arg3[%mul3A_84] : memref<195200xi32, #tpu.memory_space<hbm>> -> memref<384xi32, #tpu.memory_space<hbm>>
          %dma_start3A_109 = tpu.memref_slice %arg3[%mul3A_84] : memref<195200xi32, #tpu.memory_space<hbm>> -> memref<384xi32, #tpu.memory_space<hbm>>
          tpu.enqueue_dma source(%dma_start3A_109 : memref<384xi32, #tpu.memory_space<hbm>>) target(%arg8 : memref<384xi32, #tpu.memory_space<vmem>>) target_semaphore(%run_scoped3A : memref<!tpu.dma_semaphore, #tpu.memory_space<semaphore_mem>>)
          %dma_wait3A = tpu.memref_slice %arg3[%mul3A_84] : memref<195200xi32, #tpu.memory_space<hbm>> -> memref<384xi32, #tpu.memory_space<hbm>>
          %dma_wait3A_110 = tpu.memref_slice %arg3[%mul3A_84] : memref<195200xi32, #tpu.memory_space<hbm>> -> memref<384xi32, #tpu.memory_space<hbm>>
          tpu.wait_dma2 semaphore(%run_scoped3A : memref<!tpu.dma_semaphore, #tpu.memory_space<semaphore_mem>>) src(%dma_wait3A_110 : memref<384xi32, #tpu.memory_space<hbm>>) dst(%arg8 : memref<384xi32, #tpu.memory_space<vmem>>)
          tpu.yield
        }) : () -> ()
        %dma_start3A = arith.constant 0 : i32
        %dma_start3A_85 = arith.constant 0 : i32
        %dma_start3A_86 = tpu.memref_slice %arg9[%dma_start3A, %dma_start3A_85] : memref<384x128xf32, #tpu.memory_space<vmem>> -> memref<128x128xf32, #tpu.memory_space<vmem>>
        %dma_start3A_87 = arith.constant 0 : i32
        %dma_start3A_88 = tpu.memref_slice %arg8[%dma_start3A_87] : memref<384xi32, #tpu.memory_space<vmem>> -> memref<128xi32, #tpu.memory_space<vmem>>
        %dma_start3A_89 = arith.constant 0 : i32
        %dma_start3A_90 = arith.constant 0 : i32
        %dma_start3A_91 = tpu.memref_slice %arg2[%dma_start3A_89, %dma_start3A_90] : memref<4096x128xf32, #tpu.memory_space<hbm>> -> memref<4096x128xf32, #tpu.memory_space<hbm>>
        tpu.enqueue_indirect_dma source(%dma_start3A_91 : memref<4096x128xf32, #tpu.memory_space<hbm>>) target(%dma_start3A_86 : memref<128x128xf32, #tpu.memory_space<vmem>>) offsets(%dma_start3A_88 : memref<128xi32, #tpu.memory_space<vmem>>) semaphore(%arg10 : memref<!tpu.dma_semaphore, #tpu.memory_space<semaphore_mem>>)
        %dma_start3A_92 = arith.constant 128 : i32
        %dma_start3A_93 = arith.constant 0 : i32
        %dma_start3A_94 = tpu.memref_slice %arg9[%dma_start3A_92, %dma_start3A_93] : memref<384x128xf32, #tpu.memory_space<vmem>> -> memref<128x128xf32, #tpu.memory_space<vmem>>
        %dma_start3A_95 = arith.constant 128 : i32
        %dma_start3A_96 = tpu.memref_slice %arg8[%dma_start3A_95] : memref<384xi32, #tpu.memory_space<vmem>> -> memref<128xi32, #tpu.memory_space<vmem>>
        %dma_start3A_97 = arith.constant 0 : i32
        %dma_start3A_98 = arith.constant 0 : i32
        %dma_start3A_99 = tpu.memref_slice %arg2[%dma_start3A_97, %dma_start3A_98] : memref<4096x128xf32, #tpu.memory_space<hbm>> -> memref<4096x128xf32, #tpu.memory_space<hbm>>
        tpu.enqueue_indirect_dma source(%dma_start3A_99 : memref<4096x128xf32, #tpu.memory_space<hbm>>) target(%dma_start3A_94 : memref<128x128xf32, #tpu.memory_space<vmem>>) offsets(%dma_start3A_96 : memref<128xi32, #tpu.memory_space<vmem>>) semaphore(%arg10 : memref<!tpu.dma_semaphore, #tpu.memory_space<semaphore_mem>>)
        %dma_start3A_100 = arith.constant 256 : i32
        %dma_start3A_101 = arith.constant 0 : i32
        %dma_start3A_102 = tpu.memref_slice %arg9[%dma_start3A_100, %dma_start3A_101] : memref<384x128xf32, #tpu.memory_space<vmem>> -> memref<128x128xf32, #tpu.memory_space<vmem>>
        %dma_start3A_103 = arith.constant 256 : i32
        %dma_start3A_104 = tpu.memref_slice %arg8[%dma_start3A_103] : memref<384xi32, #tpu.memory_space<vmem>> -> memref<128xi32, #tpu.memory_space<vmem>>
        %dma_start3A_105 = arith.constant 0 : i32
        %dma_start3A_106 = arith.constant 0 : i32
        %dma_start3A_107 = tpu.memref_slice %arg2[%dma_start3A_105, %dma_start3A_106] : memref<4096x128xf32, #tpu.memory_space<hbm>> -> memref<4096x128xf32, #tpu.memory_space<hbm>>
        tpu.enqueue_indirect_dma source(%dma_start3A_107 : memref<4096x128xf32, #tpu.memory_space<hbm>>) target(%dma_start3A_102 : memref<128x128xf32, #tpu.memory_space<vmem>>) offsets(%dma_start3A_104 : memref<128xi32, #tpu.memory_space<vmem>>) semaphore(%arg10 : memref<!tpu.dma_semaphore, #tpu.memory_space<semaphore_mem>>)
      } else {
      }
      %mul3A_49 = arith.constant 2 : i32
      %mul3A_50 = arith.muli %mul3A_49, %scan3A_36 : i32
      %mul3A_51 = arith.constant 32 : i32
      %mul3A_52 = arith.muli %mul3A_50, %mul3A_51 : i32
      %add3A_53 = arith.addi %add3A, %mul3A_52 : i32
      %lt3A_54 = arith.constant 508 : i32
      %lt3A_55 = arith.cmpi slt, %add3A_53, %lt3A_54 : i32
      %convert_element_type3A_56 = arith.extui %lt3A_55 : i1 to i32
      %cond3A_57 = arith.constant 0 : i32
      %cond3A_58 = arith.cmpi ne, %convert_element_type3A_56, %cond3A_57 : i32
      scf.if %cond3A_58 {
        %dma_wait3A = arith.constant 0 : i32
        %dma_wait3A_83 = arith.constant 0 : i32
        %dma_wait3A_84 = tpu.memref_slice %arg6[%dma_wait3A, %dma_wait3A_83] : memref<384x128xf32, #tpu.memory_space<vmem>> -> memref<128x128xf32, #tpu.memory_space<vmem>>
        %dma_wait3A_85 = arith.constant 0 : i32
        %dma_wait3A_86 = tpu.memref_slice %arg5[%dma_wait3A_85] : memref<384xi32, #tpu.memory_space<vmem>> -> memref<128xi32, #tpu.memory_space<vmem>>
        %dma_wait3A_87 = arith.constant 0 : i32
        %dma_wait3A_88 = arith.constant 0 : i32
        %dma_wait3A_89 = tpu.memref_slice %arg2[%dma_wait3A_87, %dma_wait3A_88] : memref<4096x128xf32, #tpu.memory_space<hbm>> -> memref<4096x128xf32, #tpu.memory_space<hbm>>
        tpu.wait_indirect_dma semaphore(%arg7 : memref<!tpu.dma_semaphore, #tpu.memory_space<semaphore_mem>>) src(%dma_wait3A_89 : memref<4096x128xf32, #tpu.memory_space<hbm>>) dst(%dma_wait3A_84 : memref<128x128xf32, #tpu.memory_space<vmem>>)
        %dma_wait3A_90 = arith.constant 128 : i32
        %dma_wait3A_91 = arith.constant 0 : i32
        %dma_wait3A_92 = tpu.memref_slice %arg6[%dma_wait3A_90, %dma_wait3A_91] : memref<384x128xf32, #tpu.memory_space<vmem>> -> memref<128x128xf32, #tpu.memory_space<vmem>>
        %dma_wait3A_93 = arith.constant 128 : i32
        %dma_wait3A_94 = tpu.memref_slice %arg5[%dma_wait3A_93] : memref<384xi32, #tpu.memory_space<vmem>> -> memref<128xi32, #tpu.memory_space<vmem>>
        %dma_wait3A_95 = arith.constant 0 : i32
        %dma_wait3A_96 = arith.constant 0 : i32
        %dma_wait3A_97 = tpu.memref_slice %arg2[%dma_wait3A_95, %dma_wait3A_96] : memref<4096x128xf32, #tpu.memory_space<hbm>> -> memref<4096x128xf32, #tpu.memory_space<hbm>>
        tpu.wait_indirect_dma semaphore(%arg7 : memref<!tpu.dma_semaphore, #tpu.memory_space<semaphore_mem>>) src(%dma_wait3A_97 : memref<4096x128xf32, #tpu.memory_space<hbm>>) dst(%dma_wait3A_92 : memref<128x128xf32, #tpu.memory_space<vmem>>)
        %dma_wait3A_98 = arith.constant 256 : i32
        %dma_wait3A_99 = arith.constant 0 : i32
        %dma_wait3A_100 = tpu.memref_slice %arg6[%dma_wait3A_98, %dma_wait3A_99] : memref<384x128xf32, #tpu.memory_space<vmem>> -> memref<128x128xf32, #tpu.memory_space<vmem>>
        %dma_wait3A_101 = arith.constant 256 : i32
        %dma_wait3A_102 = tpu.memref_slice %arg5[%dma_wait3A_101] : memref<384xi32, #tpu.memory_space<vmem>> -> memref<128xi32, #tpu.memory_space<vmem>>
        %dma_wait3A_103 = arith.constant 0 : i32
        %dma_wait3A_104 = arith.constant 0 : i32
        %dma_wait3A_105 = tpu.memref_slice %arg2[%dma_wait3A_103, %dma_wait3A_104] : memref<4096x128xf32, #tpu.memory_space<hbm>> -> memref<4096x128xf32, #tpu.memory_space<hbm>>
        tpu.wait_indirect_dma semaphore(%arg7 : memref<!tpu.dma_semaphore, #tpu.memory_space<semaphore_mem>>) src(%dma_wait3A_105 : memref<4096x128xf32, #tpu.memory_space<hbm>>) dst(%dma_wait3A_100 : memref<128x128xf32, #tpu.memory_space<vmem>>)
        %mul3A_106 = arith.constant 384 : i32
        %mul3A_107 = arith.muli %add3A_53, %mul3A_106 : i32
        "tpu.region"() ({
          %run_scoped3A = tpu.sem_alloc : memref<!tpu.dma_semaphore, #tpu.memory_space<semaphore_mem>>
          %dma_start3A = arith.constant 0 : i32
          %dma_start3A_108 = tpu.memref_slice %arg4[%mul3A_107, %dma_start3A] : memref<195200x128xf32, #tpu.memory_space<hbm>> -> memref<384x128xf32, #tpu.memory_space<hbm>>
          %dma_start3A_109 = arith.constant 0 : i32
          %dma_start3A_110 = tpu.memref_slice %arg4[%mul3A_107, %dma_start3A_109] : memref<195200x128xf32, #tpu.memory_space<hbm>> -> memref<384x128xf32, #tpu.memory_space<hbm>>
          tpu.enqueue_dma source(%arg6 : memref<384x128xf32, #tpu.memory_space<vmem>>) target(%dma_start3A_110 : memref<384x128xf32, #tpu.memory_space<hbm>>) target_semaphore(%run_scoped3A : memref<!tpu.dma_semaphore, #tpu.memory_space<semaphore_mem>>)
          %dma_wait3A_111 = arith.constant 0 : i32
          %dma_wait3A_112 = tpu.memref_slice %arg4[%mul3A_107, %dma_wait3A_111] : memref<195200x128xf32, #tpu.memory_space<hbm>> -> memref<384x128xf32, #tpu.memory_space<hbm>>
          %dma_wait3A_113 = arith.constant 0 : i32
          %dma_wait3A_114 = tpu.memref_slice %arg4[%mul3A_107, %dma_wait3A_113] : memref<195200x128xf32, #tpu.memory_space<hbm>> -> memref<384x128xf32, #tpu.memory_space<hbm>>
          tpu.wait_dma2 semaphore(%run_scoped3A : memref<!tpu.dma_semaphore, #tpu.memory_space<semaphore_mem>>) src(%arg6 : memref<384x128xf32, #tpu.memory_space<vmem>>) dst(%dma_wait3A_114 : memref<384x128xf32, #tpu.memory_space<hbm>>)
          tpu.yield
        }) : () -> ()
      } else {
      }
      %mul3A_59 = arith.constant 2 : i32
      %mul3A_60 = arith.muli %mul3A_59, %scan3A_36 : i32
      %add3A_61 = arith.constant 2 : i32
      %add3A_62 = arith.addi %mul3A_60, %add3A_61 : i32
      %mul3A_63 = arith.constant 32 : i32
      %mul3A_64 = arith.muli %add3A_62, %mul3A_63 : i32
      %add3A_65 = arith.addi %add3A, %mul3A_64 : i32
      %lt3A_66 = arith.constant 508 : i32
      %lt3A_67 = arith.cmpi slt, %add3A_65, %lt3A_66 : i32
      %convert_element_type3A_68 = arith.extui %lt3A_67 : i1 to i32
      %cond3A_69 = arith.constant 0 : i32
      %cond3A_70 = arith.cmpi ne, %convert_element_type3A_68, %cond3A_69 : i32
      scf.if %cond3A_70 {
        %mul3A_83 = arith.constant 384 : i32
        %mul3A_84 = arith.muli %add3A_65, %mul3A_83 : i32
        "tpu.region"() ({
          %run_scoped3A = tpu.sem_alloc : memref<!tpu.dma_semaphore, #tpu.memory_space<semaphore_mem>>
          %dma_start3A_108 = tpu.memref_slice %arg3[%mul3A_84] : memref<195200xi32, #tpu.memory_space<hbm>> -> memref<384xi32, #tpu.memory_space<hbm>>
          %dma_start3A_109 = tpu.memref_slice %arg3[%mul3A_84] : memref<195200xi32, #tpu.memory_space<hbm>> -> memref<384xi32, #tpu.memory_space<hbm>>
          tpu.enqueue_dma source(%dma_start3A_109 : memref<384xi32, #tpu.memory_space<hbm>>) target(%arg5 : memref<384xi32, #tpu.memory_space<vmem>>) target_semaphore(%run_scoped3A : memref<!tpu.dma_semaphore, #tpu.memory_space<semaphore_mem>>)
          %dma_wait3A = tpu.memref_slice %arg3[%mul3A_84] : memref<195200xi32, #tpu.memory_space<hbm>> -> memref<384xi32, #tpu.memory_space<hbm>>
          %dma_wait3A_110 = tpu.memref_slice %arg3[%mul3A_84] : memref<195200xi32, #tpu.memory_space<hbm>> -> memref<384xi32, #tpu.memory_space<hbm>>
          tpu.wait_dma2 semaphore(%run_scoped3A : memref<!tpu.dma_semaphore, #tpu.memory_space<semaphore_mem>>) src(%dma_wait3A_110 : memref<384xi32, #tpu.memory_space<hbm>>) dst(%arg5 : memref<384xi32, #tpu.memory_space<vmem>>)
          tpu.yield
        }) : () -> ()
        %dma_start3A = arith.constant 0 : i32
        %dma_start3A_85 = arith.constant 0 : i32
        %dma_start3A_86 = tpu.memref_slice %arg6[%dma_start3A, %dma_start3A_85] : memref<384x128xf32, #tpu.memory_space<vmem>> -> memref<128x128xf32, #tpu.memory_space<vmem>>
        %dma_start3A_87 = arith.constant 0 : i32
        %dma_start3A_88 = tpu.memref_slice %arg5[%dma_start3A_87] : memref<384xi32, #tpu.memory_space<vmem>> -> memref<128xi32, #tpu.memory_space<vmem>>
        %dma_start3A_89 = arith.constant 0 : i32
        %dma_start3A_90 = arith.constant 0 : i32
        %dma_start3A_91 = tpu.memref_slice %arg2[%dma_start3A_89, %dma_start3A_90] : memref<4096x128xf32, #tpu.memory_space<hbm>> -> memref<4096x128xf32, #tpu.memory_space<hbm>>
        tpu.enqueue_indirect_dma source(%dma_start3A_91 : memref<4096x128xf32, #tpu.memory_space<hbm>>) target(%dma_start3A_86 : memref<128x128xf32, #tpu.memory_space<vmem>>) offsets(%dma_start3A_88 : memref<128xi32, #tpu.memory_space<vmem>>) semaphore(%arg7 : memref<!tpu.dma_semaphore, #tpu.memory_space<semaphore_mem>>)
        %dma_start3A_92 = arith.constant 128 : i32
        %dma_start3A_93 = arith.constant 0 : i32
        %dma_start3A_94 = tpu.memref_slice %arg6[%dma_start3A_92, %dma_start3A_93] : memref<384x128xf32, #tpu.memory_space<vmem>> -> memref<128x128xf32, #tpu.memory_space<vmem>>
        %dma_start3A_95 = arith.constant 128 : i32
        %dma_start3A_96 = tpu.memref_slice %arg5[%dma_start3A_95] : memref<384xi32, #tpu.memory_space<vmem>> -> memref<128xi32, #tpu.memory_space<vmem>>
        %dma_start3A_97 = arith.constant 0 : i32
        %dma_start3A_98 = arith.constant 0 : i32
        %dma_start3A_99 = tpu.memref_slice %arg2[%dma_start3A_97, %dma_start3A_98] : memref<4096x128xf32, #tpu.memory_space<hbm>> -> memref<4096x128xf32, #tpu.memory_space<hbm>>
        tpu.enqueue_indirect_dma source(%dma_start3A_99 : memref<4096x128xf32, #tpu.memory_space<hbm>>) target(%dma_start3A_94 : memref<128x128xf32, #tpu.memory_space<vmem>>) offsets(%dma_start3A_96 : memref<128xi32, #tpu.memory_space<vmem>>) semaphore(%arg7 : memref<!tpu.dma_semaphore, #tpu.memory_space<semaphore_mem>>)
        %dma_start3A_100 = arith.constant 256 : i32
        %dma_start3A_101 = arith.constant 0 : i32
        %dma_start3A_102 = tpu.memref_slice %arg6[%dma_start3A_100, %dma_start3A_101] : memref<384x128xf32, #tpu.memory_space<vmem>> -> memref<128x128xf32, #tpu.memory_space<vmem>>
        %dma_start3A_103 = arith.constant 256 : i32
        %dma_start3A_104 = tpu.memref_slice %arg5[%dma_start3A_103] : memref<384xi32, #tpu.memory_space<vmem>> -> memref<128xi32, #tpu.memory_space<vmem>>
        %dma_start3A_105 = arith.constant 0 : i32
        %dma_start3A_106 = arith.constant 0 : i32
        %dma_start3A_107 = tpu.memref_slice %arg2[%dma_start3A_105, %dma_start3A_106] : memref<4096x128xf32, #tpu.memory_space<hbm>> -> memref<4096x128xf32, #tpu.memory_space<hbm>>
        tpu.enqueue_indirect_dma source(%dma_start3A_107 : memref<4096x128xf32, #tpu.memory_space<hbm>>) target(%dma_start3A_102 : memref<128x128xf32, #tpu.memory_space<vmem>>) offsets(%dma_start3A_104 : memref<128xi32, #tpu.memory_space<vmem>>) semaphore(%arg7 : memref<!tpu.dma_semaphore, #tpu.memory_space<semaphore_mem>>)
      } else {
      }
      %mul3A_71 = arith.constant 2 : i32
      %mul3A_72 = arith.muli %mul3A_71, %scan3A_36 : i32
      %add3A_73 = arith.constant 1 : i32
      %add3A_74 = arith.addi %mul3A_72, %add3A_73 : i32
      %mul3A_75 = arith.constant 32 : i32
      %mul3A_76 = arith.muli %add3A_74, %mul3A_75 : i32
      %add3A_77 = arith.addi %add3A, %mul3A_76 : i32
      %lt3A_78 = arith.constant 508 : i32
      %lt3A_79 = arith.cmpi slt, %add3A_77, %lt3A_78 : i32
      %convert_element_type3A_80 = arith.extui %lt3A_79 : i1 to i32
      %cond3A_81 = arith.constant 0 : i32
      %cond3A_82 = arith.cmpi ne, %convert_element_type3A_80, %cond3A_81 : i32
      scf.if %cond3A_82 {
        %dma_wait3A = arith.constant 0 : i32
        %dma_wait3A_83 = arith.constant 0 : i32
        %dma_wait3A_84 = tpu.memref_slice %arg9[%dma_wait3A, %dma_wait3A_83] : memref<384x128xf32, #tpu.memory_space<vmem>> -> memref<128x128xf32, #tpu.memory_space<vmem>>
        %dma_wait3A_85 = arith.constant 0 : i32
        %dma_wait3A_86 = tpu.memref_slice %arg8[%dma_wait3A_85] : memref<384xi32, #tpu.memory_space<vmem>> -> memref<128xi32, #tpu.memory_space<vmem>>
        %dma_wait3A_87 = arith.constant 0 : i32
        %dma_wait3A_88 = arith.constant 0 : i32
        %dma_wait3A_89 = tpu.memref_slice %arg2[%dma_wait3A_87, %dma_wait3A_88] : memref<4096x128xf32, #tpu.memory_space<hbm>> -> memref<4096x128xf32, #tpu.memory_space<hbm>>
        tpu.wait_indirect_dma semaphore(%arg10 : memref<!tpu.dma_semaphore, #tpu.memory_space<semaphore_mem>>) src(%dma_wait3A_89 : memref<4096x128xf32, #tpu.memory_space<hbm>>) dst(%dma_wait3A_84 : memref<128x128xf32, #tpu.memory_space<vmem>>)
        %dma_wait3A_90 = arith.constant 128 : i32
        %dma_wait3A_91 = arith.constant 0 : i32
        %dma_wait3A_92 = tpu.memref_slice %arg9[%dma_wait3A_90, %dma_wait3A_91] : memref<384x128xf32, #tpu.memory_space<vmem>> -> memref<128x128xf32, #tpu.memory_space<vmem>>
        %dma_wait3A_93 = arith.constant 128 : i32
        %dma_wait3A_94 = tpu.memref_slice %arg8[%dma_wait3A_93] : memref<384xi32, #tpu.memory_space<vmem>> -> memref<128xi32, #tpu.memory_space<vmem>>
        %dma_wait3A_95 = arith.constant 0 : i32
        %dma_wait3A_96 = arith.constant 0 : i32
        %dma_wait3A_97 = tpu.memref_slice %arg2[%dma_wait3A_95, %dma_wait3A_96] : memref<4096x128xf32, #tpu.memory_space<hbm>> -> memref<4096x128xf32, #tpu.memory_space<hbm>>
        tpu.wait_indirect_dma semaphore(%arg10 : memref<!tpu.dma_semaphore, #tpu.memory_space<semaphore_mem>>) src(%dma_wait3A_97 : memref<4096x128xf32, #tpu.memory_space<hbm>>) dst(%dma_wait3A_92 : memref<128x128xf32, #tpu.memory_space<vmem>>)
        %dma_wait3A_98 = arith.constant 256 : i32
        %dma_wait3A_99 = arith.constant 0 : i32
        %dma_wait3A_100 = tpu.memref_slice %arg9[%dma_wait3A_98, %dma_wait3A_99] : memref<384x128xf32, #tpu.memory_space<vmem>> -> memref<128x128xf32, #tpu.memory_space<vmem>>
        %dma_wait3A_101 = arith.constant 256 : i32
        %dma_wait3A_102 = tpu.memref_slice %arg8[%dma_wait3A_101] : memref<384xi32, #tpu.memory_space<vmem>> -> memref<128xi32, #tpu.memory_space<vmem>>
        %dma_wait3A_103 = arith.constant 0 : i32
        %dma_wait3A_104 = arith.constant 0 : i32
        %dma_wait3A_105 = tpu.memref_slice %arg2[%dma_wait3A_103, %dma_wait3A_104] : memref<4096x128xf32, #tpu.memory_space<hbm>> -> memref<4096x128xf32, #tpu.memory_space<hbm>>
        tpu.wait_indirect_dma semaphore(%arg10 : memref<!tpu.dma_semaphore, #tpu.memory_space<semaphore_mem>>) src(%dma_wait3A_105 : memref<4096x128xf32, #tpu.memory_space<hbm>>) dst(%dma_wait3A_100 : memref<128x128xf32, #tpu.memory_space<vmem>>)
        %mul3A_106 = arith.constant 384 : i32
        %mul3A_107 = arith.muli %add3A_77, %mul3A_106 : i32
        "tpu.region"() ({
          %run_scoped3A = tpu.sem_alloc : memref<!tpu.dma_semaphore, #tpu.memory_space<semaphore_mem>>
          %dma_start3A = arith.constant 0 : i32
          %dma_start3A_108 = tpu.memref_slice %arg4[%mul3A_107, %dma_start3A] : memref<195200x128xf32, #tpu.memory_space<hbm>> -> memref<384x128xf32, #tpu.memory_space<hbm>>
          %dma_start3A_109 = arith.constant 0 : i32
          %dma_start3A_110 = tpu.memref_slice %arg4[%mul3A_107, %dma_start3A_109] : memref<195200x128xf32, #tpu.memory_space<hbm>> -> memref<384x128xf32, #tpu.memory_space<hbm>>
          tpu.enqueue_dma source(%arg9 : memref<384x128xf32, #tpu.memory_space<vmem>>) target(%dma_start3A_110 : memref<384x128xf32, #tpu.memory_space<hbm>>) target_semaphore(%run_scoped3A : memref<!tpu.dma_semaphore, #tpu.memory_space<semaphore_mem>>)
          %dma_wait3A_111 = arith.constant 0 : i32
          %dma_wait3A_112 = tpu.memref_slice %arg4[%mul3A_107, %dma_wait3A_111] : memref<195200x128xf32, #tpu.memory_space<hbm>> -> memref<384x128xf32, #tpu.memory_space<hbm>>
          %dma_wait3A_113 = arith.constant 0 : i32
          %dma_wait3A_114 = tpu.memref_slice %arg4[%mul3A_107, %dma_wait3A_113] : memref<195200x128xf32, #tpu.memory_space<hbm>> -> memref<384x128xf32, #tpu.memory_space<hbm>>
          tpu.wait_dma2 semaphore(%run_scoped3A : memref<!tpu.dma_semaphore, #tpu.memory_space<semaphore_mem>>) src(%arg9 : memref<384x128xf32, #tpu.memory_space<vmem>>) dst(%dma_wait3A_114 : memref<384x128xf32, #tpu.memory_space<hbm>>)
          tpu.yield
        }) : () -> ()
      } else {
      }
    }
    %scan3A_9 = arith.constant 7 : i32
    %add3A_10 = arith.constant 480 : i32
    %add3A_11 = arith.addi %add3A, %add3A_10 : i32
    %lt3A_12 = arith.constant 508 : i32
    %lt3A_13 = arith.cmpi slt, %add3A_11, %lt3A_12 : i32
    %convert_element_type3A_14 = arith.extui %lt3A_13 : i1 to i32
    %cond3A_15 = arith.constant 0 : i32
    %cond3A_16 = arith.cmpi ne, %convert_element_type3A_14, %cond3A_15 : i32
    scf.if %cond3A_16 {
      %mul3A_36 = arith.constant 384 : i32
      %mul3A_37 = arith.muli %add3A_11, %mul3A_36 : i32
      "tpu.region"() ({
        %run_scoped3A = tpu.sem_alloc : memref<!tpu.dma_semaphore, #tpu.memory_space<semaphore_mem>>
        %dma_start3A_61 = tpu.memref_slice %arg3[%mul3A_37] : memref<195200xi32, #tpu.memory_space<hbm>> -> memref<384xi32, #tpu.memory_space<hbm>>
        %dma_start3A_62 = tpu.memref_slice %arg3[%mul3A_37] : memref<195200xi32, #tpu.memory_space<hbm>> -> memref<384xi32, #tpu.memory_space<hbm>>
        tpu.enqueue_dma source(%dma_start3A_62 : memref<384xi32, #tpu.memory_space<hbm>>) target(%arg8 : memref<384xi32, #tpu.memory_space<vmem>>) target_semaphore(%run_scoped3A : memref<!tpu.dma_semaphore, #tpu.memory_space<semaphore_mem>>)
        %dma_wait3A = tpu.memref_slice %arg3[%mul3A_37] : memref<195200xi32, #tpu.memory_space<hbm>> -> memref<384xi32, #tpu.memory_space<hbm>>
        %dma_wait3A_63 = tpu.memref_slice %arg3[%mul3A_37] : memref<195200xi32, #tpu.memory_space<hbm>> -> memref<384xi32, #tpu.memory_space<hbm>>
        tpu.wait_dma2 semaphore(%run_scoped3A : memref<!tpu.dma_semaphore, #tpu.memory_space<semaphore_mem>>) src(%dma_wait3A_63 : memref<384xi32, #tpu.memory_space<hbm>>) dst(%arg8 : memref<384xi32, #tpu.memory_space<vmem>>)
        tpu.yield
      }) : () -> ()
      %dma_start3A = arith.constant 0 : i32
      %dma_start3A_38 = arith.constant 0 : i32
      %dma_start3A_39 = tpu.memref_slice %arg9[%dma_start3A, %dma_start3A_38] : memref<384x128xf32, #tpu.memory_space<vmem>> -> memref<128x128xf32, #tpu.memory_space<vmem>>
      %dma_start3A_40 = arith.constant 0 : i32
      %dma_start3A_41 = tpu.memref_slice %arg8[%dma_start3A_40] : memref<384xi32, #tpu.memory_space<vmem>> -> memref<128xi32, #tpu.memory_space<vmem>>
      %dma_start3A_42 = arith.constant 0 : i32
      %dma_start3A_43 = arith.constant 0 : i32
      %dma_start3A_44 = tpu.memref_slice %arg2[%dma_start3A_42, %dma_start3A_43] : memref<4096x128xf32, #tpu.memory_space<hbm>> -> memref<4096x128xf32, #tpu.memory_space<hbm>>
      tpu.enqueue_indirect_dma source(%dma_start3A_44 : memref<4096x128xf32, #tpu.memory_space<hbm>>) target(%dma_start3A_39 : memref<128x128xf32, #tpu.memory_space<vmem>>) offsets(%dma_start3A_41 : memref<128xi32, #tpu.memory_space<vmem>>) semaphore(%arg10 : memref<!tpu.dma_semaphore, #tpu.memory_space<semaphore_mem>>)
      %dma_start3A_45 = arith.constant 128 : i32
      %dma_start3A_46 = arith.constant 0 : i32
      %dma_start3A_47 = tpu.memref_slice %arg9[%dma_start3A_45, %dma_start3A_46] : memref<384x128xf32, #tpu.memory_space<vmem>> -> memref<128x128xf32, #tpu.memory_space<vmem>>
      %dma_start3A_48 = arith.constant 128 : i32
      %dma_start3A_49 = tpu.memref_slice %arg8[%dma_start3A_48] : memref<384xi32, #tpu.memory_space<vmem>> -> memref<128xi32, #tpu.memory_space<vmem>>
      %dma_start3A_50 = arith.constant 0 : i32
      %dma_start3A_51 = arith.constant 0 : i32
      %dma_start3A_52 = tpu.memref_slice %arg2[%dma_start3A_50, %dma_start3A_51] : memref<4096x128xf32, #tpu.memory_space<hbm>> -> memref<4096x128xf32, #tpu.memory_space<hbm>>
      tpu.enqueue_indirect_dma source(%dma_start3A_52 : memref<4096x128xf32, #tpu.memory_space<hbm>>) target(%dma_start3A_47 : memref<128x128xf32, #tpu.memory_space<vmem>>) offsets(%dma_start3A_49 : memref<128xi32, #tpu.memory_space<vmem>>) semaphore(%arg10 : memref<!tpu.dma_semaphore, #tpu.memory_space<semaphore_mem>>)
      %dma_start3A_53 = arith.constant 256 : i32
      %dma_start3A_54 = arith.constant 0 : i32
      %dma_start3A_55 = tpu.memref_slice %arg9[%dma_start3A_53, %dma_start3A_54] : memref<384x128xf32, #tpu.memory_space<vmem>> -> memref<128x128xf32, #tpu.memory_space<vmem>>
      %dma_start3A_56 = arith.constant 256 : i32
      %dma_start3A_57 = tpu.memref_slice %arg8[%dma_start3A_56] : memref<384xi32, #tpu.memory_space<vmem>> -> memref<128xi32, #tpu.memory_space<vmem>>
      %dma_start3A_58 = arith.constant 0 : i32
      %dma_start3A_59 = arith.constant 0 : i32
      %dma_start3A_60 = tpu.memref_slice %arg2[%dma_start3A_58, %dma_start3A_59] : memref<4096x128xf32, #tpu.memory_space<hbm>> -> memref<4096x128xf32, #tpu.memory_space<hbm>>
      tpu.enqueue_indirect_dma source(%dma_start3A_60 : memref<4096x128xf32, #tpu.memory_space<hbm>>) target(%dma_start3A_55 : memref<128x128xf32, #tpu.memory_space<vmem>>) offsets(%dma_start3A_57 : memref<128xi32, #tpu.memory_space<vmem>>) semaphore(%arg10 : memref<!tpu.dma_semaphore, #tpu.memory_space<semaphore_mem>>)
    } else {
    }
    %add3A_17 = arith.constant 448 : i32
    %add3A_18 = arith.addi %add3A, %add3A_17 : i32
    %lt3A_19 = arith.constant 508 : i32
    %lt3A_20 = arith.cmpi slt, %add3A_18, %lt3A_19 : i32
    %convert_element_type3A_21 = arith.extui %lt3A_20 : i1 to i32
    %cond3A_22 = arith.constant 0 : i32
    %cond3A_23 = arith.cmpi ne, %convert_element_type3A_21, %cond3A_22 : i32
    scf.if %cond3A_23 {
      %dma_wait3A = arith.constant 0 : i32
      %dma_wait3A_36 = arith.constant 0 : i32
      %dma_wait3A_37 = tpu.memref_slice %arg6[%dma_wait3A, %dma_wait3A_36] : memref<384x128xf32, #tpu.memory_space<vmem>> -> memref<128x128xf32, #tpu.memory_space<vmem>>
      %dma_wait3A_38 = arith.constant 0 : i32
      %dma_wait3A_39 = tpu.memref_slice %arg5[%dma_wait3A_38] : memref<384xi32, #tpu.memory_space<vmem>> -> memref<128xi32, #tpu.memory_space<vmem>>
      %dma_wait3A_40 = arith.constant 0 : i32
      %dma_wait3A_41 = arith.constant 0 : i32
      %dma_wait3A_42 = tpu.memref_slice %arg2[%dma_wait3A_40, %dma_wait3A_41] : memref<4096x128xf32, #tpu.memory_space<hbm>> -> memref<4096x128xf32, #tpu.memory_space<hbm>>
      tpu.wait_indirect_dma semaphore(%arg7 : memref<!tpu.dma_semaphore, #tpu.memory_space<semaphore_mem>>) src(%dma_wait3A_42 : memref<4096x128xf32, #tpu.memory_space<hbm>>) dst(%dma_wait3A_37 : memref<128x128xf32, #tpu.memory_space<vmem>>)
      %dma_wait3A_43 = arith.constant 128 : i32
      %dma_wait3A_44 = arith.constant 0 : i32
      %dma_wait3A_45 = tpu.memref_slice %arg6[%dma_wait3A_43, %dma_wait3A_44] : memref<384x128xf32, #tpu.memory_space<vmem>> -> memref<128x128xf32, #tpu.memory_space<vmem>>
      %dma_wait3A_46 = arith.constant 128 : i32
      %dma_wait3A_47 = tpu.memref_slice %arg5[%dma_wait3A_46] : memref<384xi32, #tpu.memory_space<vmem>> -> memref<128xi32, #tpu.memory_space<vmem>>
      %dma_wait3A_48 = arith.constant 0 : i32
      %dma_wait3A_49 = arith.constant 0 : i32
      %dma_wait3A_50 = tpu.memref_slice %arg2[%dma_wait3A_48, %dma_wait3A_49] : memref<4096x128xf32, #tpu.memory_space<hbm>> -> memref<4096x128xf32, #tpu.memory_space<hbm>>
      tpu.wait_indirect_dma semaphore(%arg7 : memref<!tpu.dma_semaphore, #tpu.memory_space<semaphore_mem>>) src(%dma_wait3A_50 : memref<4096x128xf32, #tpu.memory_space<hbm>>) dst(%dma_wait3A_45 : memref<128x128xf32, #tpu.memory_space<vmem>>)
      %dma_wait3A_51 = arith.constant 256 : i32
      %dma_wait3A_52 = arith.constant 0 : i32
      %dma_wait3A_53 = tpu.memref_slice %arg6[%dma_wait3A_51, %dma_wait3A_52] : memref<384x128xf32, #tpu.memory_space<vmem>> -> memref<128x128xf32, #tpu.memory_space<vmem>>
      %dma_wait3A_54 = arith.constant 256 : i32
      %dma_wait3A_55 = tpu.memref_slice %arg5[%dma_wait3A_54] : memref<384xi32, #tpu.memory_space<vmem>> -> memref<128xi32, #tpu.memory_space<vmem>>
      %dma_wait3A_56 = arith.constant 0 : i32
      %dma_wait3A_57 = arith.constant 0 : i32
      %dma_wait3A_58 = tpu.memref_slice %arg2[%dma_wait3A_56, %dma_wait3A_57] : memref<4096x128xf32, #tpu.memory_space<hbm>> -> memref<4096x128xf32, #tpu.memory_space<hbm>>
      tpu.wait_indirect_dma semaphore(%arg7 : memref<!tpu.dma_semaphore, #tpu.memory_space<semaphore_mem>>) src(%dma_wait3A_58 : memref<4096x128xf32, #tpu.memory_space<hbm>>) dst(%dma_wait3A_53 : memref<128x128xf32, #tpu.memory_space<vmem>>)
      %mul3A_59 = arith.constant 384 : i32
      %mul3A_60 = arith.muli %add3A_18, %mul3A_59 : i32
      "tpu.region"() ({
        %run_scoped3A = tpu.sem_alloc : memref<!tpu.dma_semaphore, #tpu.memory_space<semaphore_mem>>
        %dma_start3A = arith.constant 0 : i32
        %dma_start3A_61 = tpu.memref_slice %arg4[%mul3A_60, %dma_start3A] : memref<195200x128xf32, #tpu.memory_space<hbm>> -> memref<384x128xf32, #tpu.memory_space<hbm>>
        %dma_start3A_62 = arith.constant 0 : i32
        %dma_start3A_63 = tpu.memref_slice %arg4[%mul3A_60, %dma_start3A_62] : memref<195200x128xf32, #tpu.memory_space<hbm>> -> memref<384x128xf32, #tpu.memory_space<hbm>>
        tpu.enqueue_dma source(%arg6 : memref<384x128xf32, #tpu.memory_space<vmem>>) target(%dma_start3A_63 : memref<384x128xf32, #tpu.memory_space<hbm>>) target_semaphore(%run_scoped3A : memref<!tpu.dma_semaphore, #tpu.memory_space<semaphore_mem>>)
        %dma_wait3A_64 = arith.constant 0 : i32
        %dma_wait3A_65 = tpu.memref_slice %arg4[%mul3A_60, %dma_wait3A_64] : memref<195200x128xf32, #tpu.memory_space<hbm>> -> memref<384x128xf32, #tpu.memory_space<hbm>>
        %dma_wait3A_66 = arith.constant 0 : i32
        %dma_wait3A_67 = tpu.memref_slice %arg4[%mul3A_60, %dma_wait3A_66] : memref<195200x128xf32, #tpu.memory_space<hbm>> -> memref<384x128xf32, #tpu.memory_space<hbm>>
        tpu.wait_dma2 semaphore(%run_scoped3A : memref<!tpu.dma_semaphore, #tpu.memory_space<semaphore_mem>>) src(%arg6 : memref<384x128xf32, #tpu.memory_space<vmem>>) dst(%dma_wait3A_67 : memref<384x128xf32, #tpu.memory_space<hbm>>)
        tpu.yield
      }) : () -> ()
    } else {
    }
    %add3A_24 = arith.constant 480 : i32
    %add3A_25 = arith.addi %add3A, %add3A_24 : i32
    %lt3A_26 = arith.constant 508 : i32
    %lt3A_27 = arith.cmpi slt, %add3A_25, %lt3A_26 : i32
    %convert_element_type3A_28 = arith.extui %lt3A_27 : i1 to i32
    %cond3A_29 = arith.constant 0 : i32
    %cond3A_30 = arith.cmpi ne, %convert_element_type3A_28, %cond3A_29 : i32
    scf.if %cond3A_30 {
      %dma_wait3A = arith.constant 0 : i32
      %dma_wait3A_36 = arith.constant 0 : i32
      %dma_wait3A_37 = tpu.memref_slice %arg9[%dma_wait3A, %dma_wait3A_36] : memref<384x128xf32, #tpu.memory_space<vmem>> -> memref<128x128xf32, #tpu.memory_space<vmem>>
      %dma_wait3A_38 = arith.constant 0 : i32
      %dma_wait3A_39 = tpu.memref_slice %arg8[%dma_wait3A_38] : memref<384xi32, #tpu.memory_space<vmem>> -> memref<128xi32, #tpu.memory_space<vmem>>
      %dma_wait3A_40 = arith.constant 0 : i32
      %dma_wait3A_41 = arith.constant 0 : i32
      %dma_wait3A_42 = tpu.memref_slice %arg2[%dma_wait3A_40, %dma_wait3A_41] : memref<4096x128xf32, #tpu.memory_space<hbm>> -> memref<4096x128xf32, #tpu.memory_space<hbm>>
      tpu.wait_indirect_dma semaphore(%arg10 : memref<!tpu.dma_semaphore, #tpu.memory_space<semaphore_mem>>) src(%dma_wait3A_42 : memref<4096x128xf32, #tpu.memory_space<hbm>>) dst(%dma_wait3A_37 : memref<128x128xf32, #tpu.memory_space<vmem>>)
      %dma_wait3A_43 = arith.constant 128 : i32
      %dma_wait3A_44 = arith.constant 0 : i32
      %dma_wait3A_45 = tpu.memref_slice %arg9[%dma_wait3A_43, %dma_wait3A_44] : memref<384x128xf32, #tpu.memory_space<vmem>> -> memref<128x128xf32, #tpu.memory_space<vmem>>
      %dma_wait3A_46 = arith.constant 128 : i32
      %dma_wait3A_47 = tpu.memref_slice %arg8[%dma_wait3A_46] : memref<384xi32, #tpu.memory_space<vmem>> -> memref<128xi32, #tpu.memory_space<vmem>>
      %dma_wait3A_48 = arith.constant 0 : i32
      %dma_wait3A_49 = arith.constant 0 : i32
      %dma_wait3A_50 = tpu.memref_slice %arg2[%dma_wait3A_48, %dma_wait3A_49] : memref<4096x128xf32, #tpu.memory_space<hbm>> -> memref<4096x128xf32, #tpu.memory_space<hbm>>
      tpu.wait_indirect_dma semaphore(%arg10 : memref<!tpu.dma_semaphore, #tpu.memory_space<semaphore_mem>>) src(%dma_wait3A_50 : memref<4096x128xf32, #tpu.memory_space<hbm>>) dst(%dma_wait3A_45 : memref<128x128xf32, #tpu.memory_space<vmem>>)
      %dma_wait3A_51 = arith.constant 256 : i32
      %dma_wait3A_52 = arith.constant 0 : i32
      %dma_wait3A_53 = tpu.memref_slice %arg9[%dma_wait3A_51, %dma_wait3A_52] : memref<384x128xf32, #tpu.memory_space<vmem>> -> memref<128x128xf32, #tpu.memory_space<vmem>>
      %dma_wait3A_54 = arith.constant 256 : i32
      %dma_wait3A_55 = tpu.memref_slice %arg8[%dma_wait3A_54] : memref<384xi32, #tpu.memory_space<vmem>> -> memref<128xi32, #tpu.memory_space<vmem>>
      %dma_wait3A_56 = arith.constant 0 : i32
      %dma_wait3A_57 = arith.constant 0 : i32
      %dma_wait3A_58 = tpu.memref_slice %arg2[%dma_wait3A_56, %dma_wait3A_57] : memref<4096x128xf32, #tpu.memory_space<hbm>> -> memref<4096x128xf32, #tpu.memory_space<hbm>>
      tpu.wait_indirect_dma semaphore(%arg10 : memref<!tpu.dma_semaphore, #tpu.memory_space<semaphore_mem>>) src(%dma_wait3A_58 : memref<4096x128xf32, #tpu.memory_space<hbm>>) dst(%dma_wait3A_53 : memref<128x128xf32, #tpu.memory_space<vmem>>)
      %mul3A_59 = arith.constant 384 : i32
      %mul3A_60 = arith.muli %add3A_25, %mul3A_59 : i32
      "tpu.region"() ({
        %run_scoped3A = tpu.sem_alloc : memref<!tpu.dma_semaphore, #tpu.memory_space<semaphore_mem>>
        %dma_start3A = arith.constant 0 : i32
        %dma_start3A_61 = tpu.memref_slice %arg4[%mul3A_60, %dma_start3A] : memref<195200x128xf32, #tpu.memory_space<hbm>> -> memref<384x128xf32, #tpu.memory_space<hbm>>
        %dma_start3A_62 = arith.constant 0 : i32
        %dma_start3A_63 = tpu.memref_slice %arg4[%mul3A_60, %dma_start3A_62] : memref<195200x128xf32, #tpu.memory_space<hbm>> -> memref<384x128xf32, #tpu.memory_space<hbm>>
        tpu.enqueue_dma source(%arg9 : memref<384x128xf32, #tpu.memory_space<vmem>>) target(%dma_start3A_63 : memref<384x128xf32, #tpu.memory_space<hbm>>) target_semaphore(%run_scoped3A : memref<!tpu.dma_semaphore, #tpu.memory_space<semaphore_mem>>)
        %dma_wait3A_64 = arith.constant 0 : i32
        %dma_wait3A_65 = tpu.memref_slice %arg4[%mul3A_60, %dma_wait3A_64] : memref<195200x128xf32, #tpu.memory_space<hbm>> -> memref<384x128xf32, #tpu.memory_space<hbm>>
        %dma_wait3A_66 = arith.constant 0 : i32
        %dma_wait3A_67 = tpu.memref_slice %arg4[%mul3A_60, %dma_wait3A_66] : memref<195200x128xf32, #tpu.memory_space<hbm>> -> memref<384x128xf32, #tpu.memory_space<hbm>>
        tpu.wait_dma2 semaphore(%run_scoped3A : memref<!tpu.dma_semaphore, #tpu.memory_space<semaphore_mem>>) src(%arg9 : memref<384x128xf32, #tpu.memory_space<vmem>>) dst(%dma_wait3A_67 : memref<384x128xf32, #tpu.memory_space<hbm>>)
        tpu.yield
      }) : () -> ()
    } else {
    }
    %lt3A_31 = arith.constant 1 : i32
    %lt3A_32 = arith.cmpi slt, %add3A, %lt3A_31 : i32
    %convert_element_type3A_33 = arith.extui %lt3A_32 : i1 to i32
    %cond3A_34 = arith.constant 0 : i32
    %cond3A_35 = arith.cmpi ne, %convert_element_type3A_33, %cond3A_34 : i32
    scf.if %cond3A_35 {
      %add3A_36 = arith.constant 1524 : i32
      %add3A_37 = arith.addi %add3A_36, %add3A : i32
      %mul3A_38 = arith.constant 128 : i32
      %mul3A_39 = arith.muli %add3A_37, %mul3A_38 : i32
      "tpu.region"() ({
        %run_scoped3A = tpu.sem_alloc : memref<!tpu.dma_semaphore, #tpu.memory_space<semaphore_mem>>
        %dma_start3A_56 = arith.constant 0 : i32
        %dma_start3A_57 = tpu.memref_slice %arg5[%dma_start3A_56] : memref<384xi32, #tpu.memory_space<vmem>> -> memref<128xi32, #tpu.memory_space<vmem>>
        %dma_start3A_58 = tpu.memref_slice %arg3[%mul3A_39] : memref<195200xi32, #tpu.memory_space<hbm>> -> memref<128xi32, #tpu.memory_space<hbm>>
        %dma_start3A_59 = arith.constant 0 : i32
        %dma_start3A_60 = tpu.memref_slice %arg5[%dma_start3A_59] : memref<384xi32, #tpu.memory_space<vmem>> -> memref<128xi32, #tpu.memory_space<vmem>>
        %dma_start3A_61 = tpu.memref_slice %arg3[%mul3A_39] : memref<195200xi32, #tpu.memory_space<hbm>> -> memref<128xi32, #tpu.memory_space<hbm>>
        tpu.enqueue_dma source(%dma_start3A_61 : memref<128xi32, #tpu.memory_space<hbm>>) target(%dma_start3A_60 : memref<128xi32, #tpu.memory_space<vmem>>) target_semaphore(%run_scoped3A : memref<!tpu.dma_semaphore, #tpu.memory_space<semaphore_mem>>)
        %dma_wait3A_62 = arith.constant 0 : i32
        %dma_wait3A_63 = tpu.memref_slice %arg5[%dma_wait3A_62] : memref<384xi32, #tpu.memory_space<vmem>> -> memref<128xi32, #tpu.memory_space<vmem>>
        %dma_wait3A_64 = tpu.memref_slice %arg3[%mul3A_39] : memref<195200xi32, #tpu.memory_space<hbm>> -> memref<128xi32, #tpu.memory_space<hbm>>
        %dma_wait3A_65 = arith.constant 0 : i32
        %dma_wait3A_66 = tpu.memref_slice %arg5[%dma_wait3A_65] : memref<384xi32, #tpu.memory_space<vmem>> -> memref<128xi32, #tpu.memory_space<vmem>>
        %dma_wait3A_67 = tpu.memref_slice %arg3[%mul3A_39] : memref<195200xi32, #tpu.memory_space<hbm>> -> memref<128xi32, #tpu.memory_space<hbm>>
        tpu.wait_dma2 semaphore(%run_scoped3A : memref<!tpu.dma_semaphore, #tpu.memory_space<semaphore_mem>>) src(%dma_wait3A_67 : memref<128xi32, #tpu.memory_space<hbm>>) dst(%dma_wait3A_66 : memref<128xi32, #tpu.memory_space<vmem>>)
        tpu.yield
      }) : () -> ()
      %dma_start3A = arith.constant 0 : i32
      %dma_start3A_40 = arith.constant 0 : i32
      %dma_start3A_41 = tpu.memref_slice %arg6[%dma_start3A, %dma_start3A_40] : memref<384x128xf32, #tpu.memory_space<vmem>> -> memref<128x128xf32, #tpu.memory_space<vmem>>
      %dma_start3A_42 = arith.constant 0 : i32
      %dma_start3A_43 = tpu.memref_slice %arg5[%dma_start3A_42] : memref<384xi32, #tpu.memory_space<vmem>> -> memref<128xi32, #tpu.memory_space<vmem>>
      %dma_start3A_44 = arith.constant 0 : i32
      %dma_start3A_45 = arith.constant 0 : i32
      %dma_start3A_46 = tpu.memref_slice %arg2[%dma_start3A_44, %dma_start3A_45] : memref<4096x128xf32, #tpu.memory_space<hbm>> -> memref<4096x128xf32, #tpu.memory_space<hbm>>
      tpu.enqueue_indirect_dma source(%dma_start3A_46 : memref<4096x128xf32, #tpu.memory_space<hbm>>) target(%dma_start3A_41 : memref<128x128xf32, #tpu.memory_space<vmem>>) offsets(%dma_start3A_43 : memref<128xi32, #tpu.memory_space<vmem>>) semaphore(%arg7 : memref<!tpu.dma_semaphore, #tpu.memory_space<semaphore_mem>>)
      %dma_wait3A = arith.constant 0 : i32
      %dma_wait3A_47 = arith.constant 0 : i32
      %dma_wait3A_48 = tpu.memref_slice %arg6[%dma_wait3A, %dma_wait3A_47] : memref<384x128xf32, #tpu.memory_space<vmem>> -> memref<128x128xf32, #tpu.memory_space<vmem>>
      %dma_wait3A_49 = arith.constant 0 : i32
      %dma_wait3A_50 = tpu.memref_slice %arg5[%dma_wait3A_49] : memref<384xi32, #tpu.memory_space<vmem>> -> memref<128xi32, #tpu.memory_space<vmem>>
      %dma_wait3A_51 = arith.constant 0 : i32
      %dma_wait3A_52 = arith.constant 0 : i32
      %dma_wait3A_53 = tpu.memref_slice %arg2[%dma_wait3A_51, %dma_wait3A_52] : memref<4096x128xf32, #tpu.memory_space<hbm>> -> memref<4096x128xf32, #tpu.memory_space<hbm>>
      tpu.wait_indirect_dma semaphore(%arg7 : memref<!tpu.dma_semaphore, #tpu.memory_space<semaphore_mem>>) src(%dma_wait3A_53 : memref<4096x128xf32, #tpu.memory_space<hbm>>) dst(%dma_wait3A_48 : memref<128x128xf32, #tpu.memory_space<vmem>>)
      %mul3A_54 = arith.constant 128 : i32
      %mul3A_55 = arith.muli %add3A_37, %mul3A_54 : i32
      "tpu.region"() ({
        %run_scoped3A = tpu.sem_alloc : memref<!tpu.dma_semaphore, #tpu.memory_space<semaphore_mem>>
        %dma_start3A_56 = arith.constant 0 : i32
        %dma_start3A_57 = arith.constant 0 : i32
        %dma_start3A_58 = tpu.memref_slice %arg6[%dma_start3A_56, %dma_start3A_57] : memref<384x128xf32, #tpu.memory_space<vmem>> -> memref<128x128xf32, #tpu.memory_space<vmem>>
        %dma_start3A_59 = arith.constant 0 : i32
        %dma_start3A_60 = tpu.memref_slice %arg4[%mul3A_55, %dma_start3A_59] : memref<195200x128xf32, #tpu.memory_space<hbm>> -> memref<128x128xf32, #tpu.memory_space<hbm>>
        %dma_start3A_61 = arith.constant 0 : i32
        %dma_start3A_62 = tpu.memref_slice %arg4[%mul3A_55, %dma_start3A_61] : memref<195200x128xf32, #tpu.memory_space<hbm>> -> memref<128x128xf32, #tpu.memory_space<hbm>>
        %dma_start3A_63 = arith.constant 0 : i32
        %dma_start3A_64 = arith.constant 0 : i32
        %dma_start3A_65 = tpu.memref_slice %arg6[%dma_start3A_63, %dma_start3A_64] : memref<384x128xf32, #tpu.memory_space<vmem>> -> memref<128x128xf32, #tpu.memory_space<vmem>>
        tpu.enqueue_dma source(%dma_start3A_65 : memref<128x128xf32, #tpu.memory_space<vmem>>) target(%dma_start3A_62 : memref<128x128xf32, #tpu.memory_space<hbm>>) target_semaphore(%run_scoped3A : memref<!tpu.dma_semaphore, #tpu.memory_space<semaphore_mem>>)
        %dma_wait3A_66 = arith.constant 0 : i32
        %dma_wait3A_67 = arith.constant 0 : i32
        %dma_wait3A_68 = tpu.memref_slice %arg6[%dma_wait3A_66, %dma_wait3A_67] : memref<384x128xf32, #tpu.memory_space<vmem>> -> memref<128x128xf32, #tpu.memory_space<vmem>>
        %dma_wait3A_69 = arith.constant 0 : i32
        %dma_wait3A_70 = tpu.memref_slice %arg4[%mul3A_55, %dma_wait3A_69] : memref<195200x128xf32, #tpu.memory_space<hbm>> -> memref<128x128xf32, #tpu.memory_space<hbm>>
        %dma_wait3A_71 = arith.constant 0 : i32
        %dma_wait3A_72 = tpu.memref_slice %arg4[%mul3A_55, %dma_wait3A_71] : memref<195200x128xf32, #tpu.memory_space<hbm>> -> memref<128x128xf32, #tpu.memory_space<hbm>>
        %dma_wait3A_73 = arith.constant 0 : i32
        %dma_wait3A_74 = arith.constant 0 : i32
        %dma_wait3A_75 = tpu.memref_slice %arg6[%dma_wait3A_73, %dma_wait3A_74] : memref<384x128xf32, #tpu.memory_space<vmem>> -> memref<128x128xf32, #tpu.memory_space<vmem>>
        tpu.wait_dma2 semaphore(%run_scoped3A : memref<!tpu.dma_semaphore, #tpu.memory_space<semaphore_mem>>) src(%dma_wait3A_75 : memref<128x128xf32, #tpu.memory_space<vmem>>) dst(%dma_wait3A_72 : memref<128x128xf32, #tpu.memory_space<hbm>>)
        tpu.yield
      }) : () -> ()
    } else {
    }
    return
  }
}

#map = affine_map<(d0, d1) -> (0, 0)>
#map1 = affine_map<(d0, d1) -> (0)>
module attributes {stable_mosaic.version = 14 : i64} {
  func.func @sc_gather_assm2(%arg0: i32, %arg1: i32, %arg2: memref<4096x128xf32, #tpu.memory_space<hbm>>, %arg3: memref<195200xi32, #tpu.memory_space<hbm>>, %arg4: memref<195200x128xf32, #tpu.memory_space<hbm>>, %arg5: memref<384xi32, #tpu.memory_space<vmem>>, %arg6: memref<384x128xf32, #tpu.memory_space<vmem>>, %arg7: memref<!tpu.dma_semaphore, #tpu.memory_space<semaphore_mem>>, %arg8: memref<384xi32, #tpu.memory_space<vmem>>, %arg9: memref<384x128xf32, #tpu.memory_space<vmem>>, %arg10: memref<!tpu.dma_semaphore, #tpu.memory_space<semaphore_mem>>) attributes {dimension_semantics = [#tpu.dimension_semantics<core_parallel>, #tpu.dimension_semantics<subcore_parallel>], iteration_bounds = array<i64: 2, 16>, scalar_prefetch = 0 : i64, scratch_operands = 6 : i64, tpu.core_type = #tpu.core_type<sc_vector_subcore>, window_params = [{transform_indices = #map}, {transform_indices = #map1}, {transform_indices = #map}]} {
    %mul3A = arith.constant 2 : i32
    %mul3A_0 = arith.muli %arg1, %mul3A : i32
    %add3A = arith.addi %mul3A_0, %arg0 : i32
    %add3A_1 = arith.constant 0 : i32
    %add3A_2 = arith.addi %add3A, %add3A_1 : i32
    %lt3A = arith.constant 508 : i32
    %lt3A_3 = arith.cmpi slt, %add3A_2, %lt3A : i32
    %convert_element_type3A = arith.extui %lt3A_3 : i1 to i32
    %cond3A = arith.constant 0 : i32
    %cond3A_4 = arith.cmpi ne, %convert_element_type3A, %cond3A : i32
    scf.if %cond3A_4 {
      %mul3A_36 = arith.constant 384 : i32
      %mul3A_37 = arith.muli %add3A_2, %mul3A_36 : i32
      "tpu.region"() ({
        %run_scoped3A = tpu.sem_alloc : memref<!tpu.dma_semaphore, #tpu.memory_space<semaphore_mem>>
        %dma_start3A_61 = tpu.memref_slice %arg3[%mul3A_37] : memref<195200xi32, #tpu.memory_space<hbm>> -> memref<384xi32, #tpu.memory_space<hbm>>
        %dma_start3A_62 = tpu.memref_slice %arg3[%mul3A_37] : memref<195200xi32, #tpu.memory_space<hbm>> -> memref<384xi32, #tpu.memory_space<hbm>>
        tpu.enqueue_dma source(%dma_start3A_62 : memref<384xi32, #tpu.memory_space<hbm>>) target(%arg5 : memref<384xi32, #tpu.memory_space<vmem>>) target_semaphore(%run_scoped3A : memref<!tpu.dma_semaphore, #tpu.memory_space<semaphore_mem>>)
        %dma_wait3A = tpu.memref_slice %arg3[%mul3A_37] : memref<195200xi32, #tpu.memory_space<hbm>> -> memref<384xi32, #tpu.memory_space<hbm>>
        %dma_wait3A_63 = tpu.memref_slice %arg3[%mul3A_37] : memref<195200xi32, #tpu.memory_space<hbm>> -> memref<384xi32, #tpu.memory_space<hbm>>
        tpu.wait_dma2 semaphore(%run_scoped3A : memref<!tpu.dma_semaphore, #tpu.memory_space<semaphore_mem>>) src(%dma_wait3A_63 : memref<384xi32, #tpu.memory_space<hbm>>) dst(%arg5 : memref<384xi32, #tpu.memory_space<vmem>>)
        tpu.yield
      }) : () -> ()
      %dma_start3A = arith.constant 0 : i32
      %dma_start3A_38 = arith.constant 0 : i32
      %dma_start3A_39 = tpu.memref_slice %arg6[%dma_start3A, %dma_start3A_38] : memref<384x128xf32, #tpu.memory_space<vmem>> -> memref<128x128xf32, #tpu.memory_space<vmem>>
      %dma_start3A_40 = arith.constant 0 : i32
      %dma_start3A_41 = tpu.memref_slice %arg5[%dma_start3A_40] : memref<384xi32, #tpu.memory_space<vmem>> -> memref<128xi32, #tpu.memory_space<vmem>>
      %dma_start3A_42 = arith.constant 0 : i32
      %dma_start3A_43 = arith.constant 0 : i32
      %dma_start3A_44 = tpu.memref_slice %arg2[%dma_start3A_42, %dma_start3A_43] : memref<4096x128xf32, #tpu.memory_space<hbm>> -> memref<4096x128xf32, #tpu.memory_space<hbm>>
      tpu.enqueue_indirect_dma source(%dma_start3A_44 : memref<4096x128xf32, #tpu.memory_space<hbm>>) target(%dma_start3A_39 : memref<128x128xf32, #tpu.memory_space<vmem>>) offsets(%dma_start3A_41 : memref<128xi32, #tpu.memory_space<vmem>>) semaphore(%arg7 : memref<!tpu.dma_semaphore, #tpu.memory_space<semaphore_mem>>)
      %dma_start3A_45 = arith.constant 128 : i32
      %dma_start3A_46 = arith.constant 0 : i32
      %dma_start3A_47 = tpu.memref_slice %arg6[%dma_start3A_45, %dma_start3A_46] : memref<384x128xf32, #tpu.memory_space<vmem>> -> memref<128x128xf32, #tpu.memory_space<vmem>>
      %dma_start3A_48 = arith.constant 128 : i32
      %dma_start3A_49 = tpu.memref_slice %arg5[%dma_start3A_48] : memref<384xi32, #tpu.memory_space<vmem>> -> memref<128xi32, #tpu.memory_space<vmem>>
      %dma_start3A_50 = arith.constant 0 : i32
      %dma_start3A_51 = arith.constant 0 : i32
      %dma_start3A_52 = tpu.memref_slice %arg2[%dma_start3A_50, %dma_start3A_51] : memref<4096x128xf32, #tpu.memory_space<hbm>> -> memref<4096x128xf32, #tpu.memory_space<hbm>>
      tpu.enqueue_indirect_dma source(%dma_start3A_52 : memref<4096x128xf32, #tpu.memory_space<hbm>>) target(%dma_start3A_47 : memref<128x128xf32, #tpu.memory_space<vmem>>) offsets(%dma_start3A_49 : memref<128xi32, #tpu.memory_space<vmem>>) semaphore(%arg7 : memref<!tpu.dma_semaphore, #tpu.memory_space<semaphore_mem>>)
      %dma_start3A_53 = arith.constant 256 : i32
      %dma_start3A_54 = arith.constant 0 : i32
      %dma_start3A_55 = tpu.memref_slice %arg6[%dma_start3A_53, %dma_start3A_54] : memref<384x128xf32, #tpu.memory_space<vmem>> -> memref<128x128xf32, #tpu.memory_space<vmem>>
      %dma_start3A_56 = arith.constant 256 : i32
      %dma_start3A_57 = tpu.memref_slice %arg5[%dma_start3A_56] : memref<384xi32, #tpu.memory_space<vmem>> -> memref<128xi32, #tpu.memory_space<vmem>>
      %dma_start3A_58 = arith.constant 0 : i32
      %dma_start3A_59 = arith.constant 0 : i32
      %dma_start3A_60 = tpu.memref_slice %arg2[%dma_start3A_58, %dma_start3A_59] : memref<4096x128xf32, #tpu.memory_space<hbm>> -> memref<4096x128xf32, #tpu.memory_space<hbm>>
      tpu.enqueue_indirect_dma source(%dma_start3A_60 : memref<4096x128xf32, #tpu.memory_space<hbm>>) target(%dma_start3A_55 : memref<128x128xf32, #tpu.memory_space<vmem>>) offsets(%dma_start3A_57 : memref<128xi32, #tpu.memory_space<vmem>>) semaphore(%arg7 : memref<!tpu.dma_semaphore, #tpu.memory_space<semaphore_mem>>)
    } else {
    }
    %scan3A = arith.constant 0 : i32
    %scan3A_5 = arith.constant 0 : i32
    %scan3A_6 = arith.constant 7 : i32
    %scan3A_7 = arith.addi %scan3A_5, %scan3A_6 : i32
    %scan3A_8 = arith.constant 1 : i32
    scf.for %scan3A_36 = %scan3A_5 to %scan3A_7 step %scan3A_8  : i32 {
      %mul3A_37 = arith.constant 2 : i32
      %mul3A_38 = arith.muli %mul3A_37, %scan3A_36 : i32
      %add3A_39 = arith.constant 1 : i32
      %add3A_40 = arith.addi %mul3A_38, %add3A_39 : i32
      %mul3A_41 = arith.constant 32 : i32
      %mul3A_42 = arith.muli %add3A_40, %mul3A_41 : i32
      %add3A_43 = arith.addi %add3A, %mul3A_42 : i32
      %lt3A_44 = arith.constant 508 : i32
      %lt3A_45 = arith.cmpi slt, %add3A_43, %lt3A_44 : i32
      %convert_element_type3A_46 = arith.extui %lt3A_45 : i1 to i32
      %cond3A_47 = arith.constant 0 : i32
      %cond3A_48 = arith.cmpi ne, %convert_element_type3A_46, %cond3A_47 : i32
      scf.if %cond3A_48 {
        %mul3A_83 = arith.constant 384 : i32
        %mul3A_84 = arith.muli %add3A_43, %mul3A_83 : i32
        "tpu.region"() ({
          %run_scoped3A = tpu.sem_alloc : memref<!tpu.dma_semaphore, #tpu.memory_space<semaphore_mem>>
          %dma_start3A_108 = tpu.memref_slice %arg3[%mul3A_84] : memref<195200xi32, #tpu.memory_space<hbm>> -> memref<384xi32, #tpu.memory_space<hbm>>
          %dma_start3A_109 = tpu.memref_slice %arg3[%mul3A_84] : memref<195200xi32, #tpu.memory_space<hbm>> -> memref<384xi32, #tpu.memory_space<hbm>>
          tpu.enqueue_dma source(%dma_start3A_109 : memref<384xi32, #tpu.memory_space<hbm>>) target(%arg8 : memref<384xi32, #tpu.memory_space<vmem>>) target_semaphore(%run_scoped3A : memref<!tpu.dma_semaphore, #tpu.memory_space<semaphore_mem>>)
          %dma_wait3A = tpu.memref_slice %arg3[%mul3A_84] : memref<195200xi32, #tpu.memory_space<hbm>> -> memref<384xi32, #tpu.memory_space<hbm>>
          %dma_wait3A_110 = tpu.memref_slice %arg3[%mul3A_84] : memref<195200xi32, #tpu.memory_space<hbm>> -> memref<384xi32, #tpu.memory_space<hbm>>
          tpu.wait_dma2 semaphore(%run_scoped3A : memref<!tpu.dma_semaphore, #tpu.memory_space<semaphore_mem>>) src(%dma_wait3A_110 : memref<384xi32, #tpu.memory_space<hbm>>) dst(%arg8 : memref<384xi32, #tpu.memory_space<vmem>>)
          tpu.yield
        }) : () -> ()
        %dma_start3A = arith.constant 0 : i32
        %dma_start3A_85 = arith.constant 0 : i32
        %dma_start3A_86 = tpu.memref_slice %arg9[%dma_start3A, %dma_start3A_85] : memref<384x128xf32, #tpu.memory_space<vmem>> -> memref<128x128xf32, #tpu.memory_space<vmem>>
        %dma_start3A_87 = arith.constant 0 : i32
        %dma_start3A_88 = tpu.memref_slice %arg8[%dma_start3A_87] : memref<384xi32, #tpu.memory_space<vmem>> -> memref<128xi32, #tpu.memory_space<vmem>>
        %dma_start3A_89 = arith.constant 0 : i32
        %dma_start3A_90 = arith.constant 0 : i32
        %dma_start3A_91 = tpu.memref_slice %arg2[%dma_start3A_89, %dma_start3A_90] : memref<4096x128xf32, #tpu.memory_space<hbm>> -> memref<4096x128xf32, #tpu.memory_space<hbm>>
        tpu.enqueue_indirect_dma source(%dma_start3A_91 : memref<4096x128xf32, #tpu.memory_space<hbm>>) target(%dma_start3A_86 : memref<128x128xf32, #tpu.memory_space<vmem>>) offsets(%dma_start3A_88 : memref<128xi32, #tpu.memory_space<vmem>>) semaphore(%arg10 : memref<!tpu.dma_semaphore, #tpu.memory_space<semaphore_mem>>)
        %dma_start3A_92 = arith.constant 128 : i32
        %dma_start3A_93 = arith.constant 0 : i32
        %dma_start3A_94 = tpu.memref_slice %arg9[%dma_start3A_92, %dma_start3A_93] : memref<384x128xf32, #tpu.memory_space<vmem>> -> memref<128x128xf32, #tpu.memory_space<vmem>>
        %dma_start3A_95 = arith.constant 128 : i32
        %dma_start3A_96 = tpu.memref_slice %arg8[%dma_start3A_95] : memref<384xi32, #tpu.memory_space<vmem>> -> memref<128xi32, #tpu.memory_space<vmem>>
        %dma_start3A_97 = arith.constant 0 : i32
        %dma_start3A_98 = arith.constant 0 : i32
        %dma_start3A_99 = tpu.memref_slice %arg2[%dma_start3A_97, %dma_start3A_98] : memref<4096x128xf32, #tpu.memory_space<hbm>> -> memref<4096x128xf32, #tpu.memory_space<hbm>>
        tpu.enqueue_indirect_dma source(%dma_start3A_99 : memref<4096x128xf32, #tpu.memory_space<hbm>>) target(%dma_start3A_94 : memref<128x128xf32, #tpu.memory_space<vmem>>) offsets(%dma_start3A_96 : memref<128xi32, #tpu.memory_space<vmem>>) semaphore(%arg10 : memref<!tpu.dma_semaphore, #tpu.memory_space<semaphore_mem>>)
        %dma_start3A_100 = arith.constant 256 : i32
        %dma_start3A_101 = arith.constant 0 : i32
        %dma_start3A_102 = tpu.memref_slice %arg9[%dma_start3A_100, %dma_start3A_101] : memref<384x128xf32, #tpu.memory_space<vmem>> -> memref<128x128xf32, #tpu.memory_space<vmem>>
        %dma_start3A_103 = arith.constant 256 : i32
        %dma_start3A_104 = tpu.memref_slice %arg8[%dma_start3A_103] : memref<384xi32, #tpu.memory_space<vmem>> -> memref<128xi32, #tpu.memory_space<vmem>>
        %dma_start3A_105 = arith.constant 0 : i32
        %dma_start3A_106 = arith.constant 0 : i32
        %dma_start3A_107 = tpu.memref_slice %arg2[%dma_start3A_105, %dma_start3A_106] : memref<4096x128xf32, #tpu.memory_space<hbm>> -> memref<4096x128xf32, #tpu.memory_space<hbm>>
        tpu.enqueue_indirect_dma source(%dma_start3A_107 : memref<4096x128xf32, #tpu.memory_space<hbm>>) target(%dma_start3A_102 : memref<128x128xf32, #tpu.memory_space<vmem>>) offsets(%dma_start3A_104 : memref<128xi32, #tpu.memory_space<vmem>>) semaphore(%arg10 : memref<!tpu.dma_semaphore, #tpu.memory_space<semaphore_mem>>)
      } else {
      }
      %mul3A_49 = arith.constant 2 : i32
      %mul3A_50 = arith.muli %mul3A_49, %scan3A_36 : i32
      %mul3A_51 = arith.constant 32 : i32
      %mul3A_52 = arith.muli %mul3A_50, %mul3A_51 : i32
      %add3A_53 = arith.addi %add3A, %mul3A_52 : i32
      %lt3A_54 = arith.constant 508 : i32
      %lt3A_55 = arith.cmpi slt, %add3A_53, %lt3A_54 : i32
      %convert_element_type3A_56 = arith.extui %lt3A_55 : i1 to i32
      %cond3A_57 = arith.constant 0 : i32
      %cond3A_58 = arith.cmpi ne, %convert_element_type3A_56, %cond3A_57 : i32
      scf.if %cond3A_58 {
        %dma_wait3A = arith.constant 0 : i32
        %dma_wait3A_83 = arith.constant 0 : i32
        %dma_wait3A_84 = tpu.memref_slice %arg6[%dma_wait3A, %dma_wait3A_83] : memref<384x128xf32, #tpu.memory_space<vmem>> -> memref<128x128xf32, #tpu.memory_space<vmem>>
        %dma_wait3A_85 = arith.constant 0 : i32
        %dma_wait3A_86 = tpu.memref_slice %arg5[%dma_wait3A_85] : memref<384xi32, #tpu.memory_space<vmem>> -> memref<128xi32, #tpu.memory_space<vmem>>
        %dma_wait3A_87 = arith.constant 0 : i32
        %dma_wait3A_88 = arith.constant 0 : i32
        %dma_wait3A_89 = tpu.memref_slice %arg2[%dma_wait3A_87, %dma_wait3A_88] : memref<4096x128xf32, #tpu.memory_space<hbm>> -> memref<4096x128xf32, #tpu.memory_space<hbm>>
        tpu.wait_indirect_dma semaphore(%arg7 : memref<!tpu.dma_semaphore, #tpu.memory_space<semaphore_mem>>) src(%dma_wait3A_89 : memref<4096x128xf32, #tpu.memory_space<hbm>>) dst(%dma_wait3A_84 : memref<128x128xf32, #tpu.memory_space<vmem>>)
        %dma_wait3A_90 = arith.constant 128 : i32
        %dma_wait3A_91 = arith.constant 0 : i32
        %dma_wait3A_92 = tpu.memref_slice %arg6[%dma_wait3A_90, %dma_wait3A_91] : memref<384x128xf32, #tpu.memory_space<vmem>> -> memref<128x128xf32, #tpu.memory_space<vmem>>
        %dma_wait3A_93 = arith.constant 128 : i32
        %dma_wait3A_94 = tpu.memref_slice %arg5[%dma_wait3A_93] : memref<384xi32, #tpu.memory_space<vmem>> -> memref<128xi32, #tpu.memory_space<vmem>>
        %dma_wait3A_95 = arith.constant 0 : i32
        %dma_wait3A_96 = arith.constant 0 : i32
        %dma_wait3A_97 = tpu.memref_slice %arg2[%dma_wait3A_95, %dma_wait3A_96] : memref<4096x128xf32, #tpu.memory_space<hbm>> -> memref<4096x128xf32, #tpu.memory_space<hbm>>
        tpu.wait_indirect_dma semaphore(%arg7 : memref<!tpu.dma_semaphore, #tpu.memory_space<semaphore_mem>>) src(%dma_wait3A_97 : memref<4096x128xf32, #tpu.memory_space<hbm>>) dst(%dma_wait3A_92 : memref<128x128xf32, #tpu.memory_space<vmem>>)
        %dma_wait3A_98 = arith.constant 256 : i32
        %dma_wait3A_99 = arith.constant 0 : i32
        %dma_wait3A_100 = tpu.memref_slice %arg6[%dma_wait3A_98, %dma_wait3A_99] : memref<384x128xf32, #tpu.memory_space<vmem>> -> memref<128x128xf32, #tpu.memory_space<vmem>>
        %dma_wait3A_101 = arith.constant 256 : i32
        %dma_wait3A_102 = tpu.memref_slice %arg5[%dma_wait3A_101] : memref<384xi32, #tpu.memory_space<vmem>> -> memref<128xi32, #tpu.memory_space<vmem>>
        %dma_wait3A_103 = arith.constant 0 : i32
        %dma_wait3A_104 = arith.constant 0 : i32
        %dma_wait3A_105 = tpu.memref_slice %arg2[%dma_wait3A_103, %dma_wait3A_104] : memref<4096x128xf32, #tpu.memory_space<hbm>> -> memref<4096x128xf32, #tpu.memory_space<hbm>>
        tpu.wait_indirect_dma semaphore(%arg7 : memref<!tpu.dma_semaphore, #tpu.memory_space<semaphore_mem>>) src(%dma_wait3A_105 : memref<4096x128xf32, #tpu.memory_space<hbm>>) dst(%dma_wait3A_100 : memref<128x128xf32, #tpu.memory_space<vmem>>)
        %mul3A_106 = arith.constant 384 : i32
        %mul3A_107 = arith.muli %add3A_53, %mul3A_106 : i32
        "tpu.region"() ({
          %run_scoped3A = tpu.sem_alloc : memref<!tpu.dma_semaphore, #tpu.memory_space<semaphore_mem>>
          %dma_start3A = arith.constant 0 : i32
          %dma_start3A_108 = tpu.memref_slice %arg4[%mul3A_107, %dma_start3A] : memref<195200x128xf32, #tpu.memory_space<hbm>> -> memref<384x128xf32, #tpu.memory_space<hbm>>
          %dma_start3A_109 = arith.constant 0 : i32
          %dma_start3A_110 = tpu.memref_slice %arg4[%mul3A_107, %dma_start3A_109] : memref<195200x128xf32, #tpu.memory_space<hbm>> -> memref<384x128xf32, #tpu.memory_space<hbm>>
          tpu.enqueue_dma source(%arg6 : memref<384x128xf32, #tpu.memory_space<vmem>>) target(%dma_start3A_110 : memref<384x128xf32, #tpu.memory_space<hbm>>) target_semaphore(%run_scoped3A : memref<!tpu.dma_semaphore, #tpu.memory_space<semaphore_mem>>)
          %dma_wait3A_111 = arith.constant 0 : i32
          %dma_wait3A_112 = tpu.memref_slice %arg4[%mul3A_107, %dma_wait3A_111] : memref<195200x128xf32, #tpu.memory_space<hbm>> -> memref<384x128xf32, #tpu.memory_space<hbm>>
          %dma_wait3A_113 = arith.constant 0 : i32
          %dma_wait3A_114 = tpu.memref_slice %arg4[%mul3A_107, %dma_wait3A_113] : memref<195200x128xf32, #tpu.memory_space<hbm>> -> memref<384x128xf32, #tpu.memory_space<hbm>>
          tpu.wait_dma2 semaphore(%run_scoped3A : memref<!tpu.dma_semaphore, #tpu.memory_space<semaphore_mem>>) src(%arg6 : memref<384x128xf32, #tpu.memory_space<vmem>>) dst(%dma_wait3A_114 : memref<384x128xf32, #tpu.memory_space<hbm>>)
          tpu.yield
        }) : () -> ()
      } else {
      }
      %mul3A_59 = arith.constant 2 : i32
      %mul3A_60 = arith.muli %mul3A_59, %scan3A_36 : i32
      %add3A_61 = arith.constant 2 : i32
      %add3A_62 = arith.addi %mul3A_60, %add3A_61 : i32
      %mul3A_63 = arith.constant 32 : i32
      %mul3A_64 = arith.muli %add3A_62, %mul3A_63 : i32
      %add3A_65 = arith.addi %add3A, %mul3A_64 : i32
      %lt3A_66 = arith.constant 508 : i32
      %lt3A_67 = arith.cmpi slt, %add3A_65, %lt3A_66 : i32
      %convert_element_type3A_68 = arith.extui %lt3A_67 : i1 to i32
      %cond3A_69 = arith.constant 0 : i32
      %cond3A_70 = arith.cmpi ne, %convert_element_type3A_68, %cond3A_69 : i32
      scf.if %cond3A_70 {
        %mul3A_83 = arith.constant 384 : i32
        %mul3A_84 = arith.muli %add3A_65, %mul3A_83 : i32
        "tpu.region"() ({
          %run_scoped3A = tpu.sem_alloc : memref<!tpu.dma_semaphore, #tpu.memory_space<semaphore_mem>>
          %dma_start3A_108 = tpu.memref_slice %arg3[%mul3A_84] : memref<195200xi32, #tpu.memory_space<hbm>> -> memref<384xi32, #tpu.memory_space<hbm>>
          %dma_start3A_109 = tpu.memref_slice %arg3[%mul3A_84] : memref<195200xi32, #tpu.memory_space<hbm>> -> memref<384xi32, #tpu.memory_space<hbm>>
          tpu.enqueue_dma source(%dma_start3A_109 : memref<384xi32, #tpu.memory_space<hbm>>) target(%arg5 : memref<384xi32, #tpu.memory_space<vmem>>) target_semaphore(%run_scoped3A : memref<!tpu.dma_semaphore, #tpu.memory_space<semaphore_mem>>)
          %dma_wait3A = tpu.memref_slice %arg3[%mul3A_84] : memref<195200xi32, #tpu.memory_space<hbm>> -> memref<384xi32, #tpu.memory_space<hbm>>
          %dma_wait3A_110 = tpu.memref_slice %arg3[%mul3A_84] : memref<195200xi32, #tpu.memory_space<hbm>> -> memref<384xi32, #tpu.memory_space<hbm>>
          tpu.wait_dma2 semaphore(%run_scoped3A : memref<!tpu.dma_semaphore, #tpu.memory_space<semaphore_mem>>) src(%dma_wait3A_110 : memref<384xi32, #tpu.memory_space<hbm>>) dst(%arg5 : memref<384xi32, #tpu.memory_space<vmem>>)
          tpu.yield
        }) : () -> ()
        %dma_start3A = arith.constant 0 : i32
        %dma_start3A_85 = arith.constant 0 : i32
        %dma_start3A_86 = tpu.memref_slice %arg6[%dma_start3A, %dma_start3A_85] : memref<384x128xf32, #tpu.memory_space<vmem>> -> memref<128x128xf32, #tpu.memory_space<vmem>>
        %dma_start3A_87 = arith.constant 0 : i32
        %dma_start3A_88 = tpu.memref_slice %arg5[%dma_start3A_87] : memref<384xi32, #tpu.memory_space<vmem>> -> memref<128xi32, #tpu.memory_space<vmem>>
        %dma_start3A_89 = arith.constant 0 : i32
        %dma_start3A_90 = arith.constant 0 : i32
        %dma_start3A_91 = tpu.memref_slice %arg2[%dma_start3A_89, %dma_start3A_90] : memref<4096x128xf32, #tpu.memory_space<hbm>> -> memref<4096x128xf32, #tpu.memory_space<hbm>>
        tpu.enqueue_indirect_dma source(%dma_start3A_91 : memref<4096x128xf32, #tpu.memory_space<hbm>>) target(%dma_start3A_86 : memref<128x128xf32, #tpu.memory_space<vmem>>) offsets(%dma_start3A_88 : memref<128xi32, #tpu.memory_space<vmem>>) semaphore(%arg7 : memref<!tpu.dma_semaphore, #tpu.memory_space<semaphore_mem>>)
        %dma_start3A_92 = arith.constant 128 : i32
        %dma_start3A_93 = arith.constant 0 : i32
        %dma_start3A_94 = tpu.memref_slice %arg6[%dma_start3A_92, %dma_start3A_93] : memref<384x128xf32, #tpu.memory_space<vmem>> -> memref<128x128xf32, #tpu.memory_space<vmem>>
        %dma_start3A_95 = arith.constant 128 : i32
        %dma_start3A_96 = tpu.memref_slice %arg5[%dma_start3A_95] : memref<384xi32, #tpu.memory_space<vmem>> -> memref<128xi32, #tpu.memory_space<vmem>>
        %dma_start3A_97 = arith.constant 0 : i32
        %dma_start3A_98 = arith.constant 0 : i32
        %dma_start3A_99 = tpu.memref_slice %arg2[%dma_start3A_97, %dma_start3A_98] : memref<4096x128xf32, #tpu.memory_space<hbm>> -> memref<4096x128xf32, #tpu.memory_space<hbm>>
        tpu.enqueue_indirect_dma source(%dma_start3A_99 : memref<4096x128xf32, #tpu.memory_space<hbm>>) target(%dma_start3A_94 : memref<128x128xf32, #tpu.memory_space<vmem>>) offsets(%dma_start3A_96 : memref<128xi32, #tpu.memory_space<vmem>>) semaphore(%arg7 : memref<!tpu.dma_semaphore, #tpu.memory_space<semaphore_mem>>)
        %dma_start3A_100 = arith.constant 256 : i32
        %dma_start3A_101 = arith.constant 0 : i32
        %dma_start3A_102 = tpu.memref_slice %arg6[%dma_start3A_100, %dma_start3A_101] : memref<384x128xf32, #tpu.memory_space<vmem>> -> memref<128x128xf32, #tpu.memory_space<vmem>>
        %dma_start3A_103 = arith.constant 256 : i32
        %dma_start3A_104 = tpu.memref_slice %arg5[%dma_start3A_103] : memref<384xi32, #tpu.memory_space<vmem>> -> memref<128xi32, #tpu.memory_space<vmem>>
        %dma_start3A_105 = arith.constant 0 : i32
        %dma_start3A_106 = arith.constant 0 : i32
        %dma_start3A_107 = tpu.memref_slice %arg2[%dma_start3A_105, %dma_start3A_106] : memref<4096x128xf32, #tpu.memory_space<hbm>> -> memref<4096x128xf32, #tpu.memory_space<hbm>>
        tpu.enqueue_indirect_dma source(%dma_start3A_107 : memref<4096x128xf32, #tpu.memory_space<hbm>>) target(%dma_start3A_102 : memref<128x128xf32, #tpu.memory_space<vmem>>) offsets(%dma_start3A_104 : memref<128xi32, #tpu.memory_space<vmem>>) semaphore(%arg7 : memref<!tpu.dma_semaphore, #tpu.memory_space<semaphore_mem>>)
      } else {
      }
      %mul3A_71 = arith.constant 2 : i32
      %mul3A_72 = arith.muli %mul3A_71, %scan3A_36 : i32
      %add3A_73 = arith.constant 1 : i32
      %add3A_74 = arith.addi %mul3A_72, %add3A_73 : i32
      %mul3A_75 = arith.constant 32 : i32
      %mul3A_76 = arith.muli %add3A_74, %mul3A_75 : i32
      %add3A_77 = arith.addi %add3A, %mul3A_76 : i32
      %lt3A_78 = arith.constant 508 : i32
      %lt3A_79 = arith.cmpi slt, %add3A_77, %lt3A_78 : i32
      %convert_element_type3A_80 = arith.extui %lt3A_79 : i1 to i32
      %cond3A_81 = arith.constant 0 : i32
      %cond3A_82 = arith.cmpi ne, %convert_element_type3A_80, %cond3A_81 : i32
      scf.if %cond3A_82 {
        %dma_wait3A = arith.constant 0 : i32
        %dma_wait3A_83 = arith.constant 0 : i32
        %dma_wait3A_84 = tpu.memref_slice %arg9[%dma_wait3A, %dma_wait3A_83] : memref<384x128xf32, #tpu.memory_space<vmem>> -> memref<128x128xf32, #tpu.memory_space<vmem>>
        %dma_wait3A_85 = arith.constant 0 : i32
        %dma_wait3A_86 = tpu.memref_slice %arg8[%dma_wait3A_85] : memref<384xi32, #tpu.memory_space<vmem>> -> memref<128xi32, #tpu.memory_space<vmem>>
        %dma_wait3A_87 = arith.constant 0 : i32
        %dma_wait3A_88 = arith.constant 0 : i32
        %dma_wait3A_89 = tpu.memref_slice %arg2[%dma_wait3A_87, %dma_wait3A_88] : memref<4096x128xf32, #tpu.memory_space<hbm>> -> memref<4096x128xf32, #tpu.memory_space<hbm>>
        tpu.wait_indirect_dma semaphore(%arg10 : memref<!tpu.dma_semaphore, #tpu.memory_space<semaphore_mem>>) src(%dma_wait3A_89 : memref<4096x128xf32, #tpu.memory_space<hbm>>) dst(%dma_wait3A_84 : memref<128x128xf32, #tpu.memory_space<vmem>>)
        %dma_wait3A_90 = arith.constant 128 : i32
        %dma_wait3A_91 = arith.constant 0 : i32
        %dma_wait3A_92 = tpu.memref_slice %arg9[%dma_wait3A_90, %dma_wait3A_91] : memref<384x128xf32, #tpu.memory_space<vmem>> -> memref<128x128xf32, #tpu.memory_space<vmem>>
        %dma_wait3A_93 = arith.constant 128 : i32
        %dma_wait3A_94 = tpu.memref_slice %arg8[%dma_wait3A_93] : memref<384xi32, #tpu.memory_space<vmem>> -> memref<128xi32, #tpu.memory_space<vmem>>
        %dma_wait3A_95 = arith.constant 0 : i32
        %dma_wait3A_96 = arith.constant 0 : i32
        %dma_wait3A_97 = tpu.memref_slice %arg2[%dma_wait3A_95, %dma_wait3A_96] : memref<4096x128xf32, #tpu.memory_space<hbm>> -> memref<4096x128xf32, #tpu.memory_space<hbm>>
        tpu.wait_indirect_dma semaphore(%arg10 : memref<!tpu.dma_semaphore, #tpu.memory_space<semaphore_mem>>) src(%dma_wait3A_97 : memref<4096x128xf32, #tpu.memory_space<hbm>>) dst(%dma_wait3A_92 : memref<128x128xf32, #tpu.memory_space<vmem>>)
        %dma_wait3A_98 = arith.constant 256 : i32
        %dma_wait3A_99 = arith.constant 0 : i32
        %dma_wait3A_100 = tpu.memref_slice %arg9[%dma_wait3A_98, %dma_wait3A_99] : memref<384x128xf32, #tpu.memory_space<vmem>> -> memref<128x128xf32, #tpu.memory_space<vmem>>
        %dma_wait3A_101 = arith.constant 256 : i32
        %dma_wait3A_102 = tpu.memref_slice %arg8[%dma_wait3A_101] : memref<384xi32, #tpu.memory_space<vmem>> -> memref<128xi32, #tpu.memory_space<vmem>>
        %dma_wait3A_103 = arith.constant 0 : i32
        %dma_wait3A_104 = arith.constant 0 : i32
        %dma_wait3A_105 = tpu.memref_slice %arg2[%dma_wait3A_103, %dma_wait3A_104] : memref<4096x128xf32, #tpu.memory_space<hbm>> -> memref<4096x128xf32, #tpu.memory_space<hbm>>
        tpu.wait_indirect_dma semaphore(%arg10 : memref<!tpu.dma_semaphore, #tpu.memory_space<semaphore_mem>>) src(%dma_wait3A_105 : memref<4096x128xf32, #tpu.memory_space<hbm>>) dst(%dma_wait3A_100 : memref<128x128xf32, #tpu.memory_space<vmem>>)
        %mul3A_106 = arith.constant 384 : i32
        %mul3A_107 = arith.muli %add3A_77, %mul3A_106 : i32
        "tpu.region"() ({
          %run_scoped3A = tpu.sem_alloc : memref<!tpu.dma_semaphore, #tpu.memory_space<semaphore_mem>>
          %dma_start3A = arith.constant 0 : i32
          %dma_start3A_108 = tpu.memref_slice %arg4[%mul3A_107, %dma_start3A] : memref<195200x128xf32, #tpu.memory_space<hbm>> -> memref<384x128xf32, #tpu.memory_space<hbm>>
          %dma_start3A_109 = arith.constant 0 : i32
          %dma_start3A_110 = tpu.memref_slice %arg4[%mul3A_107, %dma_start3A_109] : memref<195200x128xf32, #tpu.memory_space<hbm>> -> memref<384x128xf32, #tpu.memory_space<hbm>>
          tpu.enqueue_dma source(%arg9 : memref<384x128xf32, #tpu.memory_space<vmem>>) target(%dma_start3A_110 : memref<384x128xf32, #tpu.memory_space<hbm>>) target_semaphore(%run_scoped3A : memref<!tpu.dma_semaphore, #tpu.memory_space<semaphore_mem>>)
          %dma_wait3A_111 = arith.constant 0 : i32
          %dma_wait3A_112 = tpu.memref_slice %arg4[%mul3A_107, %dma_wait3A_111] : memref<195200x128xf32, #tpu.memory_space<hbm>> -> memref<384x128xf32, #tpu.memory_space<hbm>>
          %dma_wait3A_113 = arith.constant 0 : i32
          %dma_wait3A_114 = tpu.memref_slice %arg4[%mul3A_107, %dma_wait3A_113] : memref<195200x128xf32, #tpu.memory_space<hbm>> -> memref<384x128xf32, #tpu.memory_space<hbm>>
          tpu.wait_dma2 semaphore(%run_scoped3A : memref<!tpu.dma_semaphore, #tpu.memory_space<semaphore_mem>>) src(%arg9 : memref<384x128xf32, #tpu.memory_space<vmem>>) dst(%dma_wait3A_114 : memref<384x128xf32, #tpu.memory_space<hbm>>)
          tpu.yield
        }) : () -> ()
      } else {
      }
    }
    %scan3A_9 = arith.constant 7 : i32
    %add3A_10 = arith.constant 480 : i32
    %add3A_11 = arith.addi %add3A, %add3A_10 : i32
    %lt3A_12 = arith.constant 508 : i32
    %lt3A_13 = arith.cmpi slt, %add3A_11, %lt3A_12 : i32
    %convert_element_type3A_14 = arith.extui %lt3A_13 : i1 to i32
    %cond3A_15 = arith.constant 0 : i32
    %cond3A_16 = arith.cmpi ne, %convert_element_type3A_14, %cond3A_15 : i32
    scf.if %cond3A_16 {
      %mul3A_36 = arith.constant 384 : i32
      %mul3A_37 = arith.muli %add3A_11, %mul3A_36 : i32
      "tpu.region"() ({
        %run_scoped3A = tpu.sem_alloc : memref<!tpu.dma_semaphore, #tpu.memory_space<semaphore_mem>>
        %dma_start3A_61 = tpu.memref_slice %arg3[%mul3A_37] : memref<195200xi32, #tpu.memory_space<hbm>> -> memref<384xi32, #tpu.memory_space<hbm>>
        %dma_start3A_62 = tpu.memref_slice %arg3[%mul3A_37] : memref<195200xi32, #tpu.memory_space<hbm>> -> memref<384xi32, #tpu.memory_space<hbm>>
        tpu.enqueue_dma source(%dma_start3A_62 : memref<384xi32, #tpu.memory_space<hbm>>) target(%arg8 : memref<384xi32, #tpu.memory_space<vmem>>) target_semaphore(%run_scoped3A : memref<!tpu.dma_semaphore, #tpu.memory_space<semaphore_mem>>)
        %dma_wait3A = tpu.memref_slice %arg3[%mul3A_37] : memref<195200xi32, #tpu.memory_space<hbm>> -> memref<384xi32, #tpu.memory_space<hbm>>
        %dma_wait3A_63 = tpu.memref_slice %arg3[%mul3A_37] : memref<195200xi32, #tpu.memory_space<hbm>> -> memref<384xi32, #tpu.memory_space<hbm>>
        tpu.wait_dma2 semaphore(%run_scoped3A : memref<!tpu.dma_semaphore, #tpu.memory_space<semaphore_mem>>) src(%dma_wait3A_63 : memref<384xi32, #tpu.memory_space<hbm>>) dst(%arg8 : memref<384xi32, #tpu.memory_space<vmem>>)
        tpu.yield
      }) : () -> ()
      %dma_start3A = arith.constant 0 : i32
      %dma_start3A_38 = arith.constant 0 : i32
      %dma_start3A_39 = tpu.memref_slice %arg9[%dma_start3A, %dma_start3A_38] : memref<384x128xf32, #tpu.memory_space<vmem>> -> memref<128x128xf32, #tpu.memory_space<vmem>>
      %dma_start3A_40 = arith.constant 0 : i32
      %dma_start3A_41 = tpu.memref_slice %arg8[%dma_start3A_40] : memref<384xi32, #tpu.memory_space<vmem>> -> memref<128xi32, #tpu.memory_space<vmem>>
      %dma_start3A_42 = arith.constant 0 : i32
      %dma_start3A_43 = arith.constant 0 : i32
      %dma_start3A_44 = tpu.memref_slice %arg2[%dma_start3A_42, %dma_start3A_43] : memref<4096x128xf32, #tpu.memory_space<hbm>> -> memref<4096x128xf32, #tpu.memory_space<hbm>>
      tpu.enqueue_indirect_dma source(%dma_start3A_44 : memref<4096x128xf32, #tpu.memory_space<hbm>>) target(%dma_start3A_39 : memref<128x128xf32, #tpu.memory_space<vmem>>) offsets(%dma_start3A_41 : memref<128xi32, #tpu.memory_space<vmem>>) semaphore(%arg10 : memref<!tpu.dma_semaphore, #tpu.memory_space<semaphore_mem>>)
      %dma_start3A_45 = arith.constant 128 : i32
      %dma_start3A_46 = arith.constant 0 : i32
      %dma_start3A_47 = tpu.memref_slice %arg9[%dma_start3A_45, %dma_start3A_46] : memref<384x128xf32, #tpu.memory_space<vmem>> -> memref<128x128xf32, #tpu.memory_space<vmem>>
      %dma_start3A_48 = arith.constant 128 : i32
      %dma_start3A_49 = tpu.memref_slice %arg8[%dma_start3A_48] : memref<384xi32, #tpu.memory_space<vmem>> -> memref<128xi32, #tpu.memory_space<vmem>>
      %dma_start3A_50 = arith.constant 0 : i32
      %dma_start3A_51 = arith.constant 0 : i32
      %dma_start3A_52 = tpu.memref_slice %arg2[%dma_start3A_50, %dma_start3A_51] : memref<4096x128xf32, #tpu.memory_space<hbm>> -> memref<4096x128xf32, #tpu.memory_space<hbm>>
      tpu.enqueue_indirect_dma source(%dma_start3A_52 : memref<4096x128xf32, #tpu.memory_space<hbm>>) target(%dma_start3A_47 : memref<128x128xf32, #tpu.memory_space<vmem>>) offsets(%dma_start3A_49 : memref<128xi32, #tpu.memory_space<vmem>>) semaphore(%arg10 : memref<!tpu.dma_semaphore, #tpu.memory_space<semaphore_mem>>)
      %dma_start3A_53 = arith.constant 256 : i32
      %dma_start3A_54 = arith.constant 0 : i32
      %dma_start3A_55 = tpu.memref_slice %arg9[%dma_start3A_53, %dma_start3A_54] : memref<384x128xf32, #tpu.memory_space<vmem>> -> memref<128x128xf32, #tpu.memory_space<vmem>>
      %dma_start3A_56 = arith.constant 256 : i32
      %dma_start3A_57 = tpu.memref_slice %arg8[%dma_start3A_56] : memref<384xi32, #tpu.memory_space<vmem>> -> memref<128xi32, #tpu.memory_space<vmem>>
      %dma_start3A_58 = arith.constant 0 : i32
      %dma_start3A_59 = arith.constant 0 : i32
      %dma_start3A_60 = tpu.memref_slice %arg2[%dma_start3A_58, %dma_start3A_59] : memref<4096x128xf32, #tpu.memory_space<hbm>> -> memref<4096x128xf32, #tpu.memory_space<hbm>>
      tpu.enqueue_indirect_dma source(%dma_start3A_60 : memref<4096x128xf32, #tpu.memory_space<hbm>>) target(%dma_start3A_55 : memref<128x128xf32, #tpu.memory_space<vmem>>) offsets(%dma_start3A_57 : memref<128xi32, #tpu.memory_space<vmem>>) semaphore(%arg10 : memref<!tpu.dma_semaphore, #tpu.memory_space<semaphore_mem>>)
    } else {
    }
    %add3A_17 = arith.constant 448 : i32
    %add3A_18 = arith.addi %add3A, %add3A_17 : i32
    %lt3A_19 = arith.constant 508 : i32
    %lt3A_20 = arith.cmpi slt, %add3A_18, %lt3A_19 : i32
    %convert_element_type3A_21 = arith.extui %lt3A_20 : i1 to i32
    %cond3A_22 = arith.constant 0 : i32
    %cond3A_23 = arith.cmpi ne, %convert_element_type3A_21, %cond3A_22 : i32
    scf.if %cond3A_23 {
      %dma_wait3A = arith.constant 0 : i32
      %dma_wait3A_36 = arith.constant 0 : i32
      %dma_wait3A_37 = tpu.memref_slice %arg6[%dma_wait3A, %dma_wait3A_36] : memref<384x128xf32, #tpu.memory_space<vmem>> -> memref<128x128xf32, #tpu.memory_space<vmem>>
      %dma_wait3A_38 = arith.constant 0 : i32
      %dma_wait3A_39 = tpu.memref_slice %arg5[%dma_wait3A_38] : memref<384xi32, #tpu.memory_space<vmem>> -> memref<128xi32, #tpu.memory_space<vmem>>
      %dma_wait3A_40 = arith.constant 0 : i32
      %dma_wait3A_41 = arith.constant 0 : i32
      %dma_wait3A_42 = tpu.memref_slice %arg2[%dma_wait3A_40, %dma_wait3A_41] : memref<4096x128xf32, #tpu.memory_space<hbm>> -> memref<4096x128xf32, #tpu.memory_space<hbm>>
      tpu.wait_indirect_dma semaphore(%arg7 : memref<!tpu.dma_semaphore, #tpu.memory_space<semaphore_mem>>) src(%dma_wait3A_42 : memref<4096x128xf32, #tpu.memory_space<hbm>>) dst(%dma_wait3A_37 : memref<128x128xf32, #tpu.memory_space<vmem>>)
      %dma_wait3A_43 = arith.constant 128 : i32
      %dma_wait3A_44 = arith.constant 0 : i32
      %dma_wait3A_45 = tpu.memref_slice %arg6[%dma_wait3A_43, %dma_wait3A_44] : memref<384x128xf32, #tpu.memory_space<vmem>> -> memref<128x128xf32, #tpu.memory_space<vmem>>
      %dma_wait3A_46 = arith.constant 128 : i32
      %dma_wait3A_47 = tpu.memref_slice %arg5[%dma_wait3A_46] : memref<384xi32, #tpu.memory_space<vmem>> -> memref<128xi32, #tpu.memory_space<vmem>>
      %dma_wait3A_48 = arith.constant 0 : i32
      %dma_wait3A_49 = arith.constant 0 : i32
      %dma_wait3A_50 = tpu.memref_slice %arg2[%dma_wait3A_48, %dma_wait3A_49] : memref<4096x128xf32, #tpu.memory_space<hbm>> -> memref<4096x128xf32, #tpu.memory_space<hbm>>
      tpu.wait_indirect_dma semaphore(%arg7 : memref<!tpu.dma_semaphore, #tpu.memory_space<semaphore_mem>>) src(%dma_wait3A_50 : memref<4096x128xf32, #tpu.memory_space<hbm>>) dst(%dma_wait3A_45 : memref<128x128xf32, #tpu.memory_space<vmem>>)
      %dma_wait3A_51 = arith.constant 256 : i32
      %dma_wait3A_52 = arith.constant 0 : i32
      %dma_wait3A_53 = tpu.memref_slice %arg6[%dma_wait3A_51, %dma_wait3A_52] : memref<384x128xf32, #tpu.memory_space<vmem>> -> memref<128x128xf32, #tpu.memory_space<vmem>>
      %dma_wait3A_54 = arith.constant 256 : i32
      %dma_wait3A_55 = tpu.memref_slice %arg5[%dma_wait3A_54] : memref<384xi32, #tpu.memory_space<vmem>> -> memref<128xi32, #tpu.memory_space<vmem>>
      %dma_wait3A_56 = arith.constant 0 : i32
      %dma_wait3A_57 = arith.constant 0 : i32
      %dma_wait3A_58 = tpu.memref_slice %arg2[%dma_wait3A_56, %dma_wait3A_57] : memref<4096x128xf32, #tpu.memory_space<hbm>> -> memref<4096x128xf32, #tpu.memory_space<hbm>>
      tpu.wait_indirect_dma semaphore(%arg7 : memref<!tpu.dma_semaphore, #tpu.memory_space<semaphore_mem>>) src(%dma_wait3A_58 : memref<4096x128xf32, #tpu.memory_space<hbm>>) dst(%dma_wait3A_53 : memref<128x128xf32, #tpu.memory_space<vmem>>)
      %mul3A_59 = arith.constant 384 : i32
      %mul3A_60 = arith.muli %add3A_18, %mul3A_59 : i32
      "tpu.region"() ({
        %run_scoped3A = tpu.sem_alloc : memref<!tpu.dma_semaphore, #tpu.memory_space<semaphore_mem>>
        %dma_start3A = arith.constant 0 : i32
        %dma_start3A_61 = tpu.memref_slice %arg4[%mul3A_60, %dma_start3A] : memref<195200x128xf32, #tpu.memory_space<hbm>> -> memref<384x128xf32, #tpu.memory_space<hbm>>
        %dma_start3A_62 = arith.constant 0 : i32
        %dma_start3A_63 = tpu.memref_slice %arg4[%mul3A_60, %dma_start3A_62] : memref<195200x128xf32, #tpu.memory_space<hbm>> -> memref<384x128xf32, #tpu.memory_space<hbm>>
        tpu.enqueue_dma source(%arg6 : memref<384x128xf32, #tpu.memory_space<vmem>>) target(%dma_start3A_63 : memref<384x128xf32, #tpu.memory_space<hbm>>) target_semaphore(%run_scoped3A : memref<!tpu.dma_semaphore, #tpu.memory_space<semaphore_mem>>)
        %dma_wait3A_64 = arith.constant 0 : i32
        %dma_wait3A_65 = tpu.memref_slice %arg4[%mul3A_60, %dma_wait3A_64] : memref<195200x128xf32, #tpu.memory_space<hbm>> -> memref<384x128xf32, #tpu.memory_space<hbm>>
        %dma_wait3A_66 = arith.constant 0 : i32
        %dma_wait3A_67 = tpu.memref_slice %arg4[%mul3A_60, %dma_wait3A_66] : memref<195200x128xf32, #tpu.memory_space<hbm>> -> memref<384x128xf32, #tpu.memory_space<hbm>>
        tpu.wait_dma2 semaphore(%run_scoped3A : memref<!tpu.dma_semaphore, #tpu.memory_space<semaphore_mem>>) src(%arg6 : memref<384x128xf32, #tpu.memory_space<vmem>>) dst(%dma_wait3A_67 : memref<384x128xf32, #tpu.memory_space<hbm>>)
        tpu.yield
      }) : () -> ()
    } else {
    }
    %add3A_24 = arith.constant 480 : i32
    %add3A_25 = arith.addi %add3A, %add3A_24 : i32
    %lt3A_26 = arith.constant 508 : i32
    %lt3A_27 = arith.cmpi slt, %add3A_25, %lt3A_26 : i32
    %convert_element_type3A_28 = arith.extui %lt3A_27 : i1 to i32
    %cond3A_29 = arith.constant 0 : i32
    %cond3A_30 = arith.cmpi ne, %convert_element_type3A_28, %cond3A_29 : i32
    scf.if %cond3A_30 {
      %dma_wait3A = arith.constant 0 : i32
      %dma_wait3A_36 = arith.constant 0 : i32
      %dma_wait3A_37 = tpu.memref_slice %arg9[%dma_wait3A, %dma_wait3A_36] : memref<384x128xf32, #tpu.memory_space<vmem>> -> memref<128x128xf32, #tpu.memory_space<vmem>>
      %dma_wait3A_38 = arith.constant 0 : i32
      %dma_wait3A_39 = tpu.memref_slice %arg8[%dma_wait3A_38] : memref<384xi32, #tpu.memory_space<vmem>> -> memref<128xi32, #tpu.memory_space<vmem>>
      %dma_wait3A_40 = arith.constant 0 : i32
      %dma_wait3A_41 = arith.constant 0 : i32
      %dma_wait3A_42 = tpu.memref_slice %arg2[%dma_wait3A_40, %dma_wait3A_41] : memref<4096x128xf32, #tpu.memory_space<hbm>> -> memref<4096x128xf32, #tpu.memory_space<hbm>>
      tpu.wait_indirect_dma semaphore(%arg10 : memref<!tpu.dma_semaphore, #tpu.memory_space<semaphore_mem>>) src(%dma_wait3A_42 : memref<4096x128xf32, #tpu.memory_space<hbm>>) dst(%dma_wait3A_37 : memref<128x128xf32, #tpu.memory_space<vmem>>)
      %dma_wait3A_43 = arith.constant 128 : i32
      %dma_wait3A_44 = arith.constant 0 : i32
      %dma_wait3A_45 = tpu.memref_slice %arg9[%dma_wait3A_43, %dma_wait3A_44] : memref<384x128xf32, #tpu.memory_space<vmem>> -> memref<128x128xf32, #tpu.memory_space<vmem>>
      %dma_wait3A_46 = arith.constant 128 : i32
      %dma_wait3A_47 = tpu.memref_slice %arg8[%dma_wait3A_46] : memref<384xi32, #tpu.memory_space<vmem>> -> memref<128xi32, #tpu.memory_space<vmem>>
      %dma_wait3A_48 = arith.constant 0 : i32
      %dma_wait3A_49 = arith.constant 0 : i32
      %dma_wait3A_50 = tpu.memref_slice %arg2[%dma_wait3A_48, %dma_wait3A_49] : memref<4096x128xf32, #tpu.memory_space<hbm>> -> memref<4096x128xf32, #tpu.memory_space<hbm>>
      tpu.wait_indirect_dma semaphore(%arg10 : memref<!tpu.dma_semaphore, #tpu.memory_space<semaphore_mem>>) src(%dma_wait3A_50 : memref<4096x128xf32, #tpu.memory_space<hbm>>) dst(%dma_wait3A_45 : memref<128x128xf32, #tpu.memory_space<vmem>>)
      %dma_wait3A_51 = arith.constant 256 : i32
      %dma_wait3A_52 = arith.constant 0 : i32
      %dma_wait3A_53 = tpu.memref_slice %arg9[%dma_wait3A_51, %dma_wait3A_52] : memref<384x128xf32, #tpu.memory_space<vmem>> -> memref<128x128xf32, #tpu.memory_space<vmem>>
      %dma_wait3A_54 = arith.constant 256 : i32
      %dma_wait3A_55 = tpu.memref_slice %arg8[%dma_wait3A_54] : memref<384xi32, #tpu.memory_space<vmem>> -> memref<128xi32, #tpu.memory_space<vmem>>
      %dma_wait3A_56 = arith.constant 0 : i32
      %dma_wait3A_57 = arith.constant 0 : i32
      %dma_wait3A_58 = tpu.memref_slice %arg2[%dma_wait3A_56, %dma_wait3A_57] : memref<4096x128xf32, #tpu.memory_space<hbm>> -> memref<4096x128xf32, #tpu.memory_space<hbm>>
      tpu.wait_indirect_dma semaphore(%arg10 : memref<!tpu.dma_semaphore, #tpu.memory_space<semaphore_mem>>) src(%dma_wait3A_58 : memref<4096x128xf32, #tpu.memory_space<hbm>>) dst(%dma_wait3A_53 : memref<128x128xf32, #tpu.memory_space<vmem>>)
      %mul3A_59 = arith.constant 384 : i32
      %mul3A_60 = arith.muli %add3A_25, %mul3A_59 : i32
      "tpu.region"() ({
        %run_scoped3A = tpu.sem_alloc : memref<!tpu.dma_semaphore, #tpu.memory_space<semaphore_mem>>
        %dma_start3A = arith.constant 0 : i32
        %dma_start3A_61 = tpu.memref_slice %arg4[%mul3A_60, %dma_start3A] : memref<195200x128xf32, #tpu.memory_space<hbm>> -> memref<384x128xf32, #tpu.memory_space<hbm>>
        %dma_start3A_62 = arith.constant 0 : i32
        %dma_start3A_63 = tpu.memref_slice %arg4[%mul3A_60, %dma_start3A_62] : memref<195200x128xf32, #tpu.memory_space<hbm>> -> memref<384x128xf32, #tpu.memory_space<hbm>>
        tpu.enqueue_dma source(%arg9 : memref<384x128xf32, #tpu.memory_space<vmem>>) target(%dma_start3A_63 : memref<384x128xf32, #tpu.memory_space<hbm>>) target_semaphore(%run_scoped3A : memref<!tpu.dma_semaphore, #tpu.memory_space<semaphore_mem>>)
        %dma_wait3A_64 = arith.constant 0 : i32
        %dma_wait3A_65 = tpu.memref_slice %arg4[%mul3A_60, %dma_wait3A_64] : memref<195200x128xf32, #tpu.memory_space<hbm>> -> memref<384x128xf32, #tpu.memory_space<hbm>>
        %dma_wait3A_66 = arith.constant 0 : i32
        %dma_wait3A_67 = tpu.memref_slice %arg4[%mul3A_60, %dma_wait3A_66] : memref<195200x128xf32, #tpu.memory_space<hbm>> -> memref<384x128xf32, #tpu.memory_space<hbm>>
        tpu.wait_dma2 semaphore(%run_scoped3A : memref<!tpu.dma_semaphore, #tpu.memory_space<semaphore_mem>>) src(%arg9 : memref<384x128xf32, #tpu.memory_space<vmem>>) dst(%dma_wait3A_67 : memref<384x128xf32, #tpu.memory_space<hbm>>)
        tpu.yield
      }) : () -> ()
    } else {
    }
    %lt3A_31 = arith.constant 1 : i32
    %lt3A_32 = arith.cmpi slt, %add3A, %lt3A_31 : i32
    %convert_element_type3A_33 = arith.extui %lt3A_32 : i1 to i32
    %cond3A_34 = arith.constant 0 : i32
    %cond3A_35 = arith.cmpi ne, %convert_element_type3A_33, %cond3A_34 : i32
    scf.if %cond3A_35 {
      %add3A_36 = arith.constant 1524 : i32
      %add3A_37 = arith.addi %add3A_36, %add3A : i32
      %mul3A_38 = arith.constant 128 : i32
      %mul3A_39 = arith.muli %add3A_37, %mul3A_38 : i32
      "tpu.region"() ({
        %run_scoped3A = tpu.sem_alloc : memref<!tpu.dma_semaphore, #tpu.memory_space<semaphore_mem>>
        %dma_start3A_56 = arith.constant 0 : i32
        %dma_start3A_57 = tpu.memref_slice %arg5[%dma_start3A_56] : memref<384xi32, #tpu.memory_space<vmem>> -> memref<128xi32, #tpu.memory_space<vmem>>
        %dma_start3A_58 = tpu.memref_slice %arg3[%mul3A_39] : memref<195200xi32, #tpu.memory_space<hbm>> -> memref<128xi32, #tpu.memory_space<hbm>>
        %dma_start3A_59 = arith.constant 0 : i32
        %dma_start3A_60 = tpu.memref_slice %arg5[%dma_start3A_59] : memref<384xi32, #tpu.memory_space<vmem>> -> memref<128xi32, #tpu.memory_space<vmem>>
        %dma_start3A_61 = tpu.memref_slice %arg3[%mul3A_39] : memref<195200xi32, #tpu.memory_space<hbm>> -> memref<128xi32, #tpu.memory_space<hbm>>
        tpu.enqueue_dma source(%dma_start3A_61 : memref<128xi32, #tpu.memory_space<hbm>>) target(%dma_start3A_60 : memref<128xi32, #tpu.memory_space<vmem>>) target_semaphore(%run_scoped3A : memref<!tpu.dma_semaphore, #tpu.memory_space<semaphore_mem>>)
        %dma_wait3A_62 = arith.constant 0 : i32
        %dma_wait3A_63 = tpu.memref_slice %arg5[%dma_wait3A_62] : memref<384xi32, #tpu.memory_space<vmem>> -> memref<128xi32, #tpu.memory_space<vmem>>
        %dma_wait3A_64 = tpu.memref_slice %arg3[%mul3A_39] : memref<195200xi32, #tpu.memory_space<hbm>> -> memref<128xi32, #tpu.memory_space<hbm>>
        %dma_wait3A_65 = arith.constant 0 : i32
        %dma_wait3A_66 = tpu.memref_slice %arg5[%dma_wait3A_65] : memref<384xi32, #tpu.memory_space<vmem>> -> memref<128xi32, #tpu.memory_space<vmem>>
        %dma_wait3A_67 = tpu.memref_slice %arg3[%mul3A_39] : memref<195200xi32, #tpu.memory_space<hbm>> -> memref<128xi32, #tpu.memory_space<hbm>>
        tpu.wait_dma2 semaphore(%run_scoped3A : memref<!tpu.dma_semaphore, #tpu.memory_space<semaphore_mem>>) src(%dma_wait3A_67 : memref<128xi32, #tpu.memory_space<hbm>>) dst(%dma_wait3A_66 : memref<128xi32, #tpu.memory_space<vmem>>)
        tpu.yield
      }) : () -> ()
      %dma_start3A = arith.constant 0 : i32
      %dma_start3A_40 = arith.constant 0 : i32
      %dma_start3A_41 = tpu.memref_slice %arg6[%dma_start3A, %dma_start3A_40] : memref<384x128xf32, #tpu.memory_space<vmem>> -> memref<128x128xf32, #tpu.memory_space<vmem>>
      %dma_start3A_42 = arith.constant 0 : i32
      %dma_start3A_43 = tpu.memref_slice %arg5[%dma_start3A_42] : memref<384xi32, #tpu.memory_space<vmem>> -> memref<128xi32, #tpu.memory_space<vmem>>
      %dma_start3A_44 = arith.constant 0 : i32
      %dma_start3A_45 = arith.constant 0 : i32
      %dma_start3A_46 = tpu.memref_slice %arg2[%dma_start3A_44, %dma_start3A_45] : memref<4096x128xf32, #tpu.memory_space<hbm>> -> memref<4096x128xf32, #tpu.memory_space<hbm>>
      tpu.enqueue_indirect_dma source(%dma_start3A_46 : memref<4096x128xf32, #tpu.memory_space<hbm>>) target(%dma_start3A_41 : memref<128x128xf32, #tpu.memory_space<vmem>>) offsets(%dma_start3A_43 : memref<128xi32, #tpu.memory_space<vmem>>) semaphore(%arg7 : memref<!tpu.dma_semaphore, #tpu.memory_space<semaphore_mem>>)
      %dma_wait3A = arith.constant 0 : i32
      %dma_wait3A_47 = arith.constant 0 : i32
      %dma_wait3A_48 = tpu.memref_slice %arg6[%dma_wait3A, %dma_wait3A_47] : memref<384x128xf32, #tpu.memory_space<vmem>> -> memref<128x128xf32, #tpu.memory_space<vmem>>
      %dma_wait3A_49 = arith.constant 0 : i32
      %dma_wait3A_50 = tpu.memref_slice %arg5[%dma_wait3A_49] : memref<384xi32, #tpu.memory_space<vmem>> -> memref<128xi32, #tpu.memory_space<vmem>>
      %dma_wait3A_51 = arith.constant 0 : i32
      %dma_wait3A_52 = arith.constant 0 : i32
      %dma_wait3A_53 = tpu.memref_slice %arg2[%dma_wait3A_51, %dma_wait3A_52] : memref<4096x128xf32, #tpu.memory_space<hbm>> -> memref<4096x128xf32, #tpu.memory_space<hbm>>
      tpu.wait_indirect_dma semaphore(%arg7 : memref<!tpu.dma_semaphore, #tpu.memory_space<semaphore_mem>>) src(%dma_wait3A_53 : memref<4096x128xf32, #tpu.memory_space<hbm>>) dst(%dma_wait3A_48 : memref<128x128xf32, #tpu.memory_space<vmem>>)
      %mul3A_54 = arith.constant 128 : i32
      %mul3A_55 = arith.muli %add3A_37, %mul3A_54 : i32
      "tpu.region"() ({
        %run_scoped3A = tpu.sem_alloc : memref<!tpu.dma_semaphore, #tpu.memory_space<semaphore_mem>>
        %dma_start3A_56 = arith.constant 0 : i32
        %dma_start3A_57 = arith.constant 0 : i32
        %dma_start3A_58 = tpu.memref_slice %arg6[%dma_start3A_56, %dma_start3A_57] : memref<384x128xf32, #tpu.memory_space<vmem>> -> memref<128x128xf32, #tpu.memory_space<vmem>>
        %dma_start3A_59 = arith.constant 0 : i32
        %dma_start3A_60 = tpu.memref_slice %arg4[%mul3A_55, %dma_start3A_59] : memref<195200x128xf32, #tpu.memory_space<hbm>> -> memref<128x128xf32, #tpu.memory_space<hbm>>
        %dma_start3A_61 = arith.constant 0 : i32
        %dma_start3A_62 = tpu.memref_slice %arg4[%mul3A_55, %dma_start3A_61] : memref<195200x128xf32, #tpu.memory_space<hbm>> -> memref<128x128xf32, #tpu.memory_space<hbm>>
        %dma_start3A_63 = arith.constant 0 : i32
        %dma_start3A_64 = arith.constant 0 : i32
        %dma_start3A_65 = tpu.memref_slice %arg6[%dma_start3A_63, %dma_start3A_64] : memref<384x128xf32, #tpu.memory_space<vmem>> -> memref<128x128xf32, #tpu.memory_space<vmem>>
        tpu.enqueue_dma source(%dma_start3A_65 : memref<128x128xf32, #tpu.memory_space<vmem>>) target(%dma_start3A_62 : memref<128x128xf32, #tpu.memory_space<hbm>>) target_semaphore(%run_scoped3A : memref<!tpu.dma_semaphore, #tpu.memory_space<semaphore_mem>>)
        %dma_wait3A_66 = arith.constant 0 : i32
        %dma_wait3A_67 = arith.constant 0 : i32
        %dma_wait3A_68 = tpu.memref_slice %arg6[%dma_wait3A_66, %dma_wait3A_67] : memref<384x128xf32, #tpu.memory_space<vmem>> -> memref<128x128xf32, #tpu.memory_space<vmem>>
        %dma_wait3A_69 = arith.constant 0 : i32
        %dma_wait3A_70 = tpu.memref_slice %arg4[%mul3A_55, %dma_wait3A_69] : memref<195200x128xf32, #tpu.memory_space<hbm>> -> memref<128x128xf32, #tpu.memory_space<hbm>>
        %dma_wait3A_71 = arith.constant 0 : i32
        %dma_wait3A_72 = tpu.memref_slice %arg4[%mul3A_55, %dma_wait3A_71] : memref<195200x128xf32, #tpu.memory_space<hbm>> -> memref<128x128xf32, #tpu.memory_space<hbm>>
        %dma_wait3A_73 = arith.constant 0 : i32
        %dma_wait3A_74 = arith.constant 0 : i32
        %dma_wait3A_75 = tpu.memref_slice %arg6[%dma_wait3A_73, %dma_wait3A_74] : memref<384x128xf32, #tpu.memory_space<vmem>> -> memref<128x128xf32, #tpu.memory_space<vmem>>
        tpu.wait_dma2 semaphore(%run_scoped3A : memref<!tpu.dma_semaphore, #tpu.memory_space<semaphore_mem>>) src(%dma_wait3A_75 : memref<128x128xf32, #tpu.memory_space<vmem>>) dst(%dma_wait3A_72 : memref<128x128xf32, #tpu.memory_space<hbm>>)
        tpu.yield
      }) : () -> ()
    } else {
    }
    return
  }
}

#map = affine_map<(d0, d1) -> (0, 0)>
#map1 = affine_map<(d0, d1) -> (0)>
module attributes {stable_mosaic.version = 14 : i64} {
  func.func @sc_gather_cls(%arg0: i32, %arg1: i32, %arg2: memref<4096x128xf32, #tpu.memory_space<hbm>>, %arg3: memref<10000xi32, #tpu.memory_space<hbm>>, %arg4: memref<10000x128xf32, #tpu.memory_space<hbm>>, %arg5: memref<80xi32, #tpu.memory_space<vmem>>, %arg6: memref<80x128xf32, #tpu.memory_space<vmem>>, %arg7: memref<!tpu.dma_semaphore, #tpu.memory_space<semaphore_mem>>, %arg8: memref<80xi32, #tpu.memory_space<vmem>>, %arg9: memref<80x128xf32, #tpu.memory_space<vmem>>, %arg10: memref<!tpu.dma_semaphore, #tpu.memory_space<semaphore_mem>>) attributes {dimension_semantics = [#tpu.dimension_semantics<core_parallel>, #tpu.dimension_semantics<subcore_parallel>], iteration_bounds = array<i64: 2, 16>, scalar_prefetch = 0 : i64, scratch_operands = 6 : i64, tpu.core_type = #tpu.core_type<sc_vector_subcore>, window_params = [{transform_indices = #map}, {transform_indices = #map1}, {transform_indices = #map}]} {
    %mul3A = arith.constant 2 : i32
    %mul3A_0 = arith.muli %arg1, %mul3A : i32
    %add3A = arith.addi %mul3A_0, %arg0 : i32
    %add3A_1 = arith.constant 0 : i32
    %add3A_2 = arith.addi %add3A, %add3A_1 : i32
    %lt3A = arith.constant 125 : i32
    %lt3A_3 = arith.cmpi slt, %add3A_2, %lt3A : i32
    %convert_element_type3A = arith.extui %lt3A_3 : i1 to i32
    %cond3A = arith.constant 0 : i32
    %cond3A_4 = arith.cmpi ne, %convert_element_type3A, %cond3A : i32
    scf.if %cond3A_4 {
      %mul3A_74 = arith.constant 80 : i32
      %mul3A_75 = arith.muli %add3A_2, %mul3A_74 : i32
      "tpu.region"() ({
        %run_scoped3A = tpu.sem_alloc : memref<!tpu.dma_semaphore, #tpu.memory_space<semaphore_mem>>
        %dma_start3A_83 = tpu.memref_slice %arg3[%mul3A_75] : memref<10000xi32, #tpu.memory_space<hbm>> -> memref<80xi32, #tpu.memory_space<hbm>>
        %dma_start3A_84 = tpu.memref_slice %arg3[%mul3A_75] : memref<10000xi32, #tpu.memory_space<hbm>> -> memref<80xi32, #tpu.memory_space<hbm>>
        tpu.enqueue_dma source(%dma_start3A_84 : memref<80xi32, #tpu.memory_space<hbm>>) target(%arg5 : memref<80xi32, #tpu.memory_space<vmem>>) target_semaphore(%run_scoped3A : memref<!tpu.dma_semaphore, #tpu.memory_space<semaphore_mem>>)
        %dma_wait3A = tpu.memref_slice %arg3[%mul3A_75] : memref<10000xi32, #tpu.memory_space<hbm>> -> memref<80xi32, #tpu.memory_space<hbm>>
        %dma_wait3A_85 = tpu.memref_slice %arg3[%mul3A_75] : memref<10000xi32, #tpu.memory_space<hbm>> -> memref<80xi32, #tpu.memory_space<hbm>>
        tpu.wait_dma2 semaphore(%run_scoped3A : memref<!tpu.dma_semaphore, #tpu.memory_space<semaphore_mem>>) src(%dma_wait3A_85 : memref<80xi32, #tpu.memory_space<hbm>>) dst(%arg5 : memref<80xi32, #tpu.memory_space<vmem>>)
        tpu.yield
      }) : () -> ()
      %dma_start3A = arith.constant 0 : i32
      %dma_start3A_76 = arith.constant 0 : i32
      %dma_start3A_77 = tpu.memref_slice %arg6[%dma_start3A, %dma_start3A_76] : memref<80x128xf32, #tpu.memory_space<vmem>> -> memref<80x128xf32, #tpu.memory_space<vmem>>
      %dma_start3A_78 = arith.constant 0 : i32
      %dma_start3A_79 = tpu.memref_slice %arg5[%dma_start3A_78] : memref<80xi32, #tpu.memory_space<vmem>> -> memref<80xi32, #tpu.memory_space<vmem>>
      %dma_start3A_80 = arith.constant 0 : i32
      %dma_start3A_81 = arith.constant 0 : i32
      %dma_start3A_82 = tpu.memref_slice %arg2[%dma_start3A_80, %dma_start3A_81] : memref<4096x128xf32, #tpu.memory_space<hbm>> -> memref<4096x128xf32, #tpu.memory_space<hbm>>
      tpu.enqueue_indirect_dma source(%dma_start3A_82 : memref<4096x128xf32, #tpu.memory_space<hbm>>) target(%dma_start3A_77 : memref<80x128xf32, #tpu.memory_space<vmem>>) offsets(%dma_start3A_79 : memref<80xi32, #tpu.memory_space<vmem>>) semaphore(%arg7 : memref<!tpu.dma_semaphore, #tpu.memory_space<semaphore_mem>>)
    } else {
    }
    %scan3A = arith.constant 0 : i32
    %scan3A_5 = arith.constant 0 : i32
    %mul3A_6 = arith.constant 2 : i32
    %mul3A_7 = arith.muli %mul3A_6, %scan3A_5 : i32
    %add3A_8 = arith.constant 1 : i32
    %add3A_9 = arith.addi %mul3A_7, %add3A_8 : i32
    %mul3A_10 = arith.constant 32 : i32
    %mul3A_11 = arith.muli %add3A_9, %mul3A_10 : i32
    %add3A_12 = arith.addi %add3A, %mul3A_11 : i32
    %lt3A_13 = arith.constant 125 : i32
    %lt3A_14 = arith.cmpi slt, %add3A_12, %lt3A_13 : i32
    %convert_element_type3A_15 = arith.extui %lt3A_14 : i1 to i32
    %cond3A_16 = arith.constant 0 : i32
    %cond3A_17 = arith.cmpi ne, %convert_element_type3A_15, %cond3A_16 : i32
    scf.if %cond3A_17 {
      %mul3A_74 = arith.constant 80 : i32
      %mul3A_75 = arith.muli %add3A_12, %mul3A_74 : i32
      "tpu.region"() ({
        %run_scoped3A = tpu.sem_alloc : memref<!tpu.dma_semaphore, #tpu.memory_space<semaphore_mem>>
        %dma_start3A_83 = tpu.memref_slice %arg3[%mul3A_75] : memref<10000xi32, #tpu.memory_space<hbm>> -> memref<80xi32, #tpu.memory_space<hbm>>
        %dma_start3A_84 = tpu.memref_slice %arg3[%mul3A_75] : memref<10000xi32, #tpu.memory_space<hbm>> -> memref<80xi32, #tpu.memory_space<hbm>>
        tpu.enqueue_dma source(%dma_start3A_84 : memref<80xi32, #tpu.memory_space<hbm>>) target(%arg8 : memref<80xi32, #tpu.memory_space<vmem>>) target_semaphore(%run_scoped3A : memref<!tpu.dma_semaphore, #tpu.memory_space<semaphore_mem>>)
        %dma_wait3A = tpu.memref_slice %arg3[%mul3A_75] : memref<10000xi32, #tpu.memory_space<hbm>> -> memref<80xi32, #tpu.memory_space<hbm>>
        %dma_wait3A_85 = tpu.memref_slice %arg3[%mul3A_75] : memref<10000xi32, #tpu.memory_space<hbm>> -> memref<80xi32, #tpu.memory_space<hbm>>
        tpu.wait_dma2 semaphore(%run_scoped3A : memref<!tpu.dma_semaphore, #tpu.memory_space<semaphore_mem>>) src(%dma_wait3A_85 : memref<80xi32, #tpu.memory_space<hbm>>) dst(%arg8 : memref<80xi32, #tpu.memory_space<vmem>>)
        tpu.yield
      }) : () -> ()
      %dma_start3A = arith.constant 0 : i32
      %dma_start3A_76 = arith.constant 0 : i32
      %dma_start3A_77 = tpu.memref_slice %arg9[%dma_start3A, %dma_start3A_76] : memref<80x128xf32, #tpu.memory_space<vmem>> -> memref<80x128xf32, #tpu.memory_space<vmem>>
      %dma_start3A_78 = arith.constant 0 : i32
      %dma_start3A_79 = tpu.memref_slice %arg8[%dma_start3A_78] : memref<80xi32, #tpu.memory_space<vmem>> -> memref<80xi32, #tpu.memory_space<vmem>>
      %dma_start3A_80 = arith.constant 0 : i32
      %dma_start3A_81 = arith.constant 0 : i32
      %dma_start3A_82 = tpu.memref_slice %arg2[%dma_start3A_80, %dma_start3A_81] : memref<4096x128xf32, #tpu.memory_space<hbm>> -> memref<4096x128xf32, #tpu.memory_space<hbm>>
      tpu.enqueue_indirect_dma source(%dma_start3A_82 : memref<4096x128xf32, #tpu.memory_space<hbm>>) target(%dma_start3A_77 : memref<80x128xf32, #tpu.memory_space<vmem>>) offsets(%dma_start3A_79 : memref<80xi32, #tpu.memory_space<vmem>>) semaphore(%arg10 : memref<!tpu.dma_semaphore, #tpu.memory_space<semaphore_mem>>)
    } else {
    }
    %mul3A_18 = arith.constant 2 : i32
    %mul3A_19 = arith.muli %mul3A_18, %scan3A_5 : i32
    %mul3A_20 = arith.constant 32 : i32
    %mul3A_21 = arith.muli %mul3A_19, %mul3A_20 : i32
    %add3A_22 = arith.addi %add3A, %mul3A_21 : i32
    %lt3A_23 = arith.constant 125 : i32
    %lt3A_24 = arith.cmpi slt, %add3A_22, %lt3A_23 : i32
    %convert_element_type3A_25 = arith.extui %lt3A_24 : i1 to i32
    %cond3A_26 = arith.constant 0 : i32
    %cond3A_27 = arith.cmpi ne, %convert_element_type3A_25, %cond3A_26 : i32
    scf.if %cond3A_27 {
      %dma_wait3A = arith.constant 0 : i32
      %dma_wait3A_74 = arith.constant 0 : i32
      %dma_wait3A_75 = tpu.memref_slice %arg6[%dma_wait3A, %dma_wait3A_74] : memref<80x128xf32, #tpu.memory_space<vmem>> -> memref<80x128xf32, #tpu.memory_space<vmem>>
      %dma_wait3A_76 = arith.constant 0 : i32
      %dma_wait3A_77 = tpu.memref_slice %arg5[%dma_wait3A_76] : memref<80xi32, #tpu.memory_space<vmem>> -> memref<80xi32, #tpu.memory_space<vmem>>
      %dma_wait3A_78 = arith.constant 0 : i32
      %dma_wait3A_79 = arith.constant 0 : i32
      %dma_wait3A_80 = tpu.memref_slice %arg2[%dma_wait3A_78, %dma_wait3A_79] : memref<4096x128xf32, #tpu.memory_space<hbm>> -> memref<4096x128xf32, #tpu.memory_space<hbm>>
      tpu.wait_indirect_dma semaphore(%arg7 : memref<!tpu.dma_semaphore, #tpu.memory_space<semaphore_mem>>) src(%dma_wait3A_80 : memref<4096x128xf32, #tpu.memory_space<hbm>>) dst(%dma_wait3A_75 : memref<80x128xf32, #tpu.memory_space<vmem>>)
      %mul3A_81 = arith.constant 80 : i32
      %mul3A_82 = arith.muli %add3A_22, %mul3A_81 : i32
      "tpu.region"() ({
        %run_scoped3A = tpu.sem_alloc : memref<!tpu.dma_semaphore, #tpu.memory_space<semaphore_mem>>
        %dma_start3A = arith.constant 0 : i32
        %dma_start3A_83 = tpu.memref_slice %arg4[%mul3A_82, %dma_start3A] : memref<10000x128xf32, #tpu.memory_space<hbm>> -> memref<80x128xf32, #tpu.memory_space<hbm>>
        %dma_start3A_84 = arith.constant 0 : i32
        %dma_start3A_85 = tpu.memref_slice %arg4[%mul3A_82, %dma_start3A_84] : memref<10000x128xf32, #tpu.memory_space<hbm>> -> memref<80x128xf32, #tpu.memory_space<hbm>>
        tpu.enqueue_dma source(%arg6 : memref<80x128xf32, #tpu.memory_space<vmem>>) target(%dma_start3A_85 : memref<80x128xf32, #tpu.memory_space<hbm>>) target_semaphore(%run_scoped3A : memref<!tpu.dma_semaphore, #tpu.memory_space<semaphore_mem>>)
        %dma_wait3A_86 = arith.constant 0 : i32
        %dma_wait3A_87 = tpu.memref_slice %arg4[%mul3A_82, %dma_wait3A_86] : memref<10000x128xf32, #tpu.memory_space<hbm>> -> memref<80x128xf32, #tpu.memory_space<hbm>>
        %dma_wait3A_88 = arith.constant 0 : i32
        %dma_wait3A_89 = tpu.memref_slice %arg4[%mul3A_82, %dma_wait3A_88] : memref<10000x128xf32, #tpu.memory_space<hbm>> -> memref<80x128xf32, #tpu.memory_space<hbm>>
        tpu.wait_dma2 semaphore(%run_scoped3A : memref<!tpu.dma_semaphore, #tpu.memory_space<semaphore_mem>>) src(%arg6 : memref<80x128xf32, #tpu.memory_space<vmem>>) dst(%dma_wait3A_89 : memref<80x128xf32, #tpu.memory_space<hbm>>)
        tpu.yield
      }) : () -> ()
    } else {
    }
    %mul3A_28 = arith.constant 2 : i32
    %mul3A_29 = arith.muli %mul3A_28, %scan3A_5 : i32
    %add3A_30 = arith.constant 2 : i32
    %add3A_31 = arith.addi %mul3A_29, %add3A_30 : i32
    %mul3A_32 = arith.constant 32 : i32
    %mul3A_33 = arith.muli %add3A_31, %mul3A_32 : i32
    %add3A_34 = arith.addi %add3A, %mul3A_33 : i32
    %lt3A_35 = arith.constant 125 : i32
    %lt3A_36 = arith.cmpi slt, %add3A_34, %lt3A_35 : i32
    %convert_element_type3A_37 = arith.extui %lt3A_36 : i1 to i32
    %cond3A_38 = arith.constant 0 : i32
    %cond3A_39 = arith.cmpi ne, %convert_element_type3A_37, %cond3A_38 : i32
    scf.if %cond3A_39 {
      %mul3A_74 = arith.constant 80 : i32
      %mul3A_75 = arith.muli %add3A_34, %mul3A_74 : i32
      "tpu.region"() ({
        %run_scoped3A = tpu.sem_alloc : memref<!tpu.dma_semaphore, #tpu.memory_space<semaphore_mem>>
        %dma_start3A_83 = tpu.memref_slice %arg3[%mul3A_75] : memref<10000xi32, #tpu.memory_space<hbm>> -> memref<80xi32, #tpu.memory_space<hbm>>
        %dma_start3A_84 = tpu.memref_slice %arg3[%mul3A_75] : memref<10000xi32, #tpu.memory_space<hbm>> -> memref<80xi32, #tpu.memory_space<hbm>>
        tpu.enqueue_dma source(%dma_start3A_84 : memref<80xi32, #tpu.memory_space<hbm>>) target(%arg5 : memref<80xi32, #tpu.memory_space<vmem>>) target_semaphore(%run_scoped3A : memref<!tpu.dma_semaphore, #tpu.memory_space<semaphore_mem>>)
        %dma_wait3A = tpu.memref_slice %arg3[%mul3A_75] : memref<10000xi32, #tpu.memory_space<hbm>> -> memref<80xi32, #tpu.memory_space<hbm>>
        %dma_wait3A_85 = tpu.memref_slice %arg3[%mul3A_75] : memref<10000xi32, #tpu.memory_space<hbm>> -> memref<80xi32, #tpu.memory_space<hbm>>
        tpu.wait_dma2 semaphore(%run_scoped3A : memref<!tpu.dma_semaphore, #tpu.memory_space<semaphore_mem>>) src(%dma_wait3A_85 : memref<80xi32, #tpu.memory_space<hbm>>) dst(%arg5 : memref<80xi32, #tpu.memory_space<vmem>>)
        tpu.yield
      }) : () -> ()
      %dma_start3A = arith.constant 0 : i32
      %dma_start3A_76 = arith.constant 0 : i32
      %dma_start3A_77 = tpu.memref_slice %arg6[%dma_start3A, %dma_start3A_76] : memref<80x128xf32, #tpu.memory_space<vmem>> -> memref<80x128xf32, #tpu.memory_space<vmem>>
      %dma_start3A_78 = arith.constant 0 : i32
      %dma_start3A_79 = tpu.memref_slice %arg5[%dma_start3A_78] : memref<80xi32, #tpu.memory_space<vmem>> -> memref<80xi32, #tpu.memory_space<vmem>>
      %dma_start3A_80 = arith.constant 0 : i32
      %dma_start3A_81 = arith.constant 0 : i32
      %dma_start3A_82 = tpu.memref_slice %arg2[%dma_start3A_80, %dma_start3A_81] : memref<4096x128xf32, #tpu.memory_space<hbm>> -> memref<4096x128xf32, #tpu.memory_space<hbm>>
      tpu.enqueue_indirect_dma source(%dma_start3A_82 : memref<4096x128xf32, #tpu.memory_space<hbm>>) target(%dma_start3A_77 : memref<80x128xf32, #tpu.memory_space<vmem>>) offsets(%dma_start3A_79 : memref<80xi32, #tpu.memory_space<vmem>>) semaphore(%arg7 : memref<!tpu.dma_semaphore, #tpu.memory_space<semaphore_mem>>)
    } else {
    }
    %mul3A_40 = arith.constant 2 : i32
    %mul3A_41 = arith.muli %mul3A_40, %scan3A_5 : i32
    %add3A_42 = arith.constant 1 : i32
    %add3A_43 = arith.addi %mul3A_41, %add3A_42 : i32
    %mul3A_44 = arith.constant 32 : i32
    %mul3A_45 = arith.muli %add3A_43, %mul3A_44 : i32
    %add3A_46 = arith.addi %add3A, %mul3A_45 : i32
    %lt3A_47 = arith.constant 125 : i32
    %lt3A_48 = arith.cmpi slt, %add3A_46, %lt3A_47 : i32
    %convert_element_type3A_49 = arith.extui %lt3A_48 : i1 to i32
    %cond3A_50 = arith.constant 0 : i32
    %cond3A_51 = arith.cmpi ne, %convert_element_type3A_49, %cond3A_50 : i32
    scf.if %cond3A_51 {
      %dma_wait3A = arith.constant 0 : i32
      %dma_wait3A_74 = arith.constant 0 : i32
      %dma_wait3A_75 = tpu.memref_slice %arg9[%dma_wait3A, %dma_wait3A_74] : memref<80x128xf32, #tpu.memory_space<vmem>> -> memref<80x128xf32, #tpu.memory_space<vmem>>
      %dma_wait3A_76 = arith.constant 0 : i32
      %dma_wait3A_77 = tpu.memref_slice %arg8[%dma_wait3A_76] : memref<80xi32, #tpu.memory_space<vmem>> -> memref<80xi32, #tpu.memory_space<vmem>>
      %dma_wait3A_78 = arith.constant 0 : i32
      %dma_wait3A_79 = arith.constant 0 : i32
      %dma_wait3A_80 = tpu.memref_slice %arg2[%dma_wait3A_78, %dma_wait3A_79] : memref<4096x128xf32, #tpu.memory_space<hbm>> -> memref<4096x128xf32, #tpu.memory_space<hbm>>
      tpu.wait_indirect_dma semaphore(%arg10 : memref<!tpu.dma_semaphore, #tpu.memory_space<semaphore_mem>>) src(%dma_wait3A_80 : memref<4096x128xf32, #tpu.memory_space<hbm>>) dst(%dma_wait3A_75 : memref<80x128xf32, #tpu.memory_space<vmem>>)
      %mul3A_81 = arith.constant 80 : i32
      %mul3A_82 = arith.muli %add3A_46, %mul3A_81 : i32
      "tpu.region"() ({
        %run_scoped3A = tpu.sem_alloc : memref<!tpu.dma_semaphore, #tpu.memory_space<semaphore_mem>>
        %dma_start3A = arith.constant 0 : i32
        %dma_start3A_83 = tpu.memref_slice %arg4[%mul3A_82, %dma_start3A] : memref<10000x128xf32, #tpu.memory_space<hbm>> -> memref<80x128xf32, #tpu.memory_space<hbm>>
        %dma_start3A_84 = arith.constant 0 : i32
        %dma_start3A_85 = tpu.memref_slice %arg4[%mul3A_82, %dma_start3A_84] : memref<10000x128xf32, #tpu.memory_space<hbm>> -> memref<80x128xf32, #tpu.memory_space<hbm>>
        tpu.enqueue_dma source(%arg9 : memref<80x128xf32, #tpu.memory_space<vmem>>) target(%dma_start3A_85 : memref<80x128xf32, #tpu.memory_space<hbm>>) target_semaphore(%run_scoped3A : memref<!tpu.dma_semaphore, #tpu.memory_space<semaphore_mem>>)
        %dma_wait3A_86 = arith.constant 0 : i32
        %dma_wait3A_87 = tpu.memref_slice %arg4[%mul3A_82, %dma_wait3A_86] : memref<10000x128xf32, #tpu.memory_space<hbm>> -> memref<80x128xf32, #tpu.memory_space<hbm>>
        %dma_wait3A_88 = arith.constant 0 : i32
        %dma_wait3A_89 = tpu.memref_slice %arg4[%mul3A_82, %dma_wait3A_88] : memref<10000x128xf32, #tpu.memory_space<hbm>> -> memref<80x128xf32, #tpu.memory_space<hbm>>
        tpu.wait_dma2 semaphore(%run_scoped3A : memref<!tpu.dma_semaphore, #tpu.memory_space<semaphore_mem>>) src(%arg9 : memref<80x128xf32, #tpu.memory_space<vmem>>) dst(%dma_wait3A_89 : memref<80x128xf32, #tpu.memory_space<hbm>>)
        tpu.yield
      }) : () -> ()
    } else {
    }
    %scan3A_52 = arith.constant 1 : i32
    %add3A_53 = arith.constant 96 : i32
    %add3A_54 = arith.addi %add3A, %add3A_53 : i32
    %lt3A_55 = arith.constant 125 : i32
    %lt3A_56 = arith.cmpi slt, %add3A_54, %lt3A_55 : i32
    %convert_element_type3A_57 = arith.extui %lt3A_56 : i1 to i32
    %cond3A_58 = arith.constant 0 : i32
    %cond3A_59 = arith.cmpi ne, %convert_element_type3A_57, %cond3A_58 : i32
    scf.if %cond3A_59 {
      %mul3A_74 = arith.constant 80 : i32
      %mul3A_75 = arith.muli %add3A_54, %mul3A_74 : i32
      "tpu.region"() ({
        %run_scoped3A = tpu.sem_alloc : memref<!tpu.dma_semaphore, #tpu.memory_space<semaphore_mem>>
        %dma_start3A_83 = tpu.memref_slice %arg3[%mul3A_75] : memref<10000xi32, #tpu.memory_space<hbm>> -> memref<80xi32, #tpu.memory_space<hbm>>
        %dma_start3A_84 = tpu.memref_slice %arg3[%mul3A_75] : memref<10000xi32, #tpu.memory_space<hbm>> -> memref<80xi32, #tpu.memory_space<hbm>>
        tpu.enqueue_dma source(%dma_start3A_84 : memref<80xi32, #tpu.memory_space<hbm>>) target(%arg8 : memref<80xi32, #tpu.memory_space<vmem>>) target_semaphore(%run_scoped3A : memref<!tpu.dma_semaphore, #tpu.memory_space<semaphore_mem>>)
        %dma_wait3A = tpu.memref_slice %arg3[%mul3A_75] : memref<10000xi32, #tpu.memory_space<hbm>> -> memref<80xi32, #tpu.memory_space<hbm>>
        %dma_wait3A_85 = tpu.memref_slice %arg3[%mul3A_75] : memref<10000xi32, #tpu.memory_space<hbm>> -> memref<80xi32, #tpu.memory_space<hbm>>
        tpu.wait_dma2 semaphore(%run_scoped3A : memref<!tpu.dma_semaphore, #tpu.memory_space<semaphore_mem>>) src(%dma_wait3A_85 : memref<80xi32, #tpu.memory_space<hbm>>) dst(%arg8 : memref<80xi32, #tpu.memory_space<vmem>>)
        tpu.yield
      }) : () -> ()
      %dma_start3A = arith.constant 0 : i32
      %dma_start3A_76 = arith.constant 0 : i32
      %dma_start3A_77 = tpu.memref_slice %arg9[%dma_start3A, %dma_start3A_76] : memref<80x128xf32, #tpu.memory_space<vmem>> -> memref<80x128xf32, #tpu.memory_space<vmem>>
      %dma_start3A_78 = arith.constant 0 : i32
      %dma_start3A_79 = tpu.memref_slice %arg8[%dma_start3A_78] : memref<80xi32, #tpu.memory_space<vmem>> -> memref<80xi32, #tpu.memory_space<vmem>>
      %dma_start3A_80 = arith.constant 0 : i32
      %dma_start3A_81 = arith.constant 0 : i32
      %dma_start3A_82 = tpu.memref_slice %arg2[%dma_start3A_80, %dma_start3A_81] : memref<4096x128xf32, #tpu.memory_space<hbm>> -> memref<4096x128xf32, #tpu.memory_space<hbm>>
      tpu.enqueue_indirect_dma source(%dma_start3A_82 : memref<4096x128xf32, #tpu.memory_space<hbm>>) target(%dma_start3A_77 : memref<80x128xf32, #tpu.memory_space<vmem>>) offsets(%dma_start3A_79 : memref<80xi32, #tpu.memory_space<vmem>>) semaphore(%arg10 : memref<!tpu.dma_semaphore, #tpu.memory_space<semaphore_mem>>)
    } else {
    }
    %add3A_60 = arith.constant 64 : i32
    %add3A_61 = arith.addi %add3A, %add3A_60 : i32
    %lt3A_62 = arith.constant 125 : i32
    %lt3A_63 = arith.cmpi slt, %add3A_61, %lt3A_62 : i32
    %convert_element_type3A_64 = arith.extui %lt3A_63 : i1 to i32
    %cond3A_65 = arith.constant 0 : i32
    %cond3A_66 = arith.cmpi ne, %convert_element_type3A_64, %cond3A_65 : i32
    scf.if %cond3A_66 {
      %dma_wait3A = arith.constant 0 : i32
      %dma_wait3A_74 = arith.constant 0 : i32
      %dma_wait3A_75 = tpu.memref_slice %arg6[%dma_wait3A, %dma_wait3A_74] : memref<80x128xf32, #tpu.memory_space<vmem>> -> memref<80x128xf32, #tpu.memory_space<vmem>>
      %dma_wait3A_76 = arith.constant 0 : i32
      %dma_wait3A_77 = tpu.memref_slice %arg5[%dma_wait3A_76] : memref<80xi32, #tpu.memory_space<vmem>> -> memref<80xi32, #tpu.memory_space<vmem>>
      %dma_wait3A_78 = arith.constant 0 : i32
      %dma_wait3A_79 = arith.constant 0 : i32
      %dma_wait3A_80 = tpu.memref_slice %arg2[%dma_wait3A_78, %dma_wait3A_79] : memref<4096x128xf32, #tpu.memory_space<hbm>> -> memref<4096x128xf32, #tpu.memory_space<hbm>>
      tpu.wait_indirect_dma semaphore(%arg7 : memref<!tpu.dma_semaphore, #tpu.memory_space<semaphore_mem>>) src(%dma_wait3A_80 : memref<4096x128xf32, #tpu.memory_space<hbm>>) dst(%dma_wait3A_75 : memref<80x128xf32, #tpu.memory_space<vmem>>)
      %mul3A_81 = arith.constant 80 : i32
      %mul3A_82 = arith.muli %add3A_61, %mul3A_81 : i32
      "tpu.region"() ({
        %run_scoped3A = tpu.sem_alloc : memref<!tpu.dma_semaphore, #tpu.memory_space<semaphore_mem>>
        %dma_start3A = arith.constant 0 : i32
        %dma_start3A_83 = tpu.memref_slice %arg4[%mul3A_82, %dma_start3A] : memref<10000x128xf32, #tpu.memory_space<hbm>> -> memref<80x128xf32, #tpu.memory_space<hbm>>
        %dma_start3A_84 = arith.constant 0 : i32
        %dma_start3A_85 = tpu.memref_slice %arg4[%mul3A_82, %dma_start3A_84] : memref<10000x128xf32, #tpu.memory_space<hbm>> -> memref<80x128xf32, #tpu.memory_space<hbm>>
        tpu.enqueue_dma source(%arg6 : memref<80x128xf32, #tpu.memory_space<vmem>>) target(%dma_start3A_85 : memref<80x128xf32, #tpu.memory_space<hbm>>) target_semaphore(%run_scoped3A : memref<!tpu.dma_semaphore, #tpu.memory_space<semaphore_mem>>)
        %dma_wait3A_86 = arith.constant 0 : i32
        %dma_wait3A_87 = tpu.memref_slice %arg4[%mul3A_82, %dma_wait3A_86] : memref<10000x128xf32, #tpu.memory_space<hbm>> -> memref<80x128xf32, #tpu.memory_space<hbm>>
        %dma_wait3A_88 = arith.constant 0 : i32
        %dma_wait3A_89 = tpu.memref_slice %arg4[%mul3A_82, %dma_wait3A_88] : memref<10000x128xf32, #tpu.memory_space<hbm>> -> memref<80x128xf32, #tpu.memory_space<hbm>>
        tpu.wait_dma2 semaphore(%run_scoped3A : memref<!tpu.dma_semaphore, #tpu.memory_space<semaphore_mem>>) src(%arg6 : memref<80x128xf32, #tpu.memory_space<vmem>>) dst(%dma_wait3A_89 : memref<80x128xf32, #tpu.memory_space<hbm>>)
        tpu.yield
      }) : () -> ()
    } else {
    }
    %add3A_67 = arith.constant 96 : i32
    %add3A_68 = arith.addi %add3A, %add3A_67 : i32
    %lt3A_69 = arith.constant 125 : i32
    %lt3A_70 = arith.cmpi slt, %add3A_68, %lt3A_69 : i32
    %convert_element_type3A_71 = arith.extui %lt3A_70 : i1 to i32
    %cond3A_72 = arith.constant 0 : i32
    %cond3A_73 = arith.cmpi ne, %convert_element_type3A_71, %cond3A_72 : i32
    scf.if %cond3A_73 {
      %dma_wait3A = arith.constant 0 : i32
      %dma_wait3A_74 = arith.constant 0 : i32
      %dma_wait3A_75 = tpu.memref_slice %arg9[%dma_wait3A, %dma_wait3A_74] : memref<80x128xf32, #tpu.memory_space<vmem>> -> memref<80x128xf32, #tpu.memory_space<vmem>>
      %dma_wait3A_76 = arith.constant 0 : i32
      %dma_wait3A_77 = tpu.memref_slice %arg8[%dma_wait3A_76] : memref<80xi32, #tpu.memory_space<vmem>> -> memref<80xi32, #tpu.memory_space<vmem>>
      %dma_wait3A_78 = arith.constant 0 : i32
      %dma_wait3A_79 = arith.constant 0 : i32
      %dma_wait3A_80 = tpu.memref_slice %arg2[%dma_wait3A_78, %dma_wait3A_79] : memref<4096x128xf32, #tpu.memory_space<hbm>> -> memref<4096x128xf32, #tpu.memory_space<hbm>>
      tpu.wait_indirect_dma semaphore(%arg10 : memref<!tpu.dma_semaphore, #tpu.memory_space<semaphore_mem>>) src(%dma_wait3A_80 : memref<4096x128xf32, #tpu.memory_space<hbm>>) dst(%dma_wait3A_75 : memref<80x128xf32, #tpu.memory_space<vmem>>)
      %mul3A_81 = arith.constant 80 : i32
      %mul3A_82 = arith.muli %add3A_68, %mul3A_81 : i32
      "tpu.region"() ({
        %run_scoped3A = tpu.sem_alloc : memref<!tpu.dma_semaphore, #tpu.memory_space<semaphore_mem>>
        %dma_start3A = arith.constant 0 : i32
        %dma_start3A_83 = tpu.memref_slice %arg4[%mul3A_82, %dma_start3A] : memref<10000x128xf32, #tpu.memory_space<hbm>> -> memref<80x128xf32, #tpu.memory_space<hbm>>
        %dma_start3A_84 = arith.constant 0 : i32
        %dma_start3A_85 = tpu.memref_slice %arg4[%mul3A_82, %dma_start3A_84] : memref<10000x128xf32, #tpu.memory_space<hbm>> -> memref<80x128xf32, #tpu.memory_space<hbm>>
        tpu.enqueue_dma source(%arg9 : memref<80x128xf32, #tpu.memory_space<vmem>>) target(%dma_start3A_85 : memref<80x128xf32, #tpu.memory_space<hbm>>) target_semaphore(%run_scoped3A : memref<!tpu.dma_semaphore, #tpu.memory_space<semaphore_mem>>)
        %dma_wait3A_86 = arith.constant 0 : i32
        %dma_wait3A_87 = tpu.memref_slice %arg4[%mul3A_82, %dma_wait3A_86] : memref<10000x128xf32, #tpu.memory_space<hbm>> -> memref<80x128xf32, #tpu.memory_space<hbm>>
        %dma_wait3A_88 = arith.constant 0 : i32
        %dma_wait3A_89 = tpu.memref_slice %arg4[%mul3A_82, %dma_wait3A_88] : memref<10000x128xf32, #tpu.memory_space<hbm>> -> memref<80x128xf32, #tpu.memory_space<hbm>>
        tpu.wait_dma2 semaphore(%run_scoped3A : memref<!tpu.dma_semaphore, #tpu.memory_space<semaphore_mem>>) src(%arg9 : memref<80x128xf32, #tpu.memory_space<vmem>>) dst(%dma_wait3A_89 : memref<80x128xf32, #tpu.memory_space<hbm>>)
        tpu.yield
      }) : () -> ()
    } else {
    }
    return
  }
}

#map = affine_map<(d0, d1) -> (0, 0)>
#map1 = affine_map<(d0, d1) -> (0)>
module attributes {stable_mosaic.version = 14 : i64} {
  func.func @sc_gather_assm1(%arg0: i32, %arg1: i32, %arg2: memref<4096x128xf32, #tpu.memory_space<hbm>>, %arg3: memref<204800xi32, #tpu.memory_space<hbm>>, %arg4: memref<204800x128xf32, #tpu.memory_space<hbm>>, %arg5: memref<384xi32, #tpu.memory_space<vmem>>, %arg6: memref<384x128xf32, #tpu.memory_space<vmem>>, %arg7: memref<!tpu.dma_semaphore, #tpu.memory_space<semaphore_mem>>, %arg8: memref<384xi32, #tpu.memory_space<vmem>>, %arg9: memref<384x128xf32, #tpu.memory_space<vmem>>, %arg10: memref<!tpu.dma_semaphore, #tpu.memory_space<semaphore_mem>>) attributes {dimension_semantics = [#tpu.dimension_semantics<core_parallel>, #tpu.dimension_semantics<subcore_parallel>], iteration_bounds = array<i64: 2, 16>, scalar_prefetch = 0 : i64, scratch_operands = 6 : i64, tpu.core_type = #tpu.core_type<sc_vector_subcore>, window_params = [{transform_indices = #map}, {transform_indices = #map1}, {transform_indices = #map}]} {
    %mul3A = arith.constant 2 : i32
    %mul3A_0 = arith.muli %arg1, %mul3A : i32
    %add3A = arith.addi %mul3A_0, %arg0 : i32
    %add3A_1 = arith.constant 0 : i32
    %add3A_2 = arith.addi %add3A, %add3A_1 : i32
    %lt3A = arith.constant 533 : i32
    %lt3A_3 = arith.cmpi slt, %add3A_2, %lt3A : i32
    %convert_element_type3A = arith.extui %lt3A_3 : i1 to i32
    %cond3A = arith.constant 0 : i32
    %cond3A_4 = arith.cmpi ne, %convert_element_type3A, %cond3A : i32
    scf.if %cond3A_4 {
      %mul3A_22 = arith.constant 384 : i32
      %mul3A_23 = arith.muli %add3A_2, %mul3A_22 : i32
      "tpu.region"() ({
        %run_scoped3A = tpu.sem_alloc : memref<!tpu.dma_semaphore, #tpu.memory_space<semaphore_mem>>
        %dma_start3A_47 = tpu.memref_slice %arg3[%mul3A_23] : memref<204800xi32, #tpu.memory_space<hbm>> -> memref<384xi32, #tpu.memory_space<hbm>>
        %dma_start3A_48 = tpu.memref_slice %arg3[%mul3A_23] : memref<204800xi32, #tpu.memory_space<hbm>> -> memref<384xi32, #tpu.memory_space<hbm>>
        tpu.enqueue_dma source(%dma_start3A_48 : memref<384xi32, #tpu.memory_space<hbm>>) target(%arg5 : memref<384xi32, #tpu.memory_space<vmem>>) target_semaphore(%run_scoped3A : memref<!tpu.dma_semaphore, #tpu.memory_space<semaphore_mem>>)
        %dma_wait3A = tpu.memref_slice %arg3[%mul3A_23] : memref<204800xi32, #tpu.memory_space<hbm>> -> memref<384xi32, #tpu.memory_space<hbm>>
        %dma_wait3A_49 = tpu.memref_slice %arg3[%mul3A_23] : memref<204800xi32, #tpu.memory_space<hbm>> -> memref<384xi32, #tpu.memory_space<hbm>>
        tpu.wait_dma2 semaphore(%run_scoped3A : memref<!tpu.dma_semaphore, #tpu.memory_space<semaphore_mem>>) src(%dma_wait3A_49 : memref<384xi32, #tpu.memory_space<hbm>>) dst(%arg5 : memref<384xi32, #tpu.memory_space<vmem>>)
        tpu.yield
      }) : () -> ()
      %dma_start3A = arith.constant 0 : i32
      %dma_start3A_24 = arith.constant 0 : i32
      %dma_start3A_25 = tpu.memref_slice %arg6[%dma_start3A, %dma_start3A_24] : memref<384x128xf32, #tpu.memory_space<vmem>> -> memref<128x128xf32, #tpu.memory_space<vmem>>
      %dma_start3A_26 = arith.constant 0 : i32
      %dma_start3A_27 = tpu.memref_slice %arg5[%dma_start3A_26] : memref<384xi32, #tpu.memory_space<vmem>> -> memref<128xi32, #tpu.memory_space<vmem>>
      %dma_start3A_28 = arith.constant 0 : i32
      %dma_start3A_29 = arith.constant 0 : i32
      %dma_start3A_30 = tpu.memref_slice %arg2[%dma_start3A_28, %dma_start3A_29] : memref<4096x128xf32, #tpu.memory_space<hbm>> -> memref<4096x128xf32, #tpu.memory_space<hbm>>
      tpu.enqueue_indirect_dma source(%dma_start3A_30 : memref<4096x128xf32, #tpu.memory_space<hbm>>) target(%dma_start3A_25 : memref<128x128xf32, #tpu.memory_space<vmem>>) offsets(%dma_start3A_27 : memref<128xi32, #tpu.memory_space<vmem>>) semaphore(%arg7 : memref<!tpu.dma_semaphore, #tpu.memory_space<semaphore_mem>>)
      %dma_start3A_31 = arith.constant 128 : i32
      %dma_start3A_32 = arith.constant 0 : i32
      %dma_start3A_33 = tpu.memref_slice %arg6[%dma_start3A_31, %dma_start3A_32] : memref<384x128xf32, #tpu.memory_space<vmem>> -> memref<128x128xf32, #tpu.memory_space<vmem>>
      %dma_start3A_34 = arith.constant 128 : i32
      %dma_start3A_35 = tpu.memref_slice %arg5[%dma_start3A_34] : memref<384xi32, #tpu.memory_space<vmem>> -> memref<128xi32, #tpu.memory_space<vmem>>
      %dma_start3A_36 = arith.constant 0 : i32
      %dma_start3A_37 = arith.constant 0 : i32
      %dma_start3A_38 = tpu.memref_slice %arg2[%dma_start3A_36, %dma_start3A_37] : memref<4096x128xf32, #tpu.memory_space<hbm>> -> memref<4096x128xf32, #tpu.memory_space<hbm>>
      tpu.enqueue_indirect_dma source(%dma_start3A_38 : memref<4096x128xf32, #tpu.memory_space<hbm>>) target(%dma_start3A_33 : memref<128x128xf32, #tpu.memory_space<vmem>>) offsets(%dma_start3A_35 : memref<128xi32, #tpu.memory_space<vmem>>) semaphore(%arg7 : memref<!tpu.dma_semaphore, #tpu.memory_space<semaphore_mem>>)
      %dma_start3A_39 = arith.constant 256 : i32
      %dma_start3A_40 = arith.constant 0 : i32
      %dma_start3A_41 = tpu.memref_slice %arg6[%dma_start3A_39, %dma_start3A_40] : memref<384x128xf32, #tpu.memory_space<vmem>> -> memref<128x128xf32, #tpu.memory_space<vmem>>
      %dma_start3A_42 = arith.constant 256 : i32
      %dma_start3A_43 = tpu.memref_slice %arg5[%dma_start3A_42] : memref<384xi32, #tpu.memory_space<vmem>> -> memref<128xi32, #tpu.memory_space<vmem>>
      %dma_start3A_44 = arith.constant 0 : i32
      %dma_start3A_45 = arith.constant 0 : i32
      %dma_start3A_46 = tpu.memref_slice %arg2[%dma_start3A_44, %dma_start3A_45] : memref<4096x128xf32, #tpu.memory_space<hbm>> -> memref<4096x128xf32, #tpu.memory_space<hbm>>
      tpu.enqueue_indirect_dma source(%dma_start3A_46 : memref<4096x128xf32, #tpu.memory_space<hbm>>) target(%dma_start3A_41 : memref<128x128xf32, #tpu.memory_space<vmem>>) offsets(%dma_start3A_43 : memref<128xi32, #tpu.memory_space<vmem>>) semaphore(%arg7 : memref<!tpu.dma_semaphore, #tpu.memory_space<semaphore_mem>>)
    } else {
    }
    %scan3A = arith.constant 0 : i32
    %scan3A_5 = arith.constant 0 : i32
    %scan3A_6 = arith.constant 8 : i32
    %scan3A_7 = arith.addi %scan3A_5, %scan3A_6 : i32
    %scan3A_8 = arith.constant 1 : i32
    scf.for %scan3A_22 = %scan3A_5 to %scan3A_7 step %scan3A_8  : i32 {
      %mul3A_23 = arith.constant 2 : i32
      %mul3A_24 = arith.muli %mul3A_23, %scan3A_22 : i32
      %add3A_25 = arith.constant 1 : i32
      %add3A_26 = arith.addi %mul3A_24, %add3A_25 : i32
      %mul3A_27 = arith.constant 32 : i32
      %mul3A_28 = arith.muli %add3A_26, %mul3A_27 : i32
      %add3A_29 = arith.addi %add3A, %mul3A_28 : i32
      %lt3A_30 = arith.constant 533 : i32
      %lt3A_31 = arith.cmpi slt, %add3A_29, %lt3A_30 : i32
      %convert_element_type3A_32 = arith.extui %lt3A_31 : i1 to i32
      %cond3A_33 = arith.constant 0 : i32
      %cond3A_34 = arith.cmpi ne, %convert_element_type3A_32, %cond3A_33 : i32
      scf.if %cond3A_34 {
        %mul3A_69 = arith.constant 384 : i32
        %mul3A_70 = arith.muli %add3A_29, %mul3A_69 : i32
        "tpu.region"() ({
          %run_scoped3A = tpu.sem_alloc : memref<!tpu.dma_semaphore, #tpu.memory_space<semaphore_mem>>
          %dma_start3A_94 = tpu.memref_slice %arg3[%mul3A_70] : memref<204800xi32, #tpu.memory_space<hbm>> -> memref<384xi32, #tpu.memory_space<hbm>>
          %dma_start3A_95 = tpu.memref_slice %arg3[%mul3A_70] : memref<204800xi32, #tpu.memory_space<hbm>> -> memref<384xi32, #tpu.memory_space<hbm>>
          tpu.enqueue_dma source(%dma_start3A_95 : memref<384xi32, #tpu.memory_space<hbm>>) target(%arg8 : memref<384xi32, #tpu.memory_space<vmem>>) target_semaphore(%run_scoped3A : memref<!tpu.dma_semaphore, #tpu.memory_space<semaphore_mem>>)
          %dma_wait3A = tpu.memref_slice %arg3[%mul3A_70] : memref<204800xi32, #tpu.memory_space<hbm>> -> memref<384xi32, #tpu.memory_space<hbm>>
          %dma_wait3A_96 = tpu.memref_slice %arg3[%mul3A_70] : memref<204800xi32, #tpu.memory_space<hbm>> -> memref<384xi32, #tpu.memory_space<hbm>>
          tpu.wait_dma2 semaphore(%run_scoped3A : memref<!tpu.dma_semaphore, #tpu.memory_space<semaphore_mem>>) src(%dma_wait3A_96 : memref<384xi32, #tpu.memory_space<hbm>>) dst(%arg8 : memref<384xi32, #tpu.memory_space<vmem>>)
          tpu.yield
        }) : () -> ()
        %dma_start3A = arith.constant 0 : i32
        %dma_start3A_71 = arith.constant 0 : i32
        %dma_start3A_72 = tpu.memref_slice %arg9[%dma_start3A, %dma_start3A_71] : memref<384x128xf32, #tpu.memory_space<vmem>> -> memref<128x128xf32, #tpu.memory_space<vmem>>
        %dma_start3A_73 = arith.constant 0 : i32
        %dma_start3A_74 = tpu.memref_slice %arg8[%dma_start3A_73] : memref<384xi32, #tpu.memory_space<vmem>> -> memref<128xi32, #tpu.memory_space<vmem>>
        %dma_start3A_75 = arith.constant 0 : i32
        %dma_start3A_76 = arith.constant 0 : i32
        %dma_start3A_77 = tpu.memref_slice %arg2[%dma_start3A_75, %dma_start3A_76] : memref<4096x128xf32, #tpu.memory_space<hbm>> -> memref<4096x128xf32, #tpu.memory_space<hbm>>
        tpu.enqueue_indirect_dma source(%dma_start3A_77 : memref<4096x128xf32, #tpu.memory_space<hbm>>) target(%dma_start3A_72 : memref<128x128xf32, #tpu.memory_space<vmem>>) offsets(%dma_start3A_74 : memref<128xi32, #tpu.memory_space<vmem>>) semaphore(%arg10 : memref<!tpu.dma_semaphore, #tpu.memory_space<semaphore_mem>>)
        %dma_start3A_78 = arith.constant 128 : i32
        %dma_start3A_79 = arith.constant 0 : i32
        %dma_start3A_80 = tpu.memref_slice %arg9[%dma_start3A_78, %dma_start3A_79] : memref<384x128xf32, #tpu.memory_space<vmem>> -> memref<128x128xf32, #tpu.memory_space<vmem>>
        %dma_start3A_81 = arith.constant 128 : i32
        %dma_start3A_82 = tpu.memref_slice %arg8[%dma_start3A_81] : memref<384xi32, #tpu.memory_space<vmem>> -> memref<128xi32, #tpu.memory_space<vmem>>
        %dma_start3A_83 = arith.constant 0 : i32
        %dma_start3A_84 = arith.constant 0 : i32
        %dma_start3A_85 = tpu.memref_slice %arg2[%dma_start3A_83, %dma_start3A_84] : memref<4096x128xf32, #tpu.memory_space<hbm>> -> memref<4096x128xf32, #tpu.memory_space<hbm>>
        tpu.enqueue_indirect_dma source(%dma_start3A_85 : memref<4096x128xf32, #tpu.memory_space<hbm>>) target(%dma_start3A_80 : memref<128x128xf32, #tpu.memory_space<vmem>>) offsets(%dma_start3A_82 : memref<128xi32, #tpu.memory_space<vmem>>) semaphore(%arg10 : memref<!tpu.dma_semaphore, #tpu.memory_space<semaphore_mem>>)
        %dma_start3A_86 = arith.constant 256 : i32
        %dma_start3A_87 = arith.constant 0 : i32
        %dma_start3A_88 = tpu.memref_slice %arg9[%dma_start3A_86, %dma_start3A_87] : memref<384x128xf32, #tpu.memory_space<vmem>> -> memref<128x128xf32, #tpu.memory_space<vmem>>
        %dma_start3A_89 = arith.constant 256 : i32
        %dma_start3A_90 = tpu.memref_slice %arg8[%dma_start3A_89] : memref<384xi32, #tpu.memory_space<vmem>> -> memref<128xi32, #tpu.memory_space<vmem>>
        %dma_start3A_91 = arith.constant 0 : i32
        %dma_start3A_92 = arith.constant 0 : i32
        %dma_start3A_93 = tpu.memref_slice %arg2[%dma_start3A_91, %dma_start3A_92] : memref<4096x128xf32, #tpu.memory_space<hbm>> -> memref<4096x128xf32, #tpu.memory_space<hbm>>
        tpu.enqueue_indirect_dma source(%dma_start3A_93 : memref<4096x128xf32, #tpu.memory_space<hbm>>) target(%dma_start3A_88 : memref<128x128xf32, #tpu.memory_space<vmem>>) offsets(%dma_start3A_90 : memref<128xi32, #tpu.memory_space<vmem>>) semaphore(%arg10 : memref<!tpu.dma_semaphore, #tpu.memory_space<semaphore_mem>>)
      } else {
      }
      %mul3A_35 = arith.constant 2 : i32
      %mul3A_36 = arith.muli %mul3A_35, %scan3A_22 : i32
      %mul3A_37 = arith.constant 32 : i32
      %mul3A_38 = arith.muli %mul3A_36, %mul3A_37 : i32
      %add3A_39 = arith.addi %add3A, %mul3A_38 : i32
      %lt3A_40 = arith.constant 533 : i32
      %lt3A_41 = arith.cmpi slt, %add3A_39, %lt3A_40 : i32
      %convert_element_type3A_42 = arith.extui %lt3A_41 : i1 to i32
      %cond3A_43 = arith.constant 0 : i32
      %cond3A_44 = arith.cmpi ne, %convert_element_type3A_42, %cond3A_43 : i32
      scf.if %cond3A_44 {
        %dma_wait3A = arith.constant 0 : i32
        %dma_wait3A_69 = arith.constant 0 : i32
        %dma_wait3A_70 = tpu.memref_slice %arg6[%dma_wait3A, %dma_wait3A_69] : memref<384x128xf32, #tpu.memory_space<vmem>> -> memref<128x128xf32, #tpu.memory_space<vmem>>
        %dma_wait3A_71 = arith.constant 0 : i32
        %dma_wait3A_72 = tpu.memref_slice %arg5[%dma_wait3A_71] : memref<384xi32, #tpu.memory_space<vmem>> -> memref<128xi32, #tpu.memory_space<vmem>>
        %dma_wait3A_73 = arith.constant 0 : i32
        %dma_wait3A_74 = arith.constant 0 : i32
        %dma_wait3A_75 = tpu.memref_slice %arg2[%dma_wait3A_73, %dma_wait3A_74] : memref<4096x128xf32, #tpu.memory_space<hbm>> -> memref<4096x128xf32, #tpu.memory_space<hbm>>
        tpu.wait_indirect_dma semaphore(%arg7 : memref<!tpu.dma_semaphore, #tpu.memory_space<semaphore_mem>>) src(%dma_wait3A_75 : memref<4096x128xf32, #tpu.memory_space<hbm>>) dst(%dma_wait3A_70 : memref<128x128xf32, #tpu.memory_space<vmem>>)
        %dma_wait3A_76 = arith.constant 128 : i32
        %dma_wait3A_77 = arith.constant 0 : i32
        %dma_wait3A_78 = tpu.memref_slice %arg6[%dma_wait3A_76, %dma_wait3A_77] : memref<384x128xf32, #tpu.memory_space<vmem>> -> memref<128x128xf32, #tpu.memory_space<vmem>>
        %dma_wait3A_79 = arith.constant 128 : i32
        %dma_wait3A_80 = tpu.memref_slice %arg5[%dma_wait3A_79] : memref<384xi32, #tpu.memory_space<vmem>> -> memref<128xi32, #tpu.memory_space<vmem>>
        %dma_wait3A_81 = arith.constant 0 : i32
        %dma_wait3A_82 = arith.constant 0 : i32
        %dma_wait3A_83 = tpu.memref_slice %arg2[%dma_wait3A_81, %dma_wait3A_82] : memref<4096x128xf32, #tpu.memory_space<hbm>> -> memref<4096x128xf32, #tpu.memory_space<hbm>>
        tpu.wait_indirect_dma semaphore(%arg7 : memref<!tpu.dma_semaphore, #tpu.memory_space<semaphore_mem>>) src(%dma_wait3A_83 : memref<4096x128xf32, #tpu.memory_space<hbm>>) dst(%dma_wait3A_78 : memref<128x128xf32, #tpu.memory_space<vmem>>)
        %dma_wait3A_84 = arith.constant 256 : i32
        %dma_wait3A_85 = arith.constant 0 : i32
        %dma_wait3A_86 = tpu.memref_slice %arg6[%dma_wait3A_84, %dma_wait3A_85] : memref<384x128xf32, #tpu.memory_space<vmem>> -> memref<128x128xf32, #tpu.memory_space<vmem>>
        %dma_wait3A_87 = arith.constant 256 : i32
        %dma_wait3A_88 = tpu.memref_slice %arg5[%dma_wait3A_87] : memref<384xi32, #tpu.memory_space<vmem>> -> memref<128xi32, #tpu.memory_space<vmem>>
        %dma_wait3A_89 = arith.constant 0 : i32
        %dma_wait3A_90 = arith.constant 0 : i32
        %dma_wait3A_91 = tpu.memref_slice %arg2[%dma_wait3A_89, %dma_wait3A_90] : memref<4096x128xf32, #tpu.memory_space<hbm>> -> memref<4096x128xf32, #tpu.memory_space<hbm>>
        tpu.wait_indirect_dma semaphore(%arg7 : memref<!tpu.dma_semaphore, #tpu.memory_space<semaphore_mem>>) src(%dma_wait3A_91 : memref<4096x128xf32, #tpu.memory_space<hbm>>) dst(%dma_wait3A_86 : memref<128x128xf32, #tpu.memory_space<vmem>>)
        %mul3A_92 = arith.constant 384 : i32
        %mul3A_93 = arith.muli %add3A_39, %mul3A_92 : i32
        "tpu.region"() ({
          %run_scoped3A = tpu.sem_alloc : memref<!tpu.dma_semaphore, #tpu.memory_space<semaphore_mem>>
          %dma_start3A = arith.constant 0 : i32
          %dma_start3A_94 = tpu.memref_slice %arg4[%mul3A_93, %dma_start3A] : memref<204800x128xf32, #tpu.memory_space<hbm>> -> memref<384x128xf32, #tpu.memory_space<hbm>>
          %dma_start3A_95 = arith.constant 0 : i32
          %dma_start3A_96 = tpu.memref_slice %arg4[%mul3A_93, %dma_start3A_95] : memref<204800x128xf32, #tpu.memory_space<hbm>> -> memref<384x128xf32, #tpu.memory_space<hbm>>
          tpu.enqueue_dma source(%arg6 : memref<384x128xf32, #tpu.memory_space<vmem>>) target(%dma_start3A_96 : memref<384x128xf32, #tpu.memory_space<hbm>>) target_semaphore(%run_scoped3A : memref<!tpu.dma_semaphore, #tpu.memory_space<semaphore_mem>>)
          %dma_wait3A_97 = arith.constant 0 : i32
          %dma_wait3A_98 = tpu.memref_slice %arg4[%mul3A_93, %dma_wait3A_97] : memref<204800x128xf32, #tpu.memory_space<hbm>> -> memref<384x128xf32, #tpu.memory_space<hbm>>
          %dma_wait3A_99 = arith.constant 0 : i32
          %dma_wait3A_100 = tpu.memref_slice %arg4[%mul3A_93, %dma_wait3A_99] : memref<204800x128xf32, #tpu.memory_space<hbm>> -> memref<384x128xf32, #tpu.memory_space<hbm>>
          tpu.wait_dma2 semaphore(%run_scoped3A : memref<!tpu.dma_semaphore, #tpu.memory_space<semaphore_mem>>) src(%arg6 : memref<384x128xf32, #tpu.memory_space<vmem>>) dst(%dma_wait3A_100 : memref<384x128xf32, #tpu.memory_space<hbm>>)
          tpu.yield
        }) : () -> ()
      } else {
      }
      %mul3A_45 = arith.constant 2 : i32
      %mul3A_46 = arith.muli %mul3A_45, %scan3A_22 : i32
      %add3A_47 = arith.constant 2 : i32
      %add3A_48 = arith.addi %mul3A_46, %add3A_47 : i32
      %mul3A_49 = arith.constant 32 : i32
      %mul3A_50 = arith.muli %add3A_48, %mul3A_49 : i32
      %add3A_51 = arith.addi %add3A, %mul3A_50 : i32
      %lt3A_52 = arith.constant 533 : i32
      %lt3A_53 = arith.cmpi slt, %add3A_51, %lt3A_52 : i32
      %convert_element_type3A_54 = arith.extui %lt3A_53 : i1 to i32
      %cond3A_55 = arith.constant 0 : i32
      %cond3A_56 = arith.cmpi ne, %convert_element_type3A_54, %cond3A_55 : i32
      scf.if %cond3A_56 {
        %mul3A_69 = arith.constant 384 : i32
        %mul3A_70 = arith.muli %add3A_51, %mul3A_69 : i32
        "tpu.region"() ({
          %run_scoped3A = tpu.sem_alloc : memref<!tpu.dma_semaphore, #tpu.memory_space<semaphore_mem>>
          %dma_start3A_94 = tpu.memref_slice %arg3[%mul3A_70] : memref<204800xi32, #tpu.memory_space<hbm>> -> memref<384xi32, #tpu.memory_space<hbm>>
          %dma_start3A_95 = tpu.memref_slice %arg3[%mul3A_70] : memref<204800xi32, #tpu.memory_space<hbm>> -> memref<384xi32, #tpu.memory_space<hbm>>
          tpu.enqueue_dma source(%dma_start3A_95 : memref<384xi32, #tpu.memory_space<hbm>>) target(%arg5 : memref<384xi32, #tpu.memory_space<vmem>>) target_semaphore(%run_scoped3A : memref<!tpu.dma_semaphore, #tpu.memory_space<semaphore_mem>>)
          %dma_wait3A = tpu.memref_slice %arg3[%mul3A_70] : memref<204800xi32, #tpu.memory_space<hbm>> -> memref<384xi32, #tpu.memory_space<hbm>>
          %dma_wait3A_96 = tpu.memref_slice %arg3[%mul3A_70] : memref<204800xi32, #tpu.memory_space<hbm>> -> memref<384xi32, #tpu.memory_space<hbm>>
          tpu.wait_dma2 semaphore(%run_scoped3A : memref<!tpu.dma_semaphore, #tpu.memory_space<semaphore_mem>>) src(%dma_wait3A_96 : memref<384xi32, #tpu.memory_space<hbm>>) dst(%arg5 : memref<384xi32, #tpu.memory_space<vmem>>)
          tpu.yield
        }) : () -> ()
        %dma_start3A = arith.constant 0 : i32
        %dma_start3A_71 = arith.constant 0 : i32
        %dma_start3A_72 = tpu.memref_slice %arg6[%dma_start3A, %dma_start3A_71] : memref<384x128xf32, #tpu.memory_space<vmem>> -> memref<128x128xf32, #tpu.memory_space<vmem>>
        %dma_start3A_73 = arith.constant 0 : i32
        %dma_start3A_74 = tpu.memref_slice %arg5[%dma_start3A_73] : memref<384xi32, #tpu.memory_space<vmem>> -> memref<128xi32, #tpu.memory_space<vmem>>
        %dma_start3A_75 = arith.constant 0 : i32
        %dma_start3A_76 = arith.constant 0 : i32
        %dma_start3A_77 = tpu.memref_slice %arg2[%dma_start3A_75, %dma_start3A_76] : memref<4096x128xf32, #tpu.memory_space<hbm>> -> memref<4096x128xf32, #tpu.memory_space<hbm>>
        tpu.enqueue_indirect_dma source(%dma_start3A_77 : memref<4096x128xf32, #tpu.memory_space<hbm>>) target(%dma_start3A_72 : memref<128x128xf32, #tpu.memory_space<vmem>>) offsets(%dma_start3A_74 : memref<128xi32, #tpu.memory_space<vmem>>) semaphore(%arg7 : memref<!tpu.dma_semaphore, #tpu.memory_space<semaphore_mem>>)
        %dma_start3A_78 = arith.constant 128 : i32
        %dma_start3A_79 = arith.constant 0 : i32
        %dma_start3A_80 = tpu.memref_slice %arg6[%dma_start3A_78, %dma_start3A_79] : memref<384x128xf32, #tpu.memory_space<vmem>> -> memref<128x128xf32, #tpu.memory_space<vmem>>
        %dma_start3A_81 = arith.constant 128 : i32
        %dma_start3A_82 = tpu.memref_slice %arg5[%dma_start3A_81] : memref<384xi32, #tpu.memory_space<vmem>> -> memref<128xi32, #tpu.memory_space<vmem>>
        %dma_start3A_83 = arith.constant 0 : i32
        %dma_start3A_84 = arith.constant 0 : i32
        %dma_start3A_85 = tpu.memref_slice %arg2[%dma_start3A_83, %dma_start3A_84] : memref<4096x128xf32, #tpu.memory_space<hbm>> -> memref<4096x128xf32, #tpu.memory_space<hbm>>
        tpu.enqueue_indirect_dma source(%dma_start3A_85 : memref<4096x128xf32, #tpu.memory_space<hbm>>) target(%dma_start3A_80 : memref<128x128xf32, #tpu.memory_space<vmem>>) offsets(%dma_start3A_82 : memref<128xi32, #tpu.memory_space<vmem>>) semaphore(%arg7 : memref<!tpu.dma_semaphore, #tpu.memory_space<semaphore_mem>>)
        %dma_start3A_86 = arith.constant 256 : i32
        %dma_start3A_87 = arith.constant 0 : i32
        %dma_start3A_88 = tpu.memref_slice %arg6[%dma_start3A_86, %dma_start3A_87] : memref<384x128xf32, #tpu.memory_space<vmem>> -> memref<128x128xf32, #tpu.memory_space<vmem>>
        %dma_start3A_89 = arith.constant 256 : i32
        %dma_start3A_90 = tpu.memref_slice %arg5[%dma_start3A_89] : memref<384xi32, #tpu.memory_space<vmem>> -> memref<128xi32, #tpu.memory_space<vmem>>
        %dma_start3A_91 = arith.constant 0 : i32
        %dma_start3A_92 = arith.constant 0 : i32
        %dma_start3A_93 = tpu.memref_slice %arg2[%dma_start3A_91, %dma_start3A_92] : memref<4096x128xf32, #tpu.memory_space<hbm>> -> memref<4096x128xf32, #tpu.memory_space<hbm>>
        tpu.enqueue_indirect_dma source(%dma_start3A_93 : memref<4096x128xf32, #tpu.memory_space<hbm>>) target(%dma_start3A_88 : memref<128x128xf32, #tpu.memory_space<vmem>>) offsets(%dma_start3A_90 : memref<128xi32, #tpu.memory_space<vmem>>) semaphore(%arg7 : memref<!tpu.dma_semaphore, #tpu.memory_space<semaphore_mem>>)
      } else {
      }
      %mul3A_57 = arith.constant 2 : i32
      %mul3A_58 = arith.muli %mul3A_57, %scan3A_22 : i32
      %add3A_59 = arith.constant 1 : i32
      %add3A_60 = arith.addi %mul3A_58, %add3A_59 : i32
      %mul3A_61 = arith.constant 32 : i32
      %mul3A_62 = arith.muli %add3A_60, %mul3A_61 : i32
      %add3A_63 = arith.addi %add3A, %mul3A_62 : i32
      %lt3A_64 = arith.constant 533 : i32
      %lt3A_65 = arith.cmpi slt, %add3A_63, %lt3A_64 : i32
      %convert_element_type3A_66 = arith.extui %lt3A_65 : i1 to i32
      %cond3A_67 = arith.constant 0 : i32
      %cond3A_68 = arith.cmpi ne, %convert_element_type3A_66, %cond3A_67 : i32
      scf.if %cond3A_68 {
        %dma_wait3A = arith.constant 0 : i32
        %dma_wait3A_69 = arith.constant 0 : i32
        %dma_wait3A_70 = tpu.memref_slice %arg9[%dma_wait3A, %dma_wait3A_69] : memref<384x128xf32, #tpu.memory_space<vmem>> -> memref<128x128xf32, #tpu.memory_space<vmem>>
        %dma_wait3A_71 = arith.constant 0 : i32
        %dma_wait3A_72 = tpu.memref_slice %arg8[%dma_wait3A_71] : memref<384xi32, #tpu.memory_space<vmem>> -> memref<128xi32, #tpu.memory_space<vmem>>
        %dma_wait3A_73 = arith.constant 0 : i32
        %dma_wait3A_74 = arith.constant 0 : i32
        %dma_wait3A_75 = tpu.memref_slice %arg2[%dma_wait3A_73, %dma_wait3A_74] : memref<4096x128xf32, #tpu.memory_space<hbm>> -> memref<4096x128xf32, #tpu.memory_space<hbm>>
        tpu.wait_indirect_dma semaphore(%arg10 : memref<!tpu.dma_semaphore, #tpu.memory_space<semaphore_mem>>) src(%dma_wait3A_75 : memref<4096x128xf32, #tpu.memory_space<hbm>>) dst(%dma_wait3A_70 : memref<128x128xf32, #tpu.memory_space<vmem>>)
        %dma_wait3A_76 = arith.constant 128 : i32
        %dma_wait3A_77 = arith.constant 0 : i32
        %dma_wait3A_78 = tpu.memref_slice %arg9[%dma_wait3A_76, %dma_wait3A_77] : memref<384x128xf32, #tpu.memory_space<vmem>> -> memref<128x128xf32, #tpu.memory_space<vmem>>
        %dma_wait3A_79 = arith.constant 128 : i32
        %dma_wait3A_80 = tpu.memref_slice %arg8[%dma_wait3A_79] : memref<384xi32, #tpu.memory_space<vmem>> -> memref<128xi32, #tpu.memory_space<vmem>>
        %dma_wait3A_81 = arith.constant 0 : i32
        %dma_wait3A_82 = arith.constant 0 : i32
        %dma_wait3A_83 = tpu.memref_slice %arg2[%dma_wait3A_81, %dma_wait3A_82] : memref<4096x128xf32, #tpu.memory_space<hbm>> -> memref<4096x128xf32, #tpu.memory_space<hbm>>
        tpu.wait_indirect_dma semaphore(%arg10 : memref<!tpu.dma_semaphore, #tpu.memory_space<semaphore_mem>>) src(%dma_wait3A_83 : memref<4096x128xf32, #tpu.memory_space<hbm>>) dst(%dma_wait3A_78 : memref<128x128xf32, #tpu.memory_space<vmem>>)
        %dma_wait3A_84 = arith.constant 256 : i32
        %dma_wait3A_85 = arith.constant 0 : i32
        %dma_wait3A_86 = tpu.memref_slice %arg9[%dma_wait3A_84, %dma_wait3A_85] : memref<384x128xf32, #tpu.memory_space<vmem>> -> memref<128x128xf32, #tpu.memory_space<vmem>>
        %dma_wait3A_87 = arith.constant 256 : i32
        %dma_wait3A_88 = tpu.memref_slice %arg8[%dma_wait3A_87] : memref<384xi32, #tpu.memory_space<vmem>> -> memref<128xi32, #tpu.memory_space<vmem>>
        %dma_wait3A_89 = arith.constant 0 : i32
        %dma_wait3A_90 = arith.constant 0 : i32
        %dma_wait3A_91 = tpu.memref_slice %arg2[%dma_wait3A_89, %dma_wait3A_90] : memref<4096x128xf32, #tpu.memory_space<hbm>> -> memref<4096x128xf32, #tpu.memory_space<hbm>>
        tpu.wait_indirect_dma semaphore(%arg10 : memref<!tpu.dma_semaphore, #tpu.memory_space<semaphore_mem>>) src(%dma_wait3A_91 : memref<4096x128xf32, #tpu.memory_space<hbm>>) dst(%dma_wait3A_86 : memref<128x128xf32, #tpu.memory_space<vmem>>)
        %mul3A_92 = arith.constant 384 : i32
        %mul3A_93 = arith.muli %add3A_63, %mul3A_92 : i32
        "tpu.region"() ({
          %run_scoped3A = tpu.sem_alloc : memref<!tpu.dma_semaphore, #tpu.memory_space<semaphore_mem>>
          %dma_start3A = arith.constant 0 : i32
          %dma_start3A_94 = tpu.memref_slice %arg4[%mul3A_93, %dma_start3A] : memref<204800x128xf32, #tpu.memory_space<hbm>> -> memref<384x128xf32, #tpu.memory_space<hbm>>
          %dma_start3A_95 = arith.constant 0 : i32
          %dma_start3A_96 = tpu.memref_slice %arg4[%mul3A_93, %dma_start3A_95] : memref<204800x128xf32, #tpu.memory_space<hbm>> -> memref<384x128xf32, #tpu.memory_space<hbm>>
          tpu.enqueue_dma source(%arg9 : memref<384x128xf32, #tpu.memory_space<vmem>>) target(%dma_start3A_96 : memref<384x128xf32, #tpu.memory_space<hbm>>) target_semaphore(%run_scoped3A : memref<!tpu.dma_semaphore, #tpu.memory_space<semaphore_mem>>)
          %dma_wait3A_97 = arith.constant 0 : i32
          %dma_wait3A_98 = tpu.memref_slice %arg4[%mul3A_93, %dma_wait3A_97] : memref<204800x128xf32, #tpu.memory_space<hbm>> -> memref<384x128xf32, #tpu.memory_space<hbm>>
          %dma_wait3A_99 = arith.constant 0 : i32
          %dma_wait3A_100 = tpu.memref_slice %arg4[%mul3A_93, %dma_wait3A_99] : memref<204800x128xf32, #tpu.memory_space<hbm>> -> memref<384x128xf32, #tpu.memory_space<hbm>>
          tpu.wait_dma2 semaphore(%run_scoped3A : memref<!tpu.dma_semaphore, #tpu.memory_space<semaphore_mem>>) src(%arg9 : memref<384x128xf32, #tpu.memory_space<vmem>>) dst(%dma_wait3A_100 : memref<384x128xf32, #tpu.memory_space<hbm>>)
          tpu.yield
        }) : () -> ()
      } else {
      }
    }
    %scan3A_9 = arith.constant 8 : i32
    %add3A_10 = arith.constant 512 : i32
    %add3A_11 = arith.addi %add3A, %add3A_10 : i32
    %lt3A_12 = arith.constant 533 : i32
    %lt3A_13 = arith.cmpi slt, %add3A_11, %lt3A_12 : i32
    %convert_element_type3A_14 = arith.extui %lt3A_13 : i1 to i32
    %cond3A_15 = arith.constant 0 : i32
    %cond3A_16 = arith.cmpi ne, %convert_element_type3A_14, %cond3A_15 : i32
    scf.if %cond3A_16 {
      %dma_wait3A = arith.constant 0 : i32
      %dma_wait3A_22 = arith.constant 0 : i32
      %dma_wait3A_23 = tpu.memref_slice %arg6[%dma_wait3A, %dma_wait3A_22] : memref<384x128xf32, #tpu.memory_space<vmem>> -> memref<128x128xf32, #tpu.memory_space<vmem>>
      %dma_wait3A_24 = arith.constant 0 : i32
      %dma_wait3A_25 = tpu.memref_slice %arg5[%dma_wait3A_24] : memref<384xi32, #tpu.memory_space<vmem>> -> memref<128xi32, #tpu.memory_space<vmem>>
      %dma_wait3A_26 = arith.constant 0 : i32
      %dma_wait3A_27 = arith.constant 0 : i32
      %dma_wait3A_28 = tpu.memref_slice %arg2[%dma_wait3A_26, %dma_wait3A_27] : memref<4096x128xf32, #tpu.memory_space<hbm>> -> memref<4096x128xf32, #tpu.memory_space<hbm>>
      tpu.wait_indirect_dma semaphore(%arg7 : memref<!tpu.dma_semaphore, #tpu.memory_space<semaphore_mem>>) src(%dma_wait3A_28 : memref<4096x128xf32, #tpu.memory_space<hbm>>) dst(%dma_wait3A_23 : memref<128x128xf32, #tpu.memory_space<vmem>>)
      %dma_wait3A_29 = arith.constant 128 : i32
      %dma_wait3A_30 = arith.constant 0 : i32
      %dma_wait3A_31 = tpu.memref_slice %arg6[%dma_wait3A_29, %dma_wait3A_30] : memref<384x128xf32, #tpu.memory_space<vmem>> -> memref<128x128xf32, #tpu.memory_space<vmem>>
      %dma_wait3A_32 = arith.constant 128 : i32
      %dma_wait3A_33 = tpu.memref_slice %arg5[%dma_wait3A_32] : memref<384xi32, #tpu.memory_space<vmem>> -> memref<128xi32, #tpu.memory_space<vmem>>
      %dma_wait3A_34 = arith.constant 0 : i32
      %dma_wait3A_35 = arith.constant 0 : i32
      %dma_wait3A_36 = tpu.memref_slice %arg2[%dma_wait3A_34, %dma_wait3A_35] : memref<4096x128xf32, #tpu.memory_space<hbm>> -> memref<4096x128xf32, #tpu.memory_space<hbm>>
      tpu.wait_indirect_dma semaphore(%arg7 : memref<!tpu.dma_semaphore, #tpu.memory_space<semaphore_mem>>) src(%dma_wait3A_36 : memref<4096x128xf32, #tpu.memory_space<hbm>>) dst(%dma_wait3A_31 : memref<128x128xf32, #tpu.memory_space<vmem>>)
      %dma_wait3A_37 = arith.constant 256 : i32
      %dma_wait3A_38 = arith.constant 0 : i32
      %dma_wait3A_39 = tpu.memref_slice %arg6[%dma_wait3A_37, %dma_wait3A_38] : memref<384x128xf32, #tpu.memory_space<vmem>> -> memref<128x128xf32, #tpu.memory_space<vmem>>
      %dma_wait3A_40 = arith.constant 256 : i32
      %dma_wait3A_41 = tpu.memref_slice %arg5[%dma_wait3A_40] : memref<384xi32, #tpu.memory_space<vmem>> -> memref<128xi32, #tpu.memory_space<vmem>>
      %dma_wait3A_42 = arith.constant 0 : i32
      %dma_wait3A_43 = arith.constant 0 : i32
      %dma_wait3A_44 = tpu.memref_slice %arg2[%dma_wait3A_42, %dma_wait3A_43] : memref<4096x128xf32, #tpu.memory_space<hbm>> -> memref<4096x128xf32, #tpu.memory_space<hbm>>
      tpu.wait_indirect_dma semaphore(%arg7 : memref<!tpu.dma_semaphore, #tpu.memory_space<semaphore_mem>>) src(%dma_wait3A_44 : memref<4096x128xf32, #tpu.memory_space<hbm>>) dst(%dma_wait3A_39 : memref<128x128xf32, #tpu.memory_space<vmem>>)
      %mul3A_45 = arith.constant 384 : i32
      %mul3A_46 = arith.muli %add3A_11, %mul3A_45 : i32
      "tpu.region"() ({
        %run_scoped3A = tpu.sem_alloc : memref<!tpu.dma_semaphore, #tpu.memory_space<semaphore_mem>>
        %dma_start3A = arith.constant 0 : i32
        %dma_start3A_47 = tpu.memref_slice %arg4[%mul3A_46, %dma_start3A] : memref<204800x128xf32, #tpu.memory_space<hbm>> -> memref<384x128xf32, #tpu.memory_space<hbm>>
        %dma_start3A_48 = arith.constant 0 : i32
        %dma_start3A_49 = tpu.memref_slice %arg4[%mul3A_46, %dma_start3A_48] : memref<204800x128xf32, #tpu.memory_space<hbm>> -> memref<384x128xf32, #tpu.memory_space<hbm>>
        tpu.enqueue_dma source(%arg6 : memref<384x128xf32, #tpu.memory_space<vmem>>) target(%dma_start3A_49 : memref<384x128xf32, #tpu.memory_space<hbm>>) target_semaphore(%run_scoped3A : memref<!tpu.dma_semaphore, #tpu.memory_space<semaphore_mem>>)
        %dma_wait3A_50 = arith.constant 0 : i32
        %dma_wait3A_51 = tpu.memref_slice %arg4[%mul3A_46, %dma_wait3A_50] : memref<204800x128xf32, #tpu.memory_space<hbm>> -> memref<384x128xf32, #tpu.memory_space<hbm>>
        %dma_wait3A_52 = arith.constant 0 : i32
        %dma_wait3A_53 = tpu.memref_slice %arg4[%mul3A_46, %dma_wait3A_52] : memref<204800x128xf32, #tpu.memory_space<hbm>> -> memref<384x128xf32, #tpu.memory_space<hbm>>
        tpu.wait_dma2 semaphore(%run_scoped3A : memref<!tpu.dma_semaphore, #tpu.memory_space<semaphore_mem>>) src(%arg6 : memref<384x128xf32, #tpu.memory_space<vmem>>) dst(%dma_wait3A_53 : memref<384x128xf32, #tpu.memory_space<hbm>>)
        tpu.yield
      }) : () -> ()
    } else {
    }
    %lt3A_17 = arith.constant 1 : i32
    %lt3A_18 = arith.cmpi slt, %add3A, %lt3A_17 : i32
    %convert_element_type3A_19 = arith.extui %lt3A_18 : i1 to i32
    %cond3A_20 = arith.constant 0 : i32
    %cond3A_21 = arith.cmpi ne, %convert_element_type3A_19, %cond3A_20 : i32
    scf.if %cond3A_21 {
      %add3A_22 = arith.constant 1599 : i32
      %add3A_23 = arith.addi %add3A_22, %add3A : i32
      %mul3A_24 = arith.constant 128 : i32
      %mul3A_25 = arith.muli %add3A_23, %mul3A_24 : i32
      "tpu.region"() ({
        %run_scoped3A = tpu.sem_alloc : memref<!tpu.dma_semaphore, #tpu.memory_space<semaphore_mem>>
        %dma_start3A_42 = arith.constant 0 : i32
        %dma_start3A_43 = tpu.memref_slice %arg5[%dma_start3A_42] : memref<384xi32, #tpu.memory_space<vmem>> -> memref<128xi32, #tpu.memory_space<vmem>>
        %dma_start3A_44 = tpu.memref_slice %arg3[%mul3A_25] : memref<204800xi32, #tpu.memory_space<hbm>> -> memref<128xi32, #tpu.memory_space<hbm>>
        %dma_start3A_45 = arith.constant 0 : i32
        %dma_start3A_46 = tpu.memref_slice %arg5[%dma_start3A_45] : memref<384xi32, #tpu.memory_space<vmem>> -> memref<128xi32, #tpu.memory_space<vmem>>
        %dma_start3A_47 = tpu.memref_slice %arg3[%mul3A_25] : memref<204800xi32, #tpu.memory_space<hbm>> -> memref<128xi32, #tpu.memory_space<hbm>>
        tpu.enqueue_dma source(%dma_start3A_47 : memref<128xi32, #tpu.memory_space<hbm>>) target(%dma_start3A_46 : memref<128xi32, #tpu.memory_space<vmem>>) target_semaphore(%run_scoped3A : memref<!tpu.dma_semaphore, #tpu.memory_space<semaphore_mem>>)
        %dma_wait3A_48 = arith.constant 0 : i32
        %dma_wait3A_49 = tpu.memref_slice %arg5[%dma_wait3A_48] : memref<384xi32, #tpu.memory_space<vmem>> -> memref<128xi32, #tpu.memory_space<vmem>>
        %dma_wait3A_50 = tpu.memref_slice %arg3[%mul3A_25] : memref<204800xi32, #tpu.memory_space<hbm>> -> memref<128xi32, #tpu.memory_space<hbm>>
        %dma_wait3A_51 = arith.constant 0 : i32
        %dma_wait3A_52 = tpu.memref_slice %arg5[%dma_wait3A_51] : memref<384xi32, #tpu.memory_space<vmem>> -> memref<128xi32, #tpu.memory_space<vmem>>
        %dma_wait3A_53 = tpu.memref_slice %arg3[%mul3A_25] : memref<204800xi32, #tpu.memory_space<hbm>> -> memref<128xi32, #tpu.memory_space<hbm>>
        tpu.wait_dma2 semaphore(%run_scoped3A : memref<!tpu.dma_semaphore, #tpu.memory_space<semaphore_mem>>) src(%dma_wait3A_53 : memref<128xi32, #tpu.memory_space<hbm>>) dst(%dma_wait3A_52 : memref<128xi32, #tpu.memory_space<vmem>>)
        tpu.yield
      }) : () -> ()
      %dma_start3A = arith.constant 0 : i32
      %dma_start3A_26 = arith.constant 0 : i32
      %dma_start3A_27 = tpu.memref_slice %arg6[%dma_start3A, %dma_start3A_26] : memref<384x128xf32, #tpu.memory_space<vmem>> -> memref<128x128xf32, #tpu.memory_space<vmem>>
      %dma_start3A_28 = arith.constant 0 : i32
      %dma_start3A_29 = tpu.memref_slice %arg5[%dma_start3A_28] : memref<384xi32, #tpu.memory_space<vmem>> -> memref<128xi32, #tpu.memory_space<vmem>>
      %dma_start3A_30 = arith.constant 0 : i32
      %dma_start3A_31 = arith.constant 0 : i32
      %dma_start3A_32 = tpu.memref_slice %arg2[%dma_start3A_30, %dma_start3A_31] : memref<4096x128xf32, #tpu.memory_space<hbm>> -> memref<4096x128xf32, #tpu.memory_space<hbm>>
      tpu.enqueue_indirect_dma source(%dma_start3A_32 : memref<4096x128xf32, #tpu.memory_space<hbm>>) target(%dma_start3A_27 : memref<128x128xf32, #tpu.memory_space<vmem>>) offsets(%dma_start3A_29 : memref<128xi32, #tpu.memory_space<vmem>>) semaphore(%arg7 : memref<!tpu.dma_semaphore, #tpu.memory_space<semaphore_mem>>)
      %dma_wait3A = arith.constant 0 : i32
      %dma_wait3A_33 = arith.constant 0 : i32
      %dma_wait3A_34 = tpu.memref_slice %arg6[%dma_wait3A, %dma_wait3A_33] : memref<384x128xf32, #tpu.memory_space<vmem>> -> memref<128x128xf32, #tpu.memory_space<vmem>>
      %dma_wait3A_35 = arith.constant 0 : i32
      %dma_wait3A_36 = tpu.memref_slice %arg5[%dma_wait3A_35] : memref<384xi32, #tpu.memory_space<vmem>> -> memref<128xi32, #tpu.memory_space<vmem>>
      %dma_wait3A_37 = arith.constant 0 : i32
      %dma_wait3A_38 = arith.constant 0 : i32
      %dma_wait3A_39 = tpu.memref_slice %arg2[%dma_wait3A_37, %dma_wait3A_38] : memref<4096x128xf32, #tpu.memory_space<hbm>> -> memref<4096x128xf32, #tpu.memory_space<hbm>>
      tpu.wait_indirect_dma semaphore(%arg7 : memref<!tpu.dma_semaphore, #tpu.memory_space<semaphore_mem>>) src(%dma_wait3A_39 : memref<4096x128xf32, #tpu.memory_space<hbm>>) dst(%dma_wait3A_34 : memref<128x128xf32, #tpu.memory_space<vmem>>)
      %mul3A_40 = arith.constant 128 : i32
      %mul3A_41 = arith.muli %add3A_23, %mul3A_40 : i32
      "tpu.region"() ({
        %run_scoped3A = tpu.sem_alloc : memref<!tpu.dma_semaphore, #tpu.memory_space<semaphore_mem>>
        %dma_start3A_42 = arith.constant 0 : i32
        %dma_start3A_43 = arith.constant 0 : i32
        %dma_start3A_44 = tpu.memref_slice %arg6[%dma_start3A_42, %dma_start3A_43] : memref<384x128xf32, #tpu.memory_space<vmem>> -> memref<128x128xf32, #tpu.memory_space<vmem>>
        %dma_start3A_45 = arith.constant 0 : i32
        %dma_start3A_46 = tpu.memref_slice %arg4[%mul3A_41, %dma_start3A_45] : memref<204800x128xf32, #tpu.memory_space<hbm>> -> memref<128x128xf32, #tpu.memory_space<hbm>>
        %dma_start3A_47 = arith.constant 0 : i32
        %dma_start3A_48 = tpu.memref_slice %arg4[%mul3A_41, %dma_start3A_47] : memref<204800x128xf32, #tpu.memory_space<hbm>> -> memref<128x128xf32, #tpu.memory_space<hbm>>
        %dma_start3A_49 = arith.constant 0 : i32
        %dma_start3A_50 = arith.constant 0 : i32
        %dma_start3A_51 = tpu.memref_slice %arg6[%dma_start3A_49, %dma_start3A_50] : memref<384x128xf32, #tpu.memory_space<vmem>> -> memref<128x128xf32, #tpu.memory_space<vmem>>
        tpu.enqueue_dma source(%dma_start3A_51 : memref<128x128xf32, #tpu.memory_space<vmem>>) target(%dma_start3A_48 : memref<128x128xf32, #tpu.memory_space<hbm>>) target_semaphore(%run_scoped3A : memref<!tpu.dma_semaphore, #tpu.memory_space<semaphore_mem>>)
        %dma_wait3A_52 = arith.constant 0 : i32
        %dma_wait3A_53 = arith.constant 0 : i32
        %dma_wait3A_54 = tpu.memref_slice %arg6[%dma_wait3A_52, %dma_wait3A_53] : memref<384x128xf32, #tpu.memory_space<vmem>> -> memref<128x128xf32, #tpu.memory_space<vmem>>
        %dma_wait3A_55 = arith.constant 0 : i32
        %dma_wait3A_56 = tpu.memref_slice %arg4[%mul3A_41, %dma_wait3A_55] : memref<204800x128xf32, #tpu.memory_space<hbm>> -> memref<128x128xf32, #tpu.memory_space<hbm>>
        %dma_wait3A_57 = arith.constant 0 : i32
        %dma_wait3A_58 = tpu.memref_slice %arg4[%mul3A_41, %dma_wait3A_57] : memref<204800x128xf32, #tpu.memory_space<hbm>> -> memref<128x128xf32, #tpu.memory_space<hbm>>
        %dma_wait3A_59 = arith.constant 0 : i32
        %dma_wait3A_60 = arith.constant 0 : i32
        %dma_wait3A_61 = tpu.memref_slice %arg6[%dma_wait3A_59, %dma_wait3A_60] : memref<384x128xf32, #tpu.memory_space<vmem>> -> memref<128x128xf32, #tpu.memory_space<vmem>>
        tpu.wait_dma2 semaphore(%run_scoped3A : memref<!tpu.dma_semaphore, #tpu.memory_space<semaphore_mem>>) src(%dma_wait3A_61 : memref<128x128xf32, #tpu.memory_space<vmem>>) dst(%dma_wait3A_58 : memref<128x128xf32, #tpu.memory_space<hbm>>)
        tpu.yield
      }) : () -> ()
    } else {
    }
    return
  }
}

module attributes {stable_mosaic.version = 14 : i64} {
  func.func @_cls_body(%arg0: i32, %arg1: memref<1024x128xf32, #tpu.memory_space<vmem>>, %arg2: memref<1024x128xf32, #tpu.memory_space<vmem>>, %arg3: memref<128x128xbf16, #tpu.memory_space<vmem>>, %arg4: memref<128x128xbf16, #tpu.memory_space<vmem>>, %arg5: memref<1x128xf32, #tpu.memory_space<vmem>>, %arg6: memref<500x128xbf16, #tpu.memory_space<vmem>>, %arg7: memref<500x1xf32, #tpu.memory_space<vmem>>, %arg8: memref<128x128xbf16, #tpu.memory_space<vmem>>, %arg9: memref<128x128xbf16, #tpu.memory_space<vmem>>, %arg10: memref<1x128xf32, #tpu.memory_space<vmem>>, %arg11: memref<2000x128xbf16, #tpu.memory_space<vmem>>, %arg12: memref<2000x1xf32, #tpu.memory_space<vmem>>, %arg13: memref<500x1024xf32, #tpu.memory_space<vmem>>, %arg14: memref<2000x1024xf32, #tpu.memory_space<vmem>>) attributes {dimension_semantics = [#tpu.dimension_semantics<arbitrary>], iteration_bounds = array<i64: 10>, scalar_prefetch = 0 : i64, scratch_operands = 0 : i64, tpu.core_type = #tpu.core_type<tc>, window_params = [{transform_indices = @transform_0, window_bounds = array<i64: 1024, 128>}, {transform_indices = @transform_1, window_bounds = array<i64: 1024, 128>}, {pipeline_mode = #tpu.pipeline_mode<synchronous>, transform_indices = @transform_2, window_bounds = array<i64: 128, 128>}, {pipeline_mode = #tpu.pipeline_mode<synchronous>, transform_indices = @transform_3, window_bounds = array<i64: 128, 128>}, {pipeline_mode = #tpu.pipeline_mode<synchronous>, transform_indices = @transform_4, window_bounds = array<i64: 1, 128>}, {pipeline_mode = #tpu.pipeline_mode<synchronous>, transform_indices = @transform_5, window_bounds = array<i64: 500, 128>}, {pipeline_mode = #tpu.pipeline_mode<synchronous>, transform_indices = @transform_6, window_bounds = array<i64: 500, 1>}, {pipeline_mode = #tpu.pipeline_mode<synchronous>, transform_indices = @transform_7, window_bounds = array<i64: 128, 128>}, {pipeline_mode = #tpu.pipeline_mode<synchronous>, transform_indices = @transform_8, window_bounds = array<i64: 128, 128>}, {pipeline_mode = #tpu.pipeline_mode<synchronous>, transform_indices = @transform_9, window_bounds = array<i64: 1, 128>}, {pipeline_mode = #tpu.pipeline_mode<synchronous>, transform_indices = @transform_10, window_bounds = array<i64: 2000, 128>}, {pipeline_mode = #tpu.pipeline_mode<synchronous>, transform_indices = @transform_11, window_bounds = array<i64: 2000, 1>}, {transform_indices = @transform_12, window_bounds = array<i64: 500, 1024>}, {transform_indices = @transform_13, window_bounds = array<i64: 2000, 1024>}]} {
    %get3A = arith.constant 0 : index
    %get3A_0 = arith.constant 0 : index
    %get3A_1 = vector.load %arg1[%get3A, %get3A_0] : memref<1024x128xf32, #tpu.memory_space<vmem>>, vector<1024x128xf32>
    %convert_element_type3A = arith.truncf %get3A_1 : vector<1024x128xf32> to vector<1024x128xbf16>
    %get3A_2 = arith.constant 0 : index
    %get3A_3 = arith.constant 0 : index
    %get3A_4 = vector.load %arg2[%get3A_2, %get3A_3] : memref<1024x128xf32, #tpu.memory_space<vmem>>, vector<1024x128xf32>
    %convert_element_type3A_5 = arith.truncf %get3A_4 : vector<1024x128xf32> to vector<1024x128xbf16>
    %get3A_6 = arith.constant 0 : index
    %get3A_7 = arith.constant 0 : index
    %get3A_8 = vector.load %arg3[%get3A_6, %get3A_7] : memref<128x128xbf16, #tpu.memory_space<vmem>>, vector<128x128xbf16>
    %dot_general3A = arith.constant dense<0.000000e+00> : vector<1024x128xf32>
    %dot_general3A_9 = tpu.matmul %convert_element_type3A, %get3A_8, %dot_general3A {dimension_numbers = #tpu.dot_dimension_numbers<[1], [0], [0], [1], [0, 0, 1, 1], [], []>, transpose_lhs_hint = false} : vector<1024x128xbf16>, vector<128x128xbf16>, vector<1024x128xf32> -> vector<1024x128xf32>
    %get3A_10 = arith.constant 0 : index
    %get3A_11 = arith.constant 0 : index
    %get3A_12 = vector.load %arg4[%get3A_10, %get3A_11] : memref<128x128xbf16, #tpu.memory_space<vmem>>, vector<128x128xbf16>
    %dot_general3A_13 = arith.constant dense<0.000000e+00> : vector<1024x128xf32>
    %dot_general3A_14 = tpu.matmul %convert_element_type3A_5, %get3A_12, %dot_general3A_13 {dimension_numbers = #tpu.dot_dimension_numbers<[1], [0], [0], [1], [0, 0, 1, 1], [], []>, transpose_lhs_hint = false} : vector<1024x128xbf16>, vector<128x128xbf16>, vector<1024x128xf32> -> vector<1024x128xf32>
    %add3A = arith.addf %dot_general3A_9, %dot_general3A_14 : vector<1024x128xf32>
    %get3A_15 = arith.constant 0 : index
    %get3A_16 = arith.constant 0 : index
    %get3A_17 = vector.load %arg5[%get3A_15, %get3A_16] : memref<1x128xf32, #tpu.memory_space<vmem>>, vector<1x128xf32>
    %add3A_18 = vector.broadcast %get3A_17 : vector<1x128xf32> to vector<1024x128xf32>
    %add3A_19 = arith.addf %add3A, %add3A_18 : vector<1024x128xf32>
    %max3A = arith.constant 0.000000e+00 : f32
    %max3A_20 = vector.broadcast %max3A : f32 to vector<1024x128xf32>
    %max3A_21 = arith.maximumf %add3A_19, %max3A_20 : vector<1024x128xf32>
    %get3A_22 = arith.constant 0 : index
    %get3A_23 = arith.constant 0 : index
    %get3A_24 = vector.load %arg6[%get3A_22, %get3A_23] : memref<500x128xbf16, #tpu.memory_space<vmem>>, vector<500x128xbf16>
    %convert_element_type3A_25 = arith.truncf %max3A_21 : vector<1024x128xf32> to vector<1024x128xbf16>
    %dot_general3A_26 = arith.constant dense<0.000000e+00> : vector<500x1024xf32>
    %dot_general3A_27 = tpu.matmul %get3A_24, %convert_element_type3A_25, %dot_general3A_26 {dimension_numbers = #tpu.dot_dimension_numbers<[1], [1], [0], [0], [0, 0, 1, 0], [], []>, transpose_lhs_hint = false} : vector<500x128xbf16>, vector<1024x128xbf16>, vector<500x1024xf32> -> vector<500x1024xf32>
    %get3A_28 = arith.constant 0 : index
    %get3A_29 = arith.constant 0 : index
    %get3A_30 = vector.load %arg7[%get3A_28, %get3A_29] : memref<500x1xf32, #tpu.memory_space<vmem>>, vector<500x1xf32>
    %add3A_31 = vector.broadcast %get3A_30 : vector<500x1xf32> to vector<500x1024xf32>
    %add3A_32 = arith.addf %dot_general3A_27, %add3A_31 : vector<500x1024xf32>
    %swap3A = arith.constant 0 : index
    %swap3A_33 = arith.constant 0 : index
    %swap3A_34 = vector.load %arg13[%swap3A, %swap3A_33] : memref<500x1024xf32, #tpu.memory_space<vmem>>, vector<500x1024xf32>
    tpu.vector_store %arg13[%swap3A, %swap3A_33], %add3A_32 {strides = array<i32>} : memref<500x1024xf32, #tpu.memory_space<vmem>>, vector<500x1024xf32>,
    %get3A_35 = arith.constant 0 : index
    %get3A_36 = arith.constant 0 : index
    %get3A_37 = vector.load %arg8[%get3A_35, %get3A_36] : memref<128x128xbf16, #tpu.memory_space<vmem>>, vector<128x128xbf16>
    %dot_general3A_38 = arith.constant dense<0.000000e+00> : vector<1024x128xf32>
    %dot_general3A_39 = tpu.matmul %convert_element_type3A, %get3A_37, %dot_general3A_38 {dimension_numbers = #tpu.dot_dimension_numbers<[1], [0], [0], [1], [0, 0, 1, 1], [], []>, transpose_lhs_hint = false} : vector<1024x128xbf16>, vector<128x128xbf16>, vector<1024x128xf32> -> vector<1024x128xf32>
    %get3A_40 = arith.constant 0 : index
    %get3A_41 = arith.constant 0 : index
    %get3A_42 = vector.load %arg9[%get3A_40, %get3A_41] : memref<128x128xbf16, #tpu.memory_space<vmem>>, vector<128x128xbf16>
    %dot_general3A_43 = arith.constant dense<0.000000e+00> : vector<1024x128xf32>
    %dot_general3A_44 = tpu.matmul %convert_element_type3A_5, %get3A_42, %dot_general3A_43 {dimension_numbers = #tpu.dot_dimension_numbers<[1], [0], [0], [1], [0, 0, 1, 1], [], []>, transpose_lhs_hint = false} : vector<1024x128xbf16>, vector<128x128xbf16>, vector<1024x128xf32> -> vector<1024x128xf32>
    %add3A_45 = arith.addf %dot_general3A_39, %dot_general3A_44 : vector<1024x128xf32>
    %get3A_46 = arith.constant 0 : index
    %get3A_47 = arith.constant 0 : index
    %get3A_48 = vector.load %arg10[%get3A_46, %get3A_47] : memref<1x128xf32, #tpu.memory_space<vmem>>, vector<1x128xf32>
    %add3A_49 = vector.broadcast %get3A_48 : vector<1x128xf32> to vector<1024x128xf32>
    %add3A_50 = arith.addf %add3A_45, %add3A_49 : vector<1024x128xf32>
    %max3A_51 = arith.constant 0.000000e+00 : f32
    %max3A_52 = vector.broadcast %max3A_51 : f32 to vector<1024x128xf32>
    %max3A_53 = arith.maximumf %add3A_50, %max3A_52 : vector<1024x128xf32>
    %get3A_54 = arith.constant 0 : index
    %get3A_55 = arith.constant 0 : index
    %get3A_56 = vector.load %arg11[%get3A_54, %get3A_55] : memref<2000x128xbf16, #tpu.memory_space<vmem>>, vector<2000x128xbf16>
    %convert_element_type3A_57 = arith.truncf %max3A_53 : vector<1024x128xf32> to vector<1024x128xbf16>
    %dot_general3A_58 = arith.constant dense<0.000000e+00> : vector<2000x1024xf32>
    %dot_general3A_59 = tpu.matmul %get3A_56, %convert_element_type3A_57, %dot_general3A_58 {dimension_numbers = #tpu.dot_dimension_numbers<[1], [1], [0], [0], [0, 0, 1, 0], [], []>, transpose_lhs_hint = false} : vector<2000x128xbf16>, vector<1024x128xbf16>, vector<2000x1024xf32> -> vector<2000x1024xf32>
    %get3A_60 = arith.constant 0 : index
    %get3A_61 = arith.constant 0 : index
    %get3A_62 = vector.load %arg12[%get3A_60, %get3A_61] : memref<2000x1xf32, #tpu.memory_space<vmem>>, vector<2000x1xf32>
    %add3A_63 = vector.broadcast %get3A_62 : vector<2000x1xf32> to vector<2000x1024xf32>
    %add3A_64 = arith.addf %dot_general3A_59, %add3A_63 : vector<2000x1024xf32>
    %swap3A_65 = arith.constant 0 : index
    %swap3A_66 = arith.constant 0 : index
    %swap3A_67 = vector.load %arg14[%swap3A_65, %swap3A_66] : memref<2000x1024xf32, #tpu.memory_space<vmem>>, vector<2000x1024xf32>
    tpu.vector_store %arg14[%swap3A_65, %swap3A_66], %add3A_64 {strides = array<i32>} : memref<2000x1024xf32, #tpu.memory_space<vmem>>, vector<2000x1024xf32>,
    return
  }
  func.func @transform_0(%arg0: i32) -> (i32, i32) {
    %c0_i32 = arith.constant 0 : i32
    %c0_i32_0 = arith.constant 0 : i32
    return %arg0, %c0_i32 : i32, i32
  }
  func.func @transform_1(%arg0: i32) -> (i32, i32) {
    %c0_i32 = arith.constant 0 : i32
    %c0_i32_0 = arith.constant 0 : i32
    return %arg0, %c0_i32 : i32, i32
  }
  func.func @transform_2(%arg0: i32) -> (i32, i32) {
    %c0_i32 = arith.constant 0 : i32
    %c0_i32_0 = arith.constant 0 : i32
    %c0_i32_1 = arith.constant 0 : i32
    return %c0_i32, %c0_i32_0 : i32, i32
  }
  func.func @transform_3(%arg0: i32) -> (i32, i32) {
    %c0_i32 = arith.constant 0 : i32
    %c0_i32_0 = arith.constant 0 : i32
    %c0_i32_1 = arith.constant 0 : i32
    return %c0_i32, %c0_i32_0 : i32, i32
  }
  func.func @transform_4(%arg0: i32) -> (i32, i32) {
    %c0_i32 = arith.constant 0 : i32
    %c0_i32_0 = arith.constant 0 : i32
    %c0_i32_1 = arith.constant 0 : i32
    return %c0_i32, %c0_i32_0 : i32, i32
  }
  func.func @transform_5(%arg0: i32) -> (i32, i32) {
    %c0_i32 = arith.constant 0 : i32
    %c0_i32_0 = arith.constant 0 : i32
    %c0_i32_1 = arith.constant 0 : i32
    return %c0_i32, %c0_i32_0 : i32, i32
  }
  func.func @transform_6(%arg0: i32) -> (i32, i32) {
    %c0_i32 = arith.constant 0 : i32
    %c0_i32_0 = arith.constant 0 : i32
    %c0_i32_1 = arith.constant 0 : i32
    return %c0_i32, %c0_i32_0 : i32, i32
  }
  func.func @transform_7(%arg0: i32) -> (i32, i32) {
    %c0_i32 = arith.constant 0 : i32
    %c0_i32_0 = arith.constant 0 : i32
    %c0_i32_1 = arith.constant 0 : i32
    return %c0_i32, %c0_i32_0 : i32, i32
  }
  func.func @transform_8(%arg0: i32) -> (i32, i32) {
    %c0_i32 = arith.constant 0 : i32
    %c0_i32_0 = arith.constant 0 : i32
    %c0_i32_1 = arith.constant 0 : i32
    return %c0_i32, %c0_i32_0 : i32, i32
  }
  func.func @transform_9(%arg0: i32) -> (i32, i32) {
    %c0_i32 = arith.constant 0 : i32
    %c0_i32_0 = arith.constant 0 : i32
    %c0_i32_1 = arith.constant 0 : i32
    return %c0_i32, %c0_i32_0 : i32, i32
  }
  func.func @transform_10(%arg0: i32) -> (i32, i32) {
    %c0_i32 = arith.constant 0 : i32
    %c0_i32_0 = arith.constant 0 : i32
    %c0_i32_1 = arith.constant 0 : i32
    return %c0_i32, %c0_i32_0 : i32, i32
  }
  func.func @transform_11(%arg0: i32) -> (i32, i32) {
    %c0_i32 = arith.constant 0 : i32
    %c0_i32_0 = arith.constant 0 : i32
    %c0_i32_1 = arith.constant 0 : i32
    return %c0_i32, %c0_i32_0 : i32, i32
  }
  func.func @transform_12(%arg0: i32) -> (i32, i32) {
    %c0_i32 = arith.constant 0 : i32
    %c0_i32_0 = arith.constant 0 : i32
    return %c0_i32, %arg0 : i32, i32
  }
  func.func @transform_13(%arg0: i32) -> (i32, i32) {
    %c0_i32 = arith.constant 0 : i32
    %c0_i32_0 = arith.constant 0 : i32
    return %c0_i32, %arg0 : i32, i32
  }
}

module attributes {stable_mosaic.version = 14 : i64} {
  func.func @_topo_body(%arg0: i32, %arg1: memref<10240x128xf32, #tpu.memory_space<vmem>>, %arg2: memref<10240x128xf32, #tpu.memory_space<vmem>>, %arg3: memref<128x128xbf16, #tpu.memory_space<vmem>>, %arg4: memref<128x128xbf16, #tpu.memory_space<vmem>>, %arg5: memref<1x128xf32, #tpu.memory_space<vmem>>, %arg6: memref<1x128xf32, #tpu.memory_space<vmem>>, %arg7: memref<1x1xf32, #tpu.memory_space<vmem>>, %arg8: memref<10240xf32, #tpu.memory_space<vmem>>) attributes {dimension_semantics = [#tpu.dimension_semantics<arbitrary>], iteration_bounds = array<i64: 20>, scalar_prefetch = 0 : i64, scratch_operands = 0 : i64, tpu.core_type = #tpu.core_type<tc>, window_params = [{transform_indices = @transform_0, window_bounds = array<i64: 10240, 128>}, {transform_indices = @transform_1, window_bounds = array<i64: 10240, 128>}, {pipeline_mode = #tpu.pipeline_mode<synchronous>, transform_indices = @transform_2, window_bounds = array<i64: 128, 128>}, {pipeline_mode = #tpu.pipeline_mode<synchronous>, transform_indices = @transform_3, window_bounds = array<i64: 128, 128>}, {pipeline_mode = #tpu.pipeline_mode<synchronous>, transform_indices = @transform_4, window_bounds = array<i64: 1, 128>}, {pipeline_mode = #tpu.pipeline_mode<synchronous>, transform_indices = @transform_5, window_bounds = array<i64: 1, 128>}, {pipeline_mode = #tpu.pipeline_mode<synchronous>, transform_indices = @transform_6, window_bounds = array<i64: 1, 1>}, {transform_indices = @transform_7, window_bounds = array<i64: 10240>}]} {
    %get3A = arith.constant 0 : index
    %get3A_0 = arith.constant 0 : index
    %get3A_1 = vector.load %arg1[%get3A, %get3A_0] : memref<10240x128xf32, #tpu.memory_space<vmem>>, vector<10240x128xf32>
    %convert_element_type3A = arith.truncf %get3A_1 : vector<10240x128xf32> to vector<10240x128xbf16>
    %get3A_2 = arith.constant 0 : index
    %get3A_3 = arith.constant 0 : index
    %get3A_4 = vector.load %arg3[%get3A_2, %get3A_3] : memref<128x128xbf16, #tpu.memory_space<vmem>>, vector<128x128xbf16>
    %dot_general3A = arith.constant dense<0.000000e+00> : vector<10240x128xf32>
    %dot_general3A_5 = tpu.matmul %convert_element_type3A, %get3A_4, %dot_general3A {dimension_numbers = #tpu.dot_dimension_numbers<[1], [0], [0], [1], [0, 0, 1, 1], [], []>, transpose_lhs_hint = false} : vector<10240x128xbf16>, vector<128x128xbf16>, vector<10240x128xf32> -> vector<10240x128xf32>
    %get3A_6 = arith.constant 0 : index
    %get3A_7 = arith.constant 0 : index
    %get3A_8 = vector.load %arg2[%get3A_6, %get3A_7] : memref<10240x128xf32, #tpu.memory_space<vmem>>, vector<10240x128xf32>
    %convert_element_type3A_9 = arith.truncf %get3A_8 : vector<10240x128xf32> to vector<10240x128xbf16>
    %get3A_10 = arith.constant 0 : index
    %get3A_11 = arith.constant 0 : index
    %get3A_12 = vector.load %arg4[%get3A_10, %get3A_11] : memref<128x128xbf16, #tpu.memory_space<vmem>>, vector<128x128xbf16>
    %dot_general3A_13 = arith.constant dense<0.000000e+00> : vector<10240x128xf32>
    %dot_general3A_14 = tpu.matmul %convert_element_type3A_9, %get3A_12, %dot_general3A_13 {dimension_numbers = #tpu.dot_dimension_numbers<[1], [0], [0], [1], [0, 0, 1, 1], [], []>, transpose_lhs_hint = false} : vector<10240x128xbf16>, vector<128x128xbf16>, vector<10240x128xf32> -> vector<10240x128xf32>
    %add3A = arith.addf %dot_general3A_5, %dot_general3A_14 : vector<10240x128xf32>
    %get3A_15 = arith.constant 0 : index
    %get3A_16 = arith.constant 0 : index
    %get3A_17 = vector.load %arg5[%get3A_15, %get3A_16] : memref<1x128xf32, #tpu.memory_space<vmem>>, vector<1x128xf32>
    %add3A_18 = vector.broadcast %get3A_17 : vector<1x128xf32> to vector<10240x128xf32>
    %add3A_19 = arith.addf %add3A, %add3A_18 : vector<10240x128xf32>
    %max3A = arith.constant 0.000000e+00 : f32
    %max3A_20 = vector.broadcast %max3A : f32 to vector<10240x128xf32>
    %max3A_21 = arith.maximumf %add3A_19, %max3A_20 : vector<10240x128xf32>
    %get3A_22 = arith.constant 0 : index
    %get3A_23 = arith.constant 0 : index
    %get3A_24 = vector.load %arg6[%get3A_22, %get3A_23] : memref<1x128xf32, #tpu.memory_space<vmem>>, vector<1x128xf32>
    %convert_element_type3A_25 = arith.truncf %get3A_24 : vector<1x128xf32> to vector<1x128xbf16>
    %convert_element_type3A_26 = arith.truncf %max3A_21 : vector<10240x128xf32> to vector<10240x128xbf16>
    %dot_general3A_27 = arith.constant dense<0.000000e+00> : vector<1x10240xf32>
    %dot_general3A_28 = tpu.matmul %convert_element_type3A_25, %convert_element_type3A_26, %dot_general3A_27 {dimension_numbers = #tpu.dot_dimension_numbers<[1], [1], [0], [0], [0, 0, 1, 0], [], []>, transpose_lhs_hint = false} : vector<1x128xbf16>, vector<10240x128xbf16>, vector<1x10240xf32> -> vector<1x10240xf32>
    %get3A_29 = arith.constant 0 : index
    %get3A_30 = arith.constant 0 : index
    %get3A_31 = vector.load %arg7[%get3A_29, %get3A_30] : memref<1x1xf32, #tpu.memory_space<vmem>>, vector<1x1xf32>
    %add3A_32 = vector.broadcast %get3A_31 : vector<1x1xf32> to vector<1x10240xf32>
    %add3A_33 = arith.addf %dot_general3A_28, %add3A_32 : vector<1x10240xf32>
    %reshape3A = vector.shape_cast %add3A_33 : vector<1x10240xf32> to vector<10240xf32>
    %swap3A = arith.constant 0 : index
    %swap3A_34 = vector.load %arg8[%swap3A] : memref<10240xf32, #tpu.memory_space<vmem>>, vector<10240xf32>
    tpu.vector_store %arg8[%swap3A], %reshape3A {strides = array<i32>} : memref<10240xf32, #tpu.memory_space<vmem>>, vector<10240xf32>,
    return
  }
  func.func @transform_0(%arg0: i32) -> (i32, i32) {
    %add3A = arith.constant 20 : i32
    %add3A_0 = arith.addi %arg0, %add3A : i32
    %c0_i32 = arith.constant 0 : i32
    %c0_i32_1 = arith.constant 0 : i32
    return %add3A_0, %c0_i32 : i32, i32
  }
  func.func @transform_1(%arg0: i32) -> (i32, i32) {
    %c0_i32 = arith.constant 0 : i32
    %c0_i32_0 = arith.constant 0 : i32
    return %arg0, %c0_i32 : i32, i32
  }
  func.func @transform_2(%arg0: i32) -> (i32, i32) {
    %c0_i32 = arith.constant 0 : i32
    %c0_i32_0 = arith.constant 0 : i32
    %c0_i32_1 = arith.constant 0 : i32
    return %c0_i32, %c0_i32_0 : i32, i32
  }
  func.func @transform_3(%arg0: i32) -> (i32, i32) {
    %c0_i32 = arith.constant 0 : i32
    %c0_i32_0 = arith.constant 0 : i32
    %c0_i32_1 = arith.constant 0 : i32
    return %c0_i32, %c0_i32_0 : i32, i32
  }
  func.func @transform_4(%arg0: i32) -> (i32, i32) {
    %c0_i32 = arith.constant 0 : i32
    %c0_i32_0 = arith.constant 0 : i32
    %c0_i32_1 = arith.constant 0 : i32
    return %c0_i32, %c0_i32_0 : i32, i32
  }
  func.func @transform_5(%arg0: i32) -> (i32, i32) {
    %c0_i32 = arith.constant 0 : i32
    %c0_i32_0 = arith.constant 0 : i32
    %c0_i32_1 = arith.constant 0 : i32
    return %c0_i32, %c0_i32_0 : i32, i32
  }
  func.func @transform_6(%arg0: i32) -> (i32, i32) {
    %c0_i32 = arith.constant 0 : i32
    %c0_i32_0 = arith.constant 0 : i32
    %c0_i32_1 = arith.constant 0 : i32
    return %c0_i32, %c0_i32_0 : i32, i32
  }
  func.func @transform_7(%arg0: i32) -> i32 {
    %c0_i32 = arith.constant 0 : i32
    return %arg0 : i32
  }
}

module attributes {stable_mosaic.version = 14 : i64} {
  func.func @_topo_body(%arg0: i32, %arg1: memref<10240x128xf32, #tpu.memory_space<vmem>>, %arg2: memref<10240x128xf32, #tpu.memory_space<vmem>>, %arg3: memref<128x128xbf16, #tpu.memory_space<vmem>>, %arg4: memref<128x128xbf16, #tpu.memory_space<vmem>>, %arg5: memref<1x128xf32, #tpu.memory_space<vmem>>, %arg6: memref<1x128xf32, #tpu.memory_space<vmem>>, %arg7: memref<1x1xf32, #tpu.memory_space<vmem>>, %arg8: memref<10240xf32, #tpu.memory_space<vmem>>) attributes {dimension_semantics = [#tpu.dimension_semantics<arbitrary>], iteration_bounds = array<i64: 20>, scalar_prefetch = 0 : i64, scratch_operands = 0 : i64, tpu.core_type = #tpu.core_type<tc>, window_params = [{transform_indices = @transform_0, window_bounds = array<i64: 10240, 128>}, {transform_indices = @transform_1, window_bounds = array<i64: 10240, 128>}, {pipeline_mode = #tpu.pipeline_mode<synchronous>, transform_indices = @transform_2, window_bounds = array<i64: 128, 128>}, {pipeline_mode = #tpu.pipeline_mode<synchronous>, transform_indices = @transform_3, window_bounds = array<i64: 128, 128>}, {pipeline_mode = #tpu.pipeline_mode<synchronous>, transform_indices = @transform_4, window_bounds = array<i64: 1, 128>}, {pipeline_mode = #tpu.pipeline_mode<synchronous>, transform_indices = @transform_5, window_bounds = array<i64: 1, 128>}, {pipeline_mode = #tpu.pipeline_mode<synchronous>, transform_indices = @transform_6, window_bounds = array<i64: 1, 1>}, {transform_indices = @transform_7, window_bounds = array<i64: 10240>}]} {
    %get3A = arith.constant 0 : index
    %get3A_0 = arith.constant 0 : index
    %get3A_1 = vector.load %arg1[%get3A, %get3A_0] : memref<10240x128xf32, #tpu.memory_space<vmem>>, vector<10240x128xf32>
    %convert_element_type3A = arith.truncf %get3A_1 : vector<10240x128xf32> to vector<10240x128xbf16>
    %get3A_2 = arith.constant 0 : index
    %get3A_3 = arith.constant 0 : index
    %get3A_4 = vector.load %arg3[%get3A_2, %get3A_3] : memref<128x128xbf16, #tpu.memory_space<vmem>>, vector<128x128xbf16>
    %dot_general3A = arith.constant dense<0.000000e+00> : vector<10240x128xf32>
    %dot_general3A_5 = tpu.matmul %convert_element_type3A, %get3A_4, %dot_general3A {dimension_numbers = #tpu.dot_dimension_numbers<[1], [0], [0], [1], [0, 0, 1, 1], [], []>, transpose_lhs_hint = false} : vector<10240x128xbf16>, vector<128x128xbf16>, vector<10240x128xf32> -> vector<10240x128xf32>
    %get3A_6 = arith.constant 0 : index
    %get3A_7 = arith.constant 0 : index
    %get3A_8 = vector.load %arg2[%get3A_6, %get3A_7] : memref<10240x128xf32, #tpu.memory_space<vmem>>, vector<10240x128xf32>
    %convert_element_type3A_9 = arith.truncf %get3A_8 : vector<10240x128xf32> to vector<10240x128xbf16>
    %get3A_10 = arith.constant 0 : index
    %get3A_11 = arith.constant 0 : index
    %get3A_12 = vector.load %arg4[%get3A_10, %get3A_11] : memref<128x128xbf16, #tpu.memory_space<vmem>>, vector<128x128xbf16>
    %dot_general3A_13 = arith.constant dense<0.000000e+00> : vector<10240x128xf32>
    %dot_general3A_14 = tpu.matmul %convert_element_type3A_9, %get3A_12, %dot_general3A_13 {dimension_numbers = #tpu.dot_dimension_numbers<[1], [0], [0], [1], [0, 0, 1, 1], [], []>, transpose_lhs_hint = false} : vector<10240x128xbf16>, vector<128x128xbf16>, vector<10240x128xf32> -> vector<10240x128xf32>
    %add3A = arith.addf %dot_general3A_5, %dot_general3A_14 : vector<10240x128xf32>
    %get3A_15 = arith.constant 0 : index
    %get3A_16 = arith.constant 0 : index
    %get3A_17 = vector.load %arg5[%get3A_15, %get3A_16] : memref<1x128xf32, #tpu.memory_space<vmem>>, vector<1x128xf32>
    %add3A_18 = vector.broadcast %get3A_17 : vector<1x128xf32> to vector<10240x128xf32>
    %add3A_19 = arith.addf %add3A, %add3A_18 : vector<10240x128xf32>
    %max3A = arith.constant 0.000000e+00 : f32
    %max3A_20 = vector.broadcast %max3A : f32 to vector<10240x128xf32>
    %max3A_21 = arith.maximumf %add3A_19, %max3A_20 : vector<10240x128xf32>
    %get3A_22 = arith.constant 0 : index
    %get3A_23 = arith.constant 0 : index
    %get3A_24 = vector.load %arg6[%get3A_22, %get3A_23] : memref<1x128xf32, #tpu.memory_space<vmem>>, vector<1x128xf32>
    %convert_element_type3A_25 = arith.truncf %get3A_24 : vector<1x128xf32> to vector<1x128xbf16>
    %convert_element_type3A_26 = arith.truncf %max3A_21 : vector<10240x128xf32> to vector<10240x128xbf16>
    %dot_general3A_27 = arith.constant dense<0.000000e+00> : vector<1x10240xf32>
    %dot_general3A_28 = tpu.matmul %convert_element_type3A_25, %convert_element_type3A_26, %dot_general3A_27 {dimension_numbers = #tpu.dot_dimension_numbers<[1], [1], [0], [0], [0, 0, 1, 0], [], []>, transpose_lhs_hint = false} : vector<1x128xbf16>, vector<10240x128xbf16>, vector<1x10240xf32> -> vector<1x10240xf32>
    %get3A_29 = arith.constant 0 : index
    %get3A_30 = arith.constant 0 : index
    %get3A_31 = vector.load %arg7[%get3A_29, %get3A_30] : memref<1x1xf32, #tpu.memory_space<vmem>>, vector<1x1xf32>
    %add3A_32 = vector.broadcast %get3A_31 : vector<1x1xf32> to vector<1x10240xf32>
    %add3A_33 = arith.addf %dot_general3A_28, %add3A_32 : vector<1x10240xf32>
    %reshape3A = vector.shape_cast %add3A_33 : vector<1x10240xf32> to vector<10240xf32>
    %swap3A = arith.constant 0 : index
    %swap3A_34 = vector.load %arg8[%swap3A] : memref<10240xf32, #tpu.memory_space<vmem>>, vector<10240xf32>
    tpu.vector_store %arg8[%swap3A], %reshape3A {strides = array<i32>} : memref<10240xf32, #tpu.memory_space<vmem>>, vector<10240xf32>,
    return
  }
  func.func @transform_0(%arg0: i32) -> (i32, i32) {
    %add3A = arith.constant 0 : i32
    %add3A_0 = arith.addi %arg0, %add3A : i32
    %c0_i32 = arith.constant 0 : i32
    %c0_i32_1 = arith.constant 0 : i32
    return %add3A_0, %c0_i32 : i32, i32
  }
  func.func @transform_1(%arg0: i32) -> (i32, i32) {
    %c0_i32 = arith.constant 0 : i32
    %c0_i32_0 = arith.constant 0 : i32
    return %arg0, %c0_i32 : i32, i32
  }
  func.func @transform_2(%arg0: i32) -> (i32, i32) {
    %c0_i32 = arith.constant 0 : i32
    %c0_i32_0 = arith.constant 0 : i32
    %c0_i32_1 = arith.constant 0 : i32
    return %c0_i32, %c0_i32_0 : i32, i32
  }
  func.func @transform_3(%arg0: i32) -> (i32, i32) {
    %c0_i32 = arith.constant 0 : i32
    %c0_i32_0 = arith.constant 0 : i32
    %c0_i32_1 = arith.constant 0 : i32
    return %c0_i32, %c0_i32_0 : i32, i32
  }
  func.func @transform_4(%arg0: i32) -> (i32, i32) {
    %c0_i32 = arith.constant 0 : i32
    %c0_i32_0 = arith.constant 0 : i32
    %c0_i32_1 = arith.constant 0 : i32
    return %c0_i32, %c0_i32_0 : i32, i32
  }
  func.func @transform_5(%arg0: i32) -> (i32, i32) {
    %c0_i32 = arith.constant 0 : i32
    %c0_i32_0 = arith.constant 0 : i32
    %c0_i32_1 = arith.constant 0 : i32
    return %c0_i32, %c0_i32_0 : i32, i32
  }
  func.func @transform_6(%arg0: i32) -> (i32, i32) {
    %c0_i32 = arith.constant 0 : i32
    %c0_i32_0 = arith.constant 0 : i32
    %c0_i32_1 = arith.constant 0 : i32
    return %c0_i32, %c0_i32_0 : i32, i32
  }
  func.func @transform_7(%arg0: i32) -> i32 {
    %c0_i32 = arith.constant 0 : i32
    return %arg0 : i32
  }
}

module attributes {stable_mosaic.version = 14 : i64} {
  func.func @_assm_body(%arg0: i32, %arg1: memref<10240x128xf32, #tpu.memory_space<vmem>>, %arg2: memref<10240x128xf32, #tpu.memory_space<vmem>>, %arg3: memref<128x128xbf16, #tpu.memory_space<vmem>>, %arg4: memref<1x128xf32, #tpu.memory_space<vmem>>, %arg5: memref<1x128xbf16, #tpu.memory_space<vmem>>, %arg6: memref<1x1xf32, #tpu.memory_space<vmem>>, %arg7: memref<10240xf32, #tpu.memory_space<vmem>>) attributes {dimension_semantics = [#tpu.dimension_semantics<arbitrary>], iteration_bounds = array<i64: 20>, scalar_prefetch = 0 : i64, scratch_operands = 0 : i64, tpu.core_type = #tpu.core_type<tc>, window_params = [{transform_indices = @transform_0, window_bounds = array<i64: 10240, 128>}, {transform_indices = @transform_1, window_bounds = array<i64: 10240, 128>}, {pipeline_mode = #tpu.pipeline_mode<synchronous>, transform_indices = @transform_2, window_bounds = array<i64: 128, 128>}, {pipeline_mode = #tpu.pipeline_mode<synchronous>, transform_indices = @transform_3, window_bounds = array<i64: 1, 128>}, {pipeline_mode = #tpu.pipeline_mode<synchronous>, transform_indices = @transform_4, window_bounds = array<i64: 1, 128>}, {pipeline_mode = #tpu.pipeline_mode<synchronous>, transform_indices = @transform_5, window_bounds = array<i64: 1, 1>}, {transform_indices = @transform_6, window_bounds = array<i64: 10240>}]} {
    %get3A = arith.constant 0 : index
    %get3A_0 = arith.constant 0 : index
    %get3A_1 = vector.load %arg1[%get3A, %get3A_0] : memref<10240x128xf32, #tpu.memory_space<vmem>>, vector<10240x128xf32>
    %convert_element_type3A = arith.truncf %get3A_1 : vector<10240x128xf32> to vector<10240x128xbf16>
    %get3A_2 = arith.constant 0 : index
    %get3A_3 = arith.constant 0 : index
    %get3A_4 = vector.load %arg3[%get3A_2, %get3A_3] : memref<128x128xbf16, #tpu.memory_space<vmem>>, vector<128x128xbf16>
    %dot_general3A = arith.constant dense<0.000000e+00> : vector<10240x128xf32>
    %dot_general3A_5 = tpu.matmul %convert_element_type3A, %get3A_4, %dot_general3A {dimension_numbers = #tpu.dot_dimension_numbers<[1], [0], [0], [1], [0, 0, 1, 1], [], []>, transpose_lhs_hint = false} : vector<10240x128xbf16>, vector<128x128xbf16>, vector<10240x128xf32> -> vector<10240x128xf32>
    %get3A_6 = arith.constant 0 : index
    %get3A_7 = arith.constant 0 : index
    %get3A_8 = vector.load %arg4[%get3A_6, %get3A_7] : memref<1x128xf32, #tpu.memory_space<vmem>>, vector<1x128xf32>
    %add3A = vector.broadcast %get3A_8 : vector<1x128xf32> to vector<10240x128xf32>
    %add3A_9 = arith.addf %dot_general3A_5, %add3A : vector<10240x128xf32>
    %get3A_10 = arith.constant 0 : index
    %get3A_11 = arith.constant 0 : index
    %get3A_12 = vector.load %arg2[%get3A_10, %get3A_11] : memref<10240x128xf32, #tpu.memory_space<vmem>>, vector<10240x128xf32>
    %mul3A = arith.mulf %add3A_9, %get3A_12 : vector<10240x128xf32>
    %get3A_13 = arith.constant 0 : index
    %get3A_14 = arith.constant 0 : index
    %get3A_15 = vector.load %arg5[%get3A_13, %get3A_14] : memref<1x128xbf16, #tpu.memory_space<vmem>>, vector<1x128xbf16>
    %convert_element_type3A_16 = arith.truncf %mul3A : vector<10240x128xf32> to vector<10240x128xbf16>
    %dot_general3A_17 = arith.constant dense<0.000000e+00> : vector<1x10240xf32>
    %dot_general3A_18 = tpu.matmul %get3A_15, %convert_element_type3A_16, %dot_general3A_17 {dimension_numbers = #tpu.dot_dimension_numbers<[1], [1], [0], [0], [0, 0, 1, 0], [], []>, transpose_lhs_hint = false} : vector<1x128xbf16>, vector<10240x128xbf16>, vector<1x10240xf32> -> vector<1x10240xf32>
    %reshape3A = vector.shape_cast %dot_general3A_18 : vector<1x10240xf32> to vector<10240xf32>
    %swap3A = arith.constant 0 : index
    %swap3A_19 = vector.load %arg7[%swap3A] : memref<10240xf32, #tpu.memory_space<vmem>>, vector<10240xf32>
    tpu.vector_store %arg7[%swap3A], %reshape3A {strides = array<i32>} : memref<10240xf32, #tpu.memory_space<vmem>>, vector<10240xf32>,
    return
  }
  func.func @transform_0(%arg0: i32) -> (i32, i32) {
    %add3A = arith.constant 20 : i32
    %add3A_0 = arith.addi %arg0, %add3A : i32
    %c0_i32 = arith.constant 0 : i32
    %c0_i32_1 = arith.constant 0 : i32
    return %add3A_0, %c0_i32 : i32, i32
  }
  func.func @transform_1(%arg0: i32) -> (i32, i32) {
    %c0_i32 = arith.constant 0 : i32
    %c0_i32_0 = arith.constant 0 : i32
    return %arg0, %c0_i32 : i32, i32
  }
  func.func @transform_2(%arg0: i32) -> (i32, i32) {
    %c0_i32 = arith.constant 0 : i32
    %c0_i32_0 = arith.constant 0 : i32
    %c0_i32_1 = arith.constant 0 : i32
    return %c0_i32, %c0_i32_0 : i32, i32
  }
  func.func @transform_3(%arg0: i32) -> (i32, i32) {
    %c0_i32 = arith.constant 0 : i32
    %c0_i32_0 = arith.constant 0 : i32
    %c0_i32_1 = arith.constant 0 : i32
    return %c0_i32, %c0_i32_0 : i32, i32
  }
  func.func @transform_4(%arg0: i32) -> (i32, i32) {
    %c0_i32 = arith.constant 0 : i32
    %c0_i32_0 = arith.constant 0 : i32
    %c0_i32_1 = arith.constant 0 : i32
    return %c0_i32, %c0_i32_0 : i32, i32
  }
  func.func @transform_5(%arg0: i32) -> (i32, i32) {
    %c0_i32 = arith.constant 0 : i32
    %c0_i32_0 = arith.constant 0 : i32
    %c0_i32_1 = arith.constant 0 : i32
    return %c0_i32, %c0_i32_0 : i32, i32
  }
  func.func @transform_6(%arg0: i32) -> i32 {
    %c0_i32 = arith.constant 0 : i32
    return %arg0 : i32
  }
}

module attributes {stable_mosaic.version = 14 : i64} {
  func.func @_assm_body(%arg0: i32, %arg1: memref<10240x128xf32, #tpu.memory_space<vmem>>, %arg2: memref<10240x128xf32, #tpu.memory_space<vmem>>, %arg3: memref<128x128xbf16, #tpu.memory_space<vmem>>, %arg4: memref<1x128xf32, #tpu.memory_space<vmem>>, %arg5: memref<1x128xbf16, #tpu.memory_space<vmem>>, %arg6: memref<1x1xf32, #tpu.memory_space<vmem>>, %arg7: memref<10240xf32, #tpu.memory_space<vmem>>) attributes {dimension_semantics = [#tpu.dimension_semantics<arbitrary>], iteration_bounds = array<i64: 20>, scalar_prefetch = 0 : i64, scratch_operands = 0 : i64, tpu.core_type = #tpu.core_type<tc>, window_params = [{transform_indices = @transform_0, window_bounds = array<i64: 10240, 128>}, {transform_indices = @transform_1, window_bounds = array<i64: 10240, 128>}, {pipeline_mode = #tpu.pipeline_mode<synchronous>, transform_indices = @transform_2, window_bounds = array<i64: 128, 128>}, {pipeline_mode = #tpu.pipeline_mode<synchronous>, transform_indices = @transform_3, window_bounds = array<i64: 1, 128>}, {pipeline_mode = #tpu.pipeline_mode<synchronous>, transform_indices = @transform_4, window_bounds = array<i64: 1, 128>}, {pipeline_mode = #tpu.pipeline_mode<synchronous>, transform_indices = @transform_5, window_bounds = array<i64: 1, 1>}, {transform_indices = @transform_6, window_bounds = array<i64: 10240>}]} {
    %get3A = arith.constant 0 : index
    %get3A_0 = arith.constant 0 : index
    %get3A_1 = vector.load %arg1[%get3A, %get3A_0] : memref<10240x128xf32, #tpu.memory_space<vmem>>, vector<10240x128xf32>
    %convert_element_type3A = arith.truncf %get3A_1 : vector<10240x128xf32> to vector<10240x128xbf16>
    %get3A_2 = arith.constant 0 : index
    %get3A_3 = arith.constant 0 : index
    %get3A_4 = vector.load %arg3[%get3A_2, %get3A_3] : memref<128x128xbf16, #tpu.memory_space<vmem>>, vector<128x128xbf16>
    %dot_general3A = arith.constant dense<0.000000e+00> : vector<10240x128xf32>
    %dot_general3A_5 = tpu.matmul %convert_element_type3A, %get3A_4, %dot_general3A {dimension_numbers = #tpu.dot_dimension_numbers<[1], [0], [0], [1], [0, 0, 1, 1], [], []>, transpose_lhs_hint = false} : vector<10240x128xbf16>, vector<128x128xbf16>, vector<10240x128xf32> -> vector<10240x128xf32>
    %get3A_6 = arith.constant 0 : index
    %get3A_7 = arith.constant 0 : index
    %get3A_8 = vector.load %arg4[%get3A_6, %get3A_7] : memref<1x128xf32, #tpu.memory_space<vmem>>, vector<1x128xf32>
    %add3A = vector.broadcast %get3A_8 : vector<1x128xf32> to vector<10240x128xf32>
    %add3A_9 = arith.addf %dot_general3A_5, %add3A : vector<10240x128xf32>
    %get3A_10 = arith.constant 0 : index
    %get3A_11 = arith.constant 0 : index
    %get3A_12 = vector.load %arg2[%get3A_10, %get3A_11] : memref<10240x128xf32, #tpu.memory_space<vmem>>, vector<10240x128xf32>
    %mul3A = arith.mulf %add3A_9, %get3A_12 : vector<10240x128xf32>
    %get3A_13 = arith.constant 0 : index
    %get3A_14 = arith.constant 0 : index
    %get3A_15 = vector.load %arg5[%get3A_13, %get3A_14] : memref<1x128xbf16, #tpu.memory_space<vmem>>, vector<1x128xbf16>
    %convert_element_type3A_16 = arith.truncf %mul3A : vector<10240x128xf32> to vector<10240x128xbf16>
    %dot_general3A_17 = arith.constant dense<0.000000e+00> : vector<1x10240xf32>
    %dot_general3A_18 = tpu.matmul %get3A_15, %convert_element_type3A_16, %dot_general3A_17 {dimension_numbers = #tpu.dot_dimension_numbers<[1], [1], [0], [0], [0, 0, 1, 0], [], []>, transpose_lhs_hint = false} : vector<1x128xbf16>, vector<10240x128xbf16>, vector<1x10240xf32> -> vector<1x10240xf32>
    %reshape3A = vector.shape_cast %dot_general3A_18 : vector<1x10240xf32> to vector<10240xf32>
    %swap3A = arith.constant 0 : index
    %swap3A_19 = vector.load %arg7[%swap3A] : memref<10240xf32, #tpu.memory_space<vmem>>, vector<10240xf32>
    tpu.vector_store %arg7[%swap3A], %reshape3A {strides = array<i32>} : memref<10240xf32, #tpu.memory_space<vmem>>, vector<10240xf32>,
    return
  }
  func.func @transform_0(%arg0: i32) -> (i32, i32) {
    %add3A = arith.constant 0 : i32
    %add3A_0 = arith.addi %arg0, %add3A : i32
    %c0_i32 = arith.constant 0 : i32
    %c0_i32_1 = arith.constant 0 : i32
    return %add3A_0, %c0_i32 : i32, i32
  }
  func.func @transform_1(%arg0: i32) -> (i32, i32) {
    %c0_i32 = arith.constant 0 : i32
    %c0_i32_0 = arith.constant 0 : i32
    return %arg0, %c0_i32 : i32, i32
  }
  func.func @transform_2(%arg0: i32) -> (i32, i32) {
    %c0_i32 = arith.constant 0 : i32
    %c0_i32_0 = arith.constant 0 : i32
    %c0_i32_1 = arith.constant 0 : i32
    return %c0_i32, %c0_i32_0 : i32, i32
  }
  func.func @transform_3(%arg0: i32) -> (i32, i32) {
    %c0_i32 = arith.constant 0 : i32
    %c0_i32_0 = arith.constant 0 : i32
    %c0_i32_1 = arith.constant 0 : i32
    return %c0_i32, %c0_i32_0 : i32, i32
  }
  func.func @transform_4(%arg0: i32) -> (i32, i32) {
    %c0_i32 = arith.constant 0 : i32
    %c0_i32_0 = arith.constant 0 : i32
    %c0_i32_1 = arith.constant 0 : i32
    return %c0_i32, %c0_i32_0 : i32, i32
  }
  func.func @transform_5(%arg0: i32) -> (i32, i32) {
    %c0_i32 = arith.constant 0 : i32
    %c0_i32_0 = arith.constant 0 : i32
    %c0_i32_1 = arith.constant 0 : i32
    return %c0_i32, %c0_i32_0 : i32, i32
  }
  func.func @transform_6(%arg0: i32) -> i32 {
    %c0_i32 = arith.constant 0 : i32
    return %arg0 : i32
  }
}

</mosaic_0001>

<sc_bundles>
// kernel: sc_gather_assm1.3.cloned.1.call-start
scs
__scs_entry_jumppad:
0x0: {  	(pc) =	sbr.rel $0x88, $3  }
0x1: {  	(tag) =	ssettag $0x0;
	lr =	simm.s32 $0x1  }
0x2: {  	[smem:$0x3F8B] =	sst lr;
	_ =	strace $0xD0000000  }
0x3: {  	_ = 	snop  }
0x4: {  	_ = 	snop  }
0x5: {  	_ = 	snop  }
0x6: {  	_ = 	snop  }
0x7: {  	_ = 	snop  }
__scs_overlays_trampoline_lowered:
0x8: {  	[smem:$0x3F9A] =	sst s0  }
0x9: {  	[smem:$0x3F9B] =	sst s1  }
0xa: {  	[smem:$0x3F9C] =	sst s2  }
0xb: {  	[smem:$0x3F9D] =	sst s3  }
0xc: {  	[smem:$0x3F9E] =	sst s4  }
0xd: {  	[smem:$0x3F9F] =	sst s5  }
0xe: {  	[smem:$0x3FA0] =	sst s6  }
0xf: {  	[smem:$0x3FA1] =	sst s7  }
0x10: {  	[smem:$0x3FA2] =	sst s8  }
0x11: {  	[smem:$0x3FA3] =	sst s9;
	s0 =	simm.s32 @!p0 $0x0  }
0x12: {  	s1 =	sld [smem:$0x3F89];
	s0 =	simm.s32 @p0 $0x1  }
0x13: {  	[smem:$0x3FA4] =	sst s0;
	s0 =	simm.s32 @!p1 $0x0  }
0x14: {  	s2 =	sld [smem:$0x3F88];
	s0 =	simm.s32 @p1 $0x1  }
0x15: {  	[smem:$0x3FA5] =	sst s0;
	s0 =	simm.s32 @!p2 $0x0  }
0x16: {  	s3 =	sld [smem:$0x3FDB];
	s0 =	simm.s32 @p2 $0x1  }
0x17: {  	s4 =	simm.s32 $0x1BF5;
	[smem:$0x3FA7] =	sst s0  }
0x18: {  	s0 =	sld [smem:$0x3F8A];
	_ =	swait.ge [sflag:s4], $0x0  }
0x19: {  	s7 =	sld [smem:$0x3F8B]  }
0x1a: {  	s8 =	sadd.s32 $0xFFFFE003, lr  }
0x1b: {  	s9 =	sadd.s32 $0xFFFFFEF7, lr;
	s5 =	simm.s32 $0xFFFFFFFF;
	p2 =	slt.u32 s8, $0xFFFFF086  }
0x1c: {  	p1 =	slt.u32 s9, $0xF7A;
	s5 =	simm.s32 @!p2 $0x0  }
0x1d: {  	s5 =	simm.s32 @p1 $0x1;
	p0 =	seq.s32 s7, s2  }
0x1e: {  	s7 =	smul.u32 @!p0 $0xF7A, s2;
	p2 =	seq.s32 @!p0 s5, $0x0  }
0x1f: {  	s9 =	smul.u32 $0xF7A, s1;
	s8 =	simm.s32 @!p0 $0x1BF5;
	p2 =	por !p2, p0  }
0x20: {  	[sflag:s8] =	ssyncset.s32 @!p0 $0xFFFFF086;
	s6 =	sadd.s32 @!p0 s3, s7;
	s7 =	simm.s32 @!p0 $0x108  }
0x21: {  	s3 =	sadd.s32 s3, s9;
	s6 =	sadd.s32 @!p0 $0x88, s6;
	s7 =	simm.s32 @p2 $0x1082  }
0x22: {  	[simem:s7], [sflag:s8] =	dma.local @!p0 [hbm:s6], $0xF7A  }
0x23: {  	s9 =	sor.u32 $0xD0000000, s2;
	s6 =	simm.s32 $0x108;
	_ =	swait.ge @!p0 [sflag:s8], $0x0  }
0x24: {  	s3 =	sadd.s32 $0x88, s3;
	s6 =	simm.s32 @!p1 $0x1082;
	[sflag:s4] =	ssyncset.s32 $0xFFFFF086  }
0x25: {  	[simem:s6], [sflag:s4] =	dma.local [hbm:s3], $0xF7A  }
0x26: {  	[smem:$0x3F8B] =	sst s1;
	(tag) =	ssettag s2;
	_ =	strace s9  }
0x27: {  	s1 =	sld [smem:$0x3F9B]  }
0x28: {  	s2 =	sld [smem:$0x3F9C]  }
0x29: {  	s4 =	sld [smem:$0x3F9E]  }
0x2a: {  	p0 =	seq.s32 s5, $0x0;
	s5 =	sld [smem:$0x3F9F]  }
0x2b: {  	s6 =	sld [smem:$0x3FA0]  }
0x2c: {  	s7 =	sld [smem:$0x3FA1]  }
0x2d: {  	s3 =	simm.s32 $0x108;
	s8 =	sld [smem:$0x3FA2]  }
0x2e: {  	s3 =	simm.s32 @!p0 $0x1082;
	s9 =	sld [smem:$0x3FA3]  }
0x2f: {  	lr =	sadd.s32 s0, s3;
	s0 =	sld [smem:$0x3F9A]  }
0x30: {  	s3 =	sld [smem:$0x3F9D]  }
0x31: {  	[smem:$0x3FA6] =	sst s10  }
0x32: {  	s10 =	sld [smem:$0x3FA4];
	_ =	sdelay $0x3  }
0x33: {  	p0 =	seq.s32 s10, $0x1;
	s10 =	sld [smem:$0x3FA6];
	_ =	sdelay $0x3  }
0x34: {  	[smem:$0x3FA6] =	sst s10  }
0x35: {  	s10 =	sld [smem:$0x3FA5];
	_ =	sdelay $0x3  }
0x36: {  	p1 =	seq.s32 s10, $0x1;
	s10 =	sld [smem:$0x3FA6];
	_ =	sdelay $0x3  }
0x37: {  	[smem:$0x3FA6] =	sst s10  }
0x38: {  	s10 =	sld [smem:$0x3FA7]  }
0x39: {  	_ = 	snop;
	(pc) =	sbr.ind lr, $3  }
0x3a: {  	_ = 	snop  }
0x3b: {  	_ = 	snop  }
0x3c: {  	p2 =	seq.s32 s10, $0x1;
	s10 =	sld [smem:$0x3FA6]  }
0x3d: {  	_ =	shalt  }
0x3e: {  	_ =	shalt  }
0x3f: {  	_ =	shalt  }
0x40: {  	_ =	shalt  }
0x41: {  	_ =	shalt  }
0x42: {  	_ =	shalt  }
0x43: {  	_ =	shalt  }
0x44: {  	_ =	shalt  }
0x45: {  	_ =	shalt  }
0x46: {  	_ =	shalt  }
0x47: {  	_ =	shalt  }
0x48: {  	_ =	shalt  }
0x49: {  	_ =	shalt  }
0x4a: {  	_ =	shalt  }
0x4b: {  	_ =	shalt  }
0x4c: {  	_ =	shalt  }
0x4d: {  	_ =	shalt  }
0x4e: {  	_ =	shalt  }
0x4f: {  	_ =	shalt  }
0x50: {  	_ =	shalt  }
0x51: {  	_ =	shalt  }
0x52: {  	_ =	shalt  }
0x53: {  	_ =	shalt  }
0x54: {  	_ =	shalt  }
0x55: {  	_ =	shalt  }
0x56: {  	_ =	shalt  }
0x57: {  	_ =	shalt  }
0x58: {  	_ =	shalt  }
0x59: {  	_ =	shalt  }
0x5a: {  	_ =	shalt  }
0x5b: {  	_ =	shalt  }
0x5c: {  	_ =	shalt  }
0x5d: {  	_ =	shalt  }
0x5e: {  	_ =	shalt  }
0x5f: {  	_ =	shalt  }
0x60: {  	_ =	shalt  }
0x61: {  	_ =	shalt  }
0x62: {  	_ =	shalt  }
0x63: {  	_ =	shalt  }
0x64: {  	_ =	shalt  }
0x65: {  	_ =	shalt  }
0x66: {  	_ =	shalt  }
0x67: {  	_ =	shalt  }
0x68: {  	_ =	shalt  }
0x69: {  	_ =	shalt  }
0x6a: {  	_ =	shalt  }
0x6b: {  	_ =	shalt  }
0x6c: {  	_ =	shalt  }
0x6d: {  	_ =	shalt  }
0x6e: {  	_ =	shalt  }
0x6f: {  	_ =	shalt  }
0x70: {  	_ =	shalt  }
0x71: {  	_ =	shalt  }
0x72: {  	_ =	shalt  }
0x73: {  	_ =	shalt  }
0x74: {  	_ =	shalt  }
0x75: {  	_ =	shalt  }
0x76: {  	_ =	shalt  }
0x77: {  	_ =	shalt  }
0x78: {  	_ =	shalt  }
0x79: {  	_ =	shalt  }
0x7a: {  	_ =	shalt  }
0x7b: {  	_ =	shalt  }
0x7c: {  	_ =	shalt  }
0x7d: {  	_ =	shalt  }
0x7e: {  	_ =	shalt  }
0x7f: {  	_ =	shalt  }
0x80: {  	_ =	shalt  }
0x81: {  	_ =	shalt  }
0x82: {  	_ =	shalt  }
0x83: {  	_ =	shalt  }
0x84: {  	_ =	shalt  }
0x85: {  	_ =	shalt  }
0x86: {  	_ =	shalt  }
0x87: {  	_ =	shalt  }
.Lfunc_end0:
.L_simem_size_0:
called_computation.2_lowered:
.L_overlay_start_0:
0x88: {  	s2 =	sld [smem:$0x3FD9]  }
0x89: {  	s3 =	sld [smem:$0x3FFE];
	_ =	sdelay $0x1  }
0x8a: {  	s1 =	srdreg.scid  }
0x8b: {  	s0 =	sand.u32 $0x1, s1  }
0x8c: {  	s15 =	sshll.u32 s0, $0xA;
	s2 =	sadd.s32 s3, s2  }
0x8d: {  	s2 =	sadd.s32 s2, s15  }
0x8e: {  	[smem:$0x3FB2] =	sst s2  }
0x8f: {  	_ = 	snop  }
0x90: {  	s16 =	sld [smem:$0x3FD0];
	_ =	sdelay $0x2  }
0x91: {  	s4 =	simm.s32 $0xD;
	s5 =	simm.s32 $0x10;
	s2 =	sld [smem:$0x3FC8]  }
0x92: {  	[smem:s5], [sflag:s4] =	dma.local [hbm:s16], $0x1  }
0x93: {  	_ =	swait.eq [sflag:s4], $0x1  }
0x94: {  	[sflag:s4] =	ssyncset.done $0x0  }
0x95: {  	[sflag:s4] =	ssyncadd.s32 $0xFFFFFFFF  }
0x96: {  	s17 =	sld [smem:$0x13];
	(tm) =	ssettm $0x1  }
0x97: {  	s18 =	sld [smem:$0x3FFB];
	_ =	sdelay $0x3  }
0x98: {  	_ =	strace s18  }
0x99: {  	s3 =	sld [smem:$0x3FFC];
	_ =	sdelay $0x3  }
0x9a: {  	_ =	strace s3  }
0x9b: {  	s3 =	sld [smem:$0x3FFD];
	_ =	sdelay $0x3  }
0x9c: {  	_ =	strace s3  }
0x9d: {  	_ =	strace $0x8FFFFFFF  }
0x9e: {  	s19 =	sld [smem:$0x3FDB];
	_ =	sdelay $0x1  }
0x9f: {  	s20 =	simm.s32 $_scs_section_size  }
0xa0: {  	s6 =	simm.s32 $_size__tile_overlayer_lowered;
	s7 =	simm.s32 $_tile_overlayer_lowered  }
0xa1: {  	s8 =	simm.s32 $0x1BFF;
	s21 =	sshll.u32 s7, $0x1;
	s5 =	sadd.s32 s20, s19  }
0xa2: {  	s22 =	simm.s32 $0x0;
	s6 =	sshll.u32 s6, $0x1;
	s7 =	sadd.s32 s21, s5  }
0xa3: {  	[timem:s22], [sflag:s8] =	dma.local [hbm:s7], s6  }
0xa4: {  	_ =	swait.ge [sflag:s8], s6  }
0xa5: {  	s6 =	ssub.s32 $0x0, s6;
	[sflag:s8] =	ssyncset.done $0x0  }
0xa6: {  	[sflag:s8] =	ssyncadd.s32 s6;
	_ =	sdelay $0x1  }
0xa7: {  	s23 =	simm.s32 $0x1B8B  }
0xa8: {  	_ =	swait.ge [sflag:s23], $0x1  }
0xa9: {  	[sflag:s23] =	ssyncset.done $0x0  }
0xaa: {  	[sflag:s23] =	ssyncadd.s32 $0xFFFFFFFF  }
0xab: {  	s6 =	sld [smem:$0x0]  }
0xac: {  	s7 =	sand.u32 $0xFFFFFFFE, s1  }
0xad: {  	p0 =	sne.s32 s1, s7  }
0xae: {  	s7 =	sshll.u32 @p0 s7, $0xE  }
0xaf: {  	s7 =	sadd.s32 @p0 $0x11B8D, s7;
	s8 =	sshll.u32 @p0 s6, $0x11  }
0xb0: {  	s7 =	sor.u32 @p0 s8, s7  }
0xb1: {  	[sflag:s7] =	ssyncadd.remote.s32 @p0 $0x1;
	_ =	sdelay $0x1  }
0xb2: {  	s7 =	simm.s32 @p0 $0x1B8D  }
0xb3: {  	_ =	swait.eq @p0 [sflag:s7], $0x1  }
0xb4: {  	[sflag:s7] =	ssyncadd.s32 @p0 $0xFFFFFFFF  }
0xb5: {  	s8 =	sshll.u32 @!p0 s1, $0xE  }
0xb6: {  	s8 =	sor.u32 @!p0 $0x4000, s8;
	s7 =	simm.s32 @!p0 $0x1B8D  }
0xb7: {  	s6 =	sshll.u32 @!p0 s6, $0x11;
	s8 =	sadd.s32 @!p0 $0x11B8D, s8;
	_ =	swait.eq @!p0 [sflag:s7], $0x1  }
0xb8: {  	s6 =	sor.u32 @!p0 s6, s8;
	[sflag:s7] =	ssyncadd.s32 @!p0 $0xFFFFFFFF  }
0xb9: {  	s25 =	simm.s32 $0x1B8E;
	s24 =	sld [smem:$0x3FFE];
	[sflag:s6] =	ssyncadd.remote.s32 @!p0 $0x1  }
0xba: {  	s26 =	simm.s32 $execute0_lowered;
	[smem:$0x3FD2] =	sst s25  }
0xbb: {  	s7 =	sshll.u32 s26, $0x1;
	_ =	strace $0x80000052;
	[dreg:$0x1] =	wrdreg $0xFFFFFFFF  }
0xbc: {  	s28 =	simm.s32 $_size_execute0_lowered;
	s5 =	sadd.s32 s5, s7;
	[dreg:$0x0] =	wrdreg $0x0  }
0xbd: {  	s7 =	sshll.u32 s28, $0x1;
	[dreg:$0x2] =	wrdreg s5  }
0xbe: {  	[dreg:$0x3] =	wrdreg s7  }
0xbf: {  	[dreg:$0x4] =	wrdreg $0xC0  }
0xc0: {  	_ =	task [dreg:s22], $0x5FFFF  }
0xc1: {  	[dreg:$0x1] =	wrdreg $0xFFFFFFFF  }
0xc2: {  	[dreg:$0x0] =	wrdreg $0x60  }
0xc3: {  	[dreg:$0x2] =	wrdreg s2  }
0xc4: {  	[dreg:$0x3] =	wrdreg s17  }
0xc5: {  	[dreg:$0x4] =	wrdreg s24  }
0xc6: {  	[dreg:$0x5] =	wrdreg $0xA  }
0xc7: {  	_ =	task.clear_ibuf [dreg:s22], $0x6FFFF;
	_ =	strace $0x90000052  }
0xc8: {  	s29 =	simm.s32 $0xA;
	_ =	strace $0x80000054  }
0xc9: {  	_ =	swait.ge [sflag:s29], $0x1  }
0xca: {  	[sflag:s29] =	ssyncadd.s32 $0xFFFFFFFF  }
0xcb: {  	_ =	strace $0x90000054  }
0xcc: {  	_ =	sfence  }
0xcd: {  	s30 =	sld [smem:$0x0];
	_ =	sdelay $0x2  }
0xce: {  	s31 =	sshll.u32 s1, $0xD;
	s1 =	sshrl.u32 s1, $0x2  }
0xcf: {  	s4 =	sand.u32 $0x4000, s31;
	s1 =	sadd.s32 s1, s30  }
0xd0: {  	s0 =	sor.u32 s4, s0;
	s1 =	sshll.u32 s1, $0x11  }
0xd1: {  	s0 =	sor.u32 s1, s0  }
0xd2: {  	s0 =	sadd.s32 $0x8F2B, s0  }
0xd3: {  	[sflag:s0] =	ssyncadd.remote.s32 $0x1  }
0xd4: {  	_ =	sfence.sel $0xFFFF  }
0xd5: {  	[dreg:$0x0] =	wrdreg $0xFFFFFFFF;
	(pc) =	sbr.abs _section_cstart, $3  }
0xd6: {  	[dreg:$0x1] =	wrdreg $0xFFFFFFFF  }
0xd7: {  	_ =	task.clear_ibuf [dreg:s22], $0x2FFFF;
	_ =	strace $0x9FFFFFFF  }
0xd8: {  	(tm) =	ssettm $0x7FFFFFFF  }
0xd9: {  	_ =	shalt  }
tec
execute0_lowered:
.L_overlay_start_1:
0x0: {  	(tag) =	ssettag $0x1  }
0x1: {  	s1 =	rddreg [dreg:$0x0];
	s2 =	srdreg.scid  }
0x2: {  	s0 =	stileid.u32;
	s8 =	rddreg [dreg:$0x1]  }
0x3: {  	s9 =	rddreg [dreg:$0x2];
	s3 =	simm.s32 $0x0;
	s18 =	simm.s32 $0xC180  }
0x4: {  	s19 =	simm.s32 $0x4;
	s20 =	simm.s32 $0xC300;
	s21 =	simm.s32 $0xC200  }
0x5: {  	s22 =	simm.s32 $0x10300;
	s23 =	simm.s32 $0xC280;
	s11 =	smul.u32 $0x3000, s0  }
0x6: {  	s24 =	simm.s32 $0x14300;
	s7 =	sand.u32 $0x1, s2;
	s14 =	smul.u32 $0x60, s0  }
0x7: {  	s28 =	simm.s32 $0x0;
	s25 =	sshll.u32 s0, $0x1;
	s13 =	smul.u32 $0x1800, s7  }
0x8: {  	[smem:$0x7FF] =	sst s3;
	s25 =	sor.u32 s7, s25;
	s15 =	smul.u32 $0x30, s7  }
0x9: {  	s12 =	sadd.s32 $0x926200, s9;
	_ =	strace $0x80000053;
	s4 =	smul.u32 $0x30, s25  }
0xa: {  	s5 =	ssub.s32 $0x2, s7;
	s7 =	sadd.s32 $0xC45A00, s9;
	s6 =	smul.u32 $0x1800, s25  }
0xb: {  	s10 =	sshrl.u32 s5, $0x1;
	s29 =	sadd.s32 s11, s12;
	s30 =	sadd.s32 s14, s8  }
0xc: {  	s11 =	sor.u32 $0x40, s25;
	s14 =	simm.s32 $0x180;
	p0 =	sgt.u32 s25, $0x14  }
0xd: {  	s10 =	ssub.s32 s5, s10;
	s9 =	sadd.s32 s13, s29;
	s31 =	sadd.s32 s15, s30  }
0xe: {  	s13 =	simm.s32 $0x80;
	p1 =	sne.s32 @!p0 s25, $0x0;
	s25 =	simm.s32 $0x1  }
0xf: {  	s4 =	sadd.s32 s8, s4;
	s26 =	sadd.s32 s6, s12;
	s6 =	sadd.s32 $0x63F0, s8  }
0x10: {  	s8 =	smax.u32 s10, $0x1;
	s10 =	sadd.s32 $0x600, s31;
	s12 =	simm.s32 $0x3  }
0x11: {  	p1 =	por p1, p0;
	s5 =	sadd.s32 $0x300000, s26;
	s26 =	simm.s32 $0x2  }
.LBB2_1:
0x12: {  	[tilespmem:s3], [sflag:$0x3] =	stream.linear.gather [hbm4b:s4+s3], $0x180, $0x38;
	[tilespmem:$0x18300] =	vst v63  }
0x13: {  	_ =	swait.ge [sflag:s12], $0x180  }
0x14: {  	[sflag:s12] =	ssyncset.done $0x0  }
0x15: {  	[sflag:s12] =	ssyncadd.s32 $0xFFFFFE80  }
0x16: {  	[tilespmem:s14], [sflag:$0x1] =	stream.indirect.gather [hbm4b:s1+s13], $0x80, s3, s13, $0xb8;
	[tilespmem:$0x18300] =	vst v63  }
0x17: {  	s0 =	simm.s32 $0x4180  }
0x18: {  	[tilespmem:s0], [sflag:$0x1] =	stream.indirect.gather [hbm4b:s1+s13], $0x80, s13, s13, $0xb8;
	[tilespmem:$0x18300] =	vst v63  }
0x19: {  	s16 =	simm.s32 $0x100;
	s2 =	simm.s32 $0x8180  }
0x1a: {  	[tilespmem:s2], [sflag:$0x1] =	stream.indirect.gather [hbm4b:s1+s13], $0x80, s16, s13, $0xb8;
	[tilespmem:$0x18300] =	vst v63  }
0x1b: {  	_ = 	snop  }
0x1c: {  	[tilespmem:s18], [sflag:$0x4] =	stream.linear.gather [hbm4b:s10+s3], $0x180, $0x38;
	[tilespmem:$0x18300] =	vst v63  }
0x1d: {  	_ =	swait.ge [sflag:s19], $0x180  }
0x1e: {  	[sflag:s19] =	ssyncset.done $0x0  }
0x1f: {  	[sflag:s19] =	ssyncadd.s32 $0xFFFFFE80  }
0x20: {  	[tilespmem:s20], [sflag:$0x2] =	stream.indirect.gather [hbm4b:s1+s13], $0x80, s18, s13, $0xb8;
	[tilespmem:$0x18300] =	vst v63  }
0x21: {  	_ = 	snop  }
0x22: {  	[tilespmem:s22], [sflag:$0x2] =	stream.indirect.gather [hbm4b:s1+s13], $0x80, s21, s13, $0xb8;
	[tilespmem:$0x18300] =	vst v63  }
0x23: {  	_ = 	snop  }
0x24: {  	[tilespmem:s24], [sflag:$0x2] =	stream.indirect.gather [hbm4b:s1+s13], $0x80, s23, s13, $0xb8;
	[tilespmem:$0x18300] =	vst v63  }
0x25: {  	_ =	swait.ge [sflag:s25], $0x4000  }
0x26: {  	[sflag:s25] =	ssyncset.done $0x0  }
0x27: {  	[sflag:s25] =	ssyncadd.s32 $0xFFFFC000  }
0x28: {  	_ =	swait.ge [sflag:s25], $0x4000  }
0x29: {  	[sflag:s25] =	ssyncset.done $0x0  }
0x2a: {  	[sflag:s25] =	ssyncadd.s32 $0xFFFFC000  }
0x2b: {  	_ =	swait.ge [sflag:s25], $0x4000  }
0x2c: {  	[sflag:s25] =	ssyncset.done $0x0  }
0x2d: {  	s29 =	sadd.s32 $0x0, s9;
	[sflag:s25] =	ssyncadd.s32 $0xFFFFC000  }
0x2e: {  	[hbm4b:s29+s3] =	stream.linear.scatter [tilespmem:s14], [sflag:$0x4], $0xC000, $0x38;
	[tilespmem:$0x18300] =	vst v63  }
0x2f: {  	p2 =	sgt.u32 s11, $0x214;
	_ =	swait.ge [sflag:s19], $0xC000  }
0x30: {  	s30 =	sadd.s32 @!p2 $0x600, s10;
	[sflag:s19] =	ssyncset.done $0x0  }
0x31: {  	s31 =	simm.s32 @!p2 $0x0;
	s2 =	simm.s32 @!p2 $0x4;
	[sflag:s19] =	ssyncadd.s32 $0xFFFF4000  }
0x32: {  	[tilespmem:s31], [sflag:$0x4] =	stream.linear.gather @!p2 [hbm4b:s30+s31], $0x180, $0x38;
	[tilespmem:$0x18300] =	vst v63  }
0x33: {  	_ =	swait.ge @!p2 [sflag:s2], $0x180  }
0x34: {  	[sflag:s2] =	ssyncset.done @!p2 $0x0  }
0x35: {  	s30 =	simm.s32 @!p2 $0x80;
	[sflag:s2] =	ssyncadd.s32 @!p2 $0xFFFFFE80;
	s2 =	simm.s32 @!p2 $0x180  }
0x36: {  	[tilespmem:s2], [sflag:$0x1] =	stream.indirect.gather @!p2 [hbm4b:s1+s30], $0x80, s31, s30, $0xb8;
	[tilespmem:$0x18300] =	vst v63  }
0x37: {  	s2 =	simm.s32 @!p2 $0x4180  }
0x38: {  	[tilespmem:s2], [sflag:$0x1] =	stream.indirect.gather @!p2 [hbm4b:s1+s30], $0x80, s30, s30, $0xb8;
	[tilespmem:$0x18300] =	vst v63  }
0x39: {  	s31 =	simm.s32 @!p2 $0x8180;
	s2 =	simm.s32 @!p2 $0x100  }
0x3a: {  	[tilespmem:s31], [sflag:$0x1] =	stream.indirect.gather @!p2 [hbm4b:s1+s30], $0x80, s2, s30, $0xb8;
	[tilespmem:$0x18300] =	vst v63  }
0x3b: {  	_ =	swait.ge [sflag:s26], $0x4000  }
0x3c: {  	[sflag:s26] =	ssyncset.done $0x0  }
0x3d: {  	[sflag:s26] =	ssyncadd.s32 $0xFFFFC000  }
0x3e: {  	_ =	swait.ge [sflag:s26], $0x4000  }
0x3f: {  	[sflag:s26] =	ssyncset.done $0x0  }
0x40: {  	[sflag:s26] =	ssyncadd.s32 $0xFFFFC000  }
0x41: {  	_ =	swait.ge [sflag:s26], $0x4000  }
0x42: {  	[sflag:s26] =	ssyncset.done $0x0  }
0x43: {  	s17 =	sadd.s32 $0x30000, s29;
	s29 =	simm.s32 $0x60000;
	[sflag:s26] =	ssyncadd.s32 $0xFFFFC000  }
0x44: {  	[hbm4b:s17+s3] =	stream.linear.scatter [tilespmem:s20], [sflag:$0x3], $0xC000, $0x38;
	[tilespmem:$0x18300] =	vst v63  }
0x45: {  	s30 =	sadd.s32 $0x40, s11;
	s31 =	smov.u32 s10;
	_ =	swait.ge [sflag:s12], $0xC000  }
.LBB2_2:
0x46: {  	[sflag:s12] =	ssyncset.done $0x0  }
0x47: {  	s31 =	sadd.s32 $0xC00, s31;
	s2 =	smov.u32 s29;
	s29 =	sadd.s32 $0x60000, s29  }
0x48: {  	p2 =	sne.s32 s29, $0x300000;
	[sflag:s12] =	ssyncadd.s32 $0xFFFF4000  }
0x49: {  	[tilespmem:s18], [sflag:$0x4] =	stream.linear.gather [hbm4b:s31+s3], $0x180, $0x38;
	[tilespmem:$0x18300] =	vst v63  }
0x4a: {  	_ =	swait.ge [sflag:s19], $0x180  }
0x4b: {  	[sflag:s19] =	ssyncset.done $0x0  }
0x4c: {  	[sflag:s19] =	ssyncadd.s32 $0xFFFFFE80  }
0x4d: {  	[tilespmem:s20], [sflag:$0x2] =	stream.indirect.gather [hbm4b:s1+s13], $0x80, s18, s13, $0xb8;
	[tilespmem:$0x18300] =	vst v63  }
0x4e: {  	_ = 	snop  }
0x4f: {  	[tilespmem:s22], [sflag:$0x2] =	stream.indirect.gather [hbm4b:s1+s13], $0x80, s21, s13, $0xb8;
	[tilespmem:$0x18300] =	vst v63  }
0x50: {  	_ = 	snop  }
0x51: {  	[tilespmem:s24], [sflag:$0x2] =	stream.indirect.gather [hbm4b:s1+s13], $0x80, s23, s13, $0xb8;
	[tilespmem:$0x18300] =	vst v63  }
0x52: {  	_ =	swait.ge [sflag:s25], $0x4000  }
0x53: {  	[sflag:s25] =	ssyncset.done $0x0  }
0x54: {  	[sflag:s25] =	ssyncadd.s32 $0xFFFFC000  }
0x55: {  	_ =	swait.ge [sflag:s25], $0x4000  }
0x56: {  	[sflag:s25] =	ssyncset.done $0x0  }
0x57: {  	[sflag:s25] =	ssyncadd.s32 $0xFFFFC000  }
0x58: {  	_ =	swait.ge [sflag:s25], $0x4000  }
0x59: {  	s2 =	sadd.s32 s2, s9;
	[sflag:s25] =	ssyncset.done $0x0  }
0x5a: {  	[sflag:s25] =	ssyncadd.s32 $0xFFFFC000  }
0x5b: {  	[hbm4b:s2+s3] =	stream.linear.scatter [tilespmem:s14], [sflag:$0x4], $0xC000, $0x38;
	[tilespmem:$0x18300] =	vst v63  }
0x5c: {  	p3 =	sgt.u32 s30, $0x214;
	_ =	swait.ge [sflag:s19], $0xC000  }
0x5d: {  	s0 =	sadd.s32 @!p3 $0x600, s31;
	s15 =	simm.s32 @!p3 $0x0;
	[sflag:s19] =	ssyncset.done $0x0  }
0x5e: {  	s16 =	simm.s32 @!p3 $0x4;
	[sflag:s19] =	ssyncadd.s32 $0xFFFF4000  }
0x5f: {  	[tilespmem:s15], [sflag:$0x4] =	stream.linear.gather @!p3 [hbm4b:s0+s15], $0x180, $0x38;
	[tilespmem:$0x18300] =	vst v63  }
0x60: {  	_ =	swait.ge @!p3 [sflag:s16], $0x180  }
0x61: {  	s17 =	simm.s32 @!p3 $0x180;
	s0 =	simm.s32 @!p3 $0x80;
	[sflag:s16] =	ssyncset.done @!p3 $0x0  }
0x62: {  	[sflag:s16] =	ssyncadd.s32 @!p3 $0xFFFFFE80;
	s16 =	simm.s32 @!p3 $0x4180  }
0x63: {  	[tilespmem:s17], [sflag:$0x1] =	stream.indirect.gather @!p3 [hbm4b:s1+s0], $0x80, s15, s0, $0xb8;
	[tilespmem:$0x18300] =	vst v63  }
0x64: {  	s15 =	simm.s32 @!p3 $0x100;
	s17 =	simm.s32 @!p3 $0x8180  }
0x65: {  	[tilespmem:s16], [sflag:$0x1] =	stream.indirect.gather @!p3 [hbm4b:s1+s0], $0x80, s0, s0, $0xb8;
	[tilespmem:$0x18300] =	vst v63  }
0x66: {  	_ = 	snop  }
0x67: {  	[tilespmem:s17], [sflag:$0x1] =	stream.indirect.gather @!p3 [hbm4b:s1+s0], $0x80, s15, s0, $0xb8;
	[tilespmem:$0x18300] =	vst v63  }
0x68: {  	_ =	swait.ge [sflag:s26], $0x4000  }
0x69: {  	[sflag:s26] =	ssyncset.done $0x0  }
0x6a: {  	[sflag:s26] =	ssyncadd.s32 $0xFFFFC000  }
0x6b: {  	_ =	swait.ge [sflag:s26], $0x4000  }
0x6c: {  	[sflag:s26] =	ssyncset.done $0x0  }
0x6d: {  	[sflag:s26] =	ssyncadd.s32 $0xFFFFC000  }
.Ltmp0:
0x6e: {  	_ =	swait.ge [sflag:s26], $0x4000;
	(pc) =	sbr.rel @p2 .LBB2_2-.Ltmp0, $4  }
0x6f: {  	s0 =	sadd.s32 $0x30000, s2;
	[sflag:s26] =	ssyncset.done $0x0  }
0x70: {  	[sflag:s26] =	ssyncadd.s32 $0xFFFFC000  }
0x71: {  	[hbm4b:s0+s3] =	stream.linear.scatter [tilespmem:s20], [sflag:$0x3], $0xC000, $0x38;
	[tilespmem:$0x18300] =	vst v63  }
0x72: {  	s30 =	sadd.s32 $0x40, s30;
	_ =	swait.ge [sflag:s12], $0xC000  }
0x73: {  	[sflag:s12] =	ssyncset.done $0x0  }
0x74: {  	s0 =	simm.s32 @!p0 $0x1;
	[sflag:s12] =	ssyncadd.s32 $0xFFFF4000  }
0x75: {  	_ =	swait.ge @!p0 [sflag:s0], $0x4000  }
0x76: {  	[sflag:s0] =	ssyncset.done @!p0 $0x0  }
0x77: {  	[sflag:s0] =	ssyncadd.s32 @!p0 $0xFFFFC000  }
0x78: {  	_ =	swait.ge @!p0 [sflag:s0], $0x4000  }
0x79: {  	[sflag:s0] =	ssyncset.done @!p0 $0x0  }
0x7a: {  	[sflag:s0] =	ssyncadd.s32 @!p0 $0xFFFFC000  }
0x7b: {  	_ =	swait.ge @!p0 [sflag:s0], $0x4000  }
0x7c: {  	[sflag:s0] =	ssyncset.done @!p0 $0x0  }
0x7d: {  	s2 =	simm.s32 @!p0 $0x180;
	[sflag:s0] =	ssyncadd.s32 @!p0 $0xFFFFC000;
	s0 =	simm.s32 @!p0 $0x0  }
0x7e: {  	[hbm4b:s5+s0] =	stream.linear.scatter @!p0 [tilespmem:s2], [sflag:$0x3], $0xC000, $0x38;
	[tilespmem:$0x18300] =	vst v63  }
0x7f: {  	s0 =	simm.s32 @!p0 $0x3  }
0x80: {  	_ =	swait.ge @!p0 [sflag:s0], $0xC000  }
0x81: {  	[sflag:s0] =	ssyncset.done @!p0 $0x0  }
0x82: {  	s2 =	simm.s32 @!p1 $0x3;
	[sflag:s0] =	ssyncadd.s32 @!p0 $0xFFFF4000;
	s0 =	simm.s32 @!p1 $0x0  }
0x83: {  	[tilespmem:s0], [sflag:$0x3] =	stream.linear.gather @!p1 [hbm4b:s6+s0], $0x80, $0x38;
	[tilespmem:$0x18300] =	vst v63  }
0x84: {  	_ =	swait.ge @!p1 [sflag:s2], $0x80  }
0x85: {  	[sflag:s2] =	ssyncset.done @!p1 $0x0  }
0x86: {  	s15 =	simm.s32 @!p1 $0x80;
	s16 =	simm.s32 @!p1 $0x180;
	[sflag:s2] =	ssyncadd.s32 @!p1 $0xFFFFFF80  }
0x87: {  	[tilespmem:s16], [sflag:$0x1] =	stream.indirect.gather @!p1 [hbm4b:s1+s15], $0x80, s0, s15, $0xb8;
	[tilespmem:$0x18300] =	vst v63  }
0x88: {  	s15 =	simm.s32 @!p1 $0x1  }
0x89: {  	s28 =	sadd.s32 $0x1, s28;
	_ =	swait.ge @!p1 [sflag:s15], $0x4000  }
0x8a: {  	p2 =	sne.s32 s28, s8;
	[sflag:s15] =	ssyncset.done @!p1 $0x0  }
.Ltmp1:
0x8b: {  	[sflag:s15] =	ssyncadd.s32 @!p1 $0xFFFFC000;
	(pc) =	sbr.rel @p2 .LBB2_1-.Ltmp1, $4  }
0x8c: {  	[hbm4b:s7+s0] =	stream.linear.scatter @!p1 [tilespmem:s16], [sflag:$0x3], $0x4000, $0x38;
	[tilespmem:$0x18300] =	vst v63  }
0x8d: {  	_ =	swait.ge @!p1 [sflag:s2], $0x4000  }
0x8e: {  	[sflag:s2] =	ssyncset.done @!p1 $0x0  }
0x8f: {  	[sflag:s2] =	ssyncadd.s32 @!p1 $0xFFFFC000  }
0x90: {  	_ =	sfence.sel $0x180000  }
0x91: {  	[bflag:$0x0] =	sbarrier.arrive $0xFFFF  }
0x92: {  	_ =	strace $0x90000053  }
0x93: {  	s0 =	stileid.u32;
	[bflag:$0x2] =	sbarrier.arrive $0xFFFF  }
0x94: {  	p0 =	sne.s32 s0, $0x0;
	s0 =	rddreg [dreg:$0x3]  }
0x95: {  	s0 =	sadd.s32 @!p0 $0x100000, s0  }
0x96: {  	[sflag:s0] =	ssyncadd.tile.s32 @!p0 $0x1;
	_ =	shalt  }
.Lfunc_end2:
_tile_overlayer_lowered:
.L_overlay_start_2:
0x97: {  	(tag) =	ssettag $0x2  }
0x98: {  	s0 =	rddreg [dreg:$0x0];
	s2 =	stileid.u32  }
0x99: {  	s1 =	rddreg [dreg:$0x1];
	p0 =	sne.s32 s2, $0x0  }
0x9a: {  	s3 =	rddreg [dreg:$0x2];
	[bflag:$0x3] =	sbarrier.arrive $0xFFFF;
	s2 =	simm.s32 @!p0 $0x1C03  }
0x9b: {  	[timem:s3], [sflag:s2] =	dma.local @!p0 [hbm:s0], s1  }
0x9c: {  	s0 =	simm.s32 @!p0 $0x3  }
0x9d: {  	_ =	swait.ge @!p0 [sflag:s0], s1  }
0x9e: {  	s1 =	ssub.s32 @!p0 $0x0, s1;
	[sflag:s0] =	ssyncset.done @!p0 $0x0  }
0x9f: {  	[sflag:s0] =	ssyncadd.s32 @!p0 s1  }
0xa0: {  	[bflag:$0x3] =	sbarrier.arrive $0xFFFF  }
0xa1: {  	_ =	shalt  }

// kernel: sc_gather_assm2.3.cloned.1.call-start
scs
__scs_entry_jumppad:
0x0: {  	(pc) =	sbr.rel $0x88, $3  }
0x1: {  	(tag) =	ssettag $0x0;
	lr =	simm.s32 $0x1  }
0x2: {  	[smem:$0x3F8B] =	sst lr;
	_ =	strace $0xD0000000  }
0x3: {  	_ = 	snop  }
0x4: {  	_ = 	snop  }
0x5: {  	_ = 	snop  }
0x6: {  	_ = 	snop  }
0x7: {  	_ = 	snop  }
__scs_overlays_trampoline_lowered:
0x8: {  	[smem:$0x3F9A] =	sst s0  }
0x9: {  	[smem:$0x3F9B] =	sst s1  }
0xa: {  	[smem:$0x3F9C] =	sst s2  }
0xb: {  	[smem:$0x3F9D] =	sst s3  }
0xc: {  	[smem:$0x3F9E] =	sst s4  }
0xd: {  	[smem:$0x3F9F] =	sst s5  }
0xe: {  	[smem:$0x3FA0] =	sst s6  }
0xf: {  	[smem:$0x3FA1] =	sst s7  }
0x10: {  	[smem:$0x3FA2] =	sst s8  }
0x11: {  	[smem:$0x3FA3] =	sst s9;
	s0 =	simm.s32 @!p0 $0x0  }
0x12: {  	s1 =	sld [smem:$0x3F89];
	s0 =	simm.s32 @p0 $0x1  }
0x13: {  	[smem:$0x3FA4] =	sst s0;
	s0 =	simm.s32 @!p1 $0x0  }
0x14: {  	s2 =	sld [smem:$0x3F88];
	s0 =	simm.s32 @p1 $0x1  }
0x15: {  	[smem:$0x3FA5] =	sst s0;
	s0 =	simm.s32 @!p2 $0x0  }
0x16: {  	s3 =	sld [smem:$0x3FDB];
	s0 =	simm.s32 @p2 $0x1  }
0x17: {  	s4 =	simm.s32 $0x1BF5;
	[smem:$0x3FA7] =	sst s0  }
0x18: {  	s0 =	sld [smem:$0x3F8A];
	_ =	swait.ge [sflag:s4], $0x0  }
0x19: {  	s7 =	sld [smem:$0x3F8B]  }
0x1a: {  	s8 =	sadd.s32 $0xFFFFE003, lr  }
0x1b: {  	s9 =	sadd.s32 $0xFFFFFEF7, lr;
	s5 =	simm.s32 $0xFFFFFFFF;
	p2 =	slt.u32 s8, $0xFFFFF086  }
0x1c: {  	p1 =	slt.u32 s9, $0xF7A;
	s5 =	simm.s32 @!p2 $0x0  }
0x1d: {  	s5 =	simm.s32 @p1 $0x1;
	p0 =	seq.s32 s7, s2  }
0x1e: {  	s7 =	smul.u32 @!p0 $0xF7A, s2;
	p2 =	seq.s32 @!p0 s5, $0x0  }
0x1f: {  	s9 =	smul.u32 $0xF7A, s1;
	s8 =	simm.s32 @!p0 $0x1BF5;
	p2 =	por !p2, p0  }
0x20: {  	[sflag:s8] =	ssyncset.s32 @!p0 $0xFFFFF086;
	s6 =	sadd.s32 @!p0 s3, s7;
	s7 =	simm.s32 @!p0 $0x108  }
0x21: {  	s3 =	sadd.s32 s3, s9;
	s6 =	sadd.s32 @!p0 $0x88, s6;
	s7 =	simm.s32 @p2 $0x1082  }
0x22: {  	[simem:s7], [sflag:s8] =	dma.local @!p0 [hbm:s6], $0xF7A  }
0x23: {  	s9 =	sor.u32 $0xD0000000, s2;
	s6 =	simm.s32 $0x108;
	_ =	swait.ge @!p0 [sflag:s8], $0x0  }
0x24: {  	s3 =	sadd.s32 $0x88, s3;
	s6 =	simm.s32 @!p1 $0x1082;
	[sflag:s4] =	ssyncset.s32 $0xFFFFF086  }
0x25: {  	[simem:s6], [sflag:s4] =	dma.local [hbm:s3], $0xF7A  }
0x26: {  	[smem:$0x3F8B] =	sst s1;
	(tag) =	ssettag s2;
	_ =	strace s9  }
0x27: {  	s1 =	sld [smem:$0x3F9B]  }
0x28: {  	s2 =	sld [smem:$0x3F9C]  }
0x29: {  	s4 =	sld [smem:$0x3F9E]  }
0x2a: {  	p0 =	seq.s32 s5, $0x0;
	s5 =	sld [smem:$0x3F9F]  }
0x2b: {  	s6 =	sld [smem:$0x3FA0]  }
0x2c: {  	s7 =	sld [smem:$0x3FA1]  }
0x2d: {  	s3 =	simm.s32 $0x108;
	s8 =	sld [smem:$0x3FA2]  }
0x2e: {  	s3 =	simm.s32 @!p0 $0x1082;
	s9 =	sld [smem:$0x3FA3]  }
0x2f: {  	lr =	sadd.s32 s0, s3;
	s0 =	sld [smem:$0x3F9A]  }
0x30: {  	s3 =	sld [smem:$0x3F9D]  }
0x31: {  	[smem:$0x3FA6] =	sst s10  }
0x32: {  	s10 =	sld [smem:$0x3FA4];
	_ =	sdelay $0x3  }
0x33: {  	p0 =	seq.s32 s10, $0x1;
	s10 =	sld [smem:$0x3FA6];
	_ =	sdelay $0x3  }
0x34: {  	[smem:$0x3FA6] =	sst s10  }
0x35: {  	s10 =	sld [smem:$0x3FA5];
	_ =	sdelay $0x3  }
0x36: {  	p1 =	seq.s32 s10, $0x1;
	s10 =	sld [smem:$0x3FA6];
	_ =	sdelay $0x3  }
0x37: {  	[smem:$0x3FA6] =	sst s10  }
0x38: {  	s10 =	sld [smem:$0x3FA7]  }
0x39: {  	_ = 	snop;
	(pc) =	sbr.ind lr, $3  }
0x3a: {  	_ = 	snop  }
0x3b: {  	_ = 	snop  }
0x3c: {  	p2 =	seq.s32 s10, $0x1;
	s10 =	sld [smem:$0x3FA6]  }
0x3d: {  	_ =	shalt  }
0x3e: {  	_ =	shalt  }
0x3f: {  	_ =	shalt  }
0x40: {  	_ =	shalt  }
0x41: {  	_ =	shalt  }
0x42: {  	_ =	shalt  }
0x43: {  	_ =	shalt  }
0x44: {  	_ =	shalt  }
0x45: {  	_ =	shalt  }
0x46: {  	_ =	shalt  }
0x47: {  	_ =	shalt  }
0x48: {  	_ =	shalt  }
0x49: {  	_ =	shalt  }
0x4a: {  	_ =	shalt  }
0x4b: {  	_ =	shalt  }
0x4c: {  	_ =	shalt  }
0x4d: {  	_ =	shalt  }
0x4e: {  	_ =	shalt  }
0x4f: {  	_ =	shalt  }
0x50: {  	_ =	shalt  }
0x51: {  	_ =	shalt  }
0x52: {  	_ =	shalt  }
0x53: {  	_ =	shalt  }
0x54: {  	_ =	shalt  }
0x55: {  	_ =	shalt  }
0x56: {  	_ =	shalt  }
0x57: {  	_ =	shalt  }
0x58: {  	_ =	shalt  }
0x59: {  	_ =	shalt  }
0x5a: {  	_ =	shalt  }
0x5b: {  	_ =	shalt  }
0x5c: {  	_ =	shalt  }
0x5d: {  	_ =	shalt  }
0x5e: {  	_ =	shalt  }
0x5f: {  	_ =	shalt  }
0x60: {  	_ =	shalt  }
0x61: {  	_ =	shalt  }
0x62: {  	_ =	shalt  }
0x63: {  	_ =	shalt  }
0x64: {  	_ =	shalt  }
0x65: {  	_ =	shalt  }
0x66: {  	_ =	shalt  }
0x67: {  	_ =	shalt  }
0x68: {  	_ =	shalt  }
0x69: {  	_ =	shalt  }
0x6a: {  	_ =	shalt  }
0x6b: {  	_ =	shalt  }
0x6c: {  	_ =	shalt  }
0x6d: {  	_ =	shalt  }
0x6e: {  	_ =	shalt  }
0x6f: {  	_ =	shalt  }
0x70: {  	_ =	shalt  }
0x71: {  	_ =	shalt  }
0x72: {  	_ =	shalt  }
0x73: {  	_ =	shalt  }
0x74: {  	_ =	shalt  }
0x75: {  	_ =	shalt  }
0x76: {  	_ =	shalt  }
0x77: {  	_ =	shalt  }
0x78: {  	_ =	shalt  }
0x79: {  	_ =	shalt  }
0x7a: {  	_ =	shalt  }
0x7b: {  	_ =	shalt  }
0x7c: {  	_ =	shalt  }
0x7d: {  	_ =	shalt  }
0x7e: {  	_ =	shalt  }
0x7f: {  	_ =	shalt  }
0x80: {  	_ =	shalt  }
0x81: {  	_ =	shalt  }
0x82: {  	_ =	shalt  }
0x83: {  	_ =	shalt  }
0x84: {  	_ =	shalt  }
0x85: {  	_ =	shalt  }
0x86: {  	_ =	shalt  }
0x87: {  	_ =	shalt  }
.Lfunc_end0:
.L_simem_size_0:
called_computation.4_lowered:
.L_overlay_start_0:
0x88: {  	s2 =	sld [smem:$0x3FD9]  }
0x89: {  	s3 =	sld [smem:$0x3FFE];
	_ =	sdelay $0x1  }
0x8a: {  	s1 =	srdreg.scid  }
0x8b: {  	s0 =	sand.u32 $0x1, s1  }
0x8c: {  	s17 =	sshll.u32 s0, $0xA;
	s2 =	sadd.s32 s3, s2  }
0x8d: {  	s2 =	sadd.s32 s2, s17  }
0x8e: {  	[smem:$0x3FB2] =	sst s2  }
0x8f: {  	_ = 	snop  }
0x90: {  	s18 =	sld [smem:$0x3FC8];
	(tm) =	ssettm $0x1  }
0x91: {  	s19 =	sld [smem:$0x3FFB];
	_ =	sdelay $0x3  }
0x92: {  	_ =	strace s19  }
0x93: {  	s2 =	sld [smem:$0x3FFC];
	_ =	sdelay $0x3  }
0x94: {  	_ =	strace s2  }
0x95: {  	s2 =	sld [smem:$0x3FFD];
	_ =	sdelay $0x3  }
0x96: {  	_ =	strace s2  }
0x97: {  	_ =	strace $0x8FFFFFFF  }
0x98: {  	s20 =	sld [smem:$0x3FDB];
	_ =	sdelay $0x1  }
0x99: {  	s4 =	simm.s32 $_scs_section_size  }
0x9a: {  	s5 =	simm.s32 $_size__tile_overlayer_lowered;
	s6 =	simm.s32 $_tile_overlayer_lowered  }
0x9b: {  	s7 =	simm.s32 $0x1BFF;
	s21 =	sshll.u32 s6, $0x1;
	s4 =	sadd.s32 s4, s20  }
0x9c: {  	s22 =	simm.s32 $0x0;
	s5 =	sshll.u32 s5, $0x1;
	s6 =	sadd.s32 s21, s4  }
0x9d: {  	[timem:s22], [sflag:s7] =	dma.local [hbm:s6], s5  }
0x9e: {  	_ =	swait.ge [sflag:s7], s5  }
0x9f: {  	s5 =	ssub.s32 $0x0, s5;
	[sflag:s7] =	ssyncset.done $0x0  }
0xa0: {  	[sflag:s7] =	ssyncadd.s32 s5;
	_ =	sdelay $0x1  }
0xa1: {  	s23 =	simm.s32 $0x1B8B  }
0xa2: {  	_ =	swait.ge [sflag:s23], $0x1  }
0xa3: {  	[sflag:s23] =	ssyncset.done $0x0  }
0xa4: {  	[sflag:s23] =	ssyncadd.s32 $0xFFFFFFFF  }
0xa5: {  	s5 =	sld [smem:$0x0]  }
0xa6: {  	s6 =	sand.u32 $0xFFFFFFFE, s1  }
0xa7: {  	p0 =	sne.s32 s1, s6  }
0xa8: {  	s6 =	sshll.u32 @p0 s6, $0xE  }
0xa9: {  	s6 =	sadd.s32 @p0 $0x11B8D, s6;
	s7 =	sshll.u32 @p0 s5, $0x11  }
0xaa: {  	s6 =	sor.u32 @p0 s7, s6  }
0xab: {  	[sflag:s6] =	ssyncadd.remote.s32 @p0 $0x1;
	_ =	sdelay $0x1  }
0xac: {  	s6 =	simm.s32 @p0 $0x1B8D  }
0xad: {  	_ =	swait.eq @p0 [sflag:s6], $0x1  }
0xae: {  	[sflag:s6] =	ssyncadd.s32 @p0 $0xFFFFFFFF  }
0xaf: {  	s7 =	sshll.u32 @!p0 s1, $0xE  }
0xb0: {  	s7 =	sor.u32 @!p0 $0x4000, s7;
	s6 =	simm.s32 @!p0 $0x1B8D  }
0xb1: {  	s5 =	sshll.u32 @!p0 s5, $0x11;
	s7 =	sadd.s32 @!p0 $0x11B8D, s7;
	_ =	swait.eq @!p0 [sflag:s6], $0x1  }
0xb2: {  	s5 =	sor.u32 @!p0 s5, s7;
	[sflag:s6] =	ssyncadd.s32 @!p0 $0xFFFFFFFF  }
0xb3: {  	s25 =	simm.s32 $0x1B8E;
	s24 =	sld [smem:$0x3FFE];
	[sflag:s5] =	ssyncadd.remote.s32 @!p0 $0x1  }
0xb4: {  	s26 =	simm.s32 $execute0_lowered;
	[smem:$0x3FD2] =	sst s25  }
0xb5: {  	s6 =	sshll.u32 s26, $0x1;
	_ =	strace $0x8000004F;
	[dreg:$0x1] =	wrdreg $0xFFFFFFFF  }
0xb6: {  	s28 =	simm.s32 $_size_execute0_lowered;
	s4 =	sadd.s32 s4, s6;
	[dreg:$0x0] =	wrdreg $0x0  }
0xb7: {  	s6 =	sshll.u32 s28, $0x1;
	[dreg:$0x2] =	wrdreg s4  }
0xb8: {  	[dreg:$0x3] =	wrdreg s6  }
0xb9: {  	[dreg:$0x4] =	wrdreg $0xC0  }
0xba: {  	_ =	task [dreg:s22], $0x5FFFF  }
0xbb: {  	[dreg:$0x1] =	wrdreg $0xFFFFFFFF  }
0xbc: {  	[dreg:$0x0] =	wrdreg $0x60  }
0xbd: {  	[dreg:$0x2] =	wrdreg s18  }
0xbe: {  	[dreg:$0x3] =	wrdreg s24  }
0xbf: {  	[dreg:$0x4] =	wrdreg $0xC  }
0xc0: {  	_ =	task.clear_ibuf [dreg:s22], $0x5FFFF;
	_ =	strace $0x9000004F  }
0xc1: {  	s29 =	simm.s32 $0xC;
	_ =	strace $0x80000051  }
0xc2: {  	_ =	swait.ge [sflag:s29], $0x1  }
0xc3: {  	[sflag:s29] =	ssyncadd.s32 $0xFFFFFFFF  }
0xc4: {  	_ =	strace $0x90000051  }
0xc5: {  	_ =	sfence  }
0xc6: {  	s30 =	sld [smem:$0x0];
	_ =	sdelay $0x2  }
0xc7: {  	s31 =	sshll.u32 s1, $0xD;
	s1 =	sshrl.u32 s1, $0x2  }
0xc8: {  	s4 =	sand.u32 $0x4000, s31;
	s1 =	sadd.s32 s1, s30  }
0xc9: {  	s0 =	sor.u32 s4, s0;
	s1 =	sshll.u32 s1, $0x11  }
0xca: {  	s0 =	sor.u32 s1, s0  }
0xcb: {  	s0 =	sadd.s32 $0x8F2B, s0  }
0xcc: {  	[sflag:s0] =	ssyncadd.remote.s32 $0x1  }
0xcd: {  	_ =	sfence.sel $0xFFFF  }
0xce: {  	[dreg:$0x0] =	wrdreg $0xFFFFFFFF;
	(pc) =	sbr.abs _section_cstart, $3  }
0xcf: {  	[dreg:$0x1] =	wrdreg $0xFFFFFFFF  }
0xd0: {  	_ =	task.clear_ibuf [dreg:s22], $0x2FFFF;
	_ =	strace $0x9FFFFFFF  }
0xd1: {  	(tm) =	ssettm $0x7FFFFFFF  }
tec
execute0_lowered:
.L_overlay_start_1:
0x0: {  	(tag) =	ssettag $0x1  }
0x1: {  	s2 =	rddreg [dreg:$0x0];
	s1 =	srdreg.scid  }
0x2: {  	s0 =	stileid.u32;
	s9 =	rddreg [dreg:$0x1]  }
0x3: {  	s3 =	simm.s32 $0x0;
	s18 =	simm.s32 $0x8180;
	s19 =	simm.s32 $0xC180  }
0x4: {  	s28 =	simm.s32 $0x2;
	s29 =	simm.s32 $0x0;
	s10 =	sand.u32 $0x1, s1  }
0x5: {  	s4 =	sshll.u32 s0, $0x1;
	[smem:$0x7FF] =	sst s3;
	s23 =	smul.u32 $0x3000, s0  }
0x6: {  	s11 =	sadd.s32 $0x625A00, s9;
	s13 =	sadd.s32 $0x62BA00, s9;
	s15 =	smul.u32 $0x60, s0  }
0x7: {  	p1 =	sgt.u32 s0, $0xD;
	s25 =	sor.u32 s10, s4;
	s16 =	smul.u32 $0x30, s10  }
0x8: {  	_ =	strace $0x80000050;
	s6 =	ssub.s32 $0x2, s10;
	s17 =	smul.u32 $0x1800, s10  }
0x9: {  	s4 =	smul.u32 $0x30, s25;
	s5 =	sor.u32 $0x1E0, s25;
	s8 =	sshrl.u32 s6, $0x1  }
0xa: {  	s12 =	smul.u32 $0xC000, s25;
	s26 =	sadd.s32 s15, s11;
	s30 =	sadd.s32 s23, s13  }
0xb: {  	s15 =	simm.s32 $0x180;
	s23 =	simm.s32 $0x10300;
	s7 =	smul.u32 $0x30, s5  }
0xc: {  	p0 =	sne.s32 s25, $0x0;
	s25 =	simm.s32 $0x14300;
	s20 =	smul.u32 $0x1800, s5  }
0xd: {  	s14 =	ssub.s32 s6, s8;
	s8 =	sadd.s32 $0x62B940, s9;
	s9 =	sadd.s32 $0x925A00, s9  }
0xe: {  	s31 =	sadd.s32 s16, s26;
	s16 =	simm.s32 $0x4180;
	s26 =	simm.s32 $0x1  }
0xf: {  	s21 =	sadd.s32 s11, s4;
	s22 =	sshrl.u32 s12, $0x3;
	s10 =	smax.u32 s14, $0x1  }
0x10: {  	s12 =	sadd.s32 $0x600, s31;
	s14 =	simm.s32 $0x80;
	[dreg:$0x3] =	wrdreg s21  }
0x11: {  	s24 =	sadd.s32 s11, s7;
	s6 =	sadd.s32 s13, s22;
	s7 =	sadd.s32 s13, s20  }
0x12: {  	s11 =	sadd.s32 s17, s30;
	s13 =	simm.s32 $0x3;
	s17 =	simm.s32 $0x100  }
0x13: {  	s20 =	simm.s32 $0x4;
	s21 =	simm.s32 $0xC300;
	s22 =	simm.s32 $0xC200  }
0x14: {  	[dreg:$0x4] =	wrdreg s24;
	s6 =	sadd.s32 $0x2A0000, s6;
	s24 =	simm.s32 $0xC280  }
.LBB2_1:
0x15: {  	s0 =	rddreg [dreg:$0x3]  }
0x16: {  	[tilespmem:s3], [sflag:$0x3] =	stream.linear.gather [hbm4b:s0+s3], $0x180, $0x38;
	[tilespmem:$0x18300] =	vst v63  }
0x17: {  	_ =	swait.ge [sflag:s13], $0x180  }
0x18: {  	[sflag:s13] =	ssyncset.done $0x0  }
0x19: {  	[sflag:s13] =	ssyncadd.s32 $0xFFFFFE80  }
0x1a: {  	[tilespmem:s15], [sflag:$0x1] =	stream.indirect.gather [hbm4b:s2+s14], $0x80, s3, s14, $0xb8;
	[tilespmem:$0x18300] =	vst v63  }
0x1b: {  	_ = 	snop  }
0x1c: {  	[tilespmem:s16], [sflag:$0x1] =	stream.indirect.gather [hbm4b:s2+s14], $0x80, s14, s14, $0xb8;
	[tilespmem:$0x18300] =	vst v63  }
0x1d: {  	_ = 	snop  }
0x1e: {  	[tilespmem:s18], [sflag:$0x1] =	stream.indirect.gather [hbm4b:s2+s14], $0x80, s17, s14, $0xb8;
	[tilespmem:$0x18300] =	vst v63  }
0x1f: {  	_ = 	snop  }
0x20: {  	[tilespmem:s19], [sflag:$0x4] =	stream.linear.gather [hbm4b:s12+s3], $0x180, $0x38;
	[tilespmem:$0x18300] =	vst v63  }
0x21: {  	_ =	swait.ge [sflag:s20], $0x180  }
0x22: {  	[sflag:s20] =	ssyncset.done $0x0  }
0x23: {  	[sflag:s20] =	ssyncadd.s32 $0xFFFFFE80  }
0x24: {  	[tilespmem:s21], [sflag:$0x2] =	stream.indirect.gather [hbm4b:s2+s14], $0x80, s19, s14, $0xb8;
	[tilespmem:$0x18300] =	vst v63  }
0x25: {  	_ = 	snop  }
0x26: {  	[tilespmem:s23], [sflag:$0x2] =	stream.indirect.gather [hbm4b:s2+s14], $0x80, s22, s14, $0xb8;
	[tilespmem:$0x18300] =	vst v63  }
0x27: {  	_ = 	snop  }
0x28: {  	[tilespmem:s25], [sflag:$0x2] =	stream.indirect.gather [hbm4b:s2+s14], $0x80, s24, s14, $0xb8;
	[tilespmem:$0x18300] =	vst v63  }
0x29: {  	_ =	swait.ge [sflag:s26], $0x4000  }
0x2a: {  	[sflag:s26] =	ssyncset.done $0x0  }
0x2b: {  	[sflag:s26] =	ssyncadd.s32 $0xFFFFC000  }
0x2c: {  	_ =	swait.ge [sflag:s26], $0x4000  }
0x2d: {  	[sflag:s26] =	ssyncset.done $0x0  }
0x2e: {  	[sflag:s26] =	ssyncadd.s32 $0xFFFFC000  }
0x2f: {  	_ =	swait.ge [sflag:s26], $0x4000  }
0x30: {  	[sflag:s26] =	ssyncset.done $0x0  }
0x31: {  	s30 =	sadd.s32 $0x0, s11;
	[sflag:s26] =	ssyncadd.s32 $0xFFFFC000  }
0x32: {  	[hbm4b:s30+s3] =	stream.linear.scatter [tilespmem:s15], [sflag:$0x4], $0xC000, $0x38;
	[tilespmem:$0x18300] =	vst v63  }
0x33: {  	_ =	swait.ge [sflag:s20], $0xC000  }
0x34: {  	[sflag:s20] =	ssyncset.done $0x0  }
0x35: {  	s31 =	sadd.s32 $0x600, s12;
	[sflag:s20] =	ssyncadd.s32 $0xFFFF4000  }
0x36: {  	[tilespmem:s3], [sflag:$0x4] =	stream.linear.gather [hbm4b:s31+s3], $0x180, $0x38;
	[tilespmem:$0x18300] =	vst v63  }
0x37: {  	_ =	swait.ge [sflag:s20], $0x180  }
0x38: {  	[sflag:s20] =	ssyncset.done $0x0  }
0x39: {  	[sflag:s20] =	ssyncadd.s32 $0xFFFFFE80  }
0x3a: {  	[tilespmem:s15], [sflag:$0x1] =	stream.indirect.gather [hbm4b:s2+s14], $0x80, s3, s14, $0xb8;
	[tilespmem:$0x18300] =	vst v63  }
0x3b: {  	_ = 	snop  }
0x3c: {  	[tilespmem:s16], [sflag:$0x1] =	stream.indirect.gather [hbm4b:s2+s14], $0x80, s14, s14, $0xb8;
	[tilespmem:$0x18300] =	vst v63  }
0x3d: {  	_ = 	snop  }
0x3e: {  	[tilespmem:s18], [sflag:$0x1] =	stream.indirect.gather [hbm4b:s2+s14], $0x80, s17, s14, $0xb8;
	[tilespmem:$0x18300] =	vst v63  }
0x3f: {  	_ =	swait.ge [sflag:s28], $0x4000  }
0x40: {  	[sflag:s28] =	ssyncset.done $0x0  }
0x41: {  	[sflag:s28] =	ssyncadd.s32 $0xFFFFC000  }
0x42: {  	_ =	swait.ge [sflag:s28], $0x4000  }
0x43: {  	[sflag:s28] =	ssyncset.done $0x0  }
0x44: {  	[sflag:s28] =	ssyncadd.s32 $0xFFFFC000  }
0x45: {  	_ =	swait.ge [sflag:s28], $0x4000  }
0x46: {  	[sflag:s28] =	ssyncset.done $0x0  }
0x47: {  	s30 =	sadd.s32 $0x30000, s30;
	[sflag:s28] =	ssyncadd.s32 $0xFFFFC000  }
0x48: {  	[hbm4b:s30+s3] =	stream.linear.scatter [tilespmem:s21], [sflag:$0x3], $0xC000, $0x38;
	[tilespmem:$0x18300] =	vst v63  }
0x49: {  	_ =	swait.ge [sflag:s13], $0xC000  }
0x4a: {  	s31 =	smov.u32 s12;
	s30 =	simm.s32 $0x60000;
	[sflag:s13] =	ssyncset.done $0x0  }
.LBB2_2:
0x4b: {  	p2 =	sne.s32 s30, $0x240000;
	[sflag:s13] =	ssyncadd.s32 $0xFFFF4000;
	s31 =	sadd.s32 $0xC00, s31  }
0x4c: {  	[tilespmem:s19], [sflag:$0x4] =	stream.linear.gather [hbm4b:s31+s3], $0x180, $0x38;
	[tilespmem:$0x18300] =	vst v63  }
0x4d: {  	s1 =	smov.u32 s30;
	s30 =	sadd.s32 $0x60000, s30;
	_ =	swait.ge [sflag:s20], $0x180  }
0x4e: {  	[sflag:s20] =	ssyncset.done $0x0  }
0x4f: {  	[sflag:s20] =	ssyncadd.s32 $0xFFFFFE80  }
0x50: {  	[tilespmem:s21], [sflag:$0x2] =	stream.indirect.gather [hbm4b:s2+s14], $0x80, s19, s14, $0xb8;
	[tilespmem:$0x18300] =	vst v63  }
0x51: {  	_ = 	snop  }
0x52: {  	[tilespmem:s23], [sflag:$0x2] =	stream.indirect.gather [hbm4b:s2+s14], $0x80, s22, s14, $0xb8;
	[tilespmem:$0x18300] =	vst v63  }
0x53: {  	_ = 	snop  }
0x54: {  	[tilespmem:s25], [sflag:$0x2] =	stream.indirect.gather [hbm4b:s2+s14], $0x80, s24, s14, $0xb8;
	[tilespmem:$0x18300] =	vst v63  }
0x55: {  	_ =	swait.ge [sflag:s26], $0x4000  }
0x56: {  	[sflag:s26] =	ssyncset.done $0x0  }
0x57: {  	[sflag:s26] =	ssyncadd.s32 $0xFFFFC000  }
0x58: {  	_ =	swait.ge [sflag:s26], $0x4000  }
0x59: {  	[sflag:s26] =	ssyncset.done $0x0  }
0x5a: {  	[sflag:s26] =	ssyncadd.s32 $0xFFFFC000  }
0x5b: {  	_ =	swait.ge [sflag:s26], $0x4000  }
0x5c: {  	[sflag:s26] =	ssyncset.done $0x0  }
0x5d: {  	s1 =	sadd.s32 s1, s11;
	[sflag:s26] =	ssyncadd.s32 $0xFFFFC000  }
0x5e: {  	[hbm4b:s1+s3] =	stream.linear.scatter [tilespmem:s15], [sflag:$0x4], $0xC000, $0x38;
	[tilespmem:$0x18300] =	vst v63  }
0x5f: {  	_ =	swait.ge [sflag:s20], $0xC000  }
0x60: {  	[sflag:s20] =	ssyncset.done $0x0  }
0x61: {  	s0 =	sadd.s32 $0x600, s31;
	[sflag:s20] =	ssyncadd.s32 $0xFFFF4000  }
0x62: {  	[tilespmem:s3], [sflag:$0x4] =	stream.linear.gather [hbm4b:s0+s3], $0x180, $0x38;
	[tilespmem:$0x18300] =	vst v63  }
0x63: {  	_ =	swait.ge [sflag:s20], $0x180  }
0x64: {  	[sflag:s20] =	ssyncset.done $0x0  }
0x65: {  	[sflag:s20] =	ssyncadd.s32 $0xFFFFFE80  }
0x66: {  	[tilespmem:s15], [sflag:$0x1] =	stream.indirect.gather [hbm4b:s2+s14], $0x80, s3, s14, $0xb8;
	[tilespmem:$0x18300] =	vst v63  }
0x67: {  	_ = 	snop  }
0x68: {  	[tilespmem:s16], [sflag:$0x1] =	stream.indirect.gather [hbm4b:s2+s14], $0x80, s14, s14, $0xb8;
	[tilespmem:$0x18300] =	vst v63  }
0x69: {  	_ = 	snop  }
0x6a: {  	[tilespmem:s18], [sflag:$0x1] =	stream.indirect.gather [hbm4b:s2+s14], $0x80, s17, s14, $0xb8;
	[tilespmem:$0x18300] =	vst v63  }
0x6b: {  	_ =	swait.ge [sflag:s28], $0x4000  }
0x6c: {  	[sflag:s28] =	ssyncset.done $0x0  }
0x6d: {  	[sflag:s28] =	ssyncadd.s32 $0xFFFFC000  }
0x6e: {  	_ =	swait.ge [sflag:s28], $0x4000  }
0x6f: {  	[sflag:s28] =	ssyncset.done $0x0  }
0x70: {  	[sflag:s28] =	ssyncadd.s32 $0xFFFFC000  }
0x71: {  	_ =	swait.ge [sflag:s28], $0x4000  }
.Ltmp0:
0x72: {  	[sflag:s28] =	ssyncset.done $0x0;
	(pc) =	sbr.rel @p2 .LBB2_2-.Ltmp0, $4  }
0x73: {  	s0 =	sadd.s32 $0x30000, s1;
	[sflag:s28] =	ssyncadd.s32 $0xFFFFC000  }
0x74: {  	[hbm4b:s0+s3] =	stream.linear.scatter [tilespmem:s21], [sflag:$0x3], $0xC000, $0x38;
	[tilespmem:$0x18300] =	vst v63  }
0x75: {  	_ =	swait.ge [sflag:s13], $0xC000  }
0x76: {  	[sflag:s13] =	ssyncset.done $0x0  }
0x77: {  	[sflag:s13] =	ssyncadd.s32 $0xFFFF4000;
	s0 =	simm.s32 @!p1 $0x0  }
0x78: {  	s1 =	simm.s32 @!p1 $0xC180;
	s4 =	rddreg [dreg:$0x4];
	s30 =	simm.s32 @!p1 $0x3  }
0x79: {  	[tilespmem:s1], [sflag:$0x3] =	stream.linear.gather @!p1 [hbm4b:s4+s0], $0x180, $0x38;
	[tilespmem:$0x18300] =	vst v63  }
0x7a: {  	_ =	swait.ge @!p1 [sflag:s30], $0x180  }
0x7b: {  	[sflag:s30] =	ssyncset.done @!p1 $0x0  }
0x7c: {  	s31 =	simm.s32 @!p1 $0x80;
	s4 =	simm.s32 @!p1 $0xC300;
	[sflag:s30] =	ssyncadd.s32 @!p1 $0xFFFFFE80  }
0x7d: {  	[tilespmem:s4], [sflag:$0x2] =	stream.indirect.gather @!p1 [hbm4b:s2+s31], $0x80, s1, s31, $0xb8;
	[tilespmem:$0x18300] =	vst v63  }
0x7e: {  	s5 =	simm.s32 @!p1 $0x10300;
	s1 =	simm.s32 @!p1 $0xC200  }
0x7f: {  	[tilespmem:s5], [sflag:$0x2] =	stream.indirect.gather @!p1 [hbm4b:s2+s31], $0x80, s1, s31, $0xb8;
	[tilespmem:$0x18300] =	vst v63  }
0x80: {  	s1 =	simm.s32 @!p1 $0xC280;
	s5 =	simm.s32 @!p1 $0x14300  }
0x81: {  	[tilespmem:s5], [sflag:$0x2] =	stream.indirect.gather @!p1 [hbm4b:s2+s31], $0x80, s1, s31, $0xb8;
	[tilespmem:$0x18300] =	vst v63  }
0x82: {  	_ =	swait.ge [sflag:s26], $0x4000  }
0x83: {  	[sflag:s26] =	ssyncset.done $0x0  }
0x84: {  	[sflag:s26] =	ssyncadd.s32 $0xFFFFC000  }
0x85: {  	_ =	swait.ge [sflag:s26], $0x4000  }
0x86: {  	[sflag:s26] =	ssyncset.done $0x0  }
0x87: {  	[sflag:s26] =	ssyncadd.s32 $0xFFFFC000  }
0x88: {  	_ =	swait.ge [sflag:s26], $0x4000  }
0x89: {  	[sflag:s26] =	ssyncset.done $0x0  }
0x8a: {  	[sflag:s26] =	ssyncadd.s32 $0xFFFFC000  }
0x8b: {  	[hbm4b:s6+s3] =	stream.linear.scatter [tilespmem:s15], [sflag:$0x3], $0xC000, $0x38;
	[tilespmem:$0x18300] =	vst v63  }
0x8c: {  	_ =	swait.ge [sflag:s13], $0xC000  }
0x8d: {  	[sflag:s13] =	ssyncset.done $0x0  }
0x8e: {  	s1 =	simm.s32 @!p1 $0x2;
	[sflag:s13] =	ssyncadd.s32 $0xFFFF4000  }
0x8f: {  	_ =	swait.ge @!p1 [sflag:s1], $0x4000  }
0x90: {  	[sflag:s1] =	ssyncset.done @!p1 $0x0  }
0x91: {  	[sflag:s1] =	ssyncadd.s32 @!p1 $0xFFFFC000  }
0x92: {  	_ =	swait.ge @!p1 [sflag:s1], $0x4000  }
0x93: {  	[sflag:s1] =	ssyncset.done @!p1 $0x0  }
0x94: {  	[sflag:s1] =	ssyncadd.s32 @!p1 $0xFFFFC000  }
0x95: {  	_ =	swait.ge @!p1 [sflag:s1], $0x4000  }
0x96: {  	[sflag:s1] =	ssyncset.done @!p1 $0x0  }
0x97: {  	[sflag:s1] =	ssyncadd.s32 @!p1 $0xFFFFC000  }
0x98: {  	[hbm4b:s7+s0] =	stream.linear.scatter @!p1 [tilespmem:s4], [sflag:$0x3], $0xC000, $0x38;
	[tilespmem:$0x18300] =	vst v63  }
0x99: {  	_ =	swait.ge @!p1 [sflag:s30], $0xC000  }
0x9a: {  	[sflag:s30] =	ssyncset.done @!p1 $0x0  }
0x9b: {  	s1 =	simm.s32 @!p0 $0x3;
	s0 =	simm.s32 @!p0 $0x0;
	[sflag:s30] =	ssyncadd.s32 @!p1 $0xFFFF4000  }
0x9c: {  	[tilespmem:s0], [sflag:$0x3] =	stream.linear.gather @!p0 [hbm4b:s8+s0], $0x80, $0x38;
	[tilespmem:$0x18300] =	vst v63  }
0x9d: {  	_ =	swait.ge @!p0 [sflag:s1], $0x80  }
0x9e: {  	[sflag:s1] =	ssyncset.done @!p0 $0x0  }
0x9f: {  	s5 =	simm.s32 @!p0 $0x180;
	s4 =	simm.s32 @!p0 $0x80;
	[sflag:s1] =	ssyncadd.s32 @!p0 $0xFFFFFF80  }
0xa0: {  	[tilespmem:s5], [sflag:$0x1] =	stream.indirect.gather @!p0 [hbm4b:s2+s4], $0x80, s0, s4, $0xb8;
	[tilespmem:$0x18300] =	vst v63  }
0xa1: {  	s4 =	simm.s32 @!p0 $0x1  }
0xa2: {  	s29 =	sadd.s32 $0x1, s29;
	_ =	swait.ge @!p0 [sflag:s4], $0x4000  }
0xa3: {  	p2 =	sne.s32 s29, s10;
	[sflag:s4] =	ssyncset.done @!p0 $0x0  }
.Ltmp1:
0xa4: {  	[sflag:s4] =	ssyncadd.s32 @!p0 $0xFFFFC000;
	(pc) =	sbr.rel @p2 .LBB2_1-.Ltmp1, $4  }
0xa5: {  	[hbm4b:s9+s0] =	stream.linear.scatter @!p0 [tilespmem:s5], [sflag:$0x3], $0x4000, $0x38;
	[tilespmem:$0x18300] =	vst v63  }
0xa6: {  	_ =	swait.ge @!p0 [sflag:s1], $0x4000  }
0xa7: {  	[sflag:s1] =	ssyncset.done @!p0 $0x0  }
0xa8: {  	[sflag:s1] =	ssyncadd.s32 @!p0 $0xFFFFC000  }
0xa9: {  	_ =	sfence.sel $0x180000  }
0xaa: {  	[bflag:$0x0] =	sbarrier.arrive $0xFFFF  }
0xab: {  	_ =	strace $0x90000050  }
0xac: {  	s0 =	stileid.u32;
	[bflag:$0x2] =	sbarrier.arrive $0xFFFF  }
0xad: {  	p0 =	sne.s32 s0, $0x0;
	s0 =	rddreg [dreg:$0x2]  }
0xae: {  	s0 =	sadd.s32 @!p0 $0x100000, s0  }
0xaf: {  	[sflag:s0] =	ssyncadd.tile.s32 @!p0 $0x1;
	_ =	shalt  }
.Lfunc_end2:
_tile_overlayer_lowered:
.L_overlay_start_2:
0xb0: {  	(tag) =	ssettag $0x2  }
0xb1: {  	s0 =	rddreg [dreg:$0x0];
	s2 =	stileid.u32  }
0xb2: {  	s1 =	rddreg [dreg:$0x1];
	p0 =	sne.s32 s2, $0x0  }
0xb3: {  	s3 =	rddreg [dreg:$0x2];
	[bflag:$0x3] =	sbarrier.arrive $0xFFFF;
	s2 =	simm.s32 @!p0 $0x1C03  }
0xb4: {  	[timem:s3], [sflag:s2] =	dma.local @!p0 [hbm:s0], s1  }
0xb5: {  	s0 =	simm.s32 @!p0 $0x3  }
0xb6: {  	_ =	swait.ge @!p0 [sflag:s0], s1  }
0xb7: {  	s1 =	ssub.s32 @!p0 $0x0, s1;
	[sflag:s0] =	ssyncset.done @!p0 $0x0  }
0xb8: {  	[sflag:s0] =	ssyncadd.s32 @!p0 s1  }
0xb9: {  	[bflag:$0x3] =	sbarrier.arrive $0xFFFF  }
0xba: {  	_ =	shalt  }

// kernel: sc_gather_cls.3.cloned.1.call-start
scs
__scs_entry_jumppad:
0x0: {  	(pc) =	sbr.rel $0x88, $3  }
0x1: {  	(tag) =	ssettag $0x0;
	lr =	simm.s32 $0x1  }
0x2: {  	[smem:$0x3F8B] =	sst lr;
	_ =	strace $0xD0000000  }
0x3: {  	_ = 	snop  }
0x4: {  	_ = 	snop  }
0x5: {  	_ = 	snop  }
0x6: {  	_ = 	snop  }
0x7: {  	_ = 	snop  }
__scs_overlays_trampoline_lowered:
0x8: {  	[smem:$0x3F9A] =	sst s0  }
0x9: {  	[smem:$0x3F9B] =	sst s1  }
0xa: {  	[smem:$0x3F9C] =	sst s2  }
0xb: {  	[smem:$0x3F9D] =	sst s3  }
0xc: {  	[smem:$0x3F9E] =	sst s4  }
0xd: {  	[smem:$0x3F9F] =	sst s5  }
0xe: {  	[smem:$0x3FA0] =	sst s6  }
0xf: {  	[smem:$0x3FA1] =	sst s7  }
0x10: {  	[smem:$0x3FA2] =	sst s8  }
0x11: {  	[smem:$0x3FA3] =	sst s9;
	s0 =	simm.s32 @!p0 $0x0  }
0x12: {  	s1 =	sld [smem:$0x3F89];
	s0 =	simm.s32 @p0 $0x1  }
0x13: {  	[smem:$0x3FA4] =	sst s0;
	s0 =	simm.s32 @!p1 $0x0  }
0x14: {  	s2 =	sld [smem:$0x3F88];
	s0 =	simm.s32 @p1 $0x1  }
0x15: {  	[smem:$0x3FA5] =	sst s0;
	s0 =	simm.s32 @!p2 $0x0  }
0x16: {  	s3 =	sld [smem:$0x3FDB];
	s0 =	simm.s32 @p2 $0x1  }
0x17: {  	s4 =	simm.s32 $0x1BF5;
	[smem:$0x3FA7] =	sst s0  }
0x18: {  	s0 =	sld [smem:$0x3F8A];
	_ =	swait.ge [sflag:s4], $0x0  }
0x19: {  	s7 =	sld [smem:$0x3F8B]  }
0x1a: {  	s8 =	sadd.s32 $0xFFFFE003, lr  }
0x1b: {  	s9 =	sadd.s32 $0xFFFFFEF7, lr;
	s5 =	simm.s32 $0xFFFFFFFF;
	p2 =	slt.u32 s8, $0xFFFFF086  }
0x1c: {  	p1 =	slt.u32 s9, $0xF7A;
	s5 =	simm.s32 @!p2 $0x0  }
0x1d: {  	s5 =	simm.s32 @p1 $0x1;
	p0 =	seq.s32 s7, s2  }
0x1e: {  	s7 =	smul.u32 @!p0 $0xF7A, s2;
	p2 =	seq.s32 @!p0 s5, $0x0  }
0x1f: {  	s9 =	smul.u32 $0xF7A, s1;
	s8 =	simm.s32 @!p0 $0x1BF5;
	p2 =	por !p2, p0  }
0x20: {  	[sflag:s8] =	ssyncset.s32 @!p0 $0xFFFFF086;
	s6 =	sadd.s32 @!p0 s3, s7;
	s7 =	simm.s32 @!p0 $0x108  }
0x21: {  	s3 =	sadd.s32 s3, s9;
	s6 =	sadd.s32 @!p0 $0x88, s6;
	s7 =	simm.s32 @p2 $0x1082  }
0x22: {  	[simem:s7], [sflag:s8] =	dma.local @!p0 [hbm:s6], $0xF7A  }
0x23: {  	s9 =	sor.u32 $0xD0000000, s2;
	s6 =	simm.s32 $0x108;
	_ =	swait.ge @!p0 [sflag:s8], $0x0  }
0x24: {  	s3 =	sadd.s32 $0x88, s3;
	s6 =	simm.s32 @!p1 $0x1082;
	[sflag:s4] =	ssyncset.s32 $0xFFFFF086  }
0x25: {  	[simem:s6], [sflag:s4] =	dma.local [hbm:s3], $0xF7A  }
0x26: {  	[smem:$0x3F8B] =	sst s1;
	(tag) =	ssettag s2;
	_ =	strace s9  }
0x27: {  	s1 =	sld [smem:$0x3F9B]  }
0x28: {  	s2 =	sld [smem:$0x3F9C]  }
0x29: {  	s4 =	sld [smem:$0x3F9E]  }
0x2a: {  	p0 =	seq.s32 s5, $0x0;
	s5 =	sld [smem:$0x3F9F]  }
0x2b: {  	s6 =	sld [smem:$0x3FA0]  }
0x2c: {  	s7 =	sld [smem:$0x3FA1]  }
0x2d: {  	s3 =	simm.s32 $0x108;
	s8 =	sld [smem:$0x3FA2]  }
0x2e: {  	s3 =	simm.s32 @!p0 $0x1082;
	s9 =	sld [smem:$0x3FA3]  }
0x2f: {  	lr =	sadd.s32 s0, s3;
	s0 =	sld [smem:$0x3F9A]  }
0x30: {  	s3 =	sld [smem:$0x3F9D]  }
0x31: {  	[smem:$0x3FA6] =	sst s10  }
0x32: {  	s10 =	sld [smem:$0x3FA4];
	_ =	sdelay $0x3  }
0x33: {  	p0 =	seq.s32 s10, $0x1;
	s10 =	sld [smem:$0x3FA6];
	_ =	sdelay $0x3  }
0x34: {  	[smem:$0x3FA6] =	sst s10  }
0x35: {  	s10 =	sld [smem:$0x3FA5];
	_ =	sdelay $0x3  }
0x36: {  	p1 =	seq.s32 s10, $0x1;
	s10 =	sld [smem:$0x3FA6];
	_ =	sdelay $0x3  }
0x37: {  	[smem:$0x3FA6] =	sst s10  }
0x38: {  	s10 =	sld [smem:$0x3FA7]  }
0x39: {  	_ = 	snop;
	(pc) =	sbr.ind lr, $3  }
0x3a: {  	_ = 	snop  }
0x3b: {  	_ = 	snop  }
0x3c: {  	p2 =	seq.s32 s10, $0x1;
	s10 =	sld [smem:$0x3FA6]  }
0x3d: {  	_ =	shalt  }
0x3e: {  	_ =	shalt  }
0x3f: {  	_ =	shalt  }
0x40: {  	_ =	shalt  }
0x41: {  	_ =	shalt  }
0x42: {  	_ =	shalt  }
0x43: {  	_ =	shalt  }
0x44: {  	_ =	shalt  }
0x45: {  	_ =	shalt  }
0x46: {  	_ =	shalt  }
0x47: {  	_ =	shalt  }
0x48: {  	_ =	shalt  }
0x49: {  	_ =	shalt  }
0x4a: {  	_ =	shalt  }
0x4b: {  	_ =	shalt  }
0x4c: {  	_ =	shalt  }
0x4d: {  	_ =	shalt  }
0x4e: {  	_ =	shalt  }
0x4f: {  	_ =	shalt  }
0x50: {  	_ =	shalt  }
0x51: {  	_ =	shalt  }
0x52: {  	_ =	shalt  }
0x53: {  	_ =	shalt  }
0x54: {  	_ =	shalt  }
0x55: {  	_ =	shalt  }
0x56: {  	_ =	shalt  }
0x57: {  	_ =	shalt  }
0x58: {  	_ =	shalt  }
0x59: {  	_ =	shalt  }
0x5a: {  	_ =	shalt  }
0x5b: {  	_ =	shalt  }
0x5c: {  	_ =	shalt  }
0x5d: {  	_ =	shalt  }
0x5e: {  	_ =	shalt  }
0x5f: {  	_ =	shalt  }
0x60: {  	_ =	shalt  }
0x61: {  	_ =	shalt  }
0x62: {  	_ =	shalt  }
0x63: {  	_ =	shalt  }
0x64: {  	_ =	shalt  }
0x65: {  	_ =	shalt  }
0x66: {  	_ =	shalt  }
0x67: {  	_ =	shalt  }
0x68: {  	_ =	shalt  }
0x69: {  	_ =	shalt  }
0x6a: {  	_ =	shalt  }
0x6b: {  	_ =	shalt  }
0x6c: {  	_ =	shalt  }
0x6d: {  	_ =	shalt  }
0x6e: {  	_ =	shalt  }
0x6f: {  	_ =	shalt  }
0x70: {  	_ =	shalt  }
0x71: {  	_ =	shalt  }
0x72: {  	_ =	shalt  }
0x73: {  	_ =	shalt  }
0x74: {  	_ =	shalt  }
0x75: {  	_ =	shalt  }
0x76: {  	_ =	shalt  }
0x77: {  	_ =	shalt  }
0x78: {  	_ =	shalt  }
0x79: {  	_ =	shalt  }
0x7a: {  	_ =	shalt  }
0x7b: {  	_ =	shalt  }
0x7c: {  	_ =	shalt  }
0x7d: {  	_ =	shalt  }
0x7e: {  	_ =	shalt  }
0x7f: {  	_ =	shalt  }
0x80: {  	_ =	shalt  }
0x81: {  	_ =	shalt  }
0x82: {  	_ =	shalt  }
0x83: {  	_ =	shalt  }
0x84: {  	_ =	shalt  }
0x85: {  	_ =	shalt  }
0x86: {  	_ =	shalt  }
0x87: {  	_ =	shalt  }
.Lfunc_end0:
.L_simem_size_0:
called_computation_lowered:
.L_overlay_start_0:
0x88: {  	s2 =	sld [smem:$0x3FD9]  }
0x89: {  	s3 =	sld [smem:$0x3FFE];
	_ =	sdelay $0x1  }
0x8a: {  	s1 =	srdreg.scid  }
0x8b: {  	s0 =	sand.u32 $0x1, s1  }
0x8c: {  	s15 =	sshll.u32 s0, $0xA;
	s2 =	sadd.s32 s3, s2  }
0x8d: {  	s2 =	sadd.s32 s2, s15  }
0x8e: {  	[smem:$0x3FB2] =	sst s2  }
0x8f: {  	_ = 	snop  }
0x90: {  	s2 =	sld [smem:$0x3FD0];
	_ =	sdelay $0x1  }
0x91: {  	s16 =	sld [smem:$0x3FC9]  }
0x92: {  	s5 =	simm.s32 $0xD;
	s6 =	simm.s32 $0x10;
	s4 =	sld [smem:$0x3FC3]  }
0x93: {  	[smem:s6], [sflag:s5] =	dma.local [hbm:s2], $0x1  }
0x94: {  	_ =	swait.eq [sflag:s5], $0x1  }
0x95: {  	[sflag:s5] =	ssyncset.done $0x0  }
0x96: {  	[sflag:s5] =	ssyncadd.s32 $0xFFFFFFFF  }
0x97: {  	s17 =	sld [smem:$0x11];
	(tm) =	ssettm $0x1  }
0x98: {  	s18 =	sld [smem:$0x3FFB];
	_ =	sdelay $0x3  }
0x99: {  	_ =	strace s18  }
0x9a: {  	s5 =	sld [smem:$0x3FFC];
	_ =	sdelay $0x3  }
0x9b: {  	_ =	strace s5  }
0x9c: {  	s5 =	sld [smem:$0x3FFD];
	_ =	sdelay $0x3  }
0x9d: {  	_ =	strace s5  }
0x9e: {  	_ =	strace $0x8FFFFFFF  }
0x9f: {  	s19 =	sld [smem:$0x3FDB];
	_ =	sdelay $0x1  }
0xa0: {  	s20 =	simm.s32 $_scs_section_size  }
0xa1: {  	s7 =	simm.s32 $_size__tile_overlayer_lowered;
	s8 =	simm.s32 $_tile_overlayer_lowered  }
0xa2: {  	s23 =	simm.s32 $0x1BFF;
	s22 =	sshll.u32 s8, $0x1;
	s5 =	sadd.s32 s20, s19  }
0xa3: {  	s9 =	simm.s32 $0x0;
	s21 =	sshll.u32 s7, $0x1;
	s7 =	sadd.s32 s22, s5  }
0xa4: {  	[timem:s9], [sflag:s23] =	dma.local [hbm:s7], s21  }
0xa5: {  	_ =	swait.ge [sflag:s23], s21  }
0xa6: {  	s6 =	ssub.s32 $0x0, s21;
	[sflag:s23] =	ssyncset.done $0x0  }
0xa7: {  	[sflag:s23] =	ssyncadd.s32 s6;
	_ =	sdelay $0x1  }
0xa8: {  	s24 =	simm.s32 $0x1B8B  }
0xa9: {  	_ =	swait.ge [sflag:s24], $0x1  }
0xaa: {  	[sflag:s24] =	ssyncset.done $0x0  }
0xab: {  	s25 =	simm.s32 $0x1B8E;
	[sflag:s24] =	ssyncadd.s32 $0xFFFFFFFF  }
0xac: {  	s26 =	simm.s32 $execute0_lowered;
	[smem:$0x3FD2] =	sst s25  }
0xad: {  	s6 =	sshll.u32 s26, $0x1;
	_ =	strace $0x80000046;
	[dreg:$0x1] =	wrdreg $0xFFFFFFFF  }
0xae: {  	s28 =	simm.s32 $_size_execute0_lowered;
	s5 =	sadd.s32 s5, s6;
	[dreg:$0x0] =	wrdreg $0x0  }
0xaf: {  	s6 =	sshll.u32 s28, $0x1;
	[dreg:$0x2] =	wrdreg s5  }
0xb0: {  	[dreg:$0x3] =	wrdreg s6  }
0xb1: {  	[dreg:$0x4] =	wrdreg $0xC0  }
0xb2: {  	_ =	task [dreg:s9], $0x5FFFF  }
0xb3: {  	[dreg:$0x1] =	wrdreg $0xFFFFFFFF  }
0xb4: {  	[dreg:$0x0] =	wrdreg $0x60  }
0xb5: {  	[dreg:$0x2] =	wrdreg s16  }
0xb6: {  	[dreg:$0x3] =	wrdreg s4  }
0xb7: {  	[dreg:$0x4] =	wrdreg s17  }
0xb8: {  	[dreg:$0x5] =	wrdreg $0x9  }
0xb9: {  	_ =	task.clear_ibuf [dreg:s9], $0x6FFFF;
	_ =	strace $0x90000046  }
0xba: {  	s29 =	simm.s32 $0x9;
	_ =	strace $0x80000048  }
0xbb: {  	_ =	swait.ge [sflag:s29], $0x1  }
0xbc: {  	[sflag:s29] =	ssyncadd.s32 $0xFFFFFFFF  }
0xbd: {  	_ =	strace $0x90000048  }
0xbe: {  	_ =	sfence  }
0xbf: {  	s30 =	sld [smem:$0x0];
	_ =	sdelay $0x2  }
0xc0: {  	s31 =	sshll.u32 s1, $0xD;
	s1 =	sshrl.u32 s1, $0x2  }
0xc1: {  	s3 =	sand.u32 $0x4000, s31;
	s1 =	sadd.s32 s1, s30  }
0xc2: {  	s0 =	sor.u32 s3, s0;
	s1 =	sshll.u32 s1, $0x11  }
0xc3: {  	s0 =	sor.u32 s1, s0  }
0xc4: {  	s0 =	sadd.s32 $0x8F2B, s0  }
0xc5: {  	[sflag:s0] =	ssyncadd.remote.s32 $0x1  }
0xc6: {  	_ =	sfence.sel $0xFFFF  }
0xc7: {  	[dreg:$0x0] =	wrdreg $0xFFFFFFFF;
	(pc) =	sbr.abs _section_cstart, $3  }
0xc8: {  	[dreg:$0x1] =	wrdreg $0xFFFFFFFF  }
0xc9: {  	_ =	task.clear_ibuf [dreg:s9], $0x2FFFF;
	_ =	strace $0x9FFFFFFF  }
0xca: {  	(tm) =	ssettm $0x7FFFFFFF  }
0xcb: {  	_ =	shalt  }
tec
execute0_lowered:
.L_overlay_start_1:
0x0: {  	(tag) =	ssettag $0x1  }
0x1: {  	s1 =	rddreg [dreg:$0x0]  }
0x2: {  	s2 =	srdreg.scid;
	s0 =	stileid.u32  }
0x3: {  	s16 =	rddreg [dreg:$0x1];
	s25 =	sand.u32 $0x1, s2;
	s31 =	sshll.u32 s0, $0x1  }
0x4: {  	s26 =	rddreg [dreg:$0x2];
	s17 =	sor.u32 s25, s31  }
0x5: {  	s3 =	simm.s32 $0x0;
	s2 =	rddreg [dreg:$0x3];
	s4 =	smul.u32 $0xA, s17  }
0x6: {  	[smem:$0x7FF] =	sst s3  }
0x7: {  	_ =	strace $0x80000047;
	s5 =	sadd.s32 s16, s4;
	s4 =	simm.s32 $0x3  }
0x8: {  	[tilespmem:s3], [sflag:$0x3] =	stream.linear.gather [hbm4b:s5+s3], $0x50, $0x38;
	[tilespmem:$0x5100] =	vst v63  }
0x9: {  	_ =	swait.ge [sflag:s4], $0x50  }
0xa: {  	s6 =	simm.s32 $0x50;
	s15 =	sor.u32 $0x20, s17;
	[sflag:s4] =	ssyncset.done $0x0  }
0xb: {  	s7 =	simm.s32 $0x80;
	s8 =	smul.u32 $0xA, s15;
	[sflag:s4] =	ssyncadd.s32 $0xFFFFFFB0  }
0xc: {  	[tilespmem:s7], [sflag:$0x1] =	stream.indirect.gather [hbm4b:s1+s6], $0x80, s3, s6, $0xb8;
	[tilespmem:$0x5100] =	vst v63  }
0xd: {  	s9 =	simm.s32 $0x2880;
	s8 =	sadd.s32 s16, s8  }
0xe: {  	[tilespmem:s9], [sflag:$0x3] =	stream.linear.gather [hbm4b:s8+s3], $0x50, $0x38;
	[tilespmem:$0x5100] =	vst v63  }
0xf: {  	_ =	swait.ge [sflag:s4], $0x50  }
0x10: {  	[sflag:s4] =	ssyncset.done $0x0  }
0x11: {  	s10 =	simm.s32 $0x2900;
	s11 =	simm.s32 $0x1;
	[sflag:s4] =	ssyncadd.s32 $0xFFFFFFB0  }
0x12: {  	[tilespmem:s10], [sflag:$0x2] =	stream.indirect.gather [hbm4b:s1+s6], $0x80, s9, s6, $0xb8;
	[tilespmem:$0x5100] =	vst v63  }
0x13: {  	s12 =	smul.u32 $0x500, s17;
	_ =	swait.ge [sflag:s11], $0x2800  }
0x14: {  	[sflag:s11] =	ssyncset.done $0x0  }
0x15: {  	s23 =	sor.u32 $0x40, s17;
	s12 =	sadd.s32 s26, s12;
	[sflag:s11] =	ssyncadd.s32 $0xFFFFD800  }
0x16: {  	[hbm4b:s12+s3] =	stream.linear.scatter [tilespmem:s7], [sflag:$0x3], $0x2800, $0x38;
	[tilespmem:$0x5100] =	vst v63  }
0x17: {  	s13 =	smul.u32 $0xA, s23;
	_ =	swait.ge [sflag:s4], $0x2800  }
0x18: {  	[sflag:s4] =	ssyncset.done $0x0  }
0x19: {  	s13 =	sadd.s32 s16, s13;
	[sflag:s4] =	ssyncadd.s32 $0xFFFFD800  }
0x1a: {  	[tilespmem:s3], [sflag:$0x3] =	stream.linear.gather [hbm4b:s13+s3], $0x50, $0x38;
	[tilespmem:$0x5100] =	vst v63  }
0x1b: {  	_ =	swait.ge [sflag:s4], $0x50  }
0x1c: {  	[sflag:s4] =	ssyncset.done $0x0  }
0x1d: {  	s14 =	simm.s32 $0x2;
	[sflag:s4] =	ssyncadd.s32 $0xFFFFFFB0  }
0x1e: {  	[tilespmem:s7], [sflag:$0x1] =	stream.indirect.gather [hbm4b:s1+s6], $0x80, s3, s6, $0xb8;
	[tilespmem:$0x5100] =	vst v63  }
0x1f: {  	s15 =	smul.u32 $0x500, s15;
	_ =	swait.ge [sflag:s14], $0x2800  }
0x20: {  	[sflag:s14] =	ssyncset.done $0x0  }
0x21: {  	s28 =	sor.u32 $0x60, s17;
	s15 =	sadd.s32 s26, s15;
	[sflag:s14] =	ssyncadd.s32 $0xFFFFD800  }
0x22: {  	[hbm4b:s15+s3] =	stream.linear.scatter [tilespmem:s10], [sflag:$0x3], $0x2800, $0x38;
	[tilespmem:$0x5100] =	vst v63  }
0x23: {  	p0 =	sgt.u32 s17, $0x1C;
	s18 =	smul.u32 $0xA, s28;
	_ =	swait.ge [sflag:s4], $0x2800  }
0x24: {  	s17 =	simm.s32 @!p0 $0x3;
	s19 =	simm.s32 @!p0 $0x2880;
	[sflag:s4] =	ssyncset.done $0x0  }
0x25: {  	s16 =	sadd.s32 s16, s18;
	s18 =	simm.s32 @!p0 $0x0;
	[sflag:s4] =	ssyncadd.s32 $0xFFFFD800  }
0x26: {  	[tilespmem:s19], [sflag:$0x3] =	stream.linear.gather @!p0 [hbm4b:s16+s18], $0x50, $0x38;
	[tilespmem:$0x5100] =	vst v63  }
0x27: {  	_ =	swait.ge @!p0 [sflag:s17], $0x50  }
0x28: {  	s20 =	simm.s32 @!p0 $0x50;
	[sflag:s17] =	ssyncset.done @!p0 $0x0  }
0x29: {  	s21 =	simm.s32 @!p0 $0x2900;
	s22 =	simm.s32 @!p0 $0x1;
	[sflag:s17] =	ssyncadd.s32 @!p0 $0xFFFFFFB0  }
0x2a: {  	[tilespmem:s21], [sflag:$0x2] =	stream.indirect.gather @!p0 [hbm4b:s1+s20], $0x80, s19, s20, $0xb8;
	[tilespmem:$0x5100] =	vst v63  }
0x2b: {  	s29 =	ssub.s32 $0x2, s25;
	s23 =	smul.u32 $0x500, s23;
	_ =	swait.ge @!p0 [sflag:s22], $0x2800  }
0x2c: {  	s30 =	sshrl.u32 s29, $0x1;
	[sflag:s22] =	ssyncset.done @!p0 $0x0  }
0x2d: {  	s24 =	simm.s32 @!p0 $0x80;
	s23 =	sadd.s32 s26, s23;
	[sflag:s22] =	ssyncadd.s32 @!p0 $0xFFFFD800  }
0x2e: {  	[hbm4b:s23+s18] =	stream.linear.scatter @!p0 [tilespmem:s24], [sflag:$0x3], $0x2800, $0x38;
	[tilespmem:$0x5100] =	vst v63  }
0x2f: {  	s28 =	smul.u32 $0x500, s28;
	s29 =	ssub.s32 s29, s30;
	_ =	swait.ge @!p0 [sflag:s17], $0x2800  }
0x30: {  	s25 =	simm.s32 @!p0 $0x2;
	s29 =	smax.u32 s29, $0x1;
	[sflag:s17] =	ssyncset.done @!p0 $0x0  }
0x31: {  	s25 =	simm.s32 @p0 $0x1;
	s29 =	sadd.s32 $0xFFFFFFFF, s29;
	[sflag:s17] =	ssyncadd.s32 @!p0 $0xFFFFD800  }
0x32: {  	s26 =	sadd.s32 s26, s28;
	p1 =	sne.s32 s29, $0x0;
	_ =	swait.ge [sflag:s25], $0x2800  }
.Ltmp0:
0x33: {  	s28 =	simm.s32 @!p0 $0x2900;
	[sflag:s25] =	ssyncset.done $0x0;
	(pc) =	sbr.rel @!p1 .LBB2_2-.Ltmp0, $4  }
0x34: {  	s26 =	smov.u32 @p0 s23;
	s28 =	simm.s32 @p0 $0x80;
	[sflag:s25] =	ssyncadd.s32 $0xFFFFD800  }
0x35: {  	[hbm4b:s26+s3] =	stream.linear.scatter [tilespmem:s28], [sflag:$0x3], $0x2800, $0x38;
	[tilespmem:$0x5100] =	vst v63  }
0x36: {  	_ =	swait.ge [sflag:s4], $0x2800  }
0x37: {  	[sflag:s4] =	ssyncset.done $0x0  }
.LBB2_1:
0x38: {  	s29 =	sadd.s32 $0xFFFFFFFF, s29;
	[sflag:s4] =	ssyncadd.s32 $0xFFFFD800  }
0x39: {  	[tilespmem:s3], [sflag:$0x3] =	stream.linear.gather [hbm4b:s5+s3], $0x50, $0x38;
	[tilespmem:$0x5100] =	vst v63  }
0x3a: {  	p1 =	sne.s32 s29, $0x0;
	_ =	swait.ge [sflag:s4], $0x50  }
0x3b: {  	[sflag:s4] =	ssyncset.done $0x0  }
0x3c: {  	[sflag:s4] =	ssyncadd.s32 $0xFFFFFFB0  }
0x3d: {  	[tilespmem:s7], [sflag:$0x1] =	stream.indirect.gather [hbm4b:s1+s6], $0x80, s3, s6, $0xb8;
	[tilespmem:$0x5100] =	vst v63  }
0x3e: {  	_ = 	snop  }
0x3f: {  	[tilespmem:s9], [sflag:$0x3] =	stream.linear.gather [hbm4b:s8+s3], $0x50, $0x38;
	[tilespmem:$0x5100] =	vst v63  }
0x40: {  	_ =	swait.ge [sflag:s4], $0x50  }
0x41: {  	[sflag:s4] =	ssyncset.done $0x0  }
0x42: {  	[sflag:s4] =	ssyncadd.s32 $0xFFFFFFB0  }
0x43: {  	[tilespmem:s10], [sflag:$0x2] =	stream.indirect.gather [hbm4b:s1+s6], $0x80, s9, s6, $0xb8;
	[tilespmem:$0x5100] =	vst v63  }
0x44: {  	_ =	swait.ge [sflag:s11], $0x2800  }
0x45: {  	[sflag:s11] =	ssyncset.done $0x0  }
0x46: {  	[sflag:s11] =	ssyncadd.s32 $0xFFFFD800  }
0x47: {  	[hbm4b:s12+s3] =	stream.linear.scatter [tilespmem:s7], [sflag:$0x3], $0x2800, $0x38;
	[tilespmem:$0x5100] =	vst v63  }
0x48: {  	_ =	swait.ge [sflag:s4], $0x2800  }
0x49: {  	[sflag:s4] =	ssyncset.done $0x0  }
0x4a: {  	[sflag:s4] =	ssyncadd.s32 $0xFFFFD800  }
0x4b: {  	[tilespmem:s3], [sflag:$0x3] =	stream.linear.gather [hbm4b:s13+s3], $0x50, $0x38;
	[tilespmem:$0x5100] =	vst v63  }
0x4c: {  	_ =	swait.ge [sflag:s4], $0x50  }
0x4d: {  	[sflag:s4] =	ssyncset.done $0x0  }
0x4e: {  	[sflag:s4] =	ssyncadd.s32 $0xFFFFFFB0  }
0x4f: {  	[tilespmem:s7], [sflag:$0x1] =	stream.indirect.gather [hbm4b:s1+s6], $0x80, s3, s6, $0xb8;
	[tilespmem:$0x5100] =	vst v63  }
0x50: {  	_ =	swait.ge [sflag:s14], $0x2800  }
0x51: {  	[sflag:s14] =	ssyncset.done $0x0  }
0x52: {  	[sflag:s14] =	ssyncadd.s32 $0xFFFFD800  }
0x53: {  	[hbm4b:s15+s3] =	stream.linear.scatter [tilespmem:s10], [sflag:$0x3], $0x2800, $0x38;
	[tilespmem:$0x5100] =	vst v63  }
0x54: {  	_ =	swait.ge [sflag:s4], $0x2800  }
0x55: {  	[sflag:s4] =	ssyncset.done $0x0  }
0x56: {  	[sflag:s4] =	ssyncadd.s32 $0xFFFFD800  }
0x57: {  	[tilespmem:s19], [sflag:$0x3] =	stream.linear.gather @!p0 [hbm4b:s16+s18], $0x50, $0x38;
	[tilespmem:$0x5100] =	vst v63  }
0x58: {  	_ =	swait.ge @!p0 [sflag:s17], $0x50  }
0x59: {  	[sflag:s17] =	ssyncset.done @!p0 $0x0  }
0x5a: {  	[sflag:s17] =	ssyncadd.s32 @!p0 $0xFFFFFFB0  }
0x5b: {  	[tilespmem:s21], [sflag:$0x2] =	stream.indirect.gather @!p0 [hbm4b:s1+s20], $0x80, s19, s20, $0xb8;
	[tilespmem:$0x5100] =	vst v63  }
0x5c: {  	_ =	swait.ge @!p0 [sflag:s22], $0x2800  }
0x5d: {  	[sflag:s22] =	ssyncset.done @!p0 $0x0  }
0x5e: {  	[sflag:s22] =	ssyncadd.s32 @!p0 $0xFFFFD800  }
0x5f: {  	[hbm4b:s23+s18] =	stream.linear.scatter @!p0 [tilespmem:s24], [sflag:$0x3], $0x2800, $0x38;
	[tilespmem:$0x5100] =	vst v63  }
0x60: {  	_ =	swait.ge @!p0 [sflag:s17], $0x2800  }
0x61: {  	[sflag:s17] =	ssyncset.done @!p0 $0x0  }
0x62: {  	[sflag:s17] =	ssyncadd.s32 @!p0 $0xFFFFD800  }
0x63: {  	_ =	swait.ge [sflag:s25], $0x2800  }
.Ltmp1:
0x64: {  	[sflag:s25] =	ssyncset.done $0x0;
	(pc) =	sbr.rel @p1 .LBB2_1-.Ltmp1, $4  }
0x65: {  	[sflag:s25] =	ssyncadd.s32 $0xFFFFD800  }
0x66: {  	[hbm4b:s26+s3] =	stream.linear.scatter [tilespmem:s28], [sflag:$0x3], $0x2800, $0x38;
	[tilespmem:$0x5100] =	vst v63  }
0x67: {  	_ =	swait.ge [sflag:s4], $0x2800  }
0x68: {  	[sflag:s4] =	ssyncset.done $0x0  }
.LBB2_2:
0x69: {  	[sflag:s4] =	ssyncadd.s32 $0xFFFFD800  }
0x6a: {  	_ =	sfence.sel $0x180000  }
0x6b: {  	[bflag:$0x0] =	sbarrier.arrive $0xFFFF  }
0x6c: {  	p0 =	sne.s32 s0, $0x0;
	_ =	strace $0x90000047  }
0x6d: {  	s0 =	sadd.s32 @!p0 $0x100000, s2;
	[bflag:$0x2] =	sbarrier.arrive $0xFFFF  }
0x6e: {  	[sflag:s0] =	ssyncadd.tile.s32 @!p0 $0x1;
	_ =	shalt  }
.Lfunc_end2:
_tile_overlayer_lowered:
.L_overlay_start_2:
0x6f: {  	(tag) =	ssettag $0x2  }
0x70: {  	s0 =	rddreg [dreg:$0x0];
	s2 =	stileid.u32  }
0x71: {  	s1 =	rddreg [dreg:$0x1];
	p0 =	sne.s32 s2, $0x0  }
0x72: {  	s3 =	rddreg [dreg:$0x2];
	[bflag:$0x3] =	sbarrier.arrive $0xFFFF;
	s2 =	simm.s32 @!p0 $0x1C03  }
0x73: {  	[timem:s3], [sflag:s2] =	dma.local @!p0 [hbm:s0], s1  }
0x74: {  	s0 =	simm.s32 @!p0 $0x3  }
0x75: {  	_ =	swait.ge @!p0 [sflag:s0], s1  }
0x76: {  	s1 =	ssub.s32 @!p0 $0x0, s1;
	[sflag:s0] =	ssyncset.done @!p0 $0x0  }
0x77: {  	[sflag:s0] =	ssyncadd.s32 @!p0 s1  }
0x78: {  	[bflag:$0x3] =	sbarrier.arrive $0xFFFF  }
0x79: {  	_ =	shalt  }

// kernel: sc_gather_topo1.3.cloned.1.call-start
scs
__scs_entry_jumppad:
0x0: {  	(pc) =	sbr.rel $0x88, $3  }
0x1: {  	(tag) =	ssettag $0x0;
	lr =	simm.s32 $0x1  }
0x2: {  	[smem:$0x3F8B] =	sst lr;
	_ =	strace $0xD0000000  }
0x3: {  	_ = 	snop  }
0x4: {  	_ = 	snop  }
0x5: {  	_ = 	snop  }
0x6: {  	_ = 	snop  }
0x7: {  	_ = 	snop  }
__scs_overlays_trampoline_lowered:
0x8: {  	[smem:$0x3F9A] =	sst s0  }
0x9: {  	[smem:$0x3F9B] =	sst s1  }
0xa: {  	[smem:$0x3F9C] =	sst s2  }
0xb: {  	[smem:$0x3F9D] =	sst s3  }
0xc: {  	[smem:$0x3F9E] =	sst s4  }
0xd: {  	[smem:$0x3F9F] =	sst s5  }
0xe: {  	[smem:$0x3FA0] =	sst s6  }
0xf: {  	[smem:$0x3FA1] =	sst s7  }
0x10: {  	[smem:$0x3FA2] =	sst s8  }
0x11: {  	[smem:$0x3FA3] =	sst s9;
	s0 =	simm.s32 @!p0 $0x0  }
0x12: {  	s1 =	sld [smem:$0x3F89];
	s0 =	simm.s32 @p0 $0x1  }
0x13: {  	[smem:$0x3FA4] =	sst s0;
	s0 =	simm.s32 @!p1 $0x0  }
0x14: {  	s2 =	sld [smem:$0x3F88];
	s0 =	simm.s32 @p1 $0x1  }
0x15: {  	[smem:$0x3FA5] =	sst s0;
	s0 =	simm.s32 @!p2 $0x0  }
0x16: {  	s3 =	sld [smem:$0x3FDB];
	s0 =	simm.s32 @p2 $0x1  }
0x17: {  	s4 =	simm.s32 $0x1BF5;
	[smem:$0x3FA7] =	sst s0  }
0x18: {  	s0 =	sld [smem:$0x3F8A];
	_ =	swait.ge [sflag:s4], $0x0  }
0x19: {  	s7 =	sld [smem:$0x3F8B]  }
0x1a: {  	s8 =	sadd.s32 $0xFFFFE003, lr  }
0x1b: {  	s9 =	sadd.s32 $0xFFFFFEF7, lr;
	s5 =	simm.s32 $0xFFFFFFFF;
	p2 =	slt.u32 s8, $0xFFFFF086  }
0x1c: {  	p1 =	slt.u32 s9, $0xF7A;
	s5 =	simm.s32 @!p2 $0x0  }
0x1d: {  	s5 =	simm.s32 @p1 $0x1;
	p0 =	seq.s32 s7, s2  }
0x1e: {  	s7 =	smul.u32 @!p0 $0xF7A, s2;
	p2 =	seq.s32 @!p0 s5, $0x0  }
0x1f: {  	s9 =	smul.u32 $0xF7A, s1;
	s8 =	simm.s32 @!p0 $0x1BF5;
	p2 =	por !p2, p0  }
0x20: {  	[sflag:s8] =	ssyncset.s32 @!p0 $0xFFFFF086;
	s6 =	sadd.s32 @!p0 s3, s7;
	s7 =	simm.s32 @!p0 $0x108  }
0x21: {  	s3 =	sadd.s32 s3, s9;
	s6 =	sadd.s32 @!p0 $0x88, s6;
	s7 =	simm.s32 @p2 $0x1082  }
0x22: {  	[simem:s7], [sflag:s8] =	dma.local @!p0 [hbm:s6], $0xF7A  }
0x23: {  	s9 =	sor.u32 $0xD0000000, s2;
	s6 =	simm.s32 $0x108;
	_ =	swait.ge @!p0 [sflag:s8], $0x0  }
0x24: {  	s3 =	sadd.s32 $0x88, s3;
	s6 =	simm.s32 @!p1 $0x1082;
	[sflag:s4] =	ssyncset.s32 $0xFFFFF086  }
0x25: {  	[simem:s6], [sflag:s4] =	dma.local [hbm:s3], $0xF7A  }
0x26: {  	[smem:$0x3F8B] =	sst s1;
	(tag) =	ssettag s2;
	_ =	strace s9  }
0x27: {  	s1 =	sld [smem:$0x3F9B]  }
0x28: {  	s2 =	sld [smem:$0x3F9C]  }
0x29: {  	s4 =	sld [smem:$0x3F9E]  }
0x2a: {  	p0 =	seq.s32 s5, $0x0;
	s5 =	sld [smem:$0x3F9F]  }
0x2b: {  	s6 =	sld [smem:$0x3FA0]  }
0x2c: {  	s7 =	sld [smem:$0x3FA1]  }
0x2d: {  	s3 =	simm.s32 $0x108;
	s8 =	sld [smem:$0x3FA2]  }
0x2e: {  	s3 =	simm.s32 @!p0 $0x1082;
	s9 =	sld [smem:$0x3FA3]  }
0x2f: {  	lr =	sadd.s32 s0, s3;
	s0 =	sld [smem:$0x3F9A]  }
0x30: {  	s3 =	sld [smem:$0x3F9D]  }
0x31: {  	[smem:$0x3FA6] =	sst s10  }
0x32: {  	s10 =	sld [smem:$0x3FA4];
	_ =	sdelay $0x3  }
0x33: {  	p0 =	seq.s32 s10, $0x1;
	s10 =	sld [smem:$0x3FA6];
	_ =	sdelay $0x3  }
0x34: {  	[smem:$0x3FA6] =	sst s10  }
0x35: {  	s10 =	sld [smem:$0x3FA5];
	_ =	sdelay $0x3  }
0x36: {  	p1 =	seq.s32 s10, $0x1;
	s10 =	sld [smem:$0x3FA6];
	_ =	sdelay $0x3  }
0x37: {  	[smem:$0x3FA6] =	sst s10  }
0x38: {  	s10 =	sld [smem:$0x3FA7]  }
0x39: {  	_ = 	snop;
	(pc) =	sbr.ind lr, $3  }
0x3a: {  	_ = 	snop  }
0x3b: {  	_ = 	snop  }
0x3c: {  	p2 =	seq.s32 s10, $0x1;
	s10 =	sld [smem:$0x3FA6]  }
0x3d: {  	_ =	shalt  }
0x3e: {  	_ =	shalt  }
0x3f: {  	_ =	shalt  }
0x40: {  	_ =	shalt  }
0x41: {  	_ =	shalt  }
0x42: {  	_ =	shalt  }
0x43: {  	_ =	shalt  }
0x44: {  	_ =	shalt  }
0x45: {  	_ =	shalt  }
0x46: {  	_ =	shalt  }
0x47: {  	_ =	shalt  }
0x48: {  	_ =	shalt  }
0x49: {  	_ =	shalt  }
0x4a: {  	_ =	shalt  }
0x4b: {  	_ =	shalt  }
0x4c: {  	_ =	shalt  }
0x4d: {  	_ =	shalt  }
0x4e: {  	_ =	shalt  }
0x4f: {  	_ =	shalt  }
0x50: {  	_ =	shalt  }
0x51: {  	_ =	shalt  }
0x52: {  	_ =	shalt  }
0x53: {  	_ =	shalt  }
0x54: {  	_ =	shalt  }
0x55: {  	_ =	shalt  }
0x56: {  	_ =	shalt  }
0x57: {  	_ =	shalt  }
0x58: {  	_ =	shalt  }
0x59: {  	_ =	shalt  }
0x5a: {  	_ =	shalt  }
0x5b: {  	_ =	shalt  }
0x5c: {  	_ =	shalt  }
0x5d: {  	_ =	shalt  }
0x5e: {  	_ =	shalt  }
0x5f: {  	_ =	shalt  }
0x60: {  	_ =	shalt  }
0x61: {  	_ =	shalt  }
0x62: {  	_ =	shalt  }
0x63: {  	_ =	shalt  }
0x64: {  	_ =	shalt  }
0x65: {  	_ =	shalt  }
0x66: {  	_ =	shalt  }
0x67: {  	_ =	shalt  }
0x68: {  	_ =	shalt  }
0x69: {  	_ =	shalt  }
0x6a: {  	_ =	shalt  }
0x6b: {  	_ =	shalt  }
0x6c: {  	_ =	shalt  }
0x6d: {  	_ =	shalt  }
0x6e: {  	_ =	shalt  }
0x6f: {  	_ =	shalt  }
0x70: {  	_ =	shalt  }
0x71: {  	_ =	shalt  }
0x72: {  	_ =	shalt  }
0x73: {  	_ =	shalt  }
0x74: {  	_ =	shalt  }
0x75: {  	_ =	shalt  }
0x76: {  	_ =	shalt  }
0x77: {  	_ =	shalt  }
0x78: {  	_ =	shalt  }
0x79: {  	_ =	shalt  }
0x7a: {  	_ =	shalt  }
0x7b: {  	_ =	shalt  }
0x7c: {  	_ =	shalt  }
0x7d: {  	_ =	shalt  }
0x7e: {  	_ =	shalt  }
0x7f: {  	_ =	shalt  }
0x80: {  	_ =	shalt  }
0x81: {  	_ =	shalt  }
0x82: {  	_ =	shalt  }
0x83: {  	_ =	shalt  }
0x84: {  	_ =	shalt  }
0x85: {  	_ =	shalt  }
0x86: {  	_ =	shalt  }
0x87: {  	_ =	shalt  }
.Lfunc_end0:
.L_simem_size_0:
called_computation.1_lowered:
.L_overlay_start_0:
0x88: {  	s2 =	sld [smem:$0x3FD9]  }
0x89: {  	s3 =	sld [smem:$0x3FFE];
	_ =	sdelay $0x1  }
0x8a: {  	s1 =	srdreg.scid  }
0x8b: {  	s0 =	sand.u32 $0x1, s1  }
0x8c: {  	s15 =	sshll.u32 s0, $0xA;
	s2 =	sadd.s32 s3, s2  }
0x8d: {  	s2 =	sadd.s32 s2, s15  }
0x8e: {  	[smem:$0x3FB2] =	sst s2  }
0x8f: {  	_ = 	snop  }
0x90: {  	s16 =	sld [smem:$0x3FD0];
	_ =	sdelay $0x2  }
0x91: {  	s4 =	simm.s32 $0xD;
	s5 =	simm.s32 $0x10;
	s2 =	sld [smem:$0x3FC9]  }
0x92: {  	[smem:s5], [sflag:s4] =	dma.local [hbm:s16], $0x1  }
0x93: {  	_ =	swait.eq [sflag:s4], $0x1  }
0x94: {  	[sflag:s4] =	ssyncset.done $0x0  }
0x95: {  	[sflag:s4] =	ssyncadd.s32 $0xFFFFFFFF  }
0x96: {  	s17 =	sld [smem:$0x10];
	(tm) =	ssettm $0x1  }
0x97: {  	s18 =	sld [smem:$0x3FFB];
	_ =	sdelay $0x3  }
0x98: {  	_ =	strace s18  }
0x99: {  	s3 =	sld [smem:$0x3FFC];
	_ =	sdelay $0x3  }
0x9a: {  	_ =	strace s3  }
0x9b: {  	s3 =	sld [smem:$0x3FFD];
	_ =	sdelay $0x3  }
0x9c: {  	_ =	strace s3  }
0x9d: {  	_ =	strace $0x8FFFFFFF  }
0x9e: {  	s19 =	sld [smem:$0x3FDB];
	_ =	sdelay $0x1  }
0x9f: {  	s20 =	simm.s32 $_scs_section_size  }
0xa0: {  	s6 =	simm.s32 $_size__tile_overlayer_lowered;
	s7 =	simm.s32 $_tile_overlayer_lowered  }
0xa1: {  	s8 =	simm.s32 $0x1BFF;
	s21 =	sshll.u32 s7, $0x1;
	s5 =	sadd.s32 s20, s19  }
0xa2: {  	s22 =	simm.s32 $0x0;
	s6 =	sshll.u32 s6, $0x1;
	s7 =	sadd.s32 s21, s5  }
0xa3: {  	[timem:s22], [sflag:s8] =	dma.local [hbm:s7], s6  }
0xa4: {  	_ =	swait.ge [sflag:s8], s6  }
0xa5: {  	s6 =	ssub.s32 $0x0, s6;
	[sflag:s8] =	ssyncset.done $0x0  }
0xa6: {  	[sflag:s8] =	ssyncadd.s32 s6;
	_ =	sdelay $0x1  }
0xa7: {  	s23 =	simm.s32 $0x1B8B  }
0xa8: {  	_ =	swait.ge [sflag:s23], $0x1  }
0xa9: {  	[sflag:s23] =	ssyncset.done $0x0  }
0xaa: {  	[sflag:s23] =	ssyncadd.s32 $0xFFFFFFFF  }
0xab: {  	s6 =	sld [smem:$0x0]  }
0xac: {  	s7 =	sand.u32 $0xFFFFFFFE, s1  }
0xad: {  	p0 =	sne.s32 s1, s7  }
0xae: {  	s7 =	sshll.u32 @p0 s7, $0xE  }
0xaf: {  	s7 =	sadd.s32 @p0 $0x11B8D, s7;
	s8 =	sshll.u32 @p0 s6, $0x11  }
0xb0: {  	s7 =	sor.u32 @p0 s8, s7  }
0xb1: {  	[sflag:s7] =	ssyncadd.remote.s32 @p0 $0x1;
	_ =	sdelay $0x1  }
0xb2: {  	s7 =	simm.s32 @p0 $0x1B8D  }
0xb3: {  	_ =	swait.eq @p0 [sflag:s7], $0x1  }
0xb4: {  	[sflag:s7] =	ssyncadd.s32 @p0 $0xFFFFFFFF  }
0xb5: {  	s8 =	sshll.u32 @!p0 s1, $0xE  }
0xb6: {  	s8 =	sor.u32 @!p0 $0x4000, s8;
	s7 =	simm.s32 @!p0 $0x1B8D  }
0xb7: {  	s6 =	sshll.u32 @!p0 s6, $0x11;
	s8 =	sadd.s32 @!p0 $0x11B8D, s8;
	_ =	swait.eq @!p0 [sflag:s7], $0x1  }
0xb8: {  	s6 =	sor.u32 @!p0 s6, s8;
	[sflag:s7] =	ssyncadd.s32 @!p0 $0xFFFFFFFF  }
0xb9: {  	s25 =	simm.s32 $0x1B8E;
	s24 =	sld [smem:$0x3FFE];
	[sflag:s6] =	ssyncadd.remote.s32 @!p0 $0x1  }
0xba: {  	s26 =	simm.s32 $execute0_lowered;
	[smem:$0x3FD2] =	sst s25  }
0xbb: {  	s7 =	sshll.u32 s26, $0x1;
	_ =	strace $0x8000004C;
	[dreg:$0x1] =	wrdreg $0xFFFFFFFF  }
0xbc: {  	s28 =	simm.s32 $_size_execute0_lowered;
	s5 =	sadd.s32 s5, s7;
	[dreg:$0x0] =	wrdreg $0x0  }
0xbd: {  	s7 =	sshll.u32 s28, $0x1;
	[dreg:$0x2] =	wrdreg s5  }
0xbe: {  	[dreg:$0x3] =	wrdreg s7  }
0xbf: {  	[dreg:$0x4] =	wrdreg $0xC0  }
0xc0: {  	_ =	task [dreg:s22], $0x5FFFF  }
0xc1: {  	[dreg:$0x1] =	wrdreg $0xFFFFFFFF  }
0xc2: {  	[dreg:$0x0] =	wrdreg $0x60  }
0xc3: {  	[dreg:$0x2] =	wrdreg s2  }
0xc4: {  	[dreg:$0x3] =	wrdreg s17  }
0xc5: {  	[dreg:$0x4] =	wrdreg s24  }
0xc6: {  	[dreg:$0x5] =	wrdreg $0x9  }
0xc7: {  	_ =	task.clear_ibuf [dreg:s22], $0x6FFFF;
	_ =	strace $0x9000004C  }
0xc8: {  	s29 =	simm.s32 $0x9;
	_ =	strace $0x8000004E  }
0xc9: {  	_ =	swait.ge [sflag:s29], $0x1  }
0xca: {  	[sflag:s29] =	ssyncadd.s32 $0xFFFFFFFF  }
0xcb: {  	_ =	strace $0x9000004E  }
0xcc: {  	_ =	sfence  }
0xcd: {  	s30 =	sld [smem:$0x0];
	_ =	sdelay $0x2  }
0xce: {  	s31 =	sshll.u32 s1, $0xD;
	s1 =	sshrl.u32 s1, $0x2  }
0xcf: {  	s4 =	sand.u32 $0x4000, s31;
	s1 =	sadd.s32 s1, s30  }
0xd0: {  	s0 =	sor.u32 s4, s0;
	s1 =	sshll.u32 s1, $0x11  }
0xd1: {  	s0 =	sor.u32 s1, s0  }
0xd2: {  	s0 =	sadd.s32 $0x8F2B, s0  }
0xd3: {  	[sflag:s0] =	ssyncadd.remote.s32 $0x1  }
0xd4: {  	_ =	sfence.sel $0xFFFF  }
0xd5: {  	[dreg:$0x0] =	wrdreg $0xFFFFFFFF;
	(pc) =	sbr.abs _section_cstart, $3  }
0xd6: {  	[dreg:$0x1] =	wrdreg $0xFFFFFFFF  }
0xd7: {  	_ =	task.clear_ibuf [dreg:s22], $0x2FFFF;
	_ =	strace $0x9FFFFFFF  }
0xd8: {  	(tm) =	ssettm $0x7FFFFFFF  }
0xd9: {  	_ =	shalt  }
tec
execute0_lowered:
.L_overlay_start_1:
0x0: {  	(tag) =	ssettag $0x1  }
0x1: {  	s1 =	rddreg [dreg:$0x0];
	s2 =	srdreg.scid  }
0x2: {  	s0 =	stileid.u32;
	s8 =	rddreg [dreg:$0x1]  }
0x3: {  	s9 =	rddreg [dreg:$0x2];
	s3 =	simm.s32 $0x0;
	s18 =	simm.s32 $0xC180  }
0x4: {  	s19 =	simm.s32 $0x4;
	s20 =	simm.s32 $0xC300;
	s21 =	simm.s32 $0xC200  }
0x5: {  	s22 =	simm.s32 $0x10300;
	s23 =	simm.s32 $0xC280;
	s11 =	smul.u32 $0x3000, s0  }
0x6: {  	s24 =	simm.s32 $0x14300;
	s7 =	sand.u32 $0x1, s2;
	s14 =	smul.u32 $0x60, s0  }
0x7: {  	s28 =	simm.s32 $0x0;
	s25 =	sshll.u32 s0, $0x1;
	s13 =	smul.u32 $0x1800, s7  }
0x8: {  	[smem:$0x7FF] =	sst s3;
	s25 =	sor.u32 s7, s25;
	s15 =	smul.u32 $0x30, s7  }
0x9: {  	s12 =	sadd.s32 $0x305A00, s9;
	_ =	strace $0x8000004D;
	s4 =	smul.u32 $0x30, s25  }
0xa: {  	s5 =	ssub.s32 $0x2, s7;
	s7 =	sadd.s32 $0x625200, s9;
	s6 =	smul.u32 $0x1800, s25  }
0xb: {  	s10 =	sshrl.u32 s5, $0x1;
	s29 =	sadd.s32 s11, s12;
	s30 =	sadd.s32 s14, s8  }
0xc: {  	s11 =	sor.u32 $0x40, s25;
	s14 =	simm.s32 $0x180;
	p0 =	sgt.u32 s25, $0x14  }
0xd: {  	s10 =	ssub.s32 s5, s10;
	s9 =	sadd.s32 s13, s29;
	s31 =	sadd.s32 s15, s30  }
0xe: {  	s13 =	simm.s32 $0x80;
	p1 =	sne.s32 @!p0 s25, $0x0;
	s25 =	simm.s32 $0x1  }
0xf: {  	s4 =	sadd.s32 s8, s4;
	s26 =	sadd.s32 s6, s12;
	s6 =	sadd.s32 $0x63F0, s8  }
0x10: {  	s8 =	smax.u32 s10, $0x1;
	s10 =	sadd.s32 $0x600, s31;
	s12 =	simm.s32 $0x3  }
0x11: {  	p1 =	por p1, p0;
	s5 =	sadd.s32 $0x300000, s26;
	s26 =	simm.s32 $0x2  }
.LBB2_1:
0x12: {  	[tilespmem:s3], [sflag:$0x3] =	stream.linear.gather [hbm4b:s4+s3], $0x180, $0x38;
	[tilespmem:$0x18300] =	vst v63  }
0x13: {  	_ =	swait.ge [sflag:s12], $0x180  }
0x14: {  	[sflag:s12] =	ssyncset.done $0x0  }
0x15: {  	[sflag:s12] =	ssyncadd.s32 $0xFFFFFE80  }
0x16: {  	[tilespmem:s14], [sflag:$0x1] =	stream.indirect.gather [hbm4b:s1+s13], $0x80, s3, s13, $0xb8;
	[tilespmem:$0x18300] =	vst v63  }
0x17: {  	s0 =	simm.s32 $0x4180  }
0x18: {  	[tilespmem:s0], [sflag:$0x1] =	stream.indirect.gather [hbm4b:s1+s13], $0x80, s13, s13, $0xb8;
	[tilespmem:$0x18300] =	vst v63  }
0x19: {  	s16 =	simm.s32 $0x100;
	s2 =	simm.s32 $0x8180  }
0x1a: {  	[tilespmem:s2], [sflag:$0x1] =	stream.indirect.gather [hbm4b:s1+s13], $0x80, s16, s13, $0xb8;
	[tilespmem:$0x18300] =	vst v63  }
0x1b: {  	_ = 	snop  }
0x1c: {  	[tilespmem:s18], [sflag:$0x4] =	stream.linear.gather [hbm4b:s10+s3], $0x180, $0x38;
	[tilespmem:$0x18300] =	vst v63  }
0x1d: {  	_ =	swait.ge [sflag:s19], $0x180  }
0x1e: {  	[sflag:s19] =	ssyncset.done $0x0  }
0x1f: {  	[sflag:s19] =	ssyncadd.s32 $0xFFFFFE80  }
0x20: {  	[tilespmem:s20], [sflag:$0x2] =	stream.indirect.gather [hbm4b:s1+s13], $0x80, s18, s13, $0xb8;
	[tilespmem:$0x18300] =	vst v63  }
0x21: {  	_ = 	snop  }
0x22: {  	[tilespmem:s22], [sflag:$0x2] =	stream.indirect.gather [hbm4b:s1+s13], $0x80, s21, s13, $0xb8;
	[tilespmem:$0x18300] =	vst v63  }
0x23: {  	_ = 	snop  }
0x24: {  	[tilespmem:s24], [sflag:$0x2] =	stream.indirect.gather [hbm4b:s1+s13], $0x80, s23, s13, $0xb8;
	[tilespmem:$0x18300] =	vst v63  }
0x25: {  	_ =	swait.ge [sflag:s25], $0x4000  }
0x26: {  	[sflag:s25] =	ssyncset.done $0x0  }
0x27: {  	[sflag:s25] =	ssyncadd.s32 $0xFFFFC000  }
0x28: {  	_ =	swait.ge [sflag:s25], $0x4000  }
0x29: {  	[sflag:s25] =	ssyncset.done $0x0  }
0x2a: {  	[sflag:s25] =	ssyncadd.s32 $0xFFFFC000  }
0x2b: {  	_ =	swait.ge [sflag:s25], $0x4000  }
0x2c: {  	[sflag:s25] =	ssyncset.done $0x0  }
0x2d: {  	s29 =	sadd.s32 $0x0, s9;
	[sflag:s25] =	ssyncadd.s32 $0xFFFFC000  }
0x2e: {  	[hbm4b:s29+s3] =	stream.linear.scatter [tilespmem:s14], [sflag:$0x4], $0xC000, $0x38;
	[tilespmem:$0x18300] =	vst v63  }
0x2f: {  	p2 =	sgt.u32 s11, $0x214;
	_ =	swait.ge [sflag:s19], $0xC000  }
0x30: {  	s30 =	sadd.s32 @!p2 $0x600, s10;
	[sflag:s19] =	ssyncset.done $0x0  }
0x31: {  	s31 =	simm.s32 @!p2 $0x0;
	s2 =	simm.s32 @!p2 $0x4;
	[sflag:s19] =	ssyncadd.s32 $0xFFFF4000  }
0x32: {  	[tilespmem:s31], [sflag:$0x4] =	stream.linear.gather @!p2 [hbm4b:s30+s31], $0x180, $0x38;
	[tilespmem:$0x18300] =	vst v63  }
0x33: {  	_ =	swait.ge @!p2 [sflag:s2], $0x180  }
0x34: {  	[sflag:s2] =	ssyncset.done @!p2 $0x0  }
0x35: {  	s30 =	simm.s32 @!p2 $0x80;
	[sflag:s2] =	ssyncadd.s32 @!p2 $0xFFFFFE80;
	s2 =	simm.s32 @!p2 $0x180  }
0x36: {  	[tilespmem:s2], [sflag:$0x1] =	stream.indirect.gather @!p2 [hbm4b:s1+s30], $0x80, s31, s30, $0xb8;
	[tilespmem:$0x18300] =	vst v63  }
0x37: {  	s2 =	simm.s32 @!p2 $0x4180  }
0x38: {  	[tilespmem:s2], [sflag:$0x1] =	stream.indirect.gather @!p2 [hbm4b:s1+s30], $0x80, s30, s30, $0xb8;
	[tilespmem:$0x18300] =	vst v63  }
0x39: {  	s31 =	simm.s32 @!p2 $0x8180;
	s2 =	simm.s32 @!p2 $0x100  }
0x3a: {  	[tilespmem:s31], [sflag:$0x1] =	stream.indirect.gather @!p2 [hbm4b:s1+s30], $0x80, s2, s30, $0xb8;
	[tilespmem:$0x18300] =	vst v63  }
0x3b: {  	_ =	swait.ge [sflag:s26], $0x4000  }
0x3c: {  	[sflag:s26] =	ssyncset.done $0x0  }
0x3d: {  	[sflag:s26] =	ssyncadd.s32 $0xFFFFC000  }
0x3e: {  	_ =	swait.ge [sflag:s26], $0x4000  }
0x3f: {  	[sflag:s26] =	ssyncset.done $0x0  }
0x40: {  	[sflag:s26] =	ssyncadd.s32 $0xFFFFC000  }
0x41: {  	_ =	swait.ge [sflag:s26], $0x4000  }
0x42: {  	[sflag:s26] =	ssyncset.done $0x0  }
0x43: {  	s17 =	sadd.s32 $0x30000, s29;
	s29 =	simm.s32 $0x60000;
	[sflag:s26] =	ssyncadd.s32 $0xFFFFC000  }
0x44: {  	[hbm4b:s17+s3] =	stream.linear.scatter [tilespmem:s20], [sflag:$0x3], $0xC000, $0x38;
	[tilespmem:$0x18300] =	vst v63  }
0x45: {  	s30 =	sadd.s32 $0x40, s11;
	s31 =	smov.u32 s10;
	_ =	swait.ge [sflag:s12], $0xC000  }
.LBB2_2:
0x46: {  	[sflag:s12] =	ssyncset.done $0x0  }
0x47: {  	s31 =	sadd.s32 $0xC00, s31;
	s2 =	smov.u32 s29;
	s29 =	sadd.s32 $0x60000, s29  }
0x48: {  	p2 =	sne.s32 s29, $0x300000;
	[sflag:s12] =	ssyncadd.s32 $0xFFFF4000  }
0x49: {  	[tilespmem:s18], [sflag:$0x4] =	stream.linear.gather [hbm4b:s31+s3], $0x180, $0x38;
	[tilespmem:$0x18300] =	vst v63  }
0x4a: {  	_ =	swait.ge [sflag:s19], $0x180  }
0x4b: {  	[sflag:s19] =	ssyncset.done $0x0  }
0x4c: {  	[sflag:s19] =	ssyncadd.s32 $0xFFFFFE80  }
0x4d: {  	[tilespmem:s20], [sflag:$0x2] =	stream.indirect.gather [hbm4b:s1+s13], $0x80, s18, s13, $0xb8;
	[tilespmem:$0x18300] =	vst v63  }
0x4e: {  	_ = 	snop  }
0x4f: {  	[tilespmem:s22], [sflag:$0x2] =	stream.indirect.gather [hbm4b:s1+s13], $0x80, s21, s13, $0xb8;
	[tilespmem:$0x18300] =	vst v63  }
0x50: {  	_ = 	snop  }
0x51: {  	[tilespmem:s24], [sflag:$0x2] =	stream.indirect.gather [hbm4b:s1+s13], $0x80, s23, s13, $0xb8;
	[tilespmem:$0x18300] =	vst v63  }
0x52: {  	_ =	swait.ge [sflag:s25], $0x4000  }
0x53: {  	[sflag:s25] =	ssyncset.done $0x0  }
0x54: {  	[sflag:s25] =	ssyncadd.s32 $0xFFFFC000  }
0x55: {  	_ =	swait.ge [sflag:s25], $0x4000  }
0x56: {  	[sflag:s25] =	ssyncset.done $0x0  }
0x57: {  	[sflag:s25] =	ssyncadd.s32 $0xFFFFC000  }
0x58: {  	_ =	swait.ge [sflag:s25], $0x4000  }
0x59: {  	s2 =	sadd.s32 s2, s9;
	[sflag:s25] =	ssyncset.done $0x0  }
0x5a: {  	[sflag:s25] =	ssyncadd.s32 $0xFFFFC000  }
0x5b: {  	[hbm4b:s2+s3] =	stream.linear.scatter [tilespmem:s14], [sflag:$0x4], $0xC000, $0x38;
	[tilespmem:$0x18300] =	vst v63  }
0x5c: {  	p3 =	sgt.u32 s30, $0x214;
	_ =	swait.ge [sflag:s19], $0xC000  }
0x5d: {  	s0 =	sadd.s32 @!p3 $0x600, s31;
	s15 =	simm.s32 @!p3 $0x0;
	[sflag:s19] =	ssyncset.done $0x0  }
0x5e: {  	s16 =	simm.s32 @!p3 $0x4;
	[sflag:s19] =	ssyncadd.s32 $0xFFFF4000  }
0x5f: {  	[tilespmem:s15], [sflag:$0x4] =	stream.linear.gather @!p3 [hbm4b:s0+s15], $0x180, $0x38;
	[tilespmem:$0x18300] =	vst v63  }
0x60: {  	_ =	swait.ge @!p3 [sflag:s16], $0x180  }
0x61: {  	s17 =	simm.s32 @!p3 $0x180;
	s0 =	simm.s32 @!p3 $0x80;
	[sflag:s16] =	ssyncset.done @!p3 $0x0  }
0x62: {  	[sflag:s16] =	ssyncadd.s32 @!p3 $0xFFFFFE80;
	s16 =	simm.s32 @!p3 $0x4180  }
0x63: {  	[tilespmem:s17], [sflag:$0x1] =	stream.indirect.gather @!p3 [hbm4b:s1+s0], $0x80, s15, s0, $0xb8;
	[tilespmem:$0x18300] =	vst v63  }
0x64: {  	s15 =	simm.s32 @!p3 $0x100;
	s17 =	simm.s32 @!p3 $0x8180  }
0x65: {  	[tilespmem:s16], [sflag:$0x1] =	stream.indirect.gather @!p3 [hbm4b:s1+s0], $0x80, s0, s0, $0xb8;
	[tilespmem:$0x18300] =	vst v63  }
0x66: {  	_ = 	snop  }
0x67: {  	[tilespmem:s17], [sflag:$0x1] =	stream.indirect.gather @!p3 [hbm4b:s1+s0], $0x80, s15, s0, $0xb8;
	[tilespmem:$0x18300] =	vst v63  }
0x68: {  	_ =	swait.ge [sflag:s26], $0x4000  }
0x69: {  	[sflag:s26] =	ssyncset.done $0x0  }
0x6a: {  	[sflag:s26] =	ssyncadd.s32 $0xFFFFC000  }
0x6b: {  	_ =	swait.ge [sflag:s26], $0x4000  }
0x6c: {  	[sflag:s26] =	ssyncset.done $0x0  }
0x6d: {  	[sflag:s26] =	ssyncadd.s32 $0xFFFFC000  }
.Ltmp0:
0x6e: {  	_ =	swait.ge [sflag:s26], $0x4000;
	(pc) =	sbr.rel @p2 .LBB2_2-.Ltmp0, $4  }
0x6f: {  	s0 =	sadd.s32 $0x30000, s2;
	[sflag:s26] =	ssyncset.done $0x0  }
0x70: {  	[sflag:s26] =	ssyncadd.s32 $0xFFFFC000  }
0x71: {  	[hbm4b:s0+s3] =	stream.linear.scatter [tilespmem:s20], [sflag:$0x3], $0xC000, $0x38;
	[tilespmem:$0x18300] =	vst v63  }
0x72: {  	s30 =	sadd.s32 $0x40, s30;
	_ =	swait.ge [sflag:s12], $0xC000  }
0x73: {  	[sflag:s12] =	ssyncset.done $0x0  }
0x74: {  	s0 =	simm.s32 @!p0 $0x1;
	[sflag:s12] =	ssyncadd.s32 $0xFFFF4000  }
0x75: {  	_ =	swait.ge @!p0 [sflag:s0], $0x4000  }
0x76: {  	[sflag:s0] =	ssyncset.done @!p0 $0x0  }
0x77: {  	[sflag:s0] =	ssyncadd.s32 @!p0 $0xFFFFC000  }
0x78: {  	_ =	swait.ge @!p0 [sflag:s0], $0x4000  }
0x79: {  	[sflag:s0] =	ssyncset.done @!p0 $0x0  }
0x7a: {  	[sflag:s0] =	ssyncadd.s32 @!p0 $0xFFFFC000  }
0x7b: {  	_ =	swait.ge @!p0 [sflag:s0], $0x4000  }
0x7c: {  	[sflag:s0] =	ssyncset.done @!p0 $0x0  }
0x7d: {  	s2 =	simm.s32 @!p0 $0x180;
	[sflag:s0] =	ssyncadd.s32 @!p0 $0xFFFFC000;
	s0 =	simm.s32 @!p0 $0x0  }
0x7e: {  	[hbm4b:s5+s0] =	stream.linear.scatter @!p0 [tilespmem:s2], [sflag:$0x3], $0xC000, $0x38;
	[tilespmem:$0x18300] =	vst v63  }
0x7f: {  	s0 =	simm.s32 @!p0 $0x3  }
0x80: {  	_ =	swait.ge @!p0 [sflag:s0], $0xC000  }
0x81: {  	[sflag:s0] =	ssyncset.done @!p0 $0x0  }
0x82: {  	s2 =	simm.s32 @!p1 $0x3;
	[sflag:s0] =	ssyncadd.s32 @!p0 $0xFFFF4000;
	s0 =	simm.s32 @!p1 $0x0  }
0x83: {  	[tilespmem:s0], [sflag:$0x3] =	stream.linear.gather @!p1 [hbm4b:s6+s0], $0x80, $0x38;
	[tilespmem:$0x18300] =	vst v63  }
0x84: {  	_ =	swait.ge @!p1 [sflag:s2], $0x80  }
0x85: {  	[sflag:s2] =	ssyncset.done @!p1 $0x0  }
0x86: {  	s15 =	simm.s32 @!p1 $0x80;
	s16 =	simm.s32 @!p1 $0x180;
	[sflag:s2] =	ssyncadd.s32 @!p1 $0xFFFFFF80  }
0x87: {  	[tilespmem:s16], [sflag:$0x1] =	stream.indirect.gather @!p1 [hbm4b:s1+s15], $0x80, s0, s15, $0xb8;
	[tilespmem:$0x18300] =	vst v63  }
0x88: {  	s15 =	simm.s32 @!p1 $0x1  }
0x89: {  	s28 =	sadd.s32 $0x1, s28;
	_ =	swait.ge @!p1 [sflag:s15], $0x4000  }
0x8a: {  	p2 =	sne.s32 s28, s8;
	[sflag:s15] =	ssyncset.done @!p1 $0x0  }
.Ltmp1:
0x8b: {  	[sflag:s15] =	ssyncadd.s32 @!p1 $0xFFFFC000;
	(pc) =	sbr.rel @p2 .LBB2_1-.Ltmp1, $4  }
0x8c: {  	[hbm4b:s7+s0] =	stream.linear.scatter @!p1 [tilespmem:s16], [sflag:$0x3], $0x4000, $0x38;
	[tilespmem:$0x18300] =	vst v63  }
0x8d: {  	_ =	swait.ge @!p1 [sflag:s2], $0x4000  }
0x8e: {  	[sflag:s2] =	ssyncset.done @!p1 $0x0  }
0x8f: {  	[sflag:s2] =	ssyncadd.s32 @!p1 $0xFFFFC000  }
0x90: {  	_ =	sfence.sel $0x180000  }
0x91: {  	[bflag:$0x0] =	sbarrier.arrive $0xFFFF  }
0x92: {  	_ =	strace $0x9000004D  }
0x93: {  	s0 =	stileid.u32;
	[bflag:$0x2] =	sbarrier.arrive $0xFFFF  }
0x94: {  	p0 =	sne.s32 s0, $0x0;
	s0 =	rddreg [dreg:$0x3]  }
0x95: {  	s0 =	sadd.s32 @!p0 $0x100000, s0  }
0x96: {  	[sflag:s0] =	ssyncadd.tile.s32 @!p0 $0x1;
	_ =	shalt  }
.Lfunc_end2:
_tile_overlayer_lowered:
.L_overlay_start_2:
0x97: {  	(tag) =	ssettag $0x2  }
0x98: {  	s0 =	rddreg [dreg:$0x0];
	s2 =	stileid.u32  }
0x99: {  	s1 =	rddreg [dreg:$0x1];
	p0 =	sne.s32 s2, $0x0  }
0x9a: {  	s3 =	rddreg [dreg:$0x2];
	[bflag:$0x3] =	sbarrier.arrive $0xFFFF;
	s2 =	simm.s32 @!p0 $0x1C03  }
0x9b: {  	[timem:s3], [sflag:s2] =	dma.local @!p0 [hbm:s0], s1  }
0x9c: {  	s0 =	simm.s32 @!p0 $0x3  }
0x9d: {  	_ =	swait.ge @!p0 [sflag:s0], s1  }
0x9e: {  	s1 =	ssub.s32 @!p0 $0x0, s1;
	[sflag:s0] =	ssyncset.done @!p0 $0x0  }
0x9f: {  	[sflag:s0] =	ssyncadd.s32 @!p0 s1  }
0xa0: {  	[bflag:$0x3] =	sbarrier.arrive $0xFFFF  }
0xa1: {  	_ =	shalt  }

// kernel: sc_gather_topo2.3.cloned.1.call-start
scs
__scs_entry_jumppad:
0x0: {  	(pc) =	sbr.rel $0x88, $3  }
0x1: {  	(tag) =	ssettag $0x0;
	lr =	simm.s32 $0x1  }
0x2: {  	[smem:$0x3F8B] =	sst lr;
	_ =	strace $0xD0000000  }
0x3: {  	_ = 	snop  }
0x4: {  	_ = 	snop  }
0x5: {  	_ = 	snop  }
0x6: {  	_ = 	snop  }
0x7: {  	_ = 	snop  }
__scs_overlays_trampoline_lowered:
0x8: {  	[smem:$0x3F9A] =	sst s0  }
0x9: {  	[smem:$0x3F9B] =	sst s1  }
0xa: {  	[smem:$0x3F9C] =	sst s2  }
0xb: {  	[smem:$0x3F9D] =	sst s3  }
0xc: {  	[smem:$0x3F9E] =	sst s4  }
0xd: {  	[smem:$0x3F9F] =	sst s5  }
0xe: {  	[smem:$0x3FA0] =	sst s6  }
0xf: {  	[smem:$0x3FA1] =	sst s7  }
0x10: {  	[smem:$0x3FA2] =	sst s8  }
0x11: {  	[smem:$0x3FA3] =	sst s9;
	s0 =	simm.s32 @!p0 $0x0  }
0x12: {  	s1 =	sld [smem:$0x3F89];
	s0 =	simm.s32 @p0 $0x1  }
0x13: {  	[smem:$0x3FA4] =	sst s0;
	s0 =	simm.s32 @!p1 $0x0  }
0x14: {  	s2 =	sld [smem:$0x3F88];
	s0 =	simm.s32 @p1 $0x1  }
0x15: {  	[smem:$0x3FA5] =	sst s0;
	s0 =	simm.s32 @!p2 $0x0  }
0x16: {  	s3 =	sld [smem:$0x3FDB];
	s0 =	simm.s32 @p2 $0x1  }
0x17: {  	s4 =	simm.s32 $0x1BF5;
	[smem:$0x3FA7] =	sst s0  }
0x18: {  	s0 =	sld [smem:$0x3F8A];
	_ =	swait.ge [sflag:s4], $0x0  }
0x19: {  	s7 =	sld [smem:$0x3F8B]  }
0x1a: {  	s8 =	sadd.s32 $0xFFFFE003, lr  }
0x1b: {  	s9 =	sadd.s32 $0xFFFFFEF7, lr;
	s5 =	simm.s32 $0xFFFFFFFF;
	p2 =	slt.u32 s8, $0xFFFFF086  }
0x1c: {  	p1 =	slt.u32 s9, $0xF7A;
	s5 =	simm.s32 @!p2 $0x0  }
0x1d: {  	s5 =	simm.s32 @p1 $0x1;
	p0 =	seq.s32 s7, s2  }
0x1e: {  	s7 =	smul.u32 @!p0 $0xF7A, s2;
	p2 =	seq.s32 @!p0 s5, $0x0  }
0x1f: {  	s9 =	smul.u32 $0xF7A, s1;
	s8 =	simm.s32 @!p0 $0x1BF5;
	p2 =	por !p2, p0  }
0x20: {  	[sflag:s8] =	ssyncset.s32 @!p0 $0xFFFFF086;
	s6 =	sadd.s32 @!p0 s3, s7;
	s7 =	simm.s32 @!p0 $0x108  }
0x21: {  	s3 =	sadd.s32 s3, s9;
	s6 =	sadd.s32 @!p0 $0x88, s6;
	s7 =	simm.s32 @p2 $0x1082  }
0x22: {  	[simem:s7], [sflag:s8] =	dma.local @!p0 [hbm:s6], $0xF7A  }
0x23: {  	s9 =	sor.u32 $0xD0000000, s2;
	s6 =	simm.s32 $0x108;
	_ =	swait.ge @!p0 [sflag:s8], $0x0  }
0x24: {  	s3 =	sadd.s32 $0x88, s3;
	s6 =	simm.s32 @!p1 $0x1082;
	[sflag:s4] =	ssyncset.s32 $0xFFFFF086  }
0x25: {  	[simem:s6], [sflag:s4] =	dma.local [hbm:s3], $0xF7A  }
0x26: {  	[smem:$0x3F8B] =	sst s1;
	(tag) =	ssettag s2;
	_ =	strace s9  }
0x27: {  	s1 =	sld [smem:$0x3F9B]  }
0x28: {  	s2 =	sld [smem:$0x3F9C]  }
0x29: {  	s4 =	sld [smem:$0x3F9E]  }
0x2a: {  	p0 =	seq.s32 s5, $0x0;
	s5 =	sld [smem:$0x3F9F]  }
0x2b: {  	s6 =	sld [smem:$0x3FA0]  }
0x2c: {  	s7 =	sld [smem:$0x3FA1]  }
0x2d: {  	s3 =	simm.s32 $0x108;
	s8 =	sld [smem:$0x3FA2]  }
0x2e: {  	s3 =	simm.s32 @!p0 $0x1082;
	s9 =	sld [smem:$0x3FA3]  }
0x2f: {  	lr =	sadd.s32 s0, s3;
	s0 =	sld [smem:$0x3F9A]  }
0x30: {  	s3 =	sld [smem:$0x3F9D]  }
0x31: {  	[smem:$0x3FA6] =	sst s10  }
0x32: {  	s10 =	sld [smem:$0x3FA4];
	_ =	sdelay $0x3  }
0x33: {  	p0 =	seq.s32 s10, $0x1;
	s10 =	sld [smem:$0x3FA6];
	_ =	sdelay $0x3  }
0x34: {  	[smem:$0x3FA6] =	sst s10  }
0x35: {  	s10 =	sld [smem:$0x3FA5];
	_ =	sdelay $0x3  }
0x36: {  	p1 =	seq.s32 s10, $0x1;
	s10 =	sld [smem:$0x3FA6];
	_ =	sdelay $0x3  }
0x37: {  	[smem:$0x3FA6] =	sst s10  }
0x38: {  	s10 =	sld [smem:$0x3FA7]  }
0x39: {  	_ = 	snop;
	(pc) =	sbr.ind lr, $3  }
0x3a: {  	_ = 	snop  }
0x3b: {  	_ = 	snop  }
0x3c: {  	p2 =	seq.s32 s10, $0x1;
	s10 =	sld [smem:$0x3FA6]  }
0x3d: {  	_ =	shalt  }
0x3e: {  	_ =	shalt  }
0x3f: {  	_ =	shalt  }
0x40: {  	_ =	shalt  }
0x41: {  	_ =	shalt  }
0x42: {  	_ =	shalt  }
0x43: {  	_ =	shalt  }
0x44: {  	_ =	shalt  }
0x45: {  	_ =	shalt  }
0x46: {  	_ =	shalt  }
0x47: {  	_ =	shalt  }
0x48: {  	_ =	shalt  }
0x49: {  	_ =	shalt  }
0x4a: {  	_ =	shalt  }
0x4b: {  	_ =	shalt  }
0x4c: {  	_ =	shalt  }
0x4d: {  	_ =	shalt  }
0x4e: {  	_ =	shalt  }
0x4f: {  	_ =	shalt  }
0x50: {  	_ =	shalt  }
0x51: {  	_ =	shalt  }
0x52: {  	_ =	shalt  }
0x53: {  	_ =	shalt  }
0x54: {  	_ =	shalt  }
0x55: {  	_ =	shalt  }
0x56: {  	_ =	shalt  }
0x57: {  	_ =	shalt  }
0x58: {  	_ =	shalt  }
0x59: {  	_ =	shalt  }
0x5a: {  	_ =	shalt  }
0x5b: {  	_ =	shalt  }
0x5c: {  	_ =	shalt  }
0x5d: {  	_ =	shalt  }
0x5e: {  	_ =	shalt  }
0x5f: {  	_ =	shalt  }
0x60: {  	_ =	shalt  }
0x61: {  	_ =	shalt  }
0x62: {  	_ =	shalt  }
0x63: {  	_ =	shalt  }
0x64: {  	_ =	shalt  }
0x65: {  	_ =	shalt  }
0x66: {  	_ =	shalt  }
0x67: {  	_ =	shalt  }
0x68: {  	_ =	shalt  }
0x69: {  	_ =	shalt  }
0x6a: {  	_ =	shalt  }
0x6b: {  	_ =	shalt  }
0x6c: {  	_ =	shalt  }
0x6d: {  	_ =	shalt  }
0x6e: {  	_ =	shalt  }
0x6f: {  	_ =	shalt  }
0x70: {  	_ =	shalt  }
0x71: {  	_ =	shalt  }
0x72: {  	_ =	shalt  }
0x73: {  	_ =	shalt  }
0x74: {  	_ =	shalt  }
0x75: {  	_ =	shalt  }
0x76: {  	_ =	shalt  }
0x77: {  	_ =	shalt  }
0x78: {  	_ =	shalt  }
0x79: {  	_ =	shalt  }
0x7a: {  	_ =	shalt  }
0x7b: {  	_ =	shalt  }
0x7c: {  	_ =	shalt  }
0x7d: {  	_ =	shalt  }
0x7e: {  	_ =	shalt  }
0x7f: {  	_ =	shalt  }
0x80: {  	_ =	shalt  }
0x81: {  	_ =	shalt  }
0x82: {  	_ =	shalt  }
0x83: {  	_ =	shalt  }
0x84: {  	_ =	shalt  }
0x85: {  	_ =	shalt  }
0x86: {  	_ =	shalt  }
0x87: {  	_ =	shalt  }
.Lfunc_end0:
.L_simem_size_0:
called_computation.3_lowered:
.L_overlay_start_0:
0x88: {  	s2 =	sld [smem:$0x3FD9]  }
0x89: {  	s3 =	sld [smem:$0x3FFE];
	_ =	sdelay $0x1  }
0x8a: {  	s1 =	srdreg.scid  }
0x8b: {  	s0 =	sand.u32 $0x1, s1  }
0x8c: {  	s17 =	sshll.u32 s0, $0xA;
	s2 =	sadd.s32 s3, s2  }
0x8d: {  	s2 =	sadd.s32 s2, s17  }
0x8e: {  	[smem:$0x3FB2] =	sst s2  }
0x8f: {  	_ = 	snop  }
0x90: {  	s2 =	sld [smem:$0x3FC9];
	(tm) =	ssettm $0x1  }
0x91: {  	s18 =	sld [smem:$0x3FFB];
	_ =	sdelay $0x3  }
0x92: {  	_ =	strace s18  }
0x93: {  	s3 =	sld [smem:$0x3FFC];
	_ =	sdelay $0x3  }
0x94: {  	_ =	strace s3  }
0x95: {  	s3 =	sld [smem:$0x3FFD];
	_ =	sdelay $0x3  }
0x96: {  	_ =	strace s3  }
0x97: {  	_ =	strace $0x8FFFFFFF  }
0x98: {  	s19 =	sld [smem:$0x3FDB];
	_ =	sdelay $0x1  }
0x99: {  	s4 =	simm.s32 $_scs_section_size  }
0x9a: {  	s5 =	simm.s32 $_size__tile_overlayer_lowered;
	s6 =	simm.s32 $_tile_overlayer_lowered  }
0x9b: {  	s22 =	simm.s32 $0x1BFF;
	s21 =	sshll.u32 s6, $0x1;
	s3 =	sadd.s32 s4, s19  }
0x9c: {  	s7 =	simm.s32 $0x0;
	s20 =	sshll.u32 s5, $0x1;
	s5 =	sadd.s32 s21, s3  }
0x9d: {  	[timem:s7], [sflag:s22] =	dma.local [hbm:s5], s20  }
0x9e: {  	_ =	swait.ge [sflag:s22], s20  }
0x9f: {  	s4 =	ssub.s32 $0x0, s20;
	[sflag:s22] =	ssyncset.done $0x0  }
0xa0: {  	[sflag:s22] =	ssyncadd.s32 s4;
	_ =	sdelay $0x1  }
0xa1: {  	s23 =	simm.s32 $0x1B8B  }
0xa2: {  	_ =	swait.ge [sflag:s23], $0x1  }
0xa3: {  	[sflag:s23] =	ssyncset.done $0x0  }
0xa4: {  	s25 =	simm.s32 $0x1B8E;
	s24 =	sld [smem:$0x3FFE];
	[sflag:s23] =	ssyncadd.s32 $0xFFFFFFFF  }
0xa5: {  	s26 =	simm.s32 $execute0_lowered;
	[smem:$0x3FD2] =	sst s25  }
0xa6: {  	s5 =	sshll.u32 s26, $0x1;
	_ =	strace $0x80000049;
	[dreg:$0x1] =	wrdreg $0xFFFFFFFF  }
0xa7: {  	s28 =	simm.s32 $_size_execute0_lowered;
	s3 =	sadd.s32 s3, s5;
	[dreg:$0x0] =	wrdreg $0x0  }
0xa8: {  	s5 =	sshll.u32 s28, $0x1;
	[dreg:$0x2] =	wrdreg s3  }
0xa9: {  	[dreg:$0x3] =	wrdreg s5  }
0xaa: {  	[dreg:$0x4] =	wrdreg $0xC0  }
0xab: {  	_ =	task [dreg:s7], $0x5FFFF  }
0xac: {  	[dreg:$0x1] =	wrdreg $0xFFFFFFFF  }
0xad: {  	[dreg:$0x0] =	wrdreg $0x60  }
0xae: {  	[dreg:$0x2] =	wrdreg s2  }
0xaf: {  	[dreg:$0x3] =	wrdreg s24  }
0xb0: {  	[dreg:$0x4] =	wrdreg $0xB  }
0xb1: {  	_ =	task.clear_ibuf [dreg:s7], $0x5FFFF;
	_ =	strace $0x90000049  }
0xb2: {  	s29 =	simm.s32 $0xB;
	_ =	strace $0x8000004B  }
0xb3: {  	_ =	swait.ge [sflag:s29], $0x1  }
0xb4: {  	[sflag:s29] =	ssyncadd.s32 $0xFFFFFFFF  }
0xb5: {  	_ =	strace $0x9000004B  }
0xb6: {  	_ =	sfence  }
0xb7: {  	s30 =	sld [smem:$0x0];
	_ =	sdelay $0x2  }
0xb8: {  	s31 =	sshll.u32 s1, $0xD;
	s1 =	sshrl.u32 s1, $0x2  }
0xb9: {  	s3 =	sand.u32 $0x4000, s31;
	s1 =	sadd.s32 s1, s30  }
0xba: {  	s0 =	sor.u32 s3, s0;
	s1 =	sshll.u32 s1, $0x11  }
0xbb: {  	s0 =	sor.u32 s1, s0  }
0xbc: {  	s0 =	sadd.s32 $0x8F2B, s0  }
0xbd: {  	[sflag:s0] =	ssyncadd.remote.s32 $0x1  }
0xbe: {  	_ =	sfence.sel $0xFFFF  }
0xbf: {  	[dreg:$0x0] =	wrdreg $0xFFFFFFFF;
	(pc) =	sbr.abs _section_cstart, $3  }
0xc0: {  	[dreg:$0x1] =	wrdreg $0xFFFFFFFF  }
0xc1: {  	_ =	task.clear_ibuf [dreg:s7], $0x2FFFF;
	_ =	strace $0x9FFFFFFF  }
0xc2: {  	(tm) =	ssettm $0x7FFFFFFF  }
0xc3: {  	_ =	shalt  }
tec
execute0_lowered:
.L_overlay_start_1:
0x0: {  	(tag) =	ssettag $0x1  }
0x1: {  	s2 =	rddreg [dreg:$0x0];
	s1 =	srdreg.scid  }
0x2: {  	s0 =	stileid.u32;
	s9 =	rddreg [dreg:$0x1]  }
0x3: {  	s3 =	simm.s32 $0x0;
	s18 =	simm.s32 $0x8180;
	s19 =	simm.s32 $0xC180  }
0x4: {  	s28 =	simm.s32 $0x2;
	s29 =	simm.s32 $0x0;
	s10 =	sand.u32 $0x1, s1  }
0x5: {  	s4 =	sshll.u32 s0, $0x1;
	[smem:$0x7FF] =	sst s3;
	s23 =	smul.u32 $0x3000, s0  }
0x6: {  	s11 =	sadd.s32 $0x5200, s9;
	s13 =	sadd.s32 $0xB200, s9;
	s15 =	smul.u32 $0x60, s0  }
0x7: {  	p1 =	sgt.u32 s0, $0xD;
	s25 =	sor.u32 s10, s4;
	s16 =	smul.u32 $0x30, s10  }
0x8: {  	_ =	strace $0x8000004A;
	s6 =	ssub.s32 $0x2, s10;
	s17 =	smul.u32 $0x1800, s10  }
0x9: {  	s4 =	smul.u32 $0x30, s25;
	s5 =	sor.u32 $0x1E0, s25;
	s8 =	sshrl.u32 s6, $0x1  }
0xa: {  	s12 =	smul.u32 $0xC000, s25;
	s26 =	sadd.s32 s15, s11;
	s30 =	sadd.s32 s23, s13  }
0xb: {  	s15 =	simm.s32 $0x180;
	s23 =	simm.s32 $0x10300;
	p0 =	sne.s32 s25, $0x0  }
0xc: {  	s25 =	simm.s32 $0x14300;
	s7 =	smul.u32 $0x30, s5;
	s14 =	ssub.s32 s6, s8  }
0xd: {  	s20 =	smul.u32 $0x1800, s5;
	s8 =	sadd.s32 $0xB140, s9;
	s9 =	sadd.s32 $0x305200, s9  }
0xe: {  	s31 =	sadd.s32 s16, s26;
	s16 =	simm.s32 $0x4180;
	s26 =	simm.s32 $0x1  }
0xf: {  	s21 =	sadd.s32 s11, s4;
	s22 =	sshrl.u32 s12, $0x3;
	s10 =	smax.u32 s14, $0x1  }
0x10: {  	s12 =	sadd.s32 $0x600, s31;
	s14 =	simm.s32 $0x80;
	[dreg:$0x3] =	wrdreg s21  }
0x11: {  	s24 =	sadd.s32 s11, s7;
	s6 =	sadd.s32 s13, s22;
	s7 =	sadd.s32 s13, s20  }
0x12: {  	s11 =	sadd.s32 s17, s30;
	s13 =	simm.s32 $0x3;
	s17 =	simm.s32 $0x100  }
0x13: {  	s20 =	simm.s32 $0x4;
	s21 =	simm.s32 $0xC300;
	s22 =	simm.s32 $0xC200  }
0x14: {  	[dreg:$0x4] =	wrdreg s24;
	s6 =	sadd.s32 $0x2A0000, s6;
	s24 =	simm.s32 $0xC280  }
.LBB2_1:
0x15: {  	s0 =	rddreg [dreg:$0x3]  }
0x16: {  	[tilespmem:s3], [sflag:$0x3] =	stream.linear.gather [hbm4b:s0+s3], $0x180, $0x38;
	[tilespmem:$0x18300] =	vst v63  }
0x17: {  	_ =	swait.ge [sflag:s13], $0x180  }
0x18: {  	[sflag:s13] =	ssyncset.done $0x0  }
0x19: {  	[sflag:s13] =	ssyncadd.s32 $0xFFFFFE80  }
0x1a: {  	[tilespmem:s15], [sflag:$0x1] =	stream.indirect.gather [hbm4b:s2+s14], $0x80, s3, s14, $0xb8;
	[tilespmem:$0x18300] =	vst v63  }
0x1b: {  	_ = 	snop  }
0x1c: {  	[tilespmem:s16], [sflag:$0x1] =	stream.indirect.gather [hbm4b:s2+s14], $0x80, s14, s14, $0xb8;
	[tilespmem:$0x18300] =	vst v63  }
0x1d: {  	_ = 	snop  }
0x1e: {  	[tilespmem:s18], [sflag:$0x1] =	stream.indirect.gather [hbm4b:s2+s14], $0x80, s17, s14, $0xb8;
	[tilespmem:$0x18300] =	vst v63  }
0x1f: {  	_ = 	snop  }
0x20: {  	[tilespmem:s19], [sflag:$0x4] =	stream.linear.gather [hbm4b:s12+s3], $0x180, $0x38;
	[tilespmem:$0x18300] =	vst v63  }
0x21: {  	_ =	swait.ge [sflag:s20], $0x180  }
0x22: {  	[sflag:s20] =	ssyncset.done $0x0  }
0x23: {  	[sflag:s20] =	ssyncadd.s32 $0xFFFFFE80  }
0x24: {  	[tilespmem:s21], [sflag:$0x2] =	stream.indirect.gather [hbm4b:s2+s14], $0x80, s19, s14, $0xb8;
	[tilespmem:$0x18300] =	vst v63  }
0x25: {  	_ = 	snop  }
0x26: {  	[tilespmem:s23], [sflag:$0x2] =	stream.indirect.gather [hbm4b:s2+s14], $0x80, s22, s14, $0xb8;
	[tilespmem:$0x18300] =	vst v63  }
0x27: {  	_ = 	snop  }
0x28: {  	[tilespmem:s25], [sflag:$0x2] =	stream.indirect.gather [hbm4b:s2+s14], $0x80, s24, s14, $0xb8;
	[tilespmem:$0x18300] =	vst v63  }
0x29: {  	_ =	swait.ge [sflag:s26], $0x4000  }
0x2a: {  	[sflag:s26] =	ssyncset.done $0x0  }
0x2b: {  	[sflag:s26] =	ssyncadd.s32 $0xFFFFC000  }
0x2c: {  	_ =	swait.ge [sflag:s26], $0x4000  }
0x2d: {  	[sflag:s26] =	ssyncset.done $0x0  }
0x2e: {  	[sflag:s26] =	ssyncadd.s32 $0xFFFFC000  }
0x2f: {  	_ =	swait.ge [sflag:s26], $0x4000  }
0x30: {  	[sflag:s26] =	ssyncset.done $0x0  }
0x31: {  	s30 =	sadd.s32 $0x0, s11;
	[sflag:s26] =	ssyncadd.s32 $0xFFFFC000  }
0x32: {  	[hbm4b:s30+s3] =	stream.linear.scatter [tilespmem:s15], [sflag:$0x4], $0xC000, $0x38;
	[tilespmem:$0x18300] =	vst v63  }
0x33: {  	_ =	swait.ge [sflag:s20], $0xC000  }
0x34: {  	[sflag:s20] =	ssyncset.done $0x0  }
0x35: {  	s31 =	sadd.s32 $0x600, s12;
	[sflag:s20] =	ssyncadd.s32 $0xFFFF4000  }
0x36: {  	[tilespmem:s3], [sflag:$0x4] =	stream.linear.gather [hbm4b:s31+s3], $0x180, $0x38;
	[tilespmem:$0x18300] =	vst v63  }
0x37: {  	_ =	swait.ge [sflag:s20], $0x180  }
0x38: {  	[sflag:s20] =	ssyncset.done $0x0  }
0x39: {  	[sflag:s20] =	ssyncadd.s32 $0xFFFFFE80  }
0x3a: {  	[tilespmem:s15], [sflag:$0x1] =	stream.indirect.gather [hbm4b:s2+s14], $0x80, s3, s14, $0xb8;
	[tilespmem:$0x18300] =	vst v63  }
0x3b: {  	_ = 	snop  }
0x3c: {  	[tilespmem:s16], [sflag:$0x1] =	stream.indirect.gather [hbm4b:s2+s14], $0x80, s14, s14, $0xb8;
	[tilespmem:$0x18300] =	vst v63  }
0x3d: {  	_ = 	snop  }
0x3e: {  	[tilespmem:s18], [sflag:$0x1] =	stream.indirect.gather [hbm4b:s2+s14], $0x80, s17, s14, $0xb8;
	[tilespmem:$0x18300] =	vst v63  }
0x3f: {  	_ =	swait.ge [sflag:s28], $0x4000  }
0x40: {  	[sflag:s28] =	ssyncset.done $0x0  }
0x41: {  	[sflag:s28] =	ssyncadd.s32 $0xFFFFC000  }
0x42: {  	_ =	swait.ge [sflag:s28], $0x4000  }
0x43: {  	[sflag:s28] =	ssyncset.done $0x0  }
0x44: {  	[sflag:s28] =	ssyncadd.s32 $0xFFFFC000  }
0x45: {  	_ =	swait.ge [sflag:s28], $0x4000  }
0x46: {  	[sflag:s28] =	ssyncset.done $0x0  }
0x47: {  	s30 =	sadd.s32 $0x30000, s30;
	[sflag:s28] =	ssyncadd.s32 $0xFFFFC000  }
0x48: {  	[hbm4b:s30+s3] =	stream.linear.scatter [tilespmem:s21], [sflag:$0x3], $0xC000, $0x38;
	[tilespmem:$0x18300] =	vst v63  }
0x49: {  	_ =	swait.ge [sflag:s13], $0xC000  }
0x4a: {  	s31 =	smov.u32 s12;
	s30 =	simm.s32 $0x60000;
	[sflag:s13] =	ssyncset.done $0x0  }
.LBB2_2:
0x4b: {  	p2 =	sne.s32 s30, $0x240000;
	[sflag:s13] =	ssyncadd.s32 $0xFFFF4000;
	s31 =	sadd.s32 $0xC00, s31  }
0x4c: {  	[tilespmem:s19], [sflag:$0x4] =	stream.linear.gather [hbm4b:s31+s3], $0x180, $0x38;
	[tilespmem:$0x18300] =	vst v63  }
0x4d: {  	s1 =	smov.u32 s30;
	s30 =	sadd.s32 $0x60000, s30;
	_ =	swait.ge [sflag:s20], $0x180  }
0x4e: {  	[sflag:s20] =	ssyncset.done $0x0  }
0x4f: {  	[sflag:s20] =	ssyncadd.s32 $0xFFFFFE80  }
0x50: {  	[tilespmem:s21], [sflag:$0x2] =	stream.indirect.gather [hbm4b:s2+s14], $0x80, s19, s14, $0xb8;
	[tilespmem:$0x18300] =	vst v63  }
0x51: {  	_ = 	snop  }
0x52: {  	[tilespmem:s23], [sflag:$0x2] =	stream.indirect.gather [hbm4b:s2+s14], $0x80, s22, s14, $0xb8;
	[tilespmem:$0x18300] =	vst v63  }
0x53: {  	_ = 	snop  }
0x54: {  	[tilespmem:s25], [sflag:$0x2] =	stream.indirect.gather [hbm4b:s2+s14], $0x80, s24, s14, $0xb8;
	[tilespmem:$0x18300] =	vst v63  }
0x55: {  	_ =	swait.ge [sflag:s26], $0x4000  }
0x56: {  	[sflag:s26] =	ssyncset.done $0x0  }
0x57: {  	[sflag:s26] =	ssyncadd.s32 $0xFFFFC000  }
0x58: {  	_ =	swait.ge [sflag:s26], $0x4000  }
0x59: {  	[sflag:s26] =	ssyncset.done $0x0  }
0x5a: {  	[sflag:s26] =	ssyncadd.s32 $0xFFFFC000  }
0x5b: {  	_ =	swait.ge [sflag:s26], $0x4000  }
0x5c: {  	[sflag:s26] =	ssyncset.done $0x0  }
0x5d: {  	s1 =	sadd.s32 s1, s11;
	[sflag:s26] =	ssyncadd.s32 $0xFFFFC000  }
0x5e: {  	[hbm4b:s1+s3] =	stream.linear.scatter [tilespmem:s15], [sflag:$0x4], $0xC000, $0x38;
	[tilespmem:$0x18300] =	vst v63  }
0x5f: {  	_ =	swait.ge [sflag:s20], $0xC000  }
0x60: {  	[sflag:s20] =	ssyncset.done $0x0  }
0x61: {  	s0 =	sadd.s32 $0x600, s31;
	[sflag:s20] =	ssyncadd.s32 $0xFFFF4000  }
0x62: {  	[tilespmem:s3], [sflag:$0x4] =	stream.linear.gather [hbm4b:s0+s3], $0x180, $0x38;
	[tilespmem:$0x18300] =	vst v63  }
0x63: {  	_ =	swait.ge [sflag:s20], $0x180  }
0x64: {  	[sflag:s20] =	ssyncset.done $0x0  }
0x65: {  	[sflag:s20] =	ssyncadd.s32 $0xFFFFFE80  }
0x66: {  	[tilespmem:s15], [sflag:$0x1] =	stream.indirect.gather [hbm4b:s2+s14], $0x80, s3, s14, $0xb8;
	[tilespmem:$0x18300] =	vst v63  }
0x67: {  	_ = 	snop  }
0x68: {  	[tilespmem:s16], [sflag:$0x1] =	stream.indirect.gather [hbm4b:s2+s14], $0x80, s14, s14, $0xb8;
	[tilespmem:$0x18300] =	vst v63  }
0x69: {  	_ = 	snop  }
0x6a: {  	[tilespmem:s18], [sflag:$0x1] =	stream.indirect.gather [hbm4b:s2+s14], $0x80, s17, s14, $0xb8;
	[tilespmem:$0x18300] =	vst v63  }
0x6b: {  	_ =	swait.ge [sflag:s28], $0x4000  }
0x6c: {  	[sflag:s28] =	ssyncset.done $0x0  }
0x6d: {  	[sflag:s28] =	ssyncadd.s32 $0xFFFFC000  }
0x6e: {  	_ =	swait.ge [sflag:s28], $0x4000  }
0x6f: {  	[sflag:s28] =	ssyncset.done $0x0  }
0x70: {  	[sflag:s28] =	ssyncadd.s32 $0xFFFFC000  }
0x71: {  	_ =	swait.ge [sflag:s28], $0x4000  }
.Ltmp0:
0x72: {  	[sflag:s28] =	ssyncset.done $0x0;
	(pc) =	sbr.rel @p2 .LBB2_2-.Ltmp0, $4  }
0x73: {  	s0 =	sadd.s32 $0x30000, s1;
	[sflag:s28] =	ssyncadd.s32 $0xFFFFC000  }
0x74: {  	[hbm4b:s0+s3] =	stream.linear.scatter [tilespmem:s21], [sflag:$0x3], $0xC000, $0x38;
	[tilespmem:$0x18300] =	vst v63  }
0x75: {  	_ =	swait.ge [sflag:s13], $0xC000  }
0x76: {  	[sflag:s13] =	ssyncset.done $0x0  }
0x77: {  	[sflag:s13] =	ssyncadd.s32 $0xFFFF4000;
	s0 =	simm.s32 @!p1 $0x0  }
0x78: {  	s1 =	simm.s32 @!p1 $0xC180;
	s4 =	rddreg [dreg:$0x4];
	s30 =	simm.s32 @!p1 $0x3  }
0x79: {  	[tilespmem:s1], [sflag:$0x3] =	stream.linear.gather @!p1 [hbm4b:s4+s0], $0x180, $0x38;
	[tilespmem:$0x18300] =	vst v63  }
0x7a: {  	_ =	swait.ge @!p1 [sflag:s30], $0x180  }
0x7b: {  	[sflag:s30] =	ssyncset.done @!p1 $0x0  }
0x7c: {  	s31 =	simm.s32 @!p1 $0x80;
	s4 =	simm.s32 @!p1 $0xC300;
	[sflag:s30] =	ssyncadd.s32 @!p1 $0xFFFFFE80  }
0x7d: {  	[tilespmem:s4], [sflag:$0x2] =	stream.indirect.gather @!p1 [hbm4b:s2+s31], $0x80, s1, s31, $0xb8;
	[tilespmem:$0x18300] =	vst v63  }
0x7e: {  	s5 =	simm.s32 @!p1 $0x10300;
	s1 =	simm.s32 @!p1 $0xC200  }
0x7f: {  	[tilespmem:s5], [sflag:$0x2] =	stream.indirect.gather @!p1 [hbm4b:s2+s31], $0x80, s1, s31, $0xb8;
	[tilespmem:$0x18300] =	vst v63  }
0x80: {  	s1 =	simm.s32 @!p1 $0xC280;
	s5 =	simm.s32 @!p1 $0x14300  }
0x81: {  	[tilespmem:s5], [sflag:$0x2] =	stream.indirect.gather @!p1 [hbm4b:s2+s31], $0x80, s1, s31, $0xb8;
	[tilespmem:$0x18300] =	vst v63  }
0x82: {  	_ =	swait.ge [sflag:s26], $0x4000  }
0x83: {  	[sflag:s26] =	ssyncset.done $0x0  }
0x84: {  	[sflag:s26] =	ssyncadd.s32 $0xFFFFC000  }
0x85: {  	_ =	swait.ge [sflag:s26], $0x4000  }
0x86: {  	[sflag:s26] =	ssyncset.done $0x0  }
0x87: {  	[sflag:s26] =	ssyncadd.s32 $0xFFFFC000  }
0x88: {  	_ =	swait.ge [sflag:s26], $0x4000  }
0x89: {  	[sflag:s26] =	ssyncset.done $0x0  }
0x8a: {  	[sflag:s26] =	ssyncadd.s32 $0xFFFFC000  }
0x8b: {  	[hbm4b:s6+s3] =	stream.linear.scatter [tilespmem:s15], [sflag:$0x3], $0xC000, $0x38;
	[tilespmem:$0x18300] =	vst v63  }
0x8c: {  	_ =	swait.ge [sflag:s13], $0xC000  }
0x8d: {  	[sflag:s13] =	ssyncset.done $0x0  }
0x8e: {  	s1 =	simm.s32 @!p1 $0x2;
	[sflag:s13] =	ssyncadd.s32 $0xFFFF4000  }
0x8f: {  	_ =	swait.ge @!p1 [sflag:s1], $0x4000  }
0x90: {  	[sflag:s1] =	ssyncset.done @!p1 $0x0  }
0x91: {  	[sflag:s1] =	ssyncadd.s32 @!p1 $0xFFFFC000  }
0x92: {  	_ =	swait.ge @!p1 [sflag:s1], $0x4000  }
0x93: {  	[sflag:s1] =	ssyncset.done @!p1 $0x0  }
0x94: {  	[sflag:s1] =	ssyncadd.s32 @!p1 $0xFFFFC000  }
0x95: {  	_ =	swait.ge @!p1 [sflag:s1], $0x4000  }
0x96: {  	[sflag:s1] =	ssyncset.done @!p1 $0x0  }
0x97: {  	[sflag:s1] =	ssyncadd.s32 @!p1 $0xFFFFC000  }
0x98: {  	[hbm4b:s7+s0] =	stream.linear.scatter @!p1 [tilespmem:s4], [sflag:$0x3], $0xC000, $0x38;
	[tilespmem:$0x18300] =	vst v63  }
0x99: {  	_ =	swait.ge @!p1 [sflag:s30], $0xC000  }
0x9a: {  	[sflag:s30] =	ssyncset.done @!p1 $0x0  }
0x9b: {  	s1 =	simm.s32 @!p0 $0x3;
	s0 =	simm.s32 @!p0 $0x0;
	[sflag:s30] =	ssyncadd.s32 @!p1 $0xFFFF4000  }
0x9c: {  	[tilespmem:s0], [sflag:$0x3] =	stream.linear.gather @!p0 [hbm4b:s8+s0], $0x80, $0x38;
	[tilespmem:$0x18300] =	vst v63  }
0x9d: {  	_ =	swait.ge @!p0 [sflag:s1], $0x80  }
0x9e: {  	[sflag:s1] =	ssyncset.done @!p0 $0x0  }
0x9f: {  	s5 =	simm.s32 @!p0 $0x180;
	s4 =	simm.s32 @!p0 $0x80;
	[sflag:s1] =	ssyncadd.s32 @!p0 $0xFFFFFF80  }
0xa0: {  	[tilespmem:s5], [sflag:$0x1] =	stream.indirect.gather @!p0 [hbm4b:s2+s4], $0x80, s0, s4, $0xb8;
	[tilespmem:$0x18300] =	vst v63  }
0xa1: {  	s4 =	simm.s32 @!p0 $0x1  }
0xa2: {  	s29 =	sadd.s32 $0x1, s29;
	_ =	swait.ge @!p0 [sflag:s4], $0x4000  }
0xa3: {  	p2 =	sne.s32 s29, s10;
	[sflag:s4] =	ssyncset.done @!p0 $0x0  }
.Ltmp1:
0xa4: {  	[sflag:s4] =	ssyncadd.s32 @!p0 $0xFFFFC000;
	(pc) =	sbr.rel @p2 .LBB2_1-.Ltmp1, $4  }
0xa5: {  	[hbm4b:s9+s0] =	stream.linear.scatter @!p0 [tilespmem:s5], [sflag:$0x3], $0x4000, $0x38;
	[tilespmem:$0x18300] =	vst v63  }
0xa6: {  	_ =	swait.ge @!p0 [sflag:s1], $0x4000  }
0xa7: {  	[sflag:s1] =	ssyncset.done @!p0 $0x0  }
0xa8: {  	[sflag:s1] =	ssyncadd.s32 @!p0 $0xFFFFC000  }
0xa9: {  	_ =	sfence.sel $0x180000  }
0xaa: {  	[bflag:$0x0] =	sbarrier.arrive $0xFFFF  }
0xab: {  	_ =	strace $0x9000004A  }
0xac: {  	s0 =	stileid.u32;
	[bflag:$0x2] =	sbarrier.arrive $0xFFFF  }
0xad: {  	p0 =	sne.s32 s0, $0x0;
	s0 =	rddreg [dreg:$0x2]  }
0xae: {  	s0 =	sadd.s32 @!p0 $0x100000, s0  }
0xaf: {  	[sflag:s0] =	ssyncadd.tile.s32 @!p0 $0x1;
	_ =	shalt  }
.Lfunc_end2:
_tile_overlayer_lowered:
.L_overlay_start_2:
0xb0: {  	(tag) =	ssettag $0x2  }
0xb1: {  	s0 =	rddreg [dreg:$0x0];
	s2 =	stileid.u32  }
0xb2: {  	s1 =	rddreg [dreg:$0x1];
	p0 =	sne.s32 s2, $0x0  }
0xb3: {  	s3 =	rddreg [dreg:$0x2];
	[bflag:$0x3] =	sbarrier.arrive $0xFFFF;
	s2 =	simm.s32 @!p0 $0x1C03  }
0xb4: {  	[timem:s3], [sflag:s2] =	dma.local @!p0 [hbm:s0], s1  }
0xb5: {  	s0 =	simm.s32 @!p0 $0x3  }
0xb6: {  	_ =	swait.ge @!p0 [sflag:s0], s1  }
0xb7: {  	s1 =	ssub.s32 @!p0 $0x0, s1;
	[sflag:s0] =	ssyncset.done @!p0 $0x0  }
0xb8: {  	[sflag:s0] =	ssyncadd.s32 @!p0 s1  }
0xb9: {  	[bflag:$0x3] =	sbarrier.arrive $0xFFFF  }
0xba: {  	_ =	shalt  }

</sc_bundles>
